<compile_context>
chip_gen: v7x
topology: tpu7x:2x2x1
jax: 0.10.2.dev20260603
libtpu: 0.0.44.dev20260713+nightly
codegen_flags: <defaults>
</compile_context>

<pallas_src>
import functools

import jax
import jax.numpy as jnp
from jax import lax
from jax.experimental import pallas as pl
from jax.experimental.pallas import tpu as pltpu
from jax.experimental.pallas import tpu_sc as plsc

_B = 16384
_K = 20
_D = 64
_NC = 2
_NS = 16
_NW = _NC * _NS
_CB = _B // _NW
_C = 16
_NCHUNK = _CB // _C
_IDXCHUNK = 128
_TR = 500000
_NSLAB = 3907
_RFULL = 122

_CPARAMS = pltpu.CompilerParams(
    use_tc_tiling_on_sc=True, needs_layout_passes=False)


def _transpose_slab(slab, tbuf, j0s, lanes):
    jvs = [j0 + lanes for j0 in j0s]
    jhs = [jv >> 1 for jv in jvs]
    jls = [(jv & 1) * _D for jv in jvs]

    def dbody(t, _):
        work = []
        for u in range(2):
            dd = (lanes + (t * 2 + u)) & (_D - 1)
            for jv, jh, jl in zip(jvs, jhs, jls):
                work.append((jh, jl + dd, plsc.load_gather(slab, [dd, jv])))
        for jh, col, src2 in work:
            plsc.store_scatter(tbuf, [jh, col], src2)
        return 0

    lax.fori_loop(0, _D // 2, dbody, 0)


def _zv_body(vt_hbm, vtail_hbm, out_hbm, slab0, tbuf0, slab1, tbuf1,
             semi0, semi1, semo0, semo1):
    wid = lax.axis_index("s") * _NC + lax.axis_index("c")
    lanes = lax.iota(jnp.int32, 16)
    j0s = tuple(range(0, 256, 16))
    bufs = ((slab0, tbuf0, semi0, semo0), (slab1, tbuf1, semi1, semo1))

    def stage(r, b):
        slab, _, semi, _ = bufs[b]
        s = r * _NW + wid
        pltpu.make_async_copy(
            vt_hbm.at[:, pl.ds(s * 256, 256)], slab, semi).start()

    def wait_in(b):
        slab, _, semi, _ = bufs[b]
        pltpu.make_async_copy(vt_hbm.at[:, pl.ds(0, 256)], slab, semi).wait()

    def wait_out(b):
        _, tbuf, _, semo = bufs[b]
        pltpu.make_async_copy(tbuf, out_hbm.at[pl.ds(0, 128)], semo).wait()

    def put(r, b):
        _, tbuf, _, semo = bufs[b]
        s = r * _NW + wid
        pltpu.make_async_copy(tbuf, out_hbm.at[pl.ds(s * 128, 128)],
                              semo).start()

    stage(0, 0)

    def rbody(r, _):
        p = r % 2

        def go(b):
            slab, tbuf, _, _ = bufs[b]

            @pl.when(r + 1 < _RFULL)
            def _():
                stage(r + 1, 1 - b)

            wait_in(b)

            @pl.when(r >= 2)
            def _():
                wait_out(b)

            _transpose_slab(slab, tbuf, j0s, lanes)
            put(r, b)

        @pl.when(p == 0)
        def _():
            go(0)

        @pl.when(p == 1)
        def _():
            go(1)

        return 0

    lax.fori_loop(0, _RFULL, rbody, 0)
    wait_out(0)
    wait_out(1)

    s_extra = _RFULL * _NW + wid

    @pl.when(wid < 2)
    def _():
        pltpu.sync_copy(vt_hbm.at[:, pl.ds(s_extra * 256, 256)], slab0)
        _transpose_slab(slab0, tbuf0, j0s, lanes)
        pltpu.sync_copy(tbuf0, out_hbm.at[pl.ds(s_extra * 128, 128)])

    @pl.when(wid == 2)
    def _():
        pltpu.sync_copy(vtail_hbm, tbuf0.at[pl.ds(0, 32), :])
        pltpu.sync_copy(tbuf0.at[pl.ds(0, 32), :],
                        out_hbm.at[pl.ds(_TR - 32, 32)])


def _sc_body(cw_hbm, tw_hbm, ow_hbm, v_hbm, u_hbm, score_hbm, sumexp_hbm,
             idx_c0, idx_t0, idx_o0, idx2_c0, idx2_t0, idx2_o0,
             vrows0, trows0, orows0,
             idx_c1, idx_t1, idx_o1, idx2_c1, idx2_t1, idx2_o1,
             vrows1, trows1, orows1,
             score_buf, sumexp_buf, sem0, sem1):
    wid = lax.axis_index("s") * _NC + lax.axis_index("c")
    wbase = wid * _CB
    lanes = lax.iota(jnp.int32, 16)
    bufs = ((idx_c0, idx_t0, idx_o0, idx2_c0, idx2_t0, idx2_o0,
             vrows0, trows0, orows0, sem0),
            (idx_c1, idx_t1, idx_o1, idx2_c1, idx2_t1, idx2_o1,
             vrows1, trows1, orows1, sem1))

    def stage(i, b):
        idx_c, idx_t, idx_o, idx2_c, idx2_t, idx2_o, vrows, trows, orows, \
            sem = bufs[b]
        base = wbase + i * _C
        pltpu.sync_copy(cw_hbm.at[pl.ds(base, _C)], idx_c)
        pltpu.sync_copy(tw_hbm.at[pl.ds(base, _C)], idx_t)
        pltpu.sync_copy(ow_hbm.at[pl.ds(base * _K, _C * _K)], idx_o)
        idx2_c[pl.ds(0, 16)] = idx_c[pl.ds(0, 16)] >> 1
        idx2_t[pl.ds(0, 16)] = idx_t[pl.ds(0, 16)] >> 1
        for j in range(_C * _K // 16):
            idx2_o[pl.ds(j * 16, 16)] = idx_o[pl.ds(j * 16, 16)] >> 1
        pltpu.async_copy(v_hbm.at[idx2_c], vrows, sem)
        pltpu.async_copy(u_hbm.at[idx2_t], trows, sem)
        for g in range((_C * _K + _IDXCHUNK - 1) // _IDXCHUNK):
            n = min(_IDXCHUNK, _C * _K - g * _IDXCHUNK)
            pltpu.async_copy(
                u_hbm.at[idx2_o.at[pl.ds(g * _IDXCHUNK, n)]],
                orows.at[pl.ds(g * _IDXCHUNK, n)], sem)

    def wait(b):
        _, _, _, _, _, _, vrows, trows, orows, sem = bufs[b]
        pltpu.make_async_copy(u_hbm.at[pl.ds(0, _C)], vrows, sem).wait()
        pltpu.make_async_copy(u_hbm.at[pl.ds(0, _C)], trows, sem).wait()
        pltpu.make_async_copy(u_hbm.at[pl.ds(0, _C * _K)], orows, sem).wait()

    def compute(i, b):
        idx_c, idx_t, idx_o, _, _, _, vrows, trows, orows, _ = bufs[b]
        pcv = (idx_c[pl.ds(0, 16)] & 1) * _D
        ptv = (idx_t[pl.ds(0, 16)] & 1) * _D
        pov = [(plsc.load_gather(idx_o, [lanes * _K + k]) & 1) * _D
               for k in range(_K)]
        lk = lanes * _K
        zero = jnp.zeros((16,), jnp.float32)

        def dbody(d, carry):
            dd = (lanes + d) & (_D - 1)
            c_d = plsc.load_gather(vrows, [lanes, pcv + dd])
            t_d = plsc.load_gather(trows, [lanes, ptv + dd])
            acc_t = carry[0] + t_d * c_d
            accs = []
            for k in range(_K):
                o_d = plsc.load_gather(orows, [lk + k, pov[k] + dd])
                accs.append(carry[1 + k] + o_d * c_d)
            return (acc_t, *accs)

        out = lax.fori_loop(0, _D, dbody, (zero,) * (_K + 1))
        s = jnp.exp(out[1])
        for k in range(2, _K + 1):
            s = s + jnp.exp(out[k])
        score_buf[pl.ds(i * _C, 16)] = out[0]
        sumexp_buf[pl.ds(i * _C, 16)] = s

    stage(0, 0)

    def chunk_body(i, _):
        p = i % 2

        def go(b):
            @pl.when(i + 1 < _NCHUNK)
            def _():
                stage(i + 1, 1 - b)

            wait(b)
            compute(i, b)

        @pl.when(p == 0)
        def _():
            go(0)

        @pl.when(p == 1)
        def _():
            go(1)

        return 0

    lax.fori_loop(0, _NCHUNK, chunk_body, 0)

    pltpu.sync_copy(score_buf, score_hbm.at[pl.ds(wbase, _CB)])
    pltpu.sync_copy(sumexp_buf, sumexp_hbm.at[pl.ds(wbase, _CB)])


def _nll_body(score_ref, sumexp_ref, o_ref):
    s = score_ref[...]
    z = sumexp_ref[...]
    o_ref[0, 0] = (jnp.sum(jnp.log(z)) - jnp.sum(s)) / _B


def kernel(center_words, target_words, outer_words, V, U):
    cw = center_words.reshape(_B)
    tw = target_words.reshape(_B)
    ow = outer_words.reshape(_B * _K)
    u2 = U.reshape(_TR, 2 * _D)

    mesh = plsc.VectorSubcoreMesh(core_axis_name="c", subcore_axis_name="s")
    zv = functools.partial(
        pl.kernel, mesh=mesh, compiler_params=_CPARAMS,
        out_type=jax.ShapeDtypeStruct((_TR, 2 * _D), jnp.float32),
        scratch_types=[
            pltpu.VMEM((_D, 256), jnp.float32),
            pltpu.VMEM((128, 128), jnp.float32),
            pltpu.VMEM((_D, 256), jnp.float32),
            pltpu.VMEM((128, 128), jnp.float32),
            pltpu.SemaphoreType.DMA,
            pltpu.SemaphoreType.DMA,
            pltpu.SemaphoreType.DMA,
            pltpu.SemaphoreType.DMA,
        ],
    )(_zv_body)
    v2 = zv(V.T, V[(_NSLAB - 1) * 256:].reshape(32, 2 * _D))

    buf_set = [
        pltpu.VMEM((_C,), jnp.int32),
        pltpu.VMEM((_C,), jnp.int32),
        pltpu.VMEM((_C * _K,), jnp.int32),
        pltpu.VMEM((_C,), jnp.int32),
        pltpu.VMEM((_C,), jnp.int32),
        pltpu.VMEM((_C * _K,), jnp.int32),
        pltpu.VMEM((_C, 2 * _D), jnp.float32),
        pltpu.VMEM((_C, 2 * _D), jnp.float32),
        pltpu.VMEM((_C * _K, 2 * _D), jnp.float32),
    ]
    sc = functools.partial(
        pl.kernel, mesh=mesh, compiler_params=_CPARAMS,
        out_type=[jax.ShapeDtypeStruct((_B,), jnp.float32),
                  jax.ShapeDtypeStruct((_B,), jnp.float32)],
        scratch_types=buf_set + buf_set + [
            pltpu.VMEM((_CB,), jnp.float32),
            pltpu.VMEM((_CB,), jnp.float32),
            pltpu.SemaphoreType.DMA,
            pltpu.SemaphoreType.DMA,
        ],
    )(_sc_body)
    score, sumexp = sc(cw, tw, ow, v2, u2)

    out = pl.pallas_call(
        _nll_body,
        out_shape=jax.ShapeDtypeStruct((1, 1), jnp.float32),
        out_specs=pl.BlockSpec(memory_space=pltpu.SMEM),
    )(score.reshape(128, 128), sumexp.reshape(128, 128))
    return out[0, 0]

# --- scband reference (transcript-rebuilt; emitter-appended) ---
"""Pipeline reference for scband-skip-gram-model-82549271429428 (READ-ONLY COPY).

The authoritative reference and input builder live on the scoring server;
editing this copy changes nothing except your own understanding.
"""

import jax, jax.numpy as jnp
import numpy as np

VOCAB = 1000000
DIM = 64
B = 16384
K = 20


def setup_inputs(seed: int = 0) -> dict:
    key = jax.random.key(seed)
    k1, k2, k3, k4, k5 = jax.random.split(key, 5)
    center_words = jax.random.randint(k1, (B, 1), 0, VOCAB, dtype=jnp.int64 if jax.config.jax_enable_x64 else jnp.int32).astype(jnp.int32)
    target_words = jax.random.randint(k2, (B, 1), 0, VOCAB).astype(jnp.int32)
    outer_words = jax.random.randint(k3, (B, K), 0, VOCAB).astype(jnp.int32)
    initrange = 0.5 / DIM
    V = jax.random.uniform(k4, (VOCAB, DIM), minval=-initrange, maxval=initrange, dtype=jnp.float32)
    U = jax.random.uniform(k5, (VOCAB, DIM), minval=-initrange, maxval=initrange, dtype=jnp.float32)
    return {"center_words": center_words, "target_words": target_words, "outer_words": outer_words, "V": V, "U": U}


def reference(center_words, target_words, outer_words, V, U):
    # embedding lookups (SparseCore gather)
    center_embeds = jnp.take(V, center_words, axis=0)   # [B, 1, D]
    target_embeds = jnp.take(U, target_words, axis=0)   # [B, 1, D]
    outer_embeds = jnp.take(U, outer_words, axis=0)     # [B, K, D]
    # scores = target_embeds.bmm(center_embeds.transpose(1,2)).squeeze(2)
    scores = jnp.squeeze(jnp.matmul(target_embeds, jnp.swapaxes(center_embeds, 1, 2)), axis=2)  # [B, 1]
    # norm_scores = outer_embeds.bmm(center_embeds.transpose(1,2)).squeeze(2)
    norm_scores = jnp.squeeze(jnp.matmul(outer_embeds, jnp.swapaxes(center_embeds, 1, 2)), axis=2)  # [B, K]
    P_oc = jnp.exp(scores) / jnp.sum(jnp.exp(norm_scores), axis=1, keepdims=True)  # [B, 1]
    nll = -jnp.mean(jnp.log(P_oc))
    return nll

if __name__ == "__main__":
    import jax
    _d = setup_inputs()
    print(jax.jit(kernel)(*tuple(_d.values())))

</pallas_src>

<mosaic_0001>
#map = affine_map<(d0, d1) -> (0)>
#map1 = affine_map<(d0, d1) -> (0, 0)>
module attributes {stable_mosaic.version = 14 : i64} {
  func.func @_sc_body(%arg0: i32, %arg1: i32, %arg2: memref<16384xi32, #tpu.memory_space<hbm>>, %arg3: memref<16384xi32, #tpu.memory_space<hbm>>, %arg4: memref<327680xi32, #tpu.memory_space<hbm>>, %arg5: memref<500000x128xf32, #tpu.memory_space<hbm>>, %arg6: memref<500000x128xf32, #tpu.memory_space<hbm>>, %arg7: memref<16384xf32, #tpu.memory_space<hbm>>, %arg8: memref<16384xf32, #tpu.memory_space<hbm>>, %arg9: memref<16xi32, #tpu.memory_space<vmem>>, %arg10: memref<16xi32, #tpu.memory_space<vmem>>, %arg11: memref<320xi32, #tpu.memory_space<vmem>>, %arg12: memref<16xi32, #tpu.memory_space<vmem>>, %arg13: memref<16xi32, #tpu.memory_space<vmem>>, %arg14: memref<320xi32, #tpu.memory_space<vmem>>, %arg15: memref<16x128xf32, #tpu.memory_space<vmem>>, %arg16: memref<16x128xf32, #tpu.memory_space<vmem>>, %arg17: memref<320x128xf32, #tpu.memory_space<vmem>>, %arg18: memref<16xi32, #tpu.memory_space<vmem>>, %arg19: memref<16xi32, #tpu.memory_space<vmem>>, %arg20: memref<320xi32, #tpu.memory_space<vmem>>, %arg21: memref<16xi32, #tpu.memory_space<vmem>>, %arg22: memref<16xi32, #tpu.memory_space<vmem>>, %arg23: memref<320xi32, #tpu.memory_space<vmem>>, %arg24: memref<16x128xf32, #tpu.memory_space<vmem>>, %arg25: memref<16x128xf32, #tpu.memory_space<vmem>>, %arg26: memref<320x128xf32, #tpu.memory_space<vmem>>, %arg27: memref<512xf32, #tpu.memory_space<vmem>>, %arg28: memref<512xf32, #tpu.memory_space<vmem>>, %arg29: memref<!tpu.dma_semaphore, #tpu.memory_space<semaphore_mem>>, %arg30: memref<!tpu.dma_semaphore, #tpu.memory_space<semaphore_mem>>) attributes {dimension_semantics = [#tpu.dimension_semantics<core_parallel>, #tpu.dimension_semantics<subcore_parallel>], iteration_bounds = array<i64: 2, 16>, scalar_prefetch = 0 : i64, scratch_operands = 22 : i64, tpu.core_type = #tpu.core_type<sc_vector_subcore>, window_params = [{transform_indices = #map}, {transform_indices = #map}, {transform_indices = #map}, {transform_indices = #map1}, {transform_indices = #map1}, {transform_indices = #map}, {transform_indices = #map}]} {
    %mul3A = arith.constant 2 : i32
    %mul3A_0 = arith.muli %arg1, %mul3A : i32
    %add3A = arith.addi %mul3A_0, %arg0 : i32
    %mul3A_1 = arith.constant 512 : i32
    %mul3A_2 = arith.muli %add3A, %mul3A_1 : i32
    %iota3A = tpu.iota {dimensions = array<i32: 0>} : vector<16xi32>
    %add3A_3 = arith.constant 0 : i32
    %add3A_4 = arith.addi %mul3A_2, %add3A_3 : i32
    "tpu.region"() ({
      %run_scoped3A = tpu.sem_alloc : memref<!tpu.dma_semaphore, #tpu.memory_space<semaphore_mem>>
      %dma_start3A_193 = tpu.memref_slice %arg2[%add3A_4] : memref<16384xi32, #tpu.memory_space<hbm>> -> memref<16xi32, #tpu.memory_space<hbm>>
      %dma_start3A_194 = tpu.memref_slice %arg2[%add3A_4] : memref<16384xi32, #tpu.memory_space<hbm>> -> memref<16xi32, #tpu.memory_space<hbm>>
      tpu.enqueue_dma source(%dma_start3A_194 : memref<16xi32, #tpu.memory_space<hbm>>) target(%arg9 : memref<16xi32, #tpu.memory_space<vmem>>) target_semaphore(%run_scoped3A : memref<!tpu.dma_semaphore, #tpu.memory_space<semaphore_mem>>)
      %dma_wait3A = tpu.memref_slice %arg2[%add3A_4] : memref<16384xi32, #tpu.memory_space<hbm>> -> memref<16xi32, #tpu.memory_space<hbm>>
      %dma_wait3A_195 = tpu.memref_slice %arg2[%add3A_4] : memref<16384xi32, #tpu.memory_space<hbm>> -> memref<16xi32, #tpu.memory_space<hbm>>
      tpu.wait_dma2 semaphore(%run_scoped3A : memref<!tpu.dma_semaphore, #tpu.memory_space<semaphore_mem>>) src(%dma_wait3A_195 : memref<16xi32, #tpu.memory_space<hbm>>) dst(%arg9 : memref<16xi32, #tpu.memory_space<vmem>>)
      tpu.yield
    }) : () -> ()
    "tpu.region"() ({
      %run_scoped3A = tpu.sem_alloc : memref<!tpu.dma_semaphore, #tpu.memory_space<semaphore_mem>>
      %dma_start3A_193 = tpu.memref_slice %arg3[%add3A_4] : memref<16384xi32, #tpu.memory_space<hbm>> -> memref<16xi32, #tpu.memory_space<hbm>>
      %dma_start3A_194 = tpu.memref_slice %arg3[%add3A_4] : memref<16384xi32, #tpu.memory_space<hbm>> -> memref<16xi32, #tpu.memory_space<hbm>>
      tpu.enqueue_dma source(%dma_start3A_194 : memref<16xi32, #tpu.memory_space<hbm>>) target(%arg10 : memref<16xi32, #tpu.memory_space<vmem>>) target_semaphore(%run_scoped3A : memref<!tpu.dma_semaphore, #tpu.memory_space<semaphore_mem>>)
      %dma_wait3A = tpu.memref_slice %arg3[%add3A_4] : memref<16384xi32, #tpu.memory_space<hbm>> -> memref<16xi32, #tpu.memory_space<hbm>>
      %dma_wait3A_195 = tpu.memref_slice %arg3[%add3A_4] : memref<16384xi32, #tpu.memory_space<hbm>> -> memref<16xi32, #tpu.memory_space<hbm>>
      tpu.wait_dma2 semaphore(%run_scoped3A : memref<!tpu.dma_semaphore, #tpu.memory_space<semaphore_mem>>) src(%dma_wait3A_195 : memref<16xi32, #tpu.memory_space<hbm>>) dst(%arg10 : memref<16xi32, #tpu.memory_space<vmem>>)
      tpu.yield
    }) : () -> ()
    %mul3A_5 = arith.constant 20 : i32
    %mul3A_6 = arith.muli %add3A_4, %mul3A_5 : i32
    "tpu.region"() ({
      %run_scoped3A = tpu.sem_alloc : memref<!tpu.dma_semaphore, #tpu.memory_space<semaphore_mem>>
      %dma_start3A_193 = tpu.memref_slice %arg4[%mul3A_6] : memref<327680xi32, #tpu.memory_space<hbm>> -> memref<320xi32, #tpu.memory_space<hbm>>
      %dma_start3A_194 = tpu.memref_slice %arg4[%mul3A_6] : memref<327680xi32, #tpu.memory_space<hbm>> -> memref<320xi32, #tpu.memory_space<hbm>>
      tpu.enqueue_dma source(%dma_start3A_194 : memref<320xi32, #tpu.memory_space<hbm>>) target(%arg11 : memref<320xi32, #tpu.memory_space<vmem>>) target_semaphore(%run_scoped3A : memref<!tpu.dma_semaphore, #tpu.memory_space<semaphore_mem>>)
      %dma_wait3A = tpu.memref_slice %arg4[%mul3A_6] : memref<327680xi32, #tpu.memory_space<hbm>> -> memref<320xi32, #tpu.memory_space<hbm>>
      %dma_wait3A_195 = tpu.memref_slice %arg4[%mul3A_6] : memref<327680xi32, #tpu.memory_space<hbm>> -> memref<320xi32, #tpu.memory_space<hbm>>
      tpu.wait_dma2 semaphore(%run_scoped3A : memref<!tpu.dma_semaphore, #tpu.memory_space<semaphore_mem>>) src(%dma_wait3A_195 : memref<320xi32, #tpu.memory_space<hbm>>) dst(%arg11 : memref<320xi32, #tpu.memory_space<vmem>>)
      tpu.yield
    }) : () -> ()
    %get3A = arith.constant 0 : index
    %get3A_7 = tpu.vector_load %arg9[%get3A] {strides = array<i32>} : memref<16xi32, #tpu.memory_space<vmem>>, vector<16xi32>,
    %shift_right_arithmetic3A = arith.constant 1 : i32
    %shift_right_arithmetic3A_8 = vector.broadcast %shift_right_arithmetic3A : i32 to vector<16xi32>
    %shift_right_arithmetic3A_9 = arith.shrsi %get3A_7, %shift_right_arithmetic3A_8 : vector<16xi32>
    %swap3A = arith.constant 0 : index
    %swap3A_10 = tpu.vector_load %arg12[%swap3A] {strides = array<i32>} : memref<16xi32, #tpu.memory_space<vmem>>, vector<16xi32>,
    tpu.vector_store %arg12[%swap3A], %shift_right_arithmetic3A_9 {strides = array<i32>} : memref<16xi32, #tpu.memory_space<vmem>>, vector<16xi32>,
    %get3A_11 = arith.constant 0 : index
    %get3A_12 = tpu.vector_load %arg10[%get3A_11] {strides = array<i32>} : memref<16xi32, #tpu.memory_space<vmem>>, vector<16xi32>,
    %shift_right_arithmetic3A_13 = arith.constant 1 : i32
    %shift_right_arithmetic3A_14 = vector.broadcast %shift_right_arithmetic3A_13 : i32 to vector<16xi32>
    %shift_right_arithmetic3A_15 = arith.shrsi %get3A_12, %shift_right_arithmetic3A_14 : vector<16xi32>
    %swap3A_16 = arith.constant 0 : index
    %swap3A_17 = tpu.vector_load %arg13[%swap3A_16] {strides = array<i32>} : memref<16xi32, #tpu.memory_space<vmem>>, vector<16xi32>,
    tpu.vector_store %arg13[%swap3A_16], %shift_right_arithmetic3A_15 {strides = array<i32>} : memref<16xi32, #tpu.memory_space<vmem>>, vector<16xi32>,
    %get3A_18 = arith.constant 0 : index
    %get3A_19 = tpu.vector_load %arg11[%get3A_18] {strides = array<i32>} : memref<320xi32, #tpu.memory_space<vmem>>, vector<16xi32>,
    %shift_right_arithmetic3A_20 = arith.constant 1 : i32
    %shift_right_arithmetic3A_21 = vector.broadcast %shift_right_arithmetic3A_20 : i32 to vector<16xi32>
    %shift_right_arithmetic3A_22 = arith.shrsi %get3A_19, %shift_right_arithmetic3A_21 : vector<16xi32>
    %swap3A_23 = arith.constant 0 : index
    %swap3A_24 = tpu.vector_load %arg14[%swap3A_23] {strides = array<i32>} : memref<320xi32, #tpu.memory_space<vmem>>, vector<16xi32>,
    tpu.vector_store %arg14[%swap3A_23], %shift_right_arithmetic3A_22 {strides = array<i32>} : memref<320xi32, #tpu.memory_space<vmem>>, vector<16xi32>,
    %get3A_25 = arith.constant 16 : index
    %get3A_26 = tpu.vector_load %arg11[%get3A_25] {strides = array<i32>} : memref<320xi32, #tpu.memory_space<vmem>>, vector<16xi32>,
    %shift_right_arithmetic3A_27 = arith.constant 1 : i32
    %shift_right_arithmetic3A_28 = vector.broadcast %shift_right_arithmetic3A_27 : i32 to vector<16xi32>
    %shift_right_arithmetic3A_29 = arith.shrsi %get3A_26, %shift_right_arithmetic3A_28 : vector<16xi32>
    %swap3A_30 = arith.constant 16 : index
    %swap3A_31 = tpu.vector_load %arg14[%swap3A_30] {strides = array<i32>} : memref<320xi32, #tpu.memory_space<vmem>>, vector<16xi32>,
    tpu.vector_store %arg14[%swap3A_30], %shift_right_arithmetic3A_29 {strides = array<i32>} : memref<320xi32, #tpu.memory_space<vmem>>, vector<16xi32>,
    %get3A_32 = arith.constant 32 : index
    %get3A_33 = tpu.vector_load %arg11[%get3A_32] {strides = array<i32>} : memref<320xi32, #tpu.memory_space<vmem>>, vector<16xi32>,
    %shift_right_arithmetic3A_34 = arith.constant 1 : i32
    %shift_right_arithmetic3A_35 = vector.broadcast %shift_right_arithmetic3A_34 : i32 to vector<16xi32>
    %shift_right_arithmetic3A_36 = arith.shrsi %get3A_33, %shift_right_arithmetic3A_35 : vector<16xi32>
    %swap3A_37 = arith.constant 32 : index
    %swap3A_38 = tpu.vector_load %arg14[%swap3A_37] {strides = array<i32>} : memref<320xi32, #tpu.memory_space<vmem>>, vector<16xi32>,
    tpu.vector_store %arg14[%swap3A_37], %shift_right_arithmetic3A_36 {strides = array<i32>} : memref<320xi32, #tpu.memory_space<vmem>>, vector<16xi32>,
    %get3A_39 = arith.constant 48 : index
    %get3A_40 = tpu.vector_load %arg11[%get3A_39] {strides = array<i32>} : memref<320xi32, #tpu.memory_space<vmem>>, vector<16xi32>,
    %shift_right_arithmetic3A_41 = arith.constant 1 : i32
    %shift_right_arithmetic3A_42 = vector.broadcast %shift_right_arithmetic3A_41 : i32 to vector<16xi32>
    %shift_right_arithmetic3A_43 = arith.shrsi %get3A_40, %shift_right_arithmetic3A_42 : vector<16xi32>
    %swap3A_44 = arith.constant 48 : index
    %swap3A_45 = tpu.vector_load %arg14[%swap3A_44] {strides = array<i32>} : memref<320xi32, #tpu.memory_space<vmem>>, vector<16xi32>,
    tpu.vector_store %arg14[%swap3A_44], %shift_right_arithmetic3A_43 {strides = array<i32>} : memref<320xi32, #tpu.memory_space<vmem>>, vector<16xi32>,
    %get3A_46 = arith.constant 64 : index
    %get3A_47 = tpu.vector_load %arg11[%get3A_46] {strides = array<i32>} : memref<320xi32, #tpu.memory_space<vmem>>, vector<16xi32>,
    %shift_right_arithmetic3A_48 = arith.constant 1 : i32
    %shift_right_arithmetic3A_49 = vector.broadcast %shift_right_arithmetic3A_48 : i32 to vector<16xi32>
    %shift_right_arithmetic3A_50 = arith.shrsi %get3A_47, %shift_right_arithmetic3A_49 : vector<16xi32>
    %swap3A_51 = arith.constant 64 : index
    %swap3A_52 = tpu.vector_load %arg14[%swap3A_51] {strides = array<i32>} : memref<320xi32, #tpu.memory_space<vmem>>, vector<16xi32>,
    tpu.vector_store %arg14[%swap3A_51], %shift_right_arithmetic3A_50 {strides = array<i32>} : memref<320xi32, #tpu.memory_space<vmem>>, vector<16xi32>,
    %get3A_53 = arith.constant 80 : index
    %get3A_54 = tpu.vector_load %arg11[%get3A_53] {strides = array<i32>} : memref<320xi32, #tpu.memory_space<vmem>>, vector<16xi32>,
    %shift_right_arithmetic3A_55 = arith.constant 1 : i32
    %shift_right_arithmetic3A_56 = vector.broadcast %shift_right_arithmetic3A_55 : i32 to vector<16xi32>
    %shift_right_arithmetic3A_57 = arith.shrsi %get3A_54, %shift_right_arithmetic3A_56 : vector<16xi32>
    %swap3A_58 = arith.constant 80 : index
    %swap3A_59 = tpu.vector_load %arg14[%swap3A_58] {strides = array<i32>} : memref<320xi32, #tpu.memory_space<vmem>>, vector<16xi32>,
    tpu.vector_store %arg14[%swap3A_58], %shift_right_arithmetic3A_57 {strides = array<i32>} : memref<320xi32, #tpu.memory_space<vmem>>, vector<16xi32>,
    %get3A_60 = arith.constant 96 : index
    %get3A_61 = tpu.vector_load %arg11[%get3A_60] {strides = array<i32>} : memref<320xi32, #tpu.memory_space<vmem>>, vector<16xi32>,
    %shift_right_arithmetic3A_62 = arith.constant 1 : i32
    %shift_right_arithmetic3A_63 = vector.broadcast %shift_right_arithmetic3A_62 : i32 to vector<16xi32>
    %shift_right_arithmetic3A_64 = arith.shrsi %get3A_61, %shift_right_arithmetic3A_63 : vector<16xi32>
    %swap3A_65 = arith.constant 96 : index
    %swap3A_66 = tpu.vector_load %arg14[%swap3A_65] {strides = array<i32>} : memref<320xi32, #tpu.memory_space<vmem>>, vector<16xi32>,
    tpu.vector_store %arg14[%swap3A_65], %shift_right_arithmetic3A_64 {strides = array<i32>} : memref<320xi32, #tpu.memory_space<vmem>>, vector<16xi32>,
    %get3A_67 = arith.constant 112 : index
    %get3A_68 = tpu.vector_load %arg11[%get3A_67] {strides = array<i32>} : memref<320xi32, #tpu.memory_space<vmem>>, vector<16xi32>,
    %shift_right_arithmetic3A_69 = arith.constant 1 : i32
    %shift_right_arithmetic3A_70 = vector.broadcast %shift_right_arithmetic3A_69 : i32 to vector<16xi32>
    %shift_right_arithmetic3A_71 = arith.shrsi %get3A_68, %shift_right_arithmetic3A_70 : vector<16xi32>
    %swap3A_72 = arith.constant 112 : index
    %swap3A_73 = tpu.vector_load %arg14[%swap3A_72] {strides = array<i32>} : memref<320xi32, #tpu.memory_space<vmem>>, vector<16xi32>,
    tpu.vector_store %arg14[%swap3A_72], %shift_right_arithmetic3A_71 {strides = array<i32>} : memref<320xi32, #tpu.memory_space<vmem>>, vector<16xi32>,
    %get3A_74 = arith.constant 128 : index
    %get3A_75 = tpu.vector_load %arg11[%get3A_74] {strides = array<i32>} : memref<320xi32, #tpu.memory_space<vmem>>, vector<16xi32>,
    %shift_right_arithmetic3A_76 = arith.constant 1 : i32
    %shift_right_arithmetic3A_77 = vector.broadcast %shift_right_arithmetic3A_76 : i32 to vector<16xi32>
    %shift_right_arithmetic3A_78 = arith.shrsi %get3A_75, %shift_right_arithmetic3A_77 : vector<16xi32>
    %swap3A_79 = arith.constant 128 : index
    %swap3A_80 = tpu.vector_load %arg14[%swap3A_79] {strides = array<i32>} : memref<320xi32, #tpu.memory_space<vmem>>, vector<16xi32>,
    tpu.vector_store %arg14[%swap3A_79], %shift_right_arithmetic3A_78 {strides = array<i32>} : memref<320xi32, #tpu.memory_space<vmem>>, vector<16xi32>,
    %get3A_81 = arith.constant 144 : index
    %get3A_82 = tpu.vector_load %arg11[%get3A_81] {strides = array<i32>} : memref<320xi32, #tpu.memory_space<vmem>>, vector<16xi32>,
    %shift_right_arithmetic3A_83 = arith.constant 1 : i32
    %shift_right_arithmetic3A_84 = vector.broadcast %shift_right_arithmetic3A_83 : i32 to vector<16xi32>
    %shift_right_arithmetic3A_85 = arith.shrsi %get3A_82, %shift_right_arithmetic3A_84 : vector<16xi32>
    %swap3A_86 = arith.constant 144 : index
    %swap3A_87 = tpu.vector_load %arg14[%swap3A_86] {strides = array<i32>} : memref<320xi32, #tpu.memory_space<vmem>>, vector<16xi32>,
    tpu.vector_store %arg14[%swap3A_86], %shift_right_arithmetic3A_85 {strides = array<i32>} : memref<320xi32, #tpu.memory_space<vmem>>, vector<16xi32>,
    %get3A_88 = arith.constant 160 : index
    %get3A_89 = tpu.vector_load %arg11[%get3A_88] {strides = array<i32>} : memref<320xi32, #tpu.memory_space<vmem>>, vector<16xi32>,
    %shift_right_arithmetic3A_90 = arith.constant 1 : i32
    %shift_right_arithmetic3A_91 = vector.broadcast %shift_right_arithmetic3A_90 : i32 to vector<16xi32>
    %shift_right_arithmetic3A_92 = arith.shrsi %get3A_89, %shift_right_arithmetic3A_91 : vector<16xi32>
    %swap3A_93 = arith.constant 160 : index
    %swap3A_94 = tpu.vector_load %arg14[%swap3A_93] {strides = array<i32>} : memref<320xi32, #tpu.memory_space<vmem>>, vector<16xi32>,
    tpu.vector_store %arg14[%swap3A_93], %shift_right_arithmetic3A_92 {strides = array<i32>} : memref<320xi32, #tpu.memory_space<vmem>>, vector<16xi32>,
    %get3A_95 = arith.constant 176 : index
    %get3A_96 = tpu.vector_load %arg11[%get3A_95] {strides = array<i32>} : memref<320xi32, #tpu.memory_space<vmem>>, vector<16xi32>,
    %shift_right_arithmetic3A_97 = arith.constant 1 : i32
    %shift_right_arithmetic3A_98 = vector.broadcast %shift_right_arithmetic3A_97 : i32 to vector<16xi32>
    %shift_right_arithmetic3A_99 = arith.shrsi %get3A_96, %shift_right_arithmetic3A_98 : vector<16xi32>
    %swap3A_100 = arith.constant 176 : index
    %swap3A_101 = tpu.vector_load %arg14[%swap3A_100] {strides = array<i32>} : memref<320xi32, #tpu.memory_space<vmem>>, vector<16xi32>,
    tpu.vector_store %arg14[%swap3A_100], %shift_right_arithmetic3A_99 {strides = array<i32>} : memref<320xi32, #tpu.memory_space<vmem>>, vector<16xi32>,
    %get3A_102 = arith.constant 192 : index
    %get3A_103 = tpu.vector_load %arg11[%get3A_102] {strides = array<i32>} : memref<320xi32, #tpu.memory_space<vmem>>, vector<16xi32>,
    %shift_right_arithmetic3A_104 = arith.constant 1 : i32
    %shift_right_arithmetic3A_105 = vector.broadcast %shift_right_arithmetic3A_104 : i32 to vector<16xi32>
    %shift_right_arithmetic3A_106 = arith.shrsi %get3A_103, %shift_right_arithmetic3A_105 : vector<16xi32>
    %swap3A_107 = arith.constant 192 : index
    %swap3A_108 = tpu.vector_load %arg14[%swap3A_107] {strides = array<i32>} : memref<320xi32, #tpu.memory_space<vmem>>, vector<16xi32>,
    tpu.vector_store %arg14[%swap3A_107], %shift_right_arithmetic3A_106 {strides = array<i32>} : memref<320xi32, #tpu.memory_space<vmem>>, vector<16xi32>,
    %get3A_109 = arith.constant 208 : index
    %get3A_110 = tpu.vector_load %arg11[%get3A_109] {strides = array<i32>} : memref<320xi32, #tpu.memory_space<vmem>>, vector<16xi32>,
    %shift_right_arithmetic3A_111 = arith.constant 1 : i32
    %shift_right_arithmetic3A_112 = vector.broadcast %shift_right_arithmetic3A_111 : i32 to vector<16xi32>
    %shift_right_arithmetic3A_113 = arith.shrsi %get3A_110, %shift_right_arithmetic3A_112 : vector<16xi32>
    %swap3A_114 = arith.constant 208 : index
    %swap3A_115 = tpu.vector_load %arg14[%swap3A_114] {strides = array<i32>} : memref<320xi32, #tpu.memory_space<vmem>>, vector<16xi32>,
    tpu.vector_store %arg14[%swap3A_114], %shift_right_arithmetic3A_113 {strides = array<i32>} : memref<320xi32, #tpu.memory_space<vmem>>, vector<16xi32>,
    %get3A_116 = arith.constant 224 : index
    %get3A_117 = tpu.vector_load %arg11[%get3A_116] {strides = array<i32>} : memref<320xi32, #tpu.memory_space<vmem>>, vector<16xi32>,
    %shift_right_arithmetic3A_118 = arith.constant 1 : i32
    %shift_right_arithmetic3A_119 = vector.broadcast %shift_right_arithmetic3A_118 : i32 to vector<16xi32>
    %shift_right_arithmetic3A_120 = arith.shrsi %get3A_117, %shift_right_arithmetic3A_119 : vector<16xi32>
    %swap3A_121 = arith.constant 224 : index
    %swap3A_122 = tpu.vector_load %arg14[%swap3A_121] {strides = array<i32>} : memref<320xi32, #tpu.memory_space<vmem>>, vector<16xi32>,
    tpu.vector_store %arg14[%swap3A_121], %shift_right_arithmetic3A_120 {strides = array<i32>} : memref<320xi32, #tpu.memory_space<vmem>>, vector<16xi32>,
    %get3A_123 = arith.constant 240 : index
    %get3A_124 = tpu.vector_load %arg11[%get3A_123] {strides = array<i32>} : memref<320xi32, #tpu.memory_space<vmem>>, vector<16xi32>,
    %shift_right_arithmetic3A_125 = arith.constant 1 : i32
    %shift_right_arithmetic3A_126 = vector.broadcast %shift_right_arithmetic3A_125 : i32 to vector<16xi32>
    %shift_right_arithmetic3A_127 = arith.shrsi %get3A_124, %shift_right_arithmetic3A_126 : vector<16xi32>
    %swap3A_128 = arith.constant 240 : index
    %swap3A_129 = tpu.vector_load %arg14[%swap3A_128] {strides = array<i32>} : memref<320xi32, #tpu.memory_space<vmem>>, vector<16xi32>,
    tpu.vector_store %arg14[%swap3A_128], %shift_right_arithmetic3A_127 {strides = array<i32>} : memref<320xi32, #tpu.memory_space<vmem>>, vector<16xi32>,
    %get3A_130 = arith.constant 256 : index
    %get3A_131 = tpu.vector_load %arg11[%get3A_130] {strides = array<i32>} : memref<320xi32, #tpu.memory_space<vmem>>, vector<16xi32>,
    %shift_right_arithmetic3A_132 = arith.constant 1 : i32
    %shift_right_arithmetic3A_133 = vector.broadcast %shift_right_arithmetic3A_132 : i32 to vector<16xi32>
    %shift_right_arithmetic3A_134 = arith.shrsi %get3A_131, %shift_right_arithmetic3A_133 : vector<16xi32>
    %swap3A_135 = arith.constant 256 : index
    %swap3A_136 = tpu.vector_load %arg14[%swap3A_135] {strides = array<i32>} : memref<320xi32, #tpu.memory_space<vmem>>, vector<16xi32>,
    tpu.vector_store %arg14[%swap3A_135], %shift_right_arithmetic3A_134 {strides = array<i32>} : memref<320xi32, #tpu.memory_space<vmem>>, vector<16xi32>,
    %get3A_137 = arith.constant 272 : index
    %get3A_138 = tpu.vector_load %arg11[%get3A_137] {strides = array<i32>} : memref<320xi32, #tpu.memory_space<vmem>>, vector<16xi32>,
    %shift_right_arithmetic3A_139 = arith.constant 1 : i32
    %shift_right_arithmetic3A_140 = vector.broadcast %shift_right_arithmetic3A_139 : i32 to vector<16xi32>
    %shift_right_arithmetic3A_141 = arith.shrsi %get3A_138, %shift_right_arithmetic3A_140 : vector<16xi32>
    %swap3A_142 = arith.constant 272 : index
    %swap3A_143 = tpu.vector_load %arg14[%swap3A_142] {strides = array<i32>} : memref<320xi32, #tpu.memory_space<vmem>>, vector<16xi32>,
    tpu.vector_store %arg14[%swap3A_142], %shift_right_arithmetic3A_141 {strides = array<i32>} : memref<320xi32, #tpu.memory_space<vmem>>, vector<16xi32>,
    %get3A_144 = arith.constant 288 : index
    %get3A_145 = tpu.vector_load %arg11[%get3A_144] {strides = array<i32>} : memref<320xi32, #tpu.memory_space<vmem>>, vector<16xi32>,
    %shift_right_arithmetic3A_146 = arith.constant 1 : i32
    %shift_right_arithmetic3A_147 = vector.broadcast %shift_right_arithmetic3A_146 : i32 to vector<16xi32>
    %shift_right_arithmetic3A_148 = arith.shrsi %get3A_145, %shift_right_arithmetic3A_147 : vector<16xi32>
    %swap3A_149 = arith.constant 288 : index
    %swap3A_150 = tpu.vector_load %arg14[%swap3A_149] {strides = array<i32>} : memref<320xi32, #tpu.memory_space<vmem>>, vector<16xi32>,
    tpu.vector_store %arg14[%swap3A_149], %shift_right_arithmetic3A_148 {strides = array<i32>} : memref<320xi32, #tpu.memory_space<vmem>>, vector<16xi32>,
    %get3A_151 = arith.constant 304 : index
    %get3A_152 = tpu.vector_load %arg11[%get3A_151] {strides = array<i32>} : memref<320xi32, #tpu.memory_space<vmem>>, vector<16xi32>,
    %shift_right_arithmetic3A_153 = arith.constant 1 : i32
    %shift_right_arithmetic3A_154 = vector.broadcast %shift_right_arithmetic3A_153 : i32 to vector<16xi32>
    %shift_right_arithmetic3A_155 = arith.shrsi %get3A_152, %shift_right_arithmetic3A_154 : vector<16xi32>
    %swap3A_156 = arith.constant 304 : index
    %swap3A_157 = tpu.vector_load %arg14[%swap3A_156] {strides = array<i32>} : memref<320xi32, #tpu.memory_space<vmem>>, vector<16xi32>,
    tpu.vector_store %arg14[%swap3A_156], %shift_right_arithmetic3A_155 {strides = array<i32>} : memref<320xi32, #tpu.memory_space<vmem>>, vector<16xi32>,
    %dma_start3A = arith.constant 0 : i32
    %dma_start3A_158 = arith.constant 0 : i32
    %dma_start3A_159 = tpu.memref_slice %arg5[%dma_start3A, %dma_start3A_158] : memref<500000x128xf32, #tpu.memory_space<hbm>> -> memref<500000x128xf32, #tpu.memory_space<hbm>>
    tpu.enqueue_indirect_dma source(%dma_start3A_159 : memref<500000x128xf32, #tpu.memory_space<hbm>>) target(%arg15 : memref<16x128xf32, #tpu.memory_space<vmem>>) offsets(%arg12 : memref<16xi32, #tpu.memory_space<vmem>>) semaphore(%arg29 : memref<!tpu.dma_semaphore, #tpu.memory_space<semaphore_mem>>)
    %dma_start3A_160 = arith.constant 0 : i32
    %dma_start3A_161 = arith.constant 0 : i32
    %dma_start3A_162 = tpu.memref_slice %arg6[%dma_start3A_160, %dma_start3A_161] : memref<500000x128xf32, #tpu.memory_space<hbm>> -> memref<500000x128xf32, #tpu.memory_space<hbm>>
    tpu.enqueue_indirect_dma source(%dma_start3A_162 : memref<500000x128xf32, #tpu.memory_space<hbm>>) target(%arg16 : memref<16x128xf32, #tpu.memory_space<vmem>>) offsets(%arg13 : memref<16xi32, #tpu.memory_space<vmem>>) semaphore(%arg29 : memref<!tpu.dma_semaphore, #tpu.memory_space<semaphore_mem>>)
    %dma_start3A_163 = arith.constant 0 : i32
    %dma_start3A_164 = arith.constant 0 : i32
    %dma_start3A_165 = tpu.memref_slice %arg17[%dma_start3A_163, %dma_start3A_164] : memref<320x128xf32, #tpu.memory_space<vmem>> -> memref<128x128xf32, #tpu.memory_space<vmem>>
    %dma_start3A_166 = arith.constant 0 : i32
    %dma_start3A_167 = tpu.memref_slice %arg14[%dma_start3A_166] : memref<320xi32, #tpu.memory_space<vmem>> -> memref<128xi32, #tpu.memory_space<vmem>>
    %dma_start3A_168 = arith.constant 0 : i32
    %dma_start3A_169 = arith.constant 0 : i32
    %dma_start3A_170 = tpu.memref_slice %arg6[%dma_start3A_168, %dma_start3A_169] : memref<500000x128xf32, #tpu.memory_space<hbm>> -> memref<500000x128xf32, #tpu.memory_space<hbm>>
    tpu.enqueue_indirect_dma source(%dma_start3A_170 : memref<500000x128xf32, #tpu.memory_space<hbm>>) target(%dma_start3A_165 : memref<128x128xf32, #tpu.memory_space<vmem>>) offsets(%dma_start3A_167 : memref<128xi32, #tpu.memory_space<vmem>>) semaphore(%arg29 : memref<!tpu.dma_semaphore, #tpu.memory_space<semaphore_mem>>)
    %dma_start3A_171 = arith.constant 128 : i32
    %dma_start3A_172 = arith.constant 0 : i32
    %dma_start3A_173 = tpu.memref_slice %arg17[%dma_start3A_171, %dma_start3A_172] : memref<320x128xf32, #tpu.memory_space<vmem>> -> memref<128x128xf32, #tpu.memory_space<vmem>>
    %dma_start3A_174 = arith.constant 128 : i32
    %dma_start3A_175 = tpu.memref_slice %arg14[%dma_start3A_174] : memref<320xi32, #tpu.memory_space<vmem>> -> memref<128xi32, #tpu.memory_space<vmem>>
    %dma_start3A_176 = arith.constant 0 : i32
    %dma_start3A_177 = arith.constant 0 : i32
    %dma_start3A_178 = tpu.memref_slice %arg6[%dma_start3A_176, %dma_start3A_177] : memref<500000x128xf32, #tpu.memory_space<hbm>> -> memref<500000x128xf32, #tpu.memory_space<hbm>>
    tpu.enqueue_indirect_dma source(%dma_start3A_178 : memref<500000x128xf32, #tpu.memory_space<hbm>>) target(%dma_start3A_173 : memref<128x128xf32, #tpu.memory_space<vmem>>) offsets(%dma_start3A_175 : memref<128xi32, #tpu.memory_space<vmem>>) semaphore(%arg29 : memref<!tpu.dma_semaphore, #tpu.memory_space<semaphore_mem>>)
    %dma_start3A_179 = arith.constant 256 : i32
    %dma_start3A_180 = arith.constant 0 : i32
    %dma_start3A_181 = tpu.memref_slice %arg17[%dma_start3A_179, %dma_start3A_180] : memref<320x128xf32, #tpu.memory_space<vmem>> -> memref<64x128xf32, #tpu.memory_space<vmem>>
    %dma_start3A_182 = arith.constant 256 : i32
    %dma_start3A_183 = tpu.memref_slice %arg14[%dma_start3A_182] : memref<320xi32, #tpu.memory_space<vmem>> -> memref<64xi32, #tpu.memory_space<vmem>>
    %dma_start3A_184 = arith.constant 0 : i32
    %dma_start3A_185 = arith.constant 0 : i32
    %dma_start3A_186 = tpu.memref_slice %arg6[%dma_start3A_184, %dma_start3A_185] : memref<500000x128xf32, #tpu.memory_space<hbm>> -> memref<500000x128xf32, #tpu.memory_space<hbm>>
    tpu.enqueue_indirect_dma source(%dma_start3A_186 : memref<500000x128xf32, #tpu.memory_space<hbm>>) target(%dma_start3A_181 : memref<64x128xf32, #tpu.memory_space<vmem>>) offsets(%dma_start3A_183 : memref<64xi32, #tpu.memory_space<vmem>>) semaphore(%arg29 : memref<!tpu.dma_semaphore, #tpu.memory_space<semaphore_mem>>)
    %scan3A = arith.constant 0 : i32
    %scan3A_187 = arith.constant 0 : i32
    %scan3A_188 = arith.constant 32 : i32
    %scan3A_189 = arith.addi %scan3A_187, %scan3A_188 : i32
    %scan3A_190 = arith.constant 1 : i32
    %scan3A_191 = scf.for %scan3A_193 = %scan3A_187 to %scan3A_189 step %scan3A_190 iter_args(%scan3A_194 = %scan3A) -> (i32)  : i32 {
      %jit3A = arith.constant 2 : i32
      %eq3A = arith.constant 0 : i32
      %eq3A_195 = arith.cmpi eq, %jit3A, %eq3A : i32
      %jit3A_196 = arith.constant 1 : i32
      %select_n3A = arith.select %eq3A_195, %jit3A_196, %jit3A : i32
      %rem3A = arith.remsi %scan3A_193, %select_n3A : i32
      %ne3A = arith.constant 0 : i32
      %ne3A_197 = arith.cmpi ne, %rem3A, %ne3A : i32
      %lt3A = arith.constant 0 : i32
      %lt3A_198 = arith.cmpi slt, %rem3A, %lt3A : i32
      %lt3A_199 = arith.constant 0 : i32
      %lt3A_200 = arith.cmpi slt, %select_n3A, %lt3A_199 : i32
      %ne3A_201 = arith.xori %lt3A_198, %lt3A_200 : i1
      %and3A = arith.andi %ne3A_201, %ne3A_197 : i1
      %add3A_202 = arith.addi %rem3A, %select_n3A : i32
      %select_n3A_203 = arith.select %and3A, %add3A_202, %rem3A : i32
      %eq3A_204 = arith.constant 0 : i32
      %eq3A_205 = arith.cmpi eq, %select_n3A_203, %eq3A_204 : i32
      %convert_element_type3A = arith.extui %eq3A_205 : i1 to i32
      %cond3A = arith.constant 0 : i32
      %cond3A_206 = arith.cmpi ne, %convert_element_type3A, %cond3A : i32
      scf.if %cond3A_206 {
        %add3A_213 = arith.constant 1 : i32
        %add3A_214 = arith.addi %scan3A_193, %add3A_213 : i32
        %lt3A_215 = arith.constant 32 : i32
        %lt3A_216 = arith.cmpi slt, %add3A_214, %lt3A_215 : i32
        %convert_element_type3A_217 = arith.extui %lt3A_216 : i1 to i32
        %cond3A_218 = arith.constant 0 : i32
        %cond3A_219 = arith.cmpi ne, %convert_element_type3A_217, %cond3A_218 : i32
        scf.if %cond3A_219 {
          %add3A_568 = arith.constant 1 : i32
          %add3A_569 = arith.addi %scan3A_193, %add3A_568 : i32
          %mul3A_570 = arith.constant 16 : i32
          %mul3A_571 = arith.muli %add3A_569, %mul3A_570 : i32
          %add3A_572 = arith.addi %mul3A_2, %mul3A_571 : i32
          "tpu.region"() ({
            %run_scoped3A = tpu.sem_alloc : memref<!tpu.dma_semaphore, #tpu.memory_space<semaphore_mem>>
            %dma_start3A_759 = tpu.memref_slice %arg2[%add3A_572] : memref<16384xi32, #tpu.memory_space<hbm>> -> memref<16xi32, #tpu.memory_space<hbm>>
            %dma_start3A_760 = tpu.memref_slice %arg2[%add3A_572] : memref<16384xi32, #tpu.memory_space<hbm>> -> memref<16xi32, #tpu.memory_space<hbm>>
            tpu.enqueue_dma source(%dma_start3A_760 : memref<16xi32, #tpu.memory_space<hbm>>) target(%arg18 : memref<16xi32, #tpu.memory_space<vmem>>) target_semaphore(%run_scoped3A : memref<!tpu.dma_semaphore, #tpu.memory_space<semaphore_mem>>)
            %dma_wait3A_761 = tpu.memref_slice %arg2[%add3A_572] : memref<16384xi32, #tpu.memory_space<hbm>> -> memref<16xi32, #tpu.memory_space<hbm>>
            %dma_wait3A_762 = tpu.memref_slice %arg2[%add3A_572] : memref<16384xi32, #tpu.memory_space<hbm>> -> memref<16xi32, #tpu.memory_space<hbm>>
            tpu.wait_dma2 semaphore(%run_scoped3A : memref<!tpu.dma_semaphore, #tpu.memory_space<semaphore_mem>>) src(%dma_wait3A_762 : memref<16xi32, #tpu.memory_space<hbm>>) dst(%arg18 : memref<16xi32, #tpu.memory_space<vmem>>)
            tpu.yield
          }) : () -> ()
          "tpu.region"() ({
            %run_scoped3A = tpu.sem_alloc : memref<!tpu.dma_semaphore, #tpu.memory_space<semaphore_mem>>
            %dma_start3A_759 = tpu.memref_slice %arg3[%add3A_572] : memref<16384xi32, #tpu.memory_space<hbm>> -> memref<16xi32, #tpu.memory_space<hbm>>
            %dma_start3A_760 = tpu.memref_slice %arg3[%add3A_572] : memref<16384xi32, #tpu.memory_space<hbm>> -> memref<16xi32, #tpu.memory_space<hbm>>
            tpu.enqueue_dma source(%dma_start3A_760 : memref<16xi32, #tpu.memory_space<hbm>>) target(%arg19 : memref<16xi32, #tpu.memory_space<vmem>>) target_semaphore(%run_scoped3A : memref<!tpu.dma_semaphore, #tpu.memory_space<semaphore_mem>>)
            %dma_wait3A_761 = tpu.memref_slice %arg3[%add3A_572] : memref<16384xi32, #tpu.memory_space<hbm>> -> memref<16xi32, #tpu.memory_space<hbm>>
            %dma_wait3A_762 = tpu.memref_slice %arg3[%add3A_572] : memref<16384xi32, #tpu.memory_space<hbm>> -> memref<16xi32, #tpu.memory_space<hbm>>
            tpu.wait_dma2 semaphore(%run_scoped3A : memref<!tpu.dma_semaphore, #tpu.memory_space<semaphore_mem>>) src(%dma_wait3A_762 : memref<16xi32, #tpu.memory_space<hbm>>) dst(%arg19 : memref<16xi32, #tpu.memory_space<vmem>>)
            tpu.yield
          }) : () -> ()
          %mul3A_573 = arith.constant 20 : i32
          %mul3A_574 = arith.muli %add3A_572, %mul3A_573 : i32
          "tpu.region"() ({
            %run_scoped3A = tpu.sem_alloc : memref<!tpu.dma_semaphore, #tpu.memory_space<semaphore_mem>>
            %dma_start3A_759 = tpu.memref_slice %arg4[%mul3A_574] : memref<327680xi32, #tpu.memory_space<hbm>> -> memref<320xi32, #tpu.memory_space<hbm>>
            %dma_start3A_760 = tpu.memref_slice %arg4[%mul3A_574] : memref<327680xi32, #tpu.memory_space<hbm>> -> memref<320xi32, #tpu.memory_space<hbm>>
            tpu.enqueue_dma source(%dma_start3A_760 : memref<320xi32, #tpu.memory_space<hbm>>) target(%arg20 : memref<320xi32, #tpu.memory_space<vmem>>) target_semaphore(%run_scoped3A : memref<!tpu.dma_semaphore, #tpu.memory_space<semaphore_mem>>)
            %dma_wait3A_761 = tpu.memref_slice %arg4[%mul3A_574] : memref<327680xi32, #tpu.memory_space<hbm>> -> memref<320xi32, #tpu.memory_space<hbm>>
            %dma_wait3A_762 = tpu.memref_slice %arg4[%mul3A_574] : memref<327680xi32, #tpu.memory_space<hbm>> -> memref<320xi32, #tpu.memory_space<hbm>>
            tpu.wait_dma2 semaphore(%run_scoped3A : memref<!tpu.dma_semaphore, #tpu.memory_space<semaphore_mem>>) src(%dma_wait3A_762 : memref<320xi32, #tpu.memory_space<hbm>>) dst(%arg20 : memref<320xi32, #tpu.memory_space<vmem>>)
            tpu.yield
          }) : () -> ()
          %get3A_575 = arith.constant 0 : index
          %get3A_576 = tpu.vector_load %arg18[%get3A_575] {strides = array<i32>} : memref<16xi32, #tpu.memory_space<vmem>>, vector<16xi32>,
          %shift_right_arithmetic3A_577 = arith.constant 1 : i32
          %shift_right_arithmetic3A_578 = vector.broadcast %shift_right_arithmetic3A_577 : i32 to vector<16xi32>
          %shift_right_arithmetic3A_579 = arith.shrsi %get3A_576, %shift_right_arithmetic3A_578 : vector<16xi32>
          %swap3A_580 = arith.constant 0 : index
          %swap3A_581 = tpu.vector_load %arg21[%swap3A_580] {strides = array<i32>} : memref<16xi32, #tpu.memory_space<vmem>>, vector<16xi32>,
          tpu.vector_store %arg21[%swap3A_580], %shift_right_arithmetic3A_579 {strides = array<i32>} : memref<16xi32, #tpu.memory_space<vmem>>, vector<16xi32>,
          %get3A_582 = arith.constant 0 : index
          %get3A_583 = tpu.vector_load %arg19[%get3A_582] {strides = array<i32>} : memref<16xi32, #tpu.memory_space<vmem>>, vector<16xi32>,
          %shift_right_arithmetic3A_584 = arith.constant 1 : i32
          %shift_right_arithmetic3A_585 = vector.broadcast %shift_right_arithmetic3A_584 : i32 to vector<16xi32>
          %shift_right_arithmetic3A_586 = arith.shrsi %get3A_583, %shift_right_arithmetic3A_585 : vector<16xi32>
          %swap3A_587 = arith.constant 0 : index
          %swap3A_588 = tpu.vector_load %arg22[%swap3A_587] {strides = array<i32>} : memref<16xi32, #tpu.memory_space<vmem>>, vector<16xi32>,
          tpu.vector_store %arg22[%swap3A_587], %shift_right_arithmetic3A_586 {strides = array<i32>} : memref<16xi32, #tpu.memory_space<vmem>>, vector<16xi32>,
          %get3A_589 = arith.constant 0 : index
          %get3A_590 = tpu.vector_load %arg20[%get3A_589] {strides = array<i32>} : memref<320xi32, #tpu.memory_space<vmem>>, vector<16xi32>,
          %shift_right_arithmetic3A_591 = arith.constant 1 : i32
          %shift_right_arithmetic3A_592 = vector.broadcast %shift_right_arithmetic3A_591 : i32 to vector<16xi32>
          %shift_right_arithmetic3A_593 = arith.shrsi %get3A_590, %shift_right_arithmetic3A_592 : vector<16xi32>
          %swap3A_594 = arith.constant 0 : index
          %swap3A_595 = tpu.vector_load %arg23[%swap3A_594] {strides = array<i32>} : memref<320xi32, #tpu.memory_space<vmem>>, vector<16xi32>,
          tpu.vector_store %arg23[%swap3A_594], %shift_right_arithmetic3A_593 {strides = array<i32>} : memref<320xi32, #tpu.memory_space<vmem>>, vector<16xi32>,
          %get3A_596 = arith.constant 16 : index
          %get3A_597 = tpu.vector_load %arg20[%get3A_596] {strides = array<i32>} : memref<320xi32, #tpu.memory_space<vmem>>, vector<16xi32>,
          %shift_right_arithmetic3A_598 = arith.constant 1 : i32
          %shift_right_arithmetic3A_599 = vector.broadcast %shift_right_arithmetic3A_598 : i32 to vector<16xi32>
          %shift_right_arithmetic3A_600 = arith.shrsi %get3A_597, %shift_right_arithmetic3A_599 : vector<16xi32>
          %swap3A_601 = arith.constant 16 : index
          %swap3A_602 = tpu.vector_load %arg23[%swap3A_601] {strides = array<i32>} : memref<320xi32, #tpu.memory_space<vmem>>, vector<16xi32>,
          tpu.vector_store %arg23[%swap3A_601], %shift_right_arithmetic3A_600 {strides = array<i32>} : memref<320xi32, #tpu.memory_space<vmem>>, vector<16xi32>,
          %get3A_603 = arith.constant 32 : index
          %get3A_604 = tpu.vector_load %arg20[%get3A_603] {strides = array<i32>} : memref<320xi32, #tpu.memory_space<vmem>>, vector<16xi32>,
          %shift_right_arithmetic3A_605 = arith.constant 1 : i32
          %shift_right_arithmetic3A_606 = vector.broadcast %shift_right_arithmetic3A_605 : i32 to vector<16xi32>
          %shift_right_arithmetic3A_607 = arith.shrsi %get3A_604, %shift_right_arithmetic3A_606 : vector<16xi32>
          %swap3A_608 = arith.constant 32 : index
          %swap3A_609 = tpu.vector_load %arg23[%swap3A_608] {strides = array<i32>} : memref<320xi32, #tpu.memory_space<vmem>>, vector<16xi32>,
          tpu.vector_store %arg23[%swap3A_608], %shift_right_arithmetic3A_607 {strides = array<i32>} : memref<320xi32, #tpu.memory_space<vmem>>, vector<16xi32>,
          %get3A_610 = arith.constant 48 : index
          %get3A_611 = tpu.vector_load %arg20[%get3A_610] {strides = array<i32>} : memref<320xi32, #tpu.memory_space<vmem>>, vector<16xi32>,
          %shift_right_arithmetic3A_612 = arith.constant 1 : i32
          %shift_right_arithmetic3A_613 = vector.broadcast %shift_right_arithmetic3A_612 : i32 to vector<16xi32>
          %shift_right_arithmetic3A_614 = arith.shrsi %get3A_611, %shift_right_arithmetic3A_613 : vector<16xi32>
          %swap3A_615 = arith.constant 48 : index
          %swap3A_616 = tpu.vector_load %arg23[%swap3A_615] {strides = array<i32>} : memref<320xi32, #tpu.memory_space<vmem>>, vector<16xi32>,
          tpu.vector_store %arg23[%swap3A_615], %shift_right_arithmetic3A_614 {strides = array<i32>} : memref<320xi32, #tpu.memory_space<vmem>>, vector<16xi32>,
          %get3A_617 = arith.constant 64 : index
          %get3A_618 = tpu.vector_load %arg20[%get3A_617] {strides = array<i32>} : memref<320xi32, #tpu.memory_space<vmem>>, vector<16xi32>,
          %shift_right_arithmetic3A_619 = arith.constant 1 : i32
          %shift_right_arithmetic3A_620 = vector.broadcast %shift_right_arithmetic3A_619 : i32 to vector<16xi32>
          %shift_right_arithmetic3A_621 = arith.shrsi %get3A_618, %shift_right_arithmetic3A_620 : vector<16xi32>
          %swap3A_622 = arith.constant 64 : index
          %swap3A_623 = tpu.vector_load %arg23[%swap3A_622] {strides = array<i32>} : memref<320xi32, #tpu.memory_space<vmem>>, vector<16xi32>,
          tpu.vector_store %arg23[%swap3A_622], %shift_right_arithmetic3A_621 {strides = array<i32>} : memref<320xi32, #tpu.memory_space<vmem>>, vector<16xi32>,
          %get3A_624 = arith.constant 80 : index
          %get3A_625 = tpu.vector_load %arg20[%get3A_624] {strides = array<i32>} : memref<320xi32, #tpu.memory_space<vmem>>, vector<16xi32>,
          %shift_right_arithmetic3A_626 = arith.constant 1 : i32
          %shift_right_arithmetic3A_627 = vector.broadcast %shift_right_arithmetic3A_626 : i32 to vector<16xi32>
          %shift_right_arithmetic3A_628 = arith.shrsi %get3A_625, %shift_right_arithmetic3A_627 : vector<16xi32>
          %swap3A_629 = arith.constant 80 : index
          %swap3A_630 = tpu.vector_load %arg23[%swap3A_629] {strides = array<i32>} : memref<320xi32, #tpu.memory_space<vmem>>, vector<16xi32>,
          tpu.vector_store %arg23[%swap3A_629], %shift_right_arithmetic3A_628 {strides = array<i32>} : memref<320xi32, #tpu.memory_space<vmem>>, vector<16xi32>,
          %get3A_631 = arith.constant 96 : index
          %get3A_632 = tpu.vector_load %arg20[%get3A_631] {strides = array<i32>} : memref<320xi32, #tpu.memory_space<vmem>>, vector<16xi32>,
          %shift_right_arithmetic3A_633 = arith.constant 1 : i32
          %shift_right_arithmetic3A_634 = vector.broadcast %shift_right_arithmetic3A_633 : i32 to vector<16xi32>
          %shift_right_arithmetic3A_635 = arith.shrsi %get3A_632, %shift_right_arithmetic3A_634 : vector<16xi32>
          %swap3A_636 = arith.constant 96 : index
          %swap3A_637 = tpu.vector_load %arg23[%swap3A_636] {strides = array<i32>} : memref<320xi32, #tpu.memory_space<vmem>>, vector<16xi32>,
          tpu.vector_store %arg23[%swap3A_636], %shift_right_arithmetic3A_635 {strides = array<i32>} : memref<320xi32, #tpu.memory_space<vmem>>, vector<16xi32>,
          %get3A_638 = arith.constant 112 : index
          %get3A_639 = tpu.vector_load %arg20[%get3A_638] {strides = array<i32>} : memref<320xi32, #tpu.memory_space<vmem>>, vector<16xi32>,
          %shift_right_arithmetic3A_640 = arith.constant 1 : i32
          %shift_right_arithmetic3A_641 = vector.broadcast %shift_right_arithmetic3A_640 : i32 to vector<16xi32>
          %shift_right_arithmetic3A_642 = arith.shrsi %get3A_639, %shift_right_arithmetic3A_641 : vector<16xi32>
          %swap3A_643 = arith.constant 112 : index
          %swap3A_644 = tpu.vector_load %arg23[%swap3A_643] {strides = array<i32>} : memref<320xi32, #tpu.memory_space<vmem>>, vector<16xi32>,
          tpu.vector_store %arg23[%swap3A_643], %shift_right_arithmetic3A_642 {strides = array<i32>} : memref<320xi32, #tpu.memory_space<vmem>>, vector<16xi32>,
          %get3A_645 = arith.constant 128 : index
          %get3A_646 = tpu.vector_load %arg20[%get3A_645] {strides = array<i32>} : memref<320xi32, #tpu.memory_space<vmem>>, vector<16xi32>,
          %shift_right_arithmetic3A_647 = arith.constant 1 : i32
          %shift_right_arithmetic3A_648 = vector.broadcast %shift_right_arithmetic3A_647 : i32 to vector<16xi32>
          %shift_right_arithmetic3A_649 = arith.shrsi %get3A_646, %shift_right_arithmetic3A_648 : vector<16xi32>
          %swap3A_650 = arith.constant 128 : index
          %swap3A_651 = tpu.vector_load %arg23[%swap3A_650] {strides = array<i32>} : memref<320xi32, #tpu.memory_space<vmem>>, vector<16xi32>,
          tpu.vector_store %arg23[%swap3A_650], %shift_right_arithmetic3A_649 {strides = array<i32>} : memref<320xi32, #tpu.memory_space<vmem>>, vector<16xi32>,
          %get3A_652 = arith.constant 144 : index
          %get3A_653 = tpu.vector_load %arg20[%get3A_652] {strides = array<i32>} : memref<320xi32, #tpu.memory_space<vmem>>, vector<16xi32>,
          %shift_right_arithmetic3A_654 = arith.constant 1 : i32
          %shift_right_arithmetic3A_655 = vector.broadcast %shift_right_arithmetic3A_654 : i32 to vector<16xi32>
          %shift_right_arithmetic3A_656 = arith.shrsi %get3A_653, %shift_right_arithmetic3A_655 : vector<16xi32>
          %swap3A_657 = arith.constant 144 : index
          %swap3A_658 = tpu.vector_load %arg23[%swap3A_657] {strides = array<i32>} : memref<320xi32, #tpu.memory_space<vmem>>, vector<16xi32>,
          tpu.vector_store %arg23[%swap3A_657], %shift_right_arithmetic3A_656 {strides = array<i32>} : memref<320xi32, #tpu.memory_space<vmem>>, vector<16xi32>,
          %get3A_659 = arith.constant 160 : index
          %get3A_660 = tpu.vector_load %arg20[%get3A_659] {strides = array<i32>} : memref<320xi32, #tpu.memory_space<vmem>>, vector<16xi32>,
          %shift_right_arithmetic3A_661 = arith.constant 1 : i32
          %shift_right_arithmetic3A_662 = vector.broadcast %shift_right_arithmetic3A_661 : i32 to vector<16xi32>
          %shift_right_arithmetic3A_663 = arith.shrsi %get3A_660, %shift_right_arithmetic3A_662 : vector<16xi32>
          %swap3A_664 = arith.constant 160 : index
          %swap3A_665 = tpu.vector_load %arg23[%swap3A_664] {strides = array<i32>} : memref<320xi32, #tpu.memory_space<vmem>>, vector<16xi32>,
          tpu.vector_store %arg23[%swap3A_664], %shift_right_arithmetic3A_663 {strides = array<i32>} : memref<320xi32, #tpu.memory_space<vmem>>, vector<16xi32>,
          %get3A_666 = arith.constant 176 : index
          %get3A_667 = tpu.vector_load %arg20[%get3A_666] {strides = array<i32>} : memref<320xi32, #tpu.memory_space<vmem>>, vector<16xi32>,
          %shift_right_arithmetic3A_668 = arith.constant 1 : i32
          %shift_right_arithmetic3A_669 = vector.broadcast %shift_right_arithmetic3A_668 : i32 to vector<16xi32>
          %shift_right_arithmetic3A_670 = arith.shrsi %get3A_667, %shift_right_arithmetic3A_669 : vector<16xi32>
          %swap3A_671 = arith.constant 176 : index
          %swap3A_672 = tpu.vector_load %arg23[%swap3A_671] {strides = array<i32>} : memref<320xi32, #tpu.memory_space<vmem>>, vector<16xi32>,
          tpu.vector_store %arg23[%swap3A_671], %shift_right_arithmetic3A_670 {strides = array<i32>} : memref<320xi32, #tpu.memory_space<vmem>>, vector<16xi32>,
          %get3A_673 = arith.constant 192 : index
          %get3A_674 = tpu.vector_load %arg20[%get3A_673] {strides = array<i32>} : memref<320xi32, #tpu.memory_space<vmem>>, vector<16xi32>,
          %shift_right_arithmetic3A_675 = arith.constant 1 : i32
          %shift_right_arithmetic3A_676 = vector.broadcast %shift_right_arithmetic3A_675 : i32 to vector<16xi32>
          %shift_right_arithmetic3A_677 = arith.shrsi %get3A_674, %shift_right_arithmetic3A_676 : vector<16xi32>
          %swap3A_678 = arith.constant 192 : index
          %swap3A_679 = tpu.vector_load %arg23[%swap3A_678] {strides = array<i32>} : memref<320xi32, #tpu.memory_space<vmem>>, vector<16xi32>,
          tpu.vector_store %arg23[%swap3A_678], %shift_right_arithmetic3A_677 {strides = array<i32>} : memref<320xi32, #tpu.memory_space<vmem>>, vector<16xi32>,
          %get3A_680 = arith.constant 208 : index
          %get3A_681 = tpu.vector_load %arg20[%get3A_680] {strides = array<i32>} : memref<320xi32, #tpu.memory_space<vmem>>, vector<16xi32>,
          %shift_right_arithmetic3A_682 = arith.constant 1 : i32
          %shift_right_arithmetic3A_683 = vector.broadcast %shift_right_arithmetic3A_682 : i32 to vector<16xi32>
          %shift_right_arithmetic3A_684 = arith.shrsi %get3A_681, %shift_right_arithmetic3A_683 : vector<16xi32>
          %swap3A_685 = arith.constant 208 : index
          %swap3A_686 = tpu.vector_load %arg23[%swap3A_685] {strides = array<i32>} : memref<320xi32, #tpu.memory_space<vmem>>, vector<16xi32>,
          tpu.vector_store %arg23[%swap3A_685], %shift_right_arithmetic3A_684 {strides = array<i32>} : memref<320xi32, #tpu.memory_space<vmem>>, vector<16xi32>,
          %get3A_687 = arith.constant 224 : index
          %get3A_688 = tpu.vector_load %arg20[%get3A_687] {strides = array<i32>} : memref<320xi32, #tpu.memory_space<vmem>>, vector<16xi32>,
          %shift_right_arithmetic3A_689 = arith.constant 1 : i32
          %shift_right_arithmetic3A_690 = vector.broadcast %shift_right_arithmetic3A_689 : i32 to vector<16xi32>
          %shift_right_arithmetic3A_691 = arith.shrsi %get3A_688, %shift_right_arithmetic3A_690 : vector<16xi32>
          %swap3A_692 = arith.constant 224 : index
          %swap3A_693 = tpu.vector_load %arg23[%swap3A_692] {strides = array<i32>} : memref<320xi32, #tpu.memory_space<vmem>>, vector<16xi32>,
          tpu.vector_store %arg23[%swap3A_692], %shift_right_arithmetic3A_691 {strides = array<i32>} : memref<320xi32, #tpu.memory_space<vmem>>, vector<16xi32>,
          %get3A_694 = arith.constant 240 : index
          %get3A_695 = tpu.vector_load %arg20[%get3A_694] {strides = array<i32>} : memref<320xi32, #tpu.memory_space<vmem>>, vector<16xi32>,
          %shift_right_arithmetic3A_696 = arith.constant 1 : i32
          %shift_right_arithmetic3A_697 = vector.broadcast %shift_right_arithmetic3A_696 : i32 to vector<16xi32>
          %shift_right_arithmetic3A_698 = arith.shrsi %get3A_695, %shift_right_arithmetic3A_697 : vector<16xi32>
          %swap3A_699 = arith.constant 240 : index
          %swap3A_700 = tpu.vector_load %arg23[%swap3A_699] {strides = array<i32>} : memref<320xi32, #tpu.memory_space<vmem>>, vector<16xi32>,
          tpu.vector_store %arg23[%swap3A_699], %shift_right_arithmetic3A_698 {strides = array<i32>} : memref<320xi32, #tpu.memory_space<vmem>>, vector<16xi32>,
          %get3A_701 = arith.constant 256 : index
          %get3A_702 = tpu.vector_load %arg20[%get3A_701] {strides = array<i32>} : memref<320xi32, #tpu.memory_space<vmem>>, vector<16xi32>,
          %shift_right_arithmetic3A_703 = arith.constant 1 : i32
          %shift_right_arithmetic3A_704 = vector.broadcast %shift_right_arithmetic3A_703 : i32 to vector<16xi32>
          %shift_right_arithmetic3A_705 = arith.shrsi %get3A_702, %shift_right_arithmetic3A_704 : vector<16xi32>
          %swap3A_706 = arith.constant 256 : index
          %swap3A_707 = tpu.vector_load %arg23[%swap3A_706] {strides = array<i32>} : memref<320xi32, #tpu.memory_space<vmem>>, vector<16xi32>,
          tpu.vector_store %arg23[%swap3A_706], %shift_right_arithmetic3A_705 {strides = array<i32>} : memref<320xi32, #tpu.memory_space<vmem>>, vector<16xi32>,
          %get3A_708 = arith.constant 272 : index
          %get3A_709 = tpu.vector_load %arg20[%get3A_708] {strides = array<i32>} : memref<320xi32, #tpu.memory_space<vmem>>, vector<16xi32>,
          %shift_right_arithmetic3A_710 = arith.constant 1 : i32
          %shift_right_arithmetic3A_711 = vector.broadcast %shift_right_arithmetic3A_710 : i32 to vector<16xi32>
          %shift_right_arithmetic3A_712 = arith.shrsi %get3A_709, %shift_right_arithmetic3A_711 : vector<16xi32>
          %swap3A_713 = arith.constant 272 : index
          %swap3A_714 = tpu.vector_load %arg23[%swap3A_713] {strides = array<i32>} : memref<320xi32, #tpu.memory_space<vmem>>, vector<16xi32>,
          tpu.vector_store %arg23[%swap3A_713], %shift_right_arithmetic3A_712 {strides = array<i32>} : memref<320xi32, #tpu.memory_space<vmem>>, vector<16xi32>,
          %get3A_715 = arith.constant 288 : index
          %get3A_716 = tpu.vector_load %arg20[%get3A_715] {strides = array<i32>} : memref<320xi32, #tpu.memory_space<vmem>>, vector<16xi32>,
          %shift_right_arithmetic3A_717 = arith.constant 1 : i32
          %shift_right_arithmetic3A_718 = vector.broadcast %shift_right_arithmetic3A_717 : i32 to vector<16xi32>
          %shift_right_arithmetic3A_719 = arith.shrsi %get3A_716, %shift_right_arithmetic3A_718 : vector<16xi32>
          %swap3A_720 = arith.constant 288 : index
          %swap3A_721 = tpu.vector_load %arg23[%swap3A_720] {strides = array<i32>} : memref<320xi32, #tpu.memory_space<vmem>>, vector<16xi32>,
          tpu.vector_store %arg23[%swap3A_720], %shift_right_arithmetic3A_719 {strides = array<i32>} : memref<320xi32, #tpu.memory_space<vmem>>, vector<16xi32>,
          %get3A_722 = arith.constant 304 : index
          %get3A_723 = tpu.vector_load %arg20[%get3A_722] {strides = array<i32>} : memref<320xi32, #tpu.memory_space<vmem>>, vector<16xi32>,
          %shift_right_arithmetic3A_724 = arith.constant 1 : i32
          %shift_right_arithmetic3A_725 = vector.broadcast %shift_right_arithmetic3A_724 : i32 to vector<16xi32>
          %shift_right_arithmetic3A_726 = arith.shrsi %get3A_723, %shift_right_arithmetic3A_725 : vector<16xi32>
          %swap3A_727 = arith.constant 304 : index
          %swap3A_728 = tpu.vector_load %arg23[%swap3A_727] {strides = array<i32>} : memref<320xi32, #tpu.memory_space<vmem>>, vector<16xi32>,
          tpu.vector_store %arg23[%swap3A_727], %shift_right_arithmetic3A_726 {strides = array<i32>} : memref<320xi32, #tpu.memory_space<vmem>>, vector<16xi32>,
          %dma_start3A_729 = arith.constant 0 : i32
          %dma_start3A_730 = arith.constant 0 : i32
          %dma_start3A_731 = tpu.memref_slice %arg5[%dma_start3A_729, %dma_start3A_730] : memref<500000x128xf32, #tpu.memory_space<hbm>> -> memref<500000x128xf32, #tpu.memory_space<hbm>>
          tpu.enqueue_indirect_dma source(%dma_start3A_731 : memref<500000x128xf32, #tpu.memory_space<hbm>>) target(%arg24 : memref<16x128xf32, #tpu.memory_space<vmem>>) offsets(%arg21 : memref<16xi32, #tpu.memory_space<vmem>>) semaphore(%arg30 : memref<!tpu.dma_semaphore, #tpu.memory_space<semaphore_mem>>)
          %dma_start3A_732 = arith.constant 0 : i32
          %dma_start3A_733 = arith.constant 0 : i32
          %dma_start3A_734 = tpu.memref_slice %arg6[%dma_start3A_732, %dma_start3A_733] : memref<500000x128xf32, #tpu.memory_space<hbm>> -> memref<500000x128xf32, #tpu.memory_space<hbm>>
          tpu.enqueue_indirect_dma source(%dma_start3A_734 : memref<500000x128xf32, #tpu.memory_space<hbm>>) target(%arg25 : memref<16x128xf32, #tpu.memory_space<vmem>>) offsets(%arg22 : memref<16xi32, #tpu.memory_space<vmem>>) semaphore(%arg30 : memref<!tpu.dma_semaphore, #tpu.memory_space<semaphore_mem>>)
          %dma_start3A_735 = arith.constant 0 : i32
          %dma_start3A_736 = arith.constant 0 : i32
          %dma_start3A_737 = tpu.memref_slice %arg26[%dma_start3A_735, %dma_start3A_736] : memref<320x128xf32, #tpu.memory_space<vmem>> -> memref<128x128xf32, #tpu.memory_space<vmem>>
          %dma_start3A_738 = arith.constant 0 : i32
          %dma_start3A_739 = tpu.memref_slice %arg23[%dma_start3A_738] : memref<320xi32, #tpu.memory_space<vmem>> -> memref<128xi32, #tpu.memory_space<vmem>>
          %dma_start3A_740 = arith.constant 0 : i32
          %dma_start3A_741 = arith.constant 0 : i32
          %dma_start3A_742 = tpu.memref_slice %arg6[%dma_start3A_740, %dma_start3A_741] : memref<500000x128xf32, #tpu.memory_space<hbm>> -> memref<500000x128xf32, #tpu.memory_space<hbm>>
          tpu.enqueue_indirect_dma source(%dma_start3A_742 : memref<500000x128xf32, #tpu.memory_space<hbm>>) target(%dma_start3A_737 : memref<128x128xf32, #tpu.memory_space<vmem>>) offsets(%dma_start3A_739 : memref<128xi32, #tpu.memory_space<vmem>>) semaphore(%arg30 : memref<!tpu.dma_semaphore, #tpu.memory_space<semaphore_mem>>)
          %dma_start3A_743 = arith.constant 128 : i32
          %dma_start3A_744 = arith.constant 0 : i32
          %dma_start3A_745 = tpu.memref_slice %arg26[%dma_start3A_743, %dma_start3A_744] : memref<320x128xf32, #tpu.memory_space<vmem>> -> memref<128x128xf32, #tpu.memory_space<vmem>>
          %dma_start3A_746 = arith.constant 128 : i32
          %dma_start3A_747 = tpu.memref_slice %arg23[%dma_start3A_746] : memref<320xi32, #tpu.memory_space<vmem>> -> memref<128xi32, #tpu.memory_space<vmem>>
          %dma_start3A_748 = arith.constant 0 : i32
          %dma_start3A_749 = arith.constant 0 : i32
          %dma_start3A_750 = tpu.memref_slice %arg6[%dma_start3A_748, %dma_start3A_749] : memref<500000x128xf32, #tpu.memory_space<hbm>> -> memref<500000x128xf32, #tpu.memory_space<hbm>>
          tpu.enqueue_indirect_dma source(%dma_start3A_750 : memref<500000x128xf32, #tpu.memory_space<hbm>>) target(%dma_start3A_745 : memref<128x128xf32, #tpu.memory_space<vmem>>) offsets(%dma_start3A_747 : memref<128xi32, #tpu.memory_space<vmem>>) semaphore(%arg30 : memref<!tpu.dma_semaphore, #tpu.memory_space<semaphore_mem>>)
          %dma_start3A_751 = arith.constant 256 : i32
          %dma_start3A_752 = arith.constant 0 : i32
          %dma_start3A_753 = tpu.memref_slice %arg26[%dma_start3A_751, %dma_start3A_752] : memref<320x128xf32, #tpu.memory_space<vmem>> -> memref<64x128xf32, #tpu.memory_space<vmem>>
          %dma_start3A_754 = arith.constant 256 : i32
          %dma_start3A_755 = tpu.memref_slice %arg23[%dma_start3A_754] : memref<320xi32, #tpu.memory_space<vmem>> -> memref<64xi32, #tpu.memory_space<vmem>>
          %dma_start3A_756 = arith.constant 0 : i32
          %dma_start3A_757 = arith.constant 0 : i32
          %dma_start3A_758 = tpu.memref_slice %arg6[%dma_start3A_756, %dma_start3A_757] : memref<500000x128xf32, #tpu.memory_space<hbm>> -> memref<500000x128xf32, #tpu.memory_space<hbm>>
          tpu.enqueue_indirect_dma source(%dma_start3A_758 : memref<500000x128xf32, #tpu.memory_space<hbm>>) target(%dma_start3A_753 : memref<64x128xf32, #tpu.memory_space<vmem>>) offsets(%dma_start3A_755 : memref<64xi32, #tpu.memory_space<vmem>>) semaphore(%arg30 : memref<!tpu.dma_semaphore, #tpu.memory_space<semaphore_mem>>)
        } else {
        }
        %dma_wait3A = arith.constant 0 : i32
        %dma_wait3A_220 = arith.constant 0 : i32
        %dma_wait3A_221 = tpu.memref_slice %arg6[%dma_wait3A, %dma_wait3A_220] : memref<500000x128xf32, #tpu.memory_space<hbm>> -> memref<16x128xf32, #tpu.memory_space<hbm>>
        %dma_wait3A_222 = arith.constant 0 : i32
        %dma_wait3A_223 = arith.constant 0 : i32
        %dma_wait3A_224 = tpu.memref_slice %arg6[%dma_wait3A_222, %dma_wait3A_223] : memref<500000x128xf32, #tpu.memory_space<hbm>> -> memref<16x128xf32, #tpu.memory_space<hbm>>
        tpu.wait_dma2 semaphore(%arg29 : memref<!tpu.dma_semaphore, #tpu.memory_space<semaphore_mem>>) src(%dma_wait3A_224 : memref<16x128xf32, #tpu.memory_space<hbm>>) dst(%arg15 : memref<16x128xf32, #tpu.memory_space<vmem>>)
        %dma_wait3A_225 = arith.constant 0 : i32
        %dma_wait3A_226 = arith.constant 0 : i32
        %dma_wait3A_227 = tpu.memref_slice %arg6[%dma_wait3A_225, %dma_wait3A_226] : memref<500000x128xf32, #tpu.memory_space<hbm>> -> memref<16x128xf32, #tpu.memory_space<hbm>>
        %dma_wait3A_228 = arith.constant 0 : i32
        %dma_wait3A_229 = arith.constant 0 : i32
        %dma_wait3A_230 = tpu.memref_slice %arg6[%dma_wait3A_228, %dma_wait3A_229] : memref<500000x128xf32, #tpu.memory_space<hbm>> -> memref<16x128xf32, #tpu.memory_space<hbm>>
        tpu.wait_dma2 semaphore(%arg29 : memref<!tpu.dma_semaphore, #tpu.memory_space<semaphore_mem>>) src(%dma_wait3A_230 : memref<16x128xf32, #tpu.memory_space<hbm>>) dst(%arg16 : memref<16x128xf32, #tpu.memory_space<vmem>>)
        %dma_wait3A_231 = arith.constant 0 : i32
        %dma_wait3A_232 = arith.constant 0 : i32
        %dma_wait3A_233 = tpu.memref_slice %arg6[%dma_wait3A_231, %dma_wait3A_232] : memref<500000x128xf32, #tpu.memory_space<hbm>> -> memref<320x128xf32, #tpu.memory_space<hbm>>
        %dma_wait3A_234 = arith.constant 0 : i32
        %dma_wait3A_235 = arith.constant 0 : i32
        %dma_wait3A_236 = tpu.memref_slice %arg6[%dma_wait3A_234, %dma_wait3A_235] : memref<500000x128xf32, #tpu.memory_space<hbm>> -> memref<320x128xf32, #tpu.memory_space<hbm>>
        tpu.wait_dma2 semaphore(%arg29 : memref<!tpu.dma_semaphore, #tpu.memory_space<semaphore_mem>>) src(%dma_wait3A_236 : memref<320x128xf32, #tpu.memory_space<hbm>>) dst(%arg17 : memref<320x128xf32, #tpu.memory_space<vmem>>)
        %get3A_237 = arith.constant 0 : index
        %get3A_238 = tpu.vector_load %arg9[%get3A_237] {strides = array<i32>} : memref<16xi32, #tpu.memory_space<vmem>>, vector<16xi32>,
        %and3A_239 = arith.constant 1 : i32
        %and3A_240 = vector.broadcast %and3A_239 : i32 to vector<16xi32>
        %and3A_241 = arith.andi %get3A_238, %and3A_240 : vector<16xi32>
        %mul3A_242 = arith.constant 64 : i32
        %mul3A_243 = vector.broadcast %mul3A_242 : i32 to vector<16xi32>
        %mul3A_244 = arith.muli %and3A_241, %mul3A_243 : vector<16xi32>
        %get3A_245 = arith.constant 0 : index
        %get3A_246 = tpu.vector_load %arg10[%get3A_245] {strides = array<i32>} : memref<16xi32, #tpu.memory_space<vmem>>, vector<16xi32>,
        %and3A_247 = arith.constant 1 : i32
        %and3A_248 = vector.broadcast %and3A_247 : i32 to vector<16xi32>
        %and3A_249 = arith.andi %get3A_246, %and3A_248 : vector<16xi32>
        %mul3A_250 = arith.constant 64 : i32
        %mul3A_251 = vector.broadcast %mul3A_250 : i32 to vector<16xi32>
        %mul3A_252 = arith.muli %and3A_249, %mul3A_251 : vector<16xi32>
        %mul3A_253 = arith.constant 20 : i32
        %mul3A_254 = vector.broadcast %mul3A_253 : i32 to vector<16xi32>
        %mul3A_255 = arith.muli %iota3A, %mul3A_254 : vector<16xi32>
        %add3A_256 = arith.constant 0 : i32
        %add3A_257 = vector.broadcast %add3A_256 : i32 to vector<16xi32>
        %add3A_258 = arith.addi %mul3A_255, %add3A_257 : vector<16xi32>
        %gather3A = tpu.vector_load_idx %arg11[%add3A_258] : memref<320xi32, #tpu.memory_space<vmem>>[vector<16xi32>], vector<16xi32>,
        %and3A_259 = arith.constant 1 : i32
        %and3A_260 = vector.broadcast %and3A_259 : i32 to vector<16xi32>
        %and3A_261 = arith.andi %gather3A, %and3A_260 : vector<16xi32>
        %mul3A_262 = arith.constant 64 : i32
        %mul3A_263 = vector.broadcast %mul3A_262 : i32 to vector<16xi32>
        %mul3A_264 = arith.muli %and3A_261, %mul3A_263 : vector<16xi32>
        %mul3A_265 = arith.constant 20 : i32
        %mul3A_266 = vector.broadcast %mul3A_265 : i32 to vector<16xi32>
        %mul3A_267 = arith.muli %iota3A, %mul3A_266 : vector<16xi32>
        %add3A_268 = arith.constant 1 : i32
        %add3A_269 = vector.broadcast %add3A_268 : i32 to vector<16xi32>
        %add3A_270 = arith.addi %mul3A_267, %add3A_269 : vector<16xi32>
        %gather3A_271 = tpu.vector_load_idx %arg11[%add3A_270] : memref<320xi32, #tpu.memory_space<vmem>>[vector<16xi32>], vector<16xi32>,
        %and3A_272 = arith.constant 1 : i32
        %and3A_273 = vector.broadcast %and3A_272 : i32 to vector<16xi32>
        %and3A_274 = arith.andi %gather3A_271, %and3A_273 : vector<16xi32>
        %mul3A_275 = arith.constant 64 : i32
        %mul3A_276 = vector.broadcast %mul3A_275 : i32 to vector<16xi32>
        %mul3A_277 = arith.muli %and3A_274, %mul3A_276 : vector<16xi32>
        %mul3A_278 = arith.constant 20 : i32
        %mul3A_279 = vector.broadcast %mul3A_278 : i32 to vector<16xi32>
        %mul3A_280 = arith.muli %iota3A, %mul3A_279 : vector<16xi32>
        %add3A_281 = arith.constant 2 : i32
        %add3A_282 = vector.broadcast %add3A_281 : i32 to vector<16xi32>
        %add3A_283 = arith.addi %mul3A_280, %add3A_282 : vector<16xi32>
        %gather3A_284 = tpu.vector_load_idx %arg11[%add3A_283] : memref<320xi32, #tpu.memory_space<vmem>>[vector<16xi32>], vector<16xi32>,
        %and3A_285 = arith.constant 1 : i32
        %and3A_286 = vector.broadcast %and3A_285 : i32 to vector<16xi32>
        %and3A_287 = arith.andi %gather3A_284, %and3A_286 : vector<16xi32>
        %mul3A_288 = arith.constant 64 : i32
        %mul3A_289 = vector.broadcast %mul3A_288 : i32 to vector<16xi32>
        %mul3A_290 = arith.muli %and3A_287, %mul3A_289 : vector<16xi32>
        %mul3A_291 = arith.constant 20 : i32
        %mul3A_292 = vector.broadcast %mul3A_291 : i32 to vector<16xi32>
        %mul3A_293 = arith.muli %iota3A, %mul3A_292 : vector<16xi32>
        %add3A_294 = arith.constant 3 : i32
        %add3A_295 = vector.broadcast %add3A_294 : i32 to vector<16xi32>
        %add3A_296 = arith.addi %mul3A_293, %add3A_295 : vector<16xi32>
        %gather3A_297 = tpu.vector_load_idx %arg11[%add3A_296] : memref<320xi32, #tpu.memory_space<vmem>>[vector<16xi32>], vector<16xi32>,
        %and3A_298 = arith.constant 1 : i32
        %and3A_299 = vector.broadcast %and3A_298 : i32 to vector<16xi32>
        %and3A_300 = arith.andi %gather3A_297, %and3A_299 : vector<16xi32>
        %mul3A_301 = arith.constant 64 : i32
        %mul3A_302 = vector.broadcast %mul3A_301 : i32 to vector<16xi32>
        %mul3A_303 = arith.muli %and3A_300, %mul3A_302 : vector<16xi32>
        %mul3A_304 = arith.constant 20 : i32
        %mul3A_305 = vector.broadcast %mul3A_304 : i32 to vector<16xi32>
        %mul3A_306 = arith.muli %iota3A, %mul3A_305 : vector<16xi32>
        %add3A_307 = arith.constant 4 : i32
        %add3A_308 = vector.broadcast %add3A_307 : i32 to vector<16xi32>
        %add3A_309 = arith.addi %mul3A_306, %add3A_308 : vector<16xi32>
        %gather3A_310 = tpu.vector_load_idx %arg11[%add3A_309] : memref<320xi32, #tpu.memory_space<vmem>>[vector<16xi32>], vector<16xi32>,
        %and3A_311 = arith.constant 1 : i32
        %and3A_312 = vector.broadcast %and3A_311 : i32 to vector<16xi32>
        %and3A_313 = arith.andi %gather3A_310, %and3A_312 : vector<16xi32>
        %mul3A_314 = arith.constant 64 : i32
        %mul3A_315 = vector.broadcast %mul3A_314 : i32 to vector<16xi32>
        %mul3A_316 = arith.muli %and3A_313, %mul3A_315 : vector<16xi32>
        %mul3A_317 = arith.constant 20 : i32
        %mul3A_318 = vector.broadcast %mul3A_317 : i32 to vector<16xi32>
        %mul3A_319 = arith.muli %iota3A, %mul3A_318 : vector<16xi32>
        %add3A_320 = arith.constant 5 : i32
        %add3A_321 = vector.broadcast %add3A_320 : i32 to vector<16xi32>
        %add3A_322 = arith.addi %mul3A_319, %add3A_321 : vector<16xi32>
        %gather3A_323 = tpu.vector_load_idx %arg11[%add3A_322] : memref<320xi32, #tpu.memory_space<vmem>>[vector<16xi32>], vector<16xi32>,
        %and3A_324 = arith.constant 1 : i32
        %and3A_325 = vector.broadcast %and3A_324 : i32 to vector<16xi32>
        %and3A_326 = arith.andi %gather3A_323, %and3A_325 : vector<16xi32>
        %mul3A_327 = arith.constant 64 : i32
        %mul3A_328 = vector.broadcast %mul3A_327 : i32 to vector<16xi32>
        %mul3A_329 = arith.muli %and3A_326, %mul3A_328 : vector<16xi32>
        %mul3A_330 = arith.constant 20 : i32
        %mul3A_331 = vector.broadcast %mul3A_330 : i32 to vector<16xi32>
        %mul3A_332 = arith.muli %iota3A, %mul3A_331 : vector<16xi32>
        %add3A_333 = arith.constant 6 : i32
        %add3A_334 = vector.broadcast %add3A_333 : i32 to vector<16xi32>
        %add3A_335 = arith.addi %mul3A_332, %add3A_334 : vector<16xi32>
        %gather3A_336 = tpu.vector_load_idx %arg11[%add3A_335] : memref<320xi32, #tpu.memory_space<vmem>>[vector<16xi32>], vector<16xi32>,
        %and3A_337 = arith.constant 1 : i32
        %and3A_338 = vector.broadcast %and3A_337 : i32 to vector<16xi32>
        %and3A_339 = arith.andi %gather3A_336, %and3A_338 : vector<16xi32>
        %mul3A_340 = arith.constant 64 : i32
        %mul3A_341 = vector.broadcast %mul3A_340 : i32 to vector<16xi32>
        %mul3A_342 = arith.muli %and3A_339, %mul3A_341 : vector<16xi32>
        %mul3A_343 = arith.constant 20 : i32
        %mul3A_344 = vector.broadcast %mul3A_343 : i32 to vector<16xi32>
        %mul3A_345 = arith.muli %iota3A, %mul3A_344 : vector<16xi32>
        %add3A_346 = arith.constant 7 : i32
        %add3A_347 = vector.broadcast %add3A_346 : i32 to vector<16xi32>
        %add3A_348 = arith.addi %mul3A_345, %add3A_347 : vector<16xi32>
        %gather3A_349 = tpu.vector_load_idx %arg11[%add3A_348] : memref<320xi32, #tpu.memory_space<vmem>>[vector<16xi32>], vector<16xi32>,
        %and3A_350 = arith.constant 1 : i32
        %and3A_351 = vector.broadcast %and3A_350 : i32 to vector<16xi32>
        %and3A_352 = arith.andi %gather3A_349, %and3A_351 : vector<16xi32>
        %mul3A_353 = arith.constant 64 : i32
        %mul3A_354 = vector.broadcast %mul3A_353 : i32 to vector<16xi32>
        %mul3A_355 = arith.muli %and3A_352, %mul3A_354 : vector<16xi32>
        %mul3A_356 = arith.constant 20 : i32
        %mul3A_357 = vector.broadcast %mul3A_356 : i32 to vector<16xi32>
        %mul3A_358 = arith.muli %iota3A, %mul3A_357 : vector<16xi32>
        %add3A_359 = arith.constant 8 : i32
        %add3A_360 = vector.broadcast %add3A_359 : i32 to vector<16xi32>
        %add3A_361 = arith.addi %mul3A_358, %add3A_360 : vector<16xi32>
        %gather3A_362 = tpu.vector_load_idx %arg11[%add3A_361] : memref<320xi32, #tpu.memory_space<vmem>>[vector<16xi32>], vector<16xi32>,
        %and3A_363 = arith.constant 1 : i32
        %and3A_364 = vector.broadcast %and3A_363 : i32 to vector<16xi32>
        %and3A_365 = arith.andi %gather3A_362, %and3A_364 : vector<16xi32>
        %mul3A_366 = arith.constant 64 : i32
        %mul3A_367 = vector.broadcast %mul3A_366 : i32 to vector<16xi32>
        %mul3A_368 = arith.muli %and3A_365, %mul3A_367 : vector<16xi32>
        %mul3A_369 = arith.constant 20 : i32
        %mul3A_370 = vector.broadcast %mul3A_369 : i32 to vector<16xi32>
        %mul3A_371 = arith.muli %iota3A, %mul3A_370 : vector<16xi32>
        %add3A_372 = arith.constant 9 : i32
        %add3A_373 = vector.broadcast %add3A_372 : i32 to vector<16xi32>
        %add3A_374 = arith.addi %mul3A_371, %add3A_373 : vector<16xi32>
        %gather3A_375 = tpu.vector_load_idx %arg11[%add3A_374] : memref<320xi32, #tpu.memory_space<vmem>>[vector<16xi32>], vector<16xi32>,
        %and3A_376 = arith.constant 1 : i32
        %and3A_377 = vector.broadcast %and3A_376 : i32 to vector<16xi32>
        %and3A_378 = arith.andi %gather3A_375, %and3A_377 : vector<16xi32>
        %mul3A_379 = arith.constant 64 : i32
        %mul3A_380 = vector.broadcast %mul3A_379 : i32 to vector<16xi32>
        %mul3A_381 = arith.muli %and3A_378, %mul3A_380 : vector<16xi32>
        %mul3A_382 = arith.constant 20 : i32
        %mul3A_383 = vector.broadcast %mul3A_382 : i32 to vector<16xi32>
        %mul3A_384 = arith.muli %iota3A, %mul3A_383 : vector<16xi32>
        %add3A_385 = arith.constant 10 : i32
        %add3A_386 = vector.broadcast %add3A_385 : i32 to vector<16xi32>
        %add3A_387 = arith.addi %mul3A_384, %add3A_386 : vector<16xi32>
        %gather3A_388 = tpu.vector_load_idx %arg11[%add3A_387] : memref<320xi32, #tpu.memory_space<vmem>>[vector<16xi32>], vector<16xi32>,
        %and3A_389 = arith.constant 1 : i32
        %and3A_390 = vector.broadcast %and3A_389 : i32 to vector<16xi32>
        %and3A_391 = arith.andi %gather3A_388, %and3A_390 : vector<16xi32>
        %mul3A_392 = arith.constant 64 : i32
        %mul3A_393 = vector.broadcast %mul3A_392 : i32 to vector<16xi32>
        %mul3A_394 = arith.muli %and3A_391, %mul3A_393 : vector<16xi32>
        %mul3A_395 = arith.constant 20 : i32
        %mul3A_396 = vector.broadcast %mul3A_395 : i32 to vector<16xi32>
        %mul3A_397 = arith.muli %iota3A, %mul3A_396 : vector<16xi32>
        %add3A_398 = arith.constant 11 : i32
        %add3A_399 = vector.broadcast %add3A_398 : i32 to vector<16xi32>
        %add3A_400 = arith.addi %mul3A_397, %add3A_399 : vector<16xi32>
        %gather3A_401 = tpu.vector_load_idx %arg11[%add3A_400] : memref<320xi32, #tpu.memory_space<vmem>>[vector<16xi32>], vector<16xi32>,
        %and3A_402 = arith.constant 1 : i32
        %and3A_403 = vector.broadcast %and3A_402 : i32 to vector<16xi32>
        %and3A_404 = arith.andi %gather3A_401, %and3A_403 : vector<16xi32>
        %mul3A_405 = arith.constant 64 : i32
        %mul3A_406 = vector.broadcast %mul3A_405 : i32 to vector<16xi32>
        %mul3A_407 = arith.muli %and3A_404, %mul3A_406 : vector<16xi32>
        %mul3A_408 = arith.constant 20 : i32
        %mul3A_409 = vector.broadcast %mul3A_408 : i32 to vector<16xi32>
        %mul3A_410 = arith.muli %iota3A, %mul3A_409 : vector<16xi32>
        %add3A_411 = arith.constant 12 : i32
        %add3A_412 = vector.broadcast %add3A_411 : i32 to vector<16xi32>
        %add3A_413 = arith.addi %mul3A_410, %add3A_412 : vector<16xi32>
        %gather3A_414 = tpu.vector_load_idx %arg11[%add3A_413] : memref<320xi32, #tpu.memory_space<vmem>>[vector<16xi32>], vector<16xi32>,
        %and3A_415 = arith.constant 1 : i32
        %and3A_416 = vector.broadcast %and3A_415 : i32 to vector<16xi32>
        %and3A_417 = arith.andi %gather3A_414, %and3A_416 : vector<16xi32>
        %mul3A_418 = arith.constant 64 : i32
        %mul3A_419 = vector.broadcast %mul3A_418 : i32 to vector<16xi32>
        %mul3A_420 = arith.muli %and3A_417, %mul3A_419 : vector<16xi32>
        %mul3A_421 = arith.constant 20 : i32
        %mul3A_422 = vector.broadcast %mul3A_421 : i32 to vector<16xi32>
        %mul3A_423 = arith.muli %iota3A, %mul3A_422 : vector<16xi32>
        %add3A_424 = arith.constant 13 : i32
        %add3A_425 = vector.broadcast %add3A_424 : i32 to vector<16xi32>
        %add3A_426 = arith.addi %mul3A_423, %add3A_425 : vector<16xi32>
        %gather3A_427 = tpu.vector_load_idx %arg11[%add3A_426] : memref<320xi32, #tpu.memory_space<vmem>>[vector<16xi32>], vector<16xi32>,
        %and3A_428 = arith.constant 1 : i32
        %and3A_429 = vector.broadcast %and3A_428 : i32 to vector<16xi32>
        %and3A_430 = arith.andi %gather3A_427, %and3A_429 : vector<16xi32>
        %mul3A_431 = arith.constant 64 : i32
        %mul3A_432 = vector.broadcast %mul3A_431 : i32 to vector<16xi32>
        %mul3A_433 = arith.muli %and3A_430, %mul3A_432 : vector<16xi32>
        %mul3A_434 = arith.constant 20 : i32
        %mul3A_435 = vector.broadcast %mul3A_434 : i32 to vector<16xi32>
        %mul3A_436 = arith.muli %iota3A, %mul3A_435 : vector<16xi32>
        %add3A_437 = arith.constant 14 : i32
        %add3A_438 = vector.broadcast %add3A_437 : i32 to vector<16xi32>
        %add3A_439 = arith.addi %mul3A_436, %add3A_438 : vector<16xi32>
        %gather3A_440 = tpu.vector_load_idx %arg11[%add3A_439] : memref<320xi32, #tpu.memory_space<vmem>>[vector<16xi32>], vector<16xi32>,
        %and3A_441 = arith.constant 1 : i32
        %and3A_442 = vector.broadcast %and3A_441 : i32 to vector<16xi32>
        %and3A_443 = arith.andi %gather3A_440, %and3A_442 : vector<16xi32>
        %mul3A_444 = arith.constant 64 : i32
        %mul3A_445 = vector.broadcast %mul3A_444 : i32 to vector<16xi32>
        %mul3A_446 = arith.muli %and3A_443, %mul3A_445 : vector<16xi32>
        %mul3A_447 = arith.constant 20 : i32
        %mul3A_448 = vector.broadcast %mul3A_447 : i32 to vector<16xi32>
        %mul3A_449 = arith.muli %iota3A, %mul3A_448 : vector<16xi32>
        %add3A_450 = arith.constant 15 : i32
        %add3A_451 = vector.broadcast %add3A_450 : i32 to vector<16xi32>
        %add3A_452 = arith.addi %mul3A_449, %add3A_451 : vector<16xi32>
        %gather3A_453 = tpu.vector_load_idx %arg11[%add3A_452] : memref<320xi32, #tpu.memory_space<vmem>>[vector<16xi32>], vector<16xi32>,
        %and3A_454 = arith.constant 1 : i32
        %and3A_455 = vector.broadcast %and3A_454 : i32 to vector<16xi32>
        %and3A_456 = arith.andi %gather3A_453, %and3A_455 : vector<16xi32>
        %mul3A_457 = arith.constant 64 : i32
        %mul3A_458 = vector.broadcast %mul3A_457 : i32 to vector<16xi32>
        %mul3A_459 = arith.muli %and3A_456, %mul3A_458 : vector<16xi32>
        %mul3A_460 = arith.constant 20 : i32
        %mul3A_461 = vector.broadcast %mul3A_460 : i32 to vector<16xi32>
        %mul3A_462 = arith.muli %iota3A, %mul3A_461 : vector<16xi32>
        %add3A_463 = arith.constant 16 : i32
        %add3A_464 = vector.broadcast %add3A_463 : i32 to vector<16xi32>
        %add3A_465 = arith.addi %mul3A_462, %add3A_464 : vector<16xi32>
        %gather3A_466 = tpu.vector_load_idx %arg11[%add3A_465] : memref<320xi32, #tpu.memory_space<vmem>>[vector<16xi32>], vector<16xi32>,
        %and3A_467 = arith.constant 1 : i32
        %and3A_468 = vector.broadcast %and3A_467 : i32 to vector<16xi32>
        %and3A_469 = arith.andi %gather3A_466, %and3A_468 : vector<16xi32>
        %mul3A_470 = arith.constant 64 : i32
        %mul3A_471 = vector.broadcast %mul3A_470 : i32 to vector<16xi32>
        %mul3A_472 = arith.muli %and3A_469, %mul3A_471 : vector<16xi32>
        %mul3A_473 = arith.constant 20 : i32
        %mul3A_474 = vector.broadcast %mul3A_473 : i32 to vector<16xi32>
        %mul3A_475 = arith.muli %iota3A, %mul3A_474 : vector<16xi32>
        %add3A_476 = arith.constant 17 : i32
        %add3A_477 = vector.broadcast %add3A_476 : i32 to vector<16xi32>
        %add3A_478 = arith.addi %mul3A_475, %add3A_477 : vector<16xi32>
        %gather3A_479 = tpu.vector_load_idx %arg11[%add3A_478] : memref<320xi32, #tpu.memory_space<vmem>>[vector<16xi32>], vector<16xi32>,
        %and3A_480 = arith.constant 1 : i32
        %and3A_481 = vector.broadcast %and3A_480 : i32 to vector<16xi32>
        %and3A_482 = arith.andi %gather3A_479, %and3A_481 : vector<16xi32>
        %mul3A_483 = arith.constant 64 : i32
        %mul3A_484 = vector.broadcast %mul3A_483 : i32 to vector<16xi32>
        %mul3A_485 = arith.muli %and3A_482, %mul3A_484 : vector<16xi32>
        %mul3A_486 = arith.constant 20 : i32
        %mul3A_487 = vector.broadcast %mul3A_486 : i32 to vector<16xi32>
        %mul3A_488 = arith.muli %iota3A, %mul3A_487 : vector<16xi32>
        %add3A_489 = arith.constant 18 : i32
        %add3A_490 = vector.broadcast %add3A_489 : i32 to vector<16xi32>
        %add3A_491 = arith.addi %mul3A_488, %add3A_490 : vector<16xi32>
        %gather3A_492 = tpu.vector_load_idx %arg11[%add3A_491] : memref<320xi32, #tpu.memory_space<vmem>>[vector<16xi32>], vector<16xi32>,
        %and3A_493 = arith.constant 1 : i32
        %and3A_494 = vector.broadcast %and3A_493 : i32 to vector<16xi32>
        %and3A_495 = arith.andi %gather3A_492, %and3A_494 : vector<16xi32>
        %mul3A_496 = arith.constant 64 : i32
        %mul3A_497 = vector.broadcast %mul3A_496 : i32 to vector<16xi32>
        %mul3A_498 = arith.muli %and3A_495, %mul3A_497 : vector<16xi32>
        %mul3A_499 = arith.constant 20 : i32
        %mul3A_500 = vector.broadcast %mul3A_499 : i32 to vector<16xi32>
        %mul3A_501 = arith.muli %iota3A, %mul3A_500 : vector<16xi32>
        %add3A_502 = arith.constant 19 : i32
        %add3A_503 = vector.broadcast %add3A_502 : i32 to vector<16xi32>
        %add3A_504 = arith.addi %mul3A_501, %add3A_503 : vector<16xi32>
        %gather3A_505 = tpu.vector_load_idx %arg11[%add3A_504] : memref<320xi32, #tpu.memory_space<vmem>>[vector<16xi32>], vector<16xi32>,
        %and3A_506 = arith.constant 1 : i32
        %and3A_507 = vector.broadcast %and3A_506 : i32 to vector<16xi32>
        %and3A_508 = arith.andi %gather3A_505, %and3A_507 : vector<16xi32>
        %mul3A_509 = arith.constant 64 : i32
        %mul3A_510 = vector.broadcast %mul3A_509 : i32 to vector<16xi32>
        %mul3A_511 = arith.muli %and3A_508, %mul3A_510 : vector<16xi32>
        %mul3A_512 = arith.constant 20 : i32
        %mul3A_513 = vector.broadcast %mul3A_512 : i32 to vector<16xi32>
        %mul3A_514 = arith.muli %iota3A, %mul3A_513 : vector<16xi32>
        %broadcast_in_dim3A = arith.constant 0.000000e+00 : f32
        %broadcast_in_dim3A_515 = vector.broadcast %broadcast_in_dim3A : f32 to vector<16xf32>
        %scan3A_516 = arith.constant 0 : i32
        %scan3A_517 = arith.constant 64 : i32
        %scan3A_518 = arith.addi %scan3A_516, %scan3A_517 : i32
        %scan3A_519 = arith.constant 1 : i32
        %scan3A_520:21 = scf.for %scan3A_568 = %scan3A_516 to %scan3A_518 step %scan3A_519 iter_args(%scan3A_569 = %broadcast_in_dim3A_515, %scan3A_570 = %broadcast_in_dim3A_515, %scan3A_571 = %broadcast_in_dim3A_515, %scan3A_572 = %broadcast_in_dim3A_515, %scan3A_573 = %broadcast_in_dim3A_515, %scan3A_574 = %broadcast_in_dim3A_515, %scan3A_575 = %broadcast_in_dim3A_515, %scan3A_576 = %broadcast_in_dim3A_515, %scan3A_577 = %broadcast_in_dim3A_515, %scan3A_578 = %broadcast_in_dim3A_515, %scan3A_579 = %broadcast_in_dim3A_515, %scan3A_580 = %broadcast_in_dim3A_515, %scan3A_581 = %broadcast_in_dim3A_515, %scan3A_582 = %broadcast_in_dim3A_515, %scan3A_583 = %broadcast_in_dim3A_515, %scan3A_584 = %broadcast_in_dim3A_515, %scan3A_585 = %broadcast_in_dim3A_515, %scan3A_586 = %broadcast_in_dim3A_515, %scan3A_587 = %broadcast_in_dim3A_515, %scan3A_588 = %broadcast_in_dim3A_515, %scan3A_589 = %broadcast_in_dim3A_515) -> (vector<16xf32>, vector<16xf32>, vector<16xf32>, vector<16xf32>, vector<16xf32>, vector<16xf32>, vector<16xf32>, vector<16xf32>, vector<16xf32>, vector<16xf32>, vector<16xf32>, vector<16xf32>, vector<16xf32>, vector<16xf32>, vector<16xf32>, vector<16xf32>, vector<16xf32>, vector<16xf32>, vector<16xf32>, vector<16xf32>, vector<16xf32>)  : i32 {
          %add3A_590 = vector.broadcast %scan3A_568 : i32 to vector<16xi32>
          %add3A_591 = arith.addi %iota3A, %add3A_590 : vector<16xi32>
          %and3A_592 = arith.constant 63 : i32
          %and3A_593 = vector.broadcast %and3A_592 : i32 to vector<16xi32>
          %and3A_594 = arith.andi %add3A_591, %and3A_593 : vector<16xi32>
          %add3A_595 = arith.addi %mul3A_244, %and3A_594 : vector<16xi32>
          %gather3A_596 = tpu.vector_load_idx %arg15[%iota3A, %add3A_595] : memref<16x128xf32, #tpu.memory_space<vmem>>[vector<16xi32>, vector<16xi32>], vector<16xf32>,
          %add3A_597 = arith.addi %mul3A_252, %and3A_594 : vector<16xi32>
          %gather3A_598 = tpu.vector_load_idx %arg16[%iota3A, %add3A_597] : memref<16x128xf32, #tpu.memory_space<vmem>>[vector<16xi32>, vector<16xi32>], vector<16xf32>,
          %mul3A_599 = arith.mulf %gather3A_598, %gather3A_596 : vector<16xf32>
          %add3A_600 = arith.addf %scan3A_569, %mul3A_599 : vector<16xf32>
          %add3A_601 = arith.constant 0 : i32
          %add3A_602 = vector.broadcast %add3A_601 : i32 to vector<16xi32>
          %add3A_603 = arith.addi %mul3A_514, %add3A_602 : vector<16xi32>
          %add3A_604 = arith.addi %mul3A_264, %and3A_594 : vector<16xi32>
          %gather3A_605 = tpu.vector_load_idx %arg17[%add3A_603, %add3A_604] : memref<320x128xf32, #tpu.memory_space<vmem>>[vector<16xi32>, vector<16xi32>], vector<16xf32>,
          %mul3A_606 = arith.mulf %gather3A_605, %gather3A_596 : vector<16xf32>
          %add3A_607 = arith.addf %scan3A_570, %mul3A_606 : vector<16xf32>
          %add3A_608 = arith.constant 1 : i32
          %add3A_609 = vector.broadcast %add3A_608 : i32 to vector<16xi32>
          %add3A_610 = arith.addi %mul3A_514, %add3A_609 : vector<16xi32>
          %add3A_611 = arith.addi %mul3A_277, %and3A_594 : vector<16xi32>
          %gather3A_612 = tpu.vector_load_idx %arg17[%add3A_610, %add3A_611] : memref<320x128xf32, #tpu.memory_space<vmem>>[vector<16xi32>, vector<16xi32>], vector<16xf32>,
          %mul3A_613 = arith.mulf %gather3A_612, %gather3A_596 : vector<16xf32>
          %add3A_614 = arith.addf %scan3A_571, %mul3A_613 : vector<16xf32>
          %add3A_615 = arith.constant 2 : i32
          %add3A_616 = vector.broadcast %add3A_615 : i32 to vector<16xi32>
          %add3A_617 = arith.addi %mul3A_514, %add3A_616 : vector<16xi32>
          %add3A_618 = arith.addi %mul3A_290, %and3A_594 : vector<16xi32>
          %gather3A_619 = tpu.vector_load_idx %arg17[%add3A_617, %add3A_618] : memref<320x128xf32, #tpu.memory_space<vmem>>[vector<16xi32>, vector<16xi32>], vector<16xf32>,
          %mul3A_620 = arith.mulf %gather3A_619, %gather3A_596 : vector<16xf32>
          %add3A_621 = arith.addf %scan3A_572, %mul3A_620 : vector<16xf32>
          %add3A_622 = arith.constant 3 : i32
          %add3A_623 = vector.broadcast %add3A_622 : i32 to vector<16xi32>
          %add3A_624 = arith.addi %mul3A_514, %add3A_623 : vector<16xi32>
          %add3A_625 = arith.addi %mul3A_303, %and3A_594 : vector<16xi32>
          %gather3A_626 = tpu.vector_load_idx %arg17[%add3A_624, %add3A_625] : memref<320x128xf32, #tpu.memory_space<vmem>>[vector<16xi32>, vector<16xi32>], vector<16xf32>,
          %mul3A_627 = arith.mulf %gather3A_626, %gather3A_596 : vector<16xf32>
          %add3A_628 = arith.addf %scan3A_573, %mul3A_627 : vector<16xf32>
          %add3A_629 = arith.constant 4 : i32
          %add3A_630 = vector.broadcast %add3A_629 : i32 to vector<16xi32>
          %add3A_631 = arith.addi %mul3A_514, %add3A_630 : vector<16xi32>
          %add3A_632 = arith.addi %mul3A_316, %and3A_594 : vector<16xi32>
          %gather3A_633 = tpu.vector_load_idx %arg17[%add3A_631, %add3A_632] : memref<320x128xf32, #tpu.memory_space<vmem>>[vector<16xi32>, vector<16xi32>], vector<16xf32>,
          %mul3A_634 = arith.mulf %gather3A_633, %gather3A_596 : vector<16xf32>
          %add3A_635 = arith.addf %scan3A_574, %mul3A_634 : vector<16xf32>
          %add3A_636 = arith.constant 5 : i32
          %add3A_637 = vector.broadcast %add3A_636 : i32 to vector<16xi32>
          %add3A_638 = arith.addi %mul3A_514, %add3A_637 : vector<16xi32>
          %add3A_639 = arith.addi %mul3A_329, %and3A_594 : vector<16xi32>
          %gather3A_640 = tpu.vector_load_idx %arg17[%add3A_638, %add3A_639] : memref<320x128xf32, #tpu.memory_space<vmem>>[vector<16xi32>, vector<16xi32>], vector<16xf32>,
          %mul3A_641 = arith.mulf %gather3A_640, %gather3A_596 : vector<16xf32>
          %add3A_642 = arith.addf %scan3A_575, %mul3A_641 : vector<16xf32>
          %add3A_643 = arith.constant 6 : i32
          %add3A_644 = vector.broadcast %add3A_643 : i32 to vector<16xi32>
          %add3A_645 = arith.addi %mul3A_514, %add3A_644 : vector<16xi32>
          %add3A_646 = arith.addi %mul3A_342, %and3A_594 : vector<16xi32>
          %gather3A_647 = tpu.vector_load_idx %arg17[%add3A_645, %add3A_646] : memref<320x128xf32, #tpu.memory_space<vmem>>[vector<16xi32>, vector<16xi32>], vector<16xf32>,
          %mul3A_648 = arith.mulf %gather3A_647, %gather3A_596 : vector<16xf32>
          %add3A_649 = arith.addf %scan3A_576, %mul3A_648 : vector<16xf32>
          %add3A_650 = arith.constant 7 : i32
          %add3A_651 = vector.broadcast %add3A_650 : i32 to vector<16xi32>
          %add3A_652 = arith.addi %mul3A_514, %add3A_651 : vector<16xi32>
          %add3A_653 = arith.addi %mul3A_355, %and3A_594 : vector<16xi32>
          %gather3A_654 = tpu.vector_load_idx %arg17[%add3A_652, %add3A_653] : memref<320x128xf32, #tpu.memory_space<vmem>>[vector<16xi32>, vector<16xi32>], vector<16xf32>,
          %mul3A_655 = arith.mulf %gather3A_654, %gather3A_596 : vector<16xf32>
          %add3A_656 = arith.addf %scan3A_577, %mul3A_655 : vector<16xf32>
          %add3A_657 = arith.constant 8 : i32
          %add3A_658 = vector.broadcast %add3A_657 : i32 to vector<16xi32>
          %add3A_659 = arith.addi %mul3A_514, %add3A_658 : vector<16xi32>
          %add3A_660 = arith.addi %mul3A_368, %and3A_594 : vector<16xi32>
          %gather3A_661 = tpu.vector_load_idx %arg17[%add3A_659, %add3A_660] : memref<320x128xf32, #tpu.memory_space<vmem>>[vector<16xi32>, vector<16xi32>], vector<16xf32>,
          %mul3A_662 = arith.mulf %gather3A_661, %gather3A_596 : vector<16xf32>
          %add3A_663 = arith.addf %scan3A_578, %mul3A_662 : vector<16xf32>
          %add3A_664 = arith.constant 9 : i32
          %add3A_665 = vector.broadcast %add3A_664 : i32 to vector<16xi32>
          %add3A_666 = arith.addi %mul3A_514, %add3A_665 : vector<16xi32>
          %add3A_667 = arith.addi %mul3A_381, %and3A_594 : vector<16xi32>
          %gather3A_668 = tpu.vector_load_idx %arg17[%add3A_666, %add3A_667] : memref<320x128xf32, #tpu.memory_space<vmem>>[vector<16xi32>, vector<16xi32>], vector<16xf32>,
          %mul3A_669 = arith.mulf %gather3A_668, %gather3A_596 : vector<16xf32>
          %add3A_670 = arith.addf %scan3A_579, %mul3A_669 : vector<16xf32>
          %add3A_671 = arith.constant 10 : i32
          %add3A_672 = vector.broadcast %add3A_671 : i32 to vector<16xi32>
          %add3A_673 = arith.addi %mul3A_514, %add3A_672 : vector<16xi32>
          %add3A_674 = arith.addi %mul3A_394, %and3A_594 : vector<16xi32>
          %gather3A_675 = tpu.vector_load_idx %arg17[%add3A_673, %add3A_674] : memref<320x128xf32, #tpu.memory_space<vmem>>[vector<16xi32>, vector<16xi32>], vector<16xf32>,
          %mul3A_676 = arith.mulf %gather3A_675, %gather3A_596 : vector<16xf32>
          %add3A_677 = arith.addf %scan3A_580, %mul3A_676 : vector<16xf32>
          %add3A_678 = arith.constant 11 : i32
          %add3A_679 = vector.broadcast %add3A_678 : i32 to vector<16xi32>
          %add3A_680 = arith.addi %mul3A_514, %add3A_679 : vector<16xi32>
          %add3A_681 = arith.addi %mul3A_407, %and3A_594 : vector<16xi32>
          %gather3A_682 = tpu.vector_load_idx %arg17[%add3A_680, %add3A_681] : memref<320x128xf32, #tpu.memory_space<vmem>>[vector<16xi32>, vector<16xi32>], vector<16xf32>,
          %mul3A_683 = arith.mulf %gather3A_682, %gather3A_596 : vector<16xf32>
          %add3A_684 = arith.addf %scan3A_581, %mul3A_683 : vector<16xf32>
          %add3A_685 = arith.constant 12 : i32
          %add3A_686 = vector.broadcast %add3A_685 : i32 to vector<16xi32>
          %add3A_687 = arith.addi %mul3A_514, %add3A_686 : vector<16xi32>
          %add3A_688 = arith.addi %mul3A_420, %and3A_594 : vector<16xi32>
          %gather3A_689 = tpu.vector_load_idx %arg17[%add3A_687, %add3A_688] : memref<320x128xf32, #tpu.memory_space<vmem>>[vector<16xi32>, vector<16xi32>], vector<16xf32>,
          %mul3A_690 = arith.mulf %gather3A_689, %gather3A_596 : vector<16xf32>
          %add3A_691 = arith.addf %scan3A_582, %mul3A_690 : vector<16xf32>
          %add3A_692 = arith.constant 13 : i32
          %add3A_693 = vector.broadcast %add3A_692 : i32 to vector<16xi32>
          %add3A_694 = arith.addi %mul3A_514, %add3A_693 : vector<16xi32>
          %add3A_695 = arith.addi %mul3A_433, %and3A_594 : vector<16xi32>
          %gather3A_696 = tpu.vector_load_idx %arg17[%add3A_694, %add3A_695] : memref<320x128xf32, #tpu.memory_space<vmem>>[vector<16xi32>, vector<16xi32>], vector<16xf32>,
          %mul3A_697 = arith.mulf %gather3A_696, %gather3A_596 : vector<16xf32>
          %add3A_698 = arith.addf %scan3A_583, %mul3A_697 : vector<16xf32>
          %add3A_699 = arith.constant 14 : i32
          %add3A_700 = vector.broadcast %add3A_699 : i32 to vector<16xi32>
          %add3A_701 = arith.addi %mul3A_514, %add3A_700 : vector<16xi32>
          %add3A_702 = arith.addi %mul3A_446, %and3A_594 : vector<16xi32>
          %gather3A_703 = tpu.vector_load_idx %arg17[%add3A_701, %add3A_702] : memref<320x128xf32, #tpu.memory_space<vmem>>[vector<16xi32>, vector<16xi32>], vector<16xf32>,
          %mul3A_704 = arith.mulf %gather3A_703, %gather3A_596 : vector<16xf32>
          %add3A_705 = arith.addf %scan3A_584, %mul3A_704 : vector<16xf32>
          %add3A_706 = arith.constant 15 : i32
          %add3A_707 = vector.broadcast %add3A_706 : i32 to vector<16xi32>
          %add3A_708 = arith.addi %mul3A_514, %add3A_707 : vector<16xi32>
          %add3A_709 = arith.addi %mul3A_459, %and3A_594 : vector<16xi32>
          %gather3A_710 = tpu.vector_load_idx %arg17[%add3A_708, %add3A_709] : memref<320x128xf32, #tpu.memory_space<vmem>>[vector<16xi32>, vector<16xi32>], vector<16xf32>,
          %mul3A_711 = arith.mulf %gather3A_710, %gather3A_596 : vector<16xf32>
          %add3A_712 = arith.addf %scan3A_585, %mul3A_711 : vector<16xf32>
          %add3A_713 = arith.constant 16 : i32
          %add3A_714 = vector.broadcast %add3A_713 : i32 to vector<16xi32>
          %add3A_715 = arith.addi %mul3A_514, %add3A_714 : vector<16xi32>
          %add3A_716 = arith.addi %mul3A_472, %and3A_594 : vector<16xi32>
          %gather3A_717 = tpu.vector_load_idx %arg17[%add3A_715, %add3A_716] : memref<320x128xf32, #tpu.memory_space<vmem>>[vector<16xi32>, vector<16xi32>], vector<16xf32>,
          %mul3A_718 = arith.mulf %gather3A_717, %gather3A_596 : vector<16xf32>
          %add3A_719 = arith.addf %scan3A_586, %mul3A_718 : vector<16xf32>
          %add3A_720 = arith.constant 17 : i32
          %add3A_721 = vector.broadcast %add3A_720 : i32 to vector<16xi32>
          %add3A_722 = arith.addi %mul3A_514, %add3A_721 : vector<16xi32>
          %add3A_723 = arith.addi %mul3A_485, %and3A_594 : vector<16xi32>
          %gather3A_724 = tpu.vector_load_idx %arg17[%add3A_722, %add3A_723] : memref<320x128xf32, #tpu.memory_space<vmem>>[vector<16xi32>, vector<16xi32>], vector<16xf32>,
          %mul3A_725 = arith.mulf %gather3A_724, %gather3A_596 : vector<16xf32>
          %add3A_726 = arith.addf %scan3A_587, %mul3A_725 : vector<16xf32>
          %add3A_727 = arith.constant 18 : i32
          %add3A_728 = vector.broadcast %add3A_727 : i32 to vector<16xi32>
          %add3A_729 = arith.addi %mul3A_514, %add3A_728 : vector<16xi32>
          %add3A_730 = arith.addi %mul3A_498, %and3A_594 : vector<16xi32>
          %gather3A_731 = tpu.vector_load_idx %arg17[%add3A_729, %add3A_730] : memref<320x128xf32, #tpu.memory_space<vmem>>[vector<16xi32>, vector<16xi32>], vector<16xf32>,
          %mul3A_732 = arith.mulf %gather3A_731, %gather3A_596 : vector<16xf32>
          %add3A_733 = arith.addf %scan3A_588, %mul3A_732 : vector<16xf32>
          %add3A_734 = arith.constant 19 : i32
          %add3A_735 = vector.broadcast %add3A_734 : i32 to vector<16xi32>
          %add3A_736 = arith.addi %mul3A_514, %add3A_735 : vector<16xi32>
          %add3A_737 = arith.addi %mul3A_511, %and3A_594 : vector<16xi32>
          %gather3A_738 = tpu.vector_load_idx %arg17[%add3A_736, %add3A_737] : memref<320x128xf32, #tpu.memory_space<vmem>>[vector<16xi32>, vector<16xi32>], vector<16xf32>,
          %mul3A_739 = arith.mulf %gather3A_738, %gather3A_596 : vector<16xf32>
          %add3A_740 = arith.addf %scan3A_589, %mul3A_739 : vector<16xf32>
          scf.yield %add3A_600, %add3A_607, %add3A_614, %add3A_621, %add3A_628, %add3A_635, %add3A_642, %add3A_649, %add3A_656, %add3A_663, %add3A_670, %add3A_677, %add3A_684, %add3A_691, %add3A_698, %add3A_705, %add3A_712, %add3A_719, %add3A_726, %add3A_733, %add3A_740 : vector<16xf32>, vector<16xf32>, vector<16xf32>, vector<16xf32>, vector<16xf32>, vector<16xf32>, vector<16xf32>, vector<16xf32>, vector<16xf32>, vector<16xf32>, vector<16xf32>, vector<16xf32>, vector<16xf32>, vector<16xf32>, vector<16xf32>, vector<16xf32>, vector<16xf32>, vector<16xf32>, vector<16xf32>, vector<16xf32>, vector<16xf32>
        }
        %scan3A_521 = arith.constant 64 : i32
        %exp3A = math.exp %scan3A_520#1 : vector<16xf32>
        %exp3A_522 = math.exp %scan3A_520#2 : vector<16xf32>
        %add3A_523 = arith.addf %exp3A, %exp3A_522 : vector<16xf32>
        %exp3A_524 = math.exp %scan3A_520#3 : vector<16xf32>
        %add3A_525 = arith.addf %add3A_523, %exp3A_524 : vector<16xf32>
        %exp3A_526 = math.exp %scan3A_520#4 : vector<16xf32>
        %add3A_527 = arith.addf %add3A_525, %exp3A_526 : vector<16xf32>
        %exp3A_528 = math.exp %scan3A_520#5 : vector<16xf32>
        %add3A_529 = arith.addf %add3A_527, %exp3A_528 : vector<16xf32>
        %exp3A_530 = math.exp %scan3A_520#6 : vector<16xf32>
        %add3A_531 = arith.addf %add3A_529, %exp3A_530 : vector<16xf32>
        %exp3A_532 = math.exp %scan3A_520#7 : vector<16xf32>
        %add3A_533 = arith.addf %add3A_531, %exp3A_532 : vector<16xf32>
        %exp3A_534 = math.exp %scan3A_520#8 : vector<16xf32>
        %add3A_535 = arith.addf %add3A_533, %exp3A_534 : vector<16xf32>
        %exp3A_536 = math.exp %scan3A_520#9 : vector<16xf32>
        %add3A_537 = arith.addf %add3A_535, %exp3A_536 : vector<16xf32>
        %exp3A_538 = math.exp %scan3A_520#10 : vector<16xf32>
        %add3A_539 = arith.addf %add3A_537, %exp3A_538 : vector<16xf32>
        %exp3A_540 = math.exp %scan3A_520#11 : vector<16xf32>
        %add3A_541 = arith.addf %add3A_539, %exp3A_540 : vector<16xf32>
        %exp3A_542 = math.exp %scan3A_520#12 : vector<16xf32>
        %add3A_543 = arith.addf %add3A_541, %exp3A_542 : vector<16xf32>
        %exp3A_544 = math.exp %scan3A_520#13 : vector<16xf32>
        %add3A_545 = arith.addf %add3A_543, %exp3A_544 : vector<16xf32>
        %exp3A_546 = math.exp %scan3A_520#14 : vector<16xf32>
        %add3A_547 = arith.addf %add3A_545, %exp3A_546 : vector<16xf32>
        %exp3A_548 = math.exp %scan3A_520#15 : vector<16xf32>
        %add3A_549 = arith.addf %add3A_547, %exp3A_548 : vector<16xf32>
        %exp3A_550 = math.exp %scan3A_520#16 : vector<16xf32>
        %add3A_551 = arith.addf %add3A_549, %exp3A_550 : vector<16xf32>
        %exp3A_552 = math.exp %scan3A_520#17 : vector<16xf32>
        %add3A_553 = arith.addf %add3A_551, %exp3A_552 : vector<16xf32>
        %exp3A_554 = math.exp %scan3A_520#18 : vector<16xf32>
        %add3A_555 = arith.addf %add3A_553, %exp3A_554 : vector<16xf32>
        %exp3A_556 = math.exp %scan3A_520#19 : vector<16xf32>
        %add3A_557 = arith.addf %add3A_555, %exp3A_556 : vector<16xf32>
        %exp3A_558 = math.exp %scan3A_520#20 : vector<16xf32>
        %add3A_559 = arith.addf %add3A_557, %exp3A_558 : vector<16xf32>
        %mul3A_560 = arith.constant 16 : i32
        %mul3A_561 = arith.muli %scan3A_193, %mul3A_560 : i32
        %swap3A_562 = arith.index_cast %mul3A_561 : i32 to index
        %swap3A_563 = tpu.vector_load %arg27[%swap3A_562] {strides = array<i32>} : memref<512xf32, #tpu.memory_space<vmem>>, vector<16xf32>,
        tpu.vector_store %arg27[%swap3A_562], %scan3A_520#0 {strides = array<i32>} : memref<512xf32, #tpu.memory_space<vmem>>, vector<16xf32>,
        %mul3A_564 = arith.constant 16 : i32
        %mul3A_565 = arith.muli %scan3A_193, %mul3A_564 : i32
        %swap3A_566 = arith.index_cast %mul3A_565 : i32 to index
        %swap3A_567 = tpu.vector_load %arg28[%swap3A_566] {strides = array<i32>} : memref<512xf32, #tpu.memory_space<vmem>>, vector<16xf32>,
        tpu.vector_store %arg28[%swap3A_566], %add3A_559 {strides = array<i32>} : memref<512xf32, #tpu.memory_space<vmem>>, vector<16xf32>,
      } else {
      }
      %eq3A_207 = arith.constant 1 : i32
      %eq3A_208 = arith.cmpi eq, %select_n3A_203, %eq3A_207 : i32
      %convert_element_type3A_209 = arith.extui %eq3A_208 : i1 to i32
      %cond3A_210 = arith.constant 0 : i32
      %cond3A_211 = arith.cmpi ne, %convert_element_type3A_209, %cond3A_210 : i32
      scf.if %cond3A_211 {
        %add3A_213 = arith.constant 1 : i32
        %add3A_214 = arith.addi %scan3A_193, %add3A_213 : i32
        %lt3A_215 = arith.constant 32 : i32
        %lt3A_216 = arith.cmpi slt, %add3A_214, %lt3A_215 : i32
        %convert_element_type3A_217 = arith.extui %lt3A_216 : i1 to i32
        %cond3A_218 = arith.constant 0 : i32
        %cond3A_219 = arith.cmpi ne, %convert_element_type3A_217, %cond3A_218 : i32
        scf.if %cond3A_219 {
          %add3A_568 = arith.constant 1 : i32
          %add3A_569 = arith.addi %scan3A_193, %add3A_568 : i32
          %mul3A_570 = arith.constant 16 : i32
          %mul3A_571 = arith.muli %add3A_569, %mul3A_570 : i32
          %add3A_572 = arith.addi %mul3A_2, %mul3A_571 : i32
          "tpu.region"() ({
            %run_scoped3A = tpu.sem_alloc : memref<!tpu.dma_semaphore, #tpu.memory_space<semaphore_mem>>
            %dma_start3A_759 = tpu.memref_slice %arg2[%add3A_572] : memref<16384xi32, #tpu.memory_space<hbm>> -> memref<16xi32, #tpu.memory_space<hbm>>
            %dma_start3A_760 = tpu.memref_slice %arg2[%add3A_572] : memref<16384xi32, #tpu.memory_space<hbm>> -> memref<16xi32, #tpu.memory_space<hbm>>
            tpu.enqueue_dma source(%dma_start3A_760 : memref<16xi32, #tpu.memory_space<hbm>>) target(%arg9 : memref<16xi32, #tpu.memory_space<vmem>>) target_semaphore(%run_scoped3A : memref<!tpu.dma_semaphore, #tpu.memory_space<semaphore_mem>>)
            %dma_wait3A_761 = tpu.memref_slice %arg2[%add3A_572] : memref<16384xi32, #tpu.memory_space<hbm>> -> memref<16xi32, #tpu.memory_space<hbm>>
            %dma_wait3A_762 = tpu.memref_slice %arg2[%add3A_572] : memref<16384xi32, #tpu.memory_space<hbm>> -> memref<16xi32, #tpu.memory_space<hbm>>
            tpu.wait_dma2 semaphore(%run_scoped3A : memref<!tpu.dma_semaphore, #tpu.memory_space<semaphore_mem>>) src(%dma_wait3A_762 : memref<16xi32, #tpu.memory_space<hbm>>) dst(%arg9 : memref<16xi32, #tpu.memory_space<vmem>>)
            tpu.yield
          }) : () -> ()
          "tpu.region"() ({
            %run_scoped3A = tpu.sem_alloc : memref<!tpu.dma_semaphore, #tpu.memory_space<semaphore_mem>>
            %dma_start3A_759 = tpu.memref_slice %arg3[%add3A_572] : memref<16384xi32, #tpu.memory_space<hbm>> -> memref<16xi32, #tpu.memory_space<hbm>>
            %dma_start3A_760 = tpu.memref_slice %arg3[%add3A_572] : memref<16384xi32, #tpu.memory_space<hbm>> -> memref<16xi32, #tpu.memory_space<hbm>>
            tpu.enqueue_dma source(%dma_start3A_760 : memref<16xi32, #tpu.memory_space<hbm>>) target(%arg10 : memref<16xi32, #tpu.memory_space<vmem>>) target_semaphore(%run_scoped3A : memref<!tpu.dma_semaphore, #tpu.memory_space<semaphore_mem>>)
            %dma_wait3A_761 = tpu.memref_slice %arg3[%add3A_572] : memref<16384xi32, #tpu.memory_space<hbm>> -> memref<16xi32, #tpu.memory_space<hbm>>
            %dma_wait3A_762 = tpu.memref_slice %arg3[%add3A_572] : memref<16384xi32, #tpu.memory_space<hbm>> -> memref<16xi32, #tpu.memory_space<hbm>>
            tpu.wait_dma2 semaphore(%run_scoped3A : memref<!tpu.dma_semaphore, #tpu.memory_space<semaphore_mem>>) src(%dma_wait3A_762 : memref<16xi32, #tpu.memory_space<hbm>>) dst(%arg10 : memref<16xi32, #tpu.memory_space<vmem>>)
            tpu.yield
          }) : () -> ()
          %mul3A_573 = arith.constant 20 : i32
          %mul3A_574 = arith.muli %add3A_572, %mul3A_573 : i32
          "tpu.region"() ({
            %run_scoped3A = tpu.sem_alloc : memref<!tpu.dma_semaphore, #tpu.memory_space<semaphore_mem>>
            %dma_start3A_759 = tpu.memref_slice %arg4[%mul3A_574] : memref<327680xi32, #tpu.memory_space<hbm>> -> memref<320xi32, #tpu.memory_space<hbm>>
            %dma_start3A_760 = tpu.memref_slice %arg4[%mul3A_574] : memref<327680xi32, #tpu.memory_space<hbm>> -> memref<320xi32, #tpu.memory_space<hbm>>
            tpu.enqueue_dma source(%dma_start3A_760 : memref<320xi32, #tpu.memory_space<hbm>>) target(%arg11 : memref<320xi32, #tpu.memory_space<vmem>>) target_semaphore(%run_scoped3A : memref<!tpu.dma_semaphore, #tpu.memory_space<semaphore_mem>>)
            %dma_wait3A_761 = tpu.memref_slice %arg4[%mul3A_574] : memref<327680xi32, #tpu.memory_space<hbm>> -> memref<320xi32, #tpu.memory_space<hbm>>
            %dma_wait3A_762 = tpu.memref_slice %arg4[%mul3A_574] : memref<327680xi32, #tpu.memory_space<hbm>> -> memref<320xi32, #tpu.memory_space<hbm>>
            tpu.wait_dma2 semaphore(%run_scoped3A : memref<!tpu.dma_semaphore, #tpu.memory_space<semaphore_mem>>) src(%dma_wait3A_762 : memref<320xi32, #tpu.memory_space<hbm>>) dst(%arg11 : memref<320xi32, #tpu.memory_space<vmem>>)
            tpu.yield
          }) : () -> ()
          %get3A_575 = arith.constant 0 : index
          %get3A_576 = tpu.vector_load %arg9[%get3A_575] {strides = array<i32>} : memref<16xi32, #tpu.memory_space<vmem>>, vector<16xi32>,
          %shift_right_arithmetic3A_577 = arith.constant 1 : i32
          %shift_right_arithmetic3A_578 = vector.broadcast %shift_right_arithmetic3A_577 : i32 to vector<16xi32>
          %shift_right_arithmetic3A_579 = arith.shrsi %get3A_576, %shift_right_arithmetic3A_578 : vector<16xi32>
          %swap3A_580 = arith.constant 0 : index
          %swap3A_581 = tpu.vector_load %arg12[%swap3A_580] {strides = array<i32>} : memref<16xi32, #tpu.memory_space<vmem>>, vector<16xi32>,
          tpu.vector_store %arg12[%swap3A_580], %shift_right_arithmetic3A_579 {strides = array<i32>} : memref<16xi32, #tpu.memory_space<vmem>>, vector<16xi32>,
          %get3A_582 = arith.constant 0 : index
          %get3A_583 = tpu.vector_load %arg10[%get3A_582] {strides = array<i32>} : memref<16xi32, #tpu.memory_space<vmem>>, vector<16xi32>,
          %shift_right_arithmetic3A_584 = arith.constant 1 : i32
          %shift_right_arithmetic3A_585 = vector.broadcast %shift_right_arithmetic3A_584 : i32 to vector<16xi32>
          %shift_right_arithmetic3A_586 = arith.shrsi %get3A_583, %shift_right_arithmetic3A_585 : vector<16xi32>
          %swap3A_587 = arith.constant 0 : index
          %swap3A_588 = tpu.vector_load %arg13[%swap3A_587] {strides = array<i32>} : memref<16xi32, #tpu.memory_space<vmem>>, vector<16xi32>,
          tpu.vector_store %arg13[%swap3A_587], %shift_right_arithmetic3A_586 {strides = array<i32>} : memref<16xi32, #tpu.memory_space<vmem>>, vector<16xi32>,
          %get3A_589 = arith.constant 0 : index
          %get3A_590 = tpu.vector_load %arg11[%get3A_589] {strides = array<i32>} : memref<320xi32, #tpu.memory_space<vmem>>, vector<16xi32>,
          %shift_right_arithmetic3A_591 = arith.constant 1 : i32
          %shift_right_arithmetic3A_592 = vector.broadcast %shift_right_arithmetic3A_591 : i32 to vector<16xi32>
          %shift_right_arithmetic3A_593 = arith.shrsi %get3A_590, %shift_right_arithmetic3A_592 : vector<16xi32>
          %swap3A_594 = arith.constant 0 : index
          %swap3A_595 = tpu.vector_load %arg14[%swap3A_594] {strides = array<i32>} : memref<320xi32, #tpu.memory_space<vmem>>, vector<16xi32>,
          tpu.vector_store %arg14[%swap3A_594], %shift_right_arithmetic3A_593 {strides = array<i32>} : memref<320xi32, #tpu.memory_space<vmem>>, vector<16xi32>,
          %get3A_596 = arith.constant 16 : index
          %get3A_597 = tpu.vector_load %arg11[%get3A_596] {strides = array<i32>} : memref<320xi32, #tpu.memory_space<vmem>>, vector<16xi32>,
          %shift_right_arithmetic3A_598 = arith.constant 1 : i32
          %shift_right_arithmetic3A_599 = vector.broadcast %shift_right_arithmetic3A_598 : i32 to vector<16xi32>
          %shift_right_arithmetic3A_600 = arith.shrsi %get3A_597, %shift_right_arithmetic3A_599 : vector<16xi32>
          %swap3A_601 = arith.constant 16 : index
          %swap3A_602 = tpu.vector_load %arg14[%swap3A_601] {strides = array<i32>} : memref<320xi32, #tpu.memory_space<vmem>>, vector<16xi32>,
          tpu.vector_store %arg14[%swap3A_601], %shift_right_arithmetic3A_600 {strides = array<i32>} : memref<320xi32, #tpu.memory_space<vmem>>, vector<16xi32>,
          %get3A_603 = arith.constant 32 : index
          %get3A_604 = tpu.vector_load %arg11[%get3A_603] {strides = array<i32>} : memref<320xi32, #tpu.memory_space<vmem>>, vector<16xi32>,
          %shift_right_arithmetic3A_605 = arith.constant 1 : i32
          %shift_right_arithmetic3A_606 = vector.broadcast %shift_right_arithmetic3A_605 : i32 to vector<16xi32>
          %shift_right_arithmetic3A_607 = arith.shrsi %get3A_604, %shift_right_arithmetic3A_606 : vector<16xi32>
          %swap3A_608 = arith.constant 32 : index
          %swap3A_609 = tpu.vector_load %arg14[%swap3A_608] {strides = array<i32>} : memref<320xi32, #tpu.memory_space<vmem>>, vector<16xi32>,
          tpu.vector_store %arg14[%swap3A_608], %shift_right_arithmetic3A_607 {strides = array<i32>} : memref<320xi32, #tpu.memory_space<vmem>>, vector<16xi32>,
          %get3A_610 = arith.constant 48 : index
          %get3A_611 = tpu.vector_load %arg11[%get3A_610] {strides = array<i32>} : memref<320xi32, #tpu.memory_space<vmem>>, vector<16xi32>,
          %shift_right_arithmetic3A_612 = arith.constant 1 : i32
          %shift_right_arithmetic3A_613 = vector.broadcast %shift_right_arithmetic3A_612 : i32 to vector<16xi32>
          %shift_right_arithmetic3A_614 = arith.shrsi %get3A_611, %shift_right_arithmetic3A_613 : vector<16xi32>
          %swap3A_615 = arith.constant 48 : index
          %swap3A_616 = tpu.vector_load %arg14[%swap3A_615] {strides = array<i32>} : memref<320xi32, #tpu.memory_space<vmem>>, vector<16xi32>,
          tpu.vector_store %arg14[%swap3A_615], %shift_right_arithmetic3A_614 {strides = array<i32>} : memref<320xi32, #tpu.memory_space<vmem>>, vector<16xi32>,
          %get3A_617 = arith.constant 64 : index
          %get3A_618 = tpu.vector_load %arg11[%get3A_617] {strides = array<i32>} : memref<320xi32, #tpu.memory_space<vmem>>, vector<16xi32>,
          %shift_right_arithmetic3A_619 = arith.constant 1 : i32
          %shift_right_arithmetic3A_620 = vector.broadcast %shift_right_arithmetic3A_619 : i32 to vector<16xi32>
          %shift_right_arithmetic3A_621 = arith.shrsi %get3A_618, %shift_right_arithmetic3A_620 : vector<16xi32>
          %swap3A_622 = arith.constant 64 : index
          %swap3A_623 = tpu.vector_load %arg14[%swap3A_622] {strides = array<i32>} : memref<320xi32, #tpu.memory_space<vmem>>, vector<16xi32>,
          tpu.vector_store %arg14[%swap3A_622], %shift_right_arithmetic3A_621 {strides = array<i32>} : memref<320xi32, #tpu.memory_space<vmem>>, vector<16xi32>,
          %get3A_624 = arith.constant 80 : index
          %get3A_625 = tpu.vector_load %arg11[%get3A_624] {strides = array<i32>} : memref<320xi32, #tpu.memory_space<vmem>>, vector<16xi32>,
          %shift_right_arithmetic3A_626 = arith.constant 1 : i32
          %shift_right_arithmetic3A_627 = vector.broadcast %shift_right_arithmetic3A_626 : i32 to vector<16xi32>
          %shift_right_arithmetic3A_628 = arith.shrsi %get3A_625, %shift_right_arithmetic3A_627 : vector<16xi32>
          %swap3A_629 = arith.constant 80 : index
          %swap3A_630 = tpu.vector_load %arg14[%swap3A_629] {strides = array<i32>} : memref<320xi32, #tpu.memory_space<vmem>>, vector<16xi32>,
          tpu.vector_store %arg14[%swap3A_629], %shift_right_arithmetic3A_628 {strides = array<i32>} : memref<320xi32, #tpu.memory_space<vmem>>, vector<16xi32>,
          %get3A_631 = arith.constant 96 : index
          %get3A_632 = tpu.vector_load %arg11[%get3A_631] {strides = array<i32>} : memref<320xi32, #tpu.memory_space<vmem>>, vector<16xi32>,
          %shift_right_arithmetic3A_633 = arith.constant 1 : i32
          %shift_right_arithmetic3A_634 = vector.broadcast %shift_right_arithmetic3A_633 : i32 to vector<16xi32>
          %shift_right_arithmetic3A_635 = arith.shrsi %get3A_632, %shift_right_arithmetic3A_634 : vector<16xi32>
          %swap3A_636 = arith.constant 96 : index
          %swap3A_637 = tpu.vector_load %arg14[%swap3A_636] {strides = array<i32>} : memref<320xi32, #tpu.memory_space<vmem>>, vector<16xi32>,
          tpu.vector_store %arg14[%swap3A_636], %shift_right_arithmetic3A_635 {strides = array<i32>} : memref<320xi32, #tpu.memory_space<vmem>>, vector<16xi32>,
          %get3A_638 = arith.constant 112 : index
          %get3A_639 = tpu.vector_load %arg11[%get3A_638] {strides = array<i32>} : memref<320xi32, #tpu.memory_space<vmem>>, vector<16xi32>,
          %shift_right_arithmetic3A_640 = arith.constant 1 : i32
          %shift_right_arithmetic3A_641 = vector.broadcast %shift_right_arithmetic3A_640 : i32 to vector<16xi32>
          %shift_right_arithmetic3A_642 = arith.shrsi %get3A_639, %shift_right_arithmetic3A_641 : vector<16xi32>
          %swap3A_643 = arith.constant 112 : index
          %swap3A_644 = tpu.vector_load %arg14[%swap3A_643] {strides = array<i32>} : memref<320xi32, #tpu.memory_space<vmem>>, vector<16xi32>,
          tpu.vector_store %arg14[%swap3A_643], %shift_right_arithmetic3A_642 {strides = array<i32>} : memref<320xi32, #tpu.memory_space<vmem>>, vector<16xi32>,
          %get3A_645 = arith.constant 128 : index
          %get3A_646 = tpu.vector_load %arg11[%get3A_645] {strides = array<i32>} : memref<320xi32, #tpu.memory_space<vmem>>, vector<16xi32>,
          %shift_right_arithmetic3A_647 = arith.constant 1 : i32
          %shift_right_arithmetic3A_648 = vector.broadcast %shift_right_arithmetic3A_647 : i32 to vector<16xi32>
          %shift_right_arithmetic3A_649 = arith.shrsi %get3A_646, %shift_right_arithmetic3A_648 : vector<16xi32>
          %swap3A_650 = arith.constant 128 : index
          %swap3A_651 = tpu.vector_load %arg14[%swap3A_650] {strides = array<i32>} : memref<320xi32, #tpu.memory_space<vmem>>, vector<16xi32>,
          tpu.vector_store %arg14[%swap3A_650], %shift_right_arithmetic3A_649 {strides = array<i32>} : memref<320xi32, #tpu.memory_space<vmem>>, vector<16xi32>,
          %get3A_652 = arith.constant 144 : index
          %get3A_653 = tpu.vector_load %arg11[%get3A_652] {strides = array<i32>} : memref<320xi32, #tpu.memory_space<vmem>>, vector<16xi32>,
          %shift_right_arithmetic3A_654 = arith.constant 1 : i32
          %shift_right_arithmetic3A_655 = vector.broadcast %shift_right_arithmetic3A_654 : i32 to vector<16xi32>
          %shift_right_arithmetic3A_656 = arith.shrsi %get3A_653, %shift_right_arithmetic3A_655 : vector<16xi32>
          %swap3A_657 = arith.constant 144 : index
          %swap3A_658 = tpu.vector_load %arg14[%swap3A_657] {strides = array<i32>} : memref<320xi32, #tpu.memory_space<vmem>>, vector<16xi32>,
          tpu.vector_store %arg14[%swap3A_657], %shift_right_arithmetic3A_656 {strides = array<i32>} : memref<320xi32, #tpu.memory_space<vmem>>, vector<16xi32>,
          %get3A_659 = arith.constant 160 : index
          %get3A_660 = tpu.vector_load %arg11[%get3A_659] {strides = array<i32>} : memref<320xi32, #tpu.memory_space<vmem>>, vector<16xi32>,
          %shift_right_arithmetic3A_661 = arith.constant 1 : i32
          %shift_right_arithmetic3A_662 = vector.broadcast %shift_right_arithmetic3A_661 : i32 to vector<16xi32>
          %shift_right_arithmetic3A_663 = arith.shrsi %get3A_660, %shift_right_arithmetic3A_662 : vector<16xi32>
          %swap3A_664 = arith.constant 160 : index
          %swap3A_665 = tpu.vector_load %arg14[%swap3A_664] {strides = array<i32>} : memref<320xi32, #tpu.memory_space<vmem>>, vector<16xi32>,
          tpu.vector_store %arg14[%swap3A_664], %shift_right_arithmetic3A_663 {strides = array<i32>} : memref<320xi32, #tpu.memory_space<vmem>>, vector<16xi32>,
          %get3A_666 = arith.constant 176 : index
          %get3A_667 = tpu.vector_load %arg11[%get3A_666] {strides = array<i32>} : memref<320xi32, #tpu.memory_space<vmem>>, vector<16xi32>,
          %shift_right_arithmetic3A_668 = arith.constant 1 : i32
          %shift_right_arithmetic3A_669 = vector.broadcast %shift_right_arithmetic3A_668 : i32 to vector<16xi32>
          %shift_right_arithmetic3A_670 = arith.shrsi %get3A_667, %shift_right_arithmetic3A_669 : vector<16xi32>
          %swap3A_671 = arith.constant 176 : index
          %swap3A_672 = tpu.vector_load %arg14[%swap3A_671] {strides = array<i32>} : memref<320xi32, #tpu.memory_space<vmem>>, vector<16xi32>,
          tpu.vector_store %arg14[%swap3A_671], %shift_right_arithmetic3A_670 {strides = array<i32>} : memref<320xi32, #tpu.memory_space<vmem>>, vector<16xi32>,
          %get3A_673 = arith.constant 192 : index
          %get3A_674 = tpu.vector_load %arg11[%get3A_673] {strides = array<i32>} : memref<320xi32, #tpu.memory_space<vmem>>, vector<16xi32>,
          %shift_right_arithmetic3A_675 = arith.constant 1 : i32
          %shift_right_arithmetic3A_676 = vector.broadcast %shift_right_arithmetic3A_675 : i32 to vector<16xi32>
          %shift_right_arithmetic3A_677 = arith.shrsi %get3A_674, %shift_right_arithmetic3A_676 : vector<16xi32>
          %swap3A_678 = arith.constant 192 : index
          %swap3A_679 = tpu.vector_load %arg14[%swap3A_678] {strides = array<i32>} : memref<320xi32, #tpu.memory_space<vmem>>, vector<16xi32>,
          tpu.vector_store %arg14[%swap3A_678], %shift_right_arithmetic3A_677 {strides = array<i32>} : memref<320xi32, #tpu.memory_space<vmem>>, vector<16xi32>,
          %get3A_680 = arith.constant 208 : index
          %get3A_681 = tpu.vector_load %arg11[%get3A_680] {strides = array<i32>} : memref<320xi32, #tpu.memory_space<vmem>>, vector<16xi32>,
          %shift_right_arithmetic3A_682 = arith.constant 1 : i32
          %shift_right_arithmetic3A_683 = vector.broadcast %shift_right_arithmetic3A_682 : i32 to vector<16xi32>
          %shift_right_arithmetic3A_684 = arith.shrsi %get3A_681, %shift_right_arithmetic3A_683 : vector<16xi32>
          %swap3A_685 = arith.constant 208 : index
          %swap3A_686 = tpu.vector_load %arg14[%swap3A_685] {strides = array<i32>} : memref<320xi32, #tpu.memory_space<vmem>>, vector<16xi32>,
          tpu.vector_store %arg14[%swap3A_685], %shift_right_arithmetic3A_684 {strides = array<i32>} : memref<320xi32, #tpu.memory_space<vmem>>, vector<16xi32>,
          %get3A_687 = arith.constant 224 : index
          %get3A_688 = tpu.vector_load %arg11[%get3A_687] {strides = array<i32>} : memref<320xi32, #tpu.memory_space<vmem>>, vector<16xi32>,
          %shift_right_arithmetic3A_689 = arith.constant 1 : i32
          %shift_right_arithmetic3A_690 = vector.broadcast %shift_right_arithmetic3A_689 : i32 to vector<16xi32>
          %shift_right_arithmetic3A_691 = arith.shrsi %get3A_688, %shift_right_arithmetic3A_690 : vector<16xi32>
          %swap3A_692 = arith.constant 224 : index
          %swap3A_693 = tpu.vector_load %arg14[%swap3A_692] {strides = array<i32>} : memref<320xi32, #tpu.memory_space<vmem>>, vector<16xi32>,
          tpu.vector_store %arg14[%swap3A_692], %shift_right_arithmetic3A_691 {strides = array<i32>} : memref<320xi32, #tpu.memory_space<vmem>>, vector<16xi32>,
          %get3A_694 = arith.constant 240 : index
          %get3A_695 = tpu.vector_load %arg11[%get3A_694] {strides = array<i32>} : memref<320xi32, #tpu.memory_space<vmem>>, vector<16xi32>,
          %shift_right_arithmetic3A_696 = arith.constant 1 : i32
          %shift_right_arithmetic3A_697 = vector.broadcast %shift_right_arithmetic3A_696 : i32 to vector<16xi32>
          %shift_right_arithmetic3A_698 = arith.shrsi %get3A_695, %shift_right_arithmetic3A_697 : vector<16xi32>
          %swap3A_699 = arith.constant 240 : index
          %swap3A_700 = tpu.vector_load %arg14[%swap3A_699] {strides = array<i32>} : memref<320xi32, #tpu.memory_space<vmem>>, vector<16xi32>,
          tpu.vector_store %arg14[%swap3A_699], %shift_right_arithmetic3A_698 {strides = array<i32>} : memref<320xi32, #tpu.memory_space<vmem>>, vector<16xi32>,
          %get3A_701 = arith.constant 256 : index
          %get3A_702 = tpu.vector_load %arg11[%get3A_701] {strides = array<i32>} : memref<320xi32, #tpu.memory_space<vmem>>, vector<16xi32>,
          %shift_right_arithmetic3A_703 = arith.constant 1 : i32
          %shift_right_arithmetic3A_704 = vector.broadcast %shift_right_arithmetic3A_703 : i32 to vector<16xi32>
          %shift_right_arithmetic3A_705 = arith.shrsi %get3A_702, %shift_right_arithmetic3A_704 : vector<16xi32>
          %swap3A_706 = arith.constant 256 : index
          %swap3A_707 = tpu.vector_load %arg14[%swap3A_706] {strides = array<i32>} : memref<320xi32, #tpu.memory_space<vmem>>, vector<16xi32>,
          tpu.vector_store %arg14[%swap3A_706], %shift_right_arithmetic3A_705 {strides = array<i32>} : memref<320xi32, #tpu.memory_space<vmem>>, vector<16xi32>,
          %get3A_708 = arith.constant 272 : index
          %get3A_709 = tpu.vector_load %arg11[%get3A_708] {strides = array<i32>} : memref<320xi32, #tpu.memory_space<vmem>>, vector<16xi32>,
          %shift_right_arithmetic3A_710 = arith.constant 1 : i32
          %shift_right_arithmetic3A_711 = vector.broadcast %shift_right_arithmetic3A_710 : i32 to vector<16xi32>
          %shift_right_arithmetic3A_712 = arith.shrsi %get3A_709, %shift_right_arithmetic3A_711 : vector<16xi32>
          %swap3A_713 = arith.constant 272 : index
          %swap3A_714 = tpu.vector_load %arg14[%swap3A_713] {strides = array<i32>} : memref<320xi32, #tpu.memory_space<vmem>>, vector<16xi32>,
          tpu.vector_store %arg14[%swap3A_713], %shift_right_arithmetic3A_712 {strides = array<i32>} : memref<320xi32, #tpu.memory_space<vmem>>, vector<16xi32>,
          %get3A_715 = arith.constant 288 : index
          %get3A_716 = tpu.vector_load %arg11[%get3A_715] {strides = array<i32>} : memref<320xi32, #tpu.memory_space<vmem>>, vector<16xi32>,
          %shift_right_arithmetic3A_717 = arith.constant 1 : i32
          %shift_right_arithmetic3A_718 = vector.broadcast %shift_right_arithmetic3A_717 : i32 to vector<16xi32>
          %shift_right_arithmetic3A_719 = arith.shrsi %get3A_716, %shift_right_arithmetic3A_718 : vector<16xi32>
          %swap3A_720 = arith.constant 288 : index
          %swap3A_721 = tpu.vector_load %arg14[%swap3A_720] {strides = array<i32>} : memref<320xi32, #tpu.memory_space<vmem>>, vector<16xi32>,
          tpu.vector_store %arg14[%swap3A_720], %shift_right_arithmetic3A_719 {strides = array<i32>} : memref<320xi32, #tpu.memory_space<vmem>>, vector<16xi32>,
          %get3A_722 = arith.constant 304 : index
          %get3A_723 = tpu.vector_load %arg11[%get3A_722] {strides = array<i32>} : memref<320xi32, #tpu.memory_space<vmem>>, vector<16xi32>,
          %shift_right_arithmetic3A_724 = arith.constant 1 : i32
          %shift_right_arithmetic3A_725 = vector.broadcast %shift_right_arithmetic3A_724 : i32 to vector<16xi32>
          %shift_right_arithmetic3A_726 = arith.shrsi %get3A_723, %shift_right_arithmetic3A_725 : vector<16xi32>
          %swap3A_727 = arith.constant 304 : index
          %swap3A_728 = tpu.vector_load %arg14[%swap3A_727] {strides = array<i32>} : memref<320xi32, #tpu.memory_space<vmem>>, vector<16xi32>,
          tpu.vector_store %arg14[%swap3A_727], %shift_right_arithmetic3A_726 {strides = array<i32>} : memref<320xi32, #tpu.memory_space<vmem>>, vector<16xi32>,
          %dma_start3A_729 = arith.constant 0 : i32
          %dma_start3A_730 = arith.constant 0 : i32
          %dma_start3A_731 = tpu.memref_slice %arg5[%dma_start3A_729, %dma_start3A_730] : memref<500000x128xf32, #tpu.memory_space<hbm>> -> memref<500000x128xf32, #tpu.memory_space<hbm>>
          tpu.enqueue_indirect_dma source(%dma_start3A_731 : memref<500000x128xf32, #tpu.memory_space<hbm>>) target(%arg15 : memref<16x128xf32, #tpu.memory_space<vmem>>) offsets(%arg12 : memref<16xi32, #tpu.memory_space<vmem>>) semaphore(%arg29 : memref<!tpu.dma_semaphore, #tpu.memory_space<semaphore_mem>>)
          %dma_start3A_732 = arith.constant 0 : i32
          %dma_start3A_733 = arith.constant 0 : i32
          %dma_start3A_734 = tpu.memref_slice %arg6[%dma_start3A_732, %dma_start3A_733] : memref<500000x128xf32, #tpu.memory_space<hbm>> -> memref<500000x128xf32, #tpu.memory_space<hbm>>
          tpu.enqueue_indirect_dma source(%dma_start3A_734 : memref<500000x128xf32, #tpu.memory_space<hbm>>) target(%arg16 : memref<16x128xf32, #tpu.memory_space<vmem>>) offsets(%arg13 : memref<16xi32, #tpu.memory_space<vmem>>) semaphore(%arg29 : memref<!tpu.dma_semaphore, #tpu.memory_space<semaphore_mem>>)
          %dma_start3A_735 = arith.constant 0 : i32
          %dma_start3A_736 = arith.constant 0 : i32
          %dma_start3A_737 = tpu.memref_slice %arg17[%dma_start3A_735, %dma_start3A_736] : memref<320x128xf32, #tpu.memory_space<vmem>> -> memref<128x128xf32, #tpu.memory_space<vmem>>
          %dma_start3A_738 = arith.constant 0 : i32
          %dma_start3A_739 = tpu.memref_slice %arg14[%dma_start3A_738] : memref<320xi32, #tpu.memory_space<vmem>> -> memref<128xi32, #tpu.memory_space<vmem>>
          %dma_start3A_740 = arith.constant 0 : i32
          %dma_start3A_741 = arith.constant 0 : i32
          %dma_start3A_742 = tpu.memref_slice %arg6[%dma_start3A_740, %dma_start3A_741] : memref<500000x128xf32, #tpu.memory_space<hbm>> -> memref<500000x128xf32, #tpu.memory_space<hbm>>
          tpu.enqueue_indirect_dma source(%dma_start3A_742 : memref<500000x128xf32, #tpu.memory_space<hbm>>) target(%dma_start3A_737 : memref<128x128xf32, #tpu.memory_space<vmem>>) offsets(%dma_start3A_739 : memref<128xi32, #tpu.memory_space<vmem>>) semaphore(%arg29 : memref<!tpu.dma_semaphore, #tpu.memory_space<semaphore_mem>>)
          %dma_start3A_743 = arith.constant 128 : i32
          %dma_start3A_744 = arith.constant 0 : i32
          %dma_start3A_745 = tpu.memref_slice %arg17[%dma_start3A_743, %dma_start3A_744] : memref<320x128xf32, #tpu.memory_space<vmem>> -> memref<128x128xf32, #tpu.memory_space<vmem>>
          %dma_start3A_746 = arith.constant 128 : i32
          %dma_start3A_747 = tpu.memref_slice %arg14[%dma_start3A_746] : memref<320xi32, #tpu.memory_space<vmem>> -> memref<128xi32, #tpu.memory_space<vmem>>
          %dma_start3A_748 = arith.constant 0 : i32
          %dma_start3A_749 = arith.constant 0 : i32
          %dma_start3A_750 = tpu.memref_slice %arg6[%dma_start3A_748, %dma_start3A_749] : memref<500000x128xf32, #tpu.memory_space<hbm>> -> memref<500000x128xf32, #tpu.memory_space<hbm>>
          tpu.enqueue_indirect_dma source(%dma_start3A_750 : memref<500000x128xf32, #tpu.memory_space<hbm>>) target(%dma_start3A_745 : memref<128x128xf32, #tpu.memory_space<vmem>>) offsets(%dma_start3A_747 : memref<128xi32, #tpu.memory_space<vmem>>) semaphore(%arg29 : memref<!tpu.dma_semaphore, #tpu.memory_space<semaphore_mem>>)
          %dma_start3A_751 = arith.constant 256 : i32
          %dma_start3A_752 = arith.constant 0 : i32
          %dma_start3A_753 = tpu.memref_slice %arg17[%dma_start3A_751, %dma_start3A_752] : memref<320x128xf32, #tpu.memory_space<vmem>> -> memref<64x128xf32, #tpu.memory_space<vmem>>
          %dma_start3A_754 = arith.constant 256 : i32
          %dma_start3A_755 = tpu.memref_slice %arg14[%dma_start3A_754] : memref<320xi32, #tpu.memory_space<vmem>> -> memref<64xi32, #tpu.memory_space<vmem>>
          %dma_start3A_756 = arith.constant 0 : i32
          %dma_start3A_757 = arith.constant 0 : i32
          %dma_start3A_758 = tpu.memref_slice %arg6[%dma_start3A_756, %dma_start3A_757] : memref<500000x128xf32, #tpu.memory_space<hbm>> -> memref<500000x128xf32, #tpu.memory_space<hbm>>
          tpu.enqueue_indirect_dma source(%dma_start3A_758 : memref<500000x128xf32, #tpu.memory_space<hbm>>) target(%dma_start3A_753 : memref<64x128xf32, #tpu.memory_space<vmem>>) offsets(%dma_start3A_755 : memref<64xi32, #tpu.memory_space<vmem>>) semaphore(%arg29 : memref<!tpu.dma_semaphore, #tpu.memory_space<semaphore_mem>>)
        } else {
        }
        %dma_wait3A = arith.constant 0 : i32
        %dma_wait3A_220 = arith.constant 0 : i32
        %dma_wait3A_221 = tpu.memref_slice %arg6[%dma_wait3A, %dma_wait3A_220] : memref<500000x128xf32, #tpu.memory_space<hbm>> -> memref<16x128xf32, #tpu.memory_space<hbm>>
        %dma_wait3A_222 = arith.constant 0 : i32
        %dma_wait3A_223 = arith.constant 0 : i32
        %dma_wait3A_224 = tpu.memref_slice %arg6[%dma_wait3A_222, %dma_wait3A_223] : memref<500000x128xf32, #tpu.memory_space<hbm>> -> memref<16x128xf32, #tpu.memory_space<hbm>>
        tpu.wait_dma2 semaphore(%arg30 : memref<!tpu.dma_semaphore, #tpu.memory_space<semaphore_mem>>) src(%dma_wait3A_224 : memref<16x128xf32, #tpu.memory_space<hbm>>) dst(%arg24 : memref<16x128xf32, #tpu.memory_space<vmem>>)
        %dma_wait3A_225 = arith.constant 0 : i32
        %dma_wait3A_226 = arith.constant 0 : i32
        %dma_wait3A_227 = tpu.memref_slice %arg6[%dma_wait3A_225, %dma_wait3A_226] : memref<500000x128xf32, #tpu.memory_space<hbm>> -> memref<16x128xf32, #tpu.memory_space<hbm>>
        %dma_wait3A_228 = arith.constant 0 : i32
        %dma_wait3A_229 = arith.constant 0 : i32
        %dma_wait3A_230 = tpu.memref_slice %arg6[%dma_wait3A_228, %dma_wait3A_229] : memref<500000x128xf32, #tpu.memory_space<hbm>> -> memref<16x128xf32, #tpu.memory_space<hbm>>
        tpu.wait_dma2 semaphore(%arg30 : memref<!tpu.dma_semaphore, #tpu.memory_space<semaphore_mem>>) src(%dma_wait3A_230 : memref<16x128xf32, #tpu.memory_space<hbm>>) dst(%arg25 : memref<16x128xf32, #tpu.memory_space<vmem>>)
        %dma_wait3A_231 = arith.constant 0 : i32
        %dma_wait3A_232 = arith.constant 0 : i32
        %dma_wait3A_233 = tpu.memref_slice %arg6[%dma_wait3A_231, %dma_wait3A_232] : memref<500000x128xf32, #tpu.memory_space<hbm>> -> memref<320x128xf32, #tpu.memory_space<hbm>>
        %dma_wait3A_234 = arith.constant 0 : i32
        %dma_wait3A_235 = arith.constant 0 : i32
        %dma_wait3A_236 = tpu.memref_slice %arg6[%dma_wait3A_234, %dma_wait3A_235] : memref<500000x128xf32, #tpu.memory_space<hbm>> -> memref<320x128xf32, #tpu.memory_space<hbm>>
        tpu.wait_dma2 semaphore(%arg30 : memref<!tpu.dma_semaphore, #tpu.memory_space<semaphore_mem>>) src(%dma_wait3A_236 : memref<320x128xf32, #tpu.memory_space<hbm>>) dst(%arg26 : memref<320x128xf32, #tpu.memory_space<vmem>>)
        %get3A_237 = arith.constant 0 : index
        %get3A_238 = tpu.vector_load %arg18[%get3A_237] {strides = array<i32>} : memref<16xi32, #tpu.memory_space<vmem>>, vector<16xi32>,
        %and3A_239 = arith.constant 1 : i32
        %and3A_240 = vector.broadcast %and3A_239 : i32 to vector<16xi32>
        %and3A_241 = arith.andi %get3A_238, %and3A_240 : vector<16xi32>
        %mul3A_242 = arith.constant 64 : i32
        %mul3A_243 = vector.broadcast %mul3A_242 : i32 to vector<16xi32>
        %mul3A_244 = arith.muli %and3A_241, %mul3A_243 : vector<16xi32>
        %get3A_245 = arith.constant 0 : index
        %get3A_246 = tpu.vector_load %arg19[%get3A_245] {strides = array<i32>} : memref<16xi32, #tpu.memory_space<vmem>>, vector<16xi32>,
        %and3A_247 = arith.constant 1 : i32
        %and3A_248 = vector.broadcast %and3A_247 : i32 to vector<16xi32>
        %and3A_249 = arith.andi %get3A_246, %and3A_248 : vector<16xi32>
        %mul3A_250 = arith.constant 64 : i32
        %mul3A_251 = vector.broadcast %mul3A_250 : i32 to vector<16xi32>
        %mul3A_252 = arith.muli %and3A_249, %mul3A_251 : vector<16xi32>
        %mul3A_253 = arith.constant 20 : i32
        %mul3A_254 = vector.broadcast %mul3A_253 : i32 to vector<16xi32>
        %mul3A_255 = arith.muli %iota3A, %mul3A_254 : vector<16xi32>
        %add3A_256 = arith.constant 0 : i32
        %add3A_257 = vector.broadcast %add3A_256 : i32 to vector<16xi32>
        %add3A_258 = arith.addi %mul3A_255, %add3A_257 : vector<16xi32>
        %gather3A = tpu.vector_load_idx %arg20[%add3A_258] : memref<320xi32, #tpu.memory_space<vmem>>[vector<16xi32>], vector<16xi32>,
        %and3A_259 = arith.constant 1 : i32
        %and3A_260 = vector.broadcast %and3A_259 : i32 to vector<16xi32>
        %and3A_261 = arith.andi %gather3A, %and3A_260 : vector<16xi32>
        %mul3A_262 = arith.constant 64 : i32
        %mul3A_263 = vector.broadcast %mul3A_262 : i32 to vector<16xi32>
        %mul3A_264 = arith.muli %and3A_261, %mul3A_263 : vector<16xi32>
        %mul3A_265 = arith.constant 20 : i32
        %mul3A_266 = vector.broadcast %mul3A_265 : i32 to vector<16xi32>
        %mul3A_267 = arith.muli %iota3A, %mul3A_266 : vector<16xi32>
        %add3A_268 = arith.constant 1 : i32
        %add3A_269 = vector.broadcast %add3A_268 : i32 to vector<16xi32>
        %add3A_270 = arith.addi %mul3A_267, %add3A_269 : vector<16xi32>
        %gather3A_271 = tpu.vector_load_idx %arg20[%add3A_270] : memref<320xi32, #tpu.memory_space<vmem>>[vector<16xi32>], vector<16xi32>,
        %and3A_272 = arith.constant 1 : i32
        %and3A_273 = vector.broadcast %and3A_272 : i32 to vector<16xi32>
        %and3A_274 = arith.andi %gather3A_271, %and3A_273 : vector<16xi32>
        %mul3A_275 = arith.constant 64 : i32
        %mul3A_276 = vector.broadcast %mul3A_275 : i32 to vector<16xi32>
        %mul3A_277 = arith.muli %and3A_274, %mul3A_276 : vector<16xi32>
        %mul3A_278 = arith.constant 20 : i32
        %mul3A_279 = vector.broadcast %mul3A_278 : i32 to vector<16xi32>
        %mul3A_280 = arith.muli %iota3A, %mul3A_279 : vector<16xi32>
        %add3A_281 = arith.constant 2 : i32
        %add3A_282 = vector.broadcast %add3A_281 : i32 to vector<16xi32>
        %add3A_283 = arith.addi %mul3A_280, %add3A_282 : vector<16xi32>
        %gather3A_284 = tpu.vector_load_idx %arg20[%add3A_283] : memref<320xi32, #tpu.memory_space<vmem>>[vector<16xi32>], vector<16xi32>,
        %and3A_285 = arith.constant 1 : i32
        %and3A_286 = vector.broadcast %and3A_285 : i32 to vector<16xi32>
        %and3A_287 = arith.andi %gather3A_284, %and3A_286 : vector<16xi32>
        %mul3A_288 = arith.constant 64 : i32
        %mul3A_289 = vector.broadcast %mul3A_288 : i32 to vector<16xi32>
        %mul3A_290 = arith.muli %and3A_287, %mul3A_289 : vector<16xi32>
        %mul3A_291 = arith.constant 20 : i32
        %mul3A_292 = vector.broadcast %mul3A_291 : i32 to vector<16xi32>
        %mul3A_293 = arith.muli %iota3A, %mul3A_292 : vector<16xi32>
        %add3A_294 = arith.constant 3 : i32
        %add3A_295 = vector.broadcast %add3A_294 : i32 to vector<16xi32>
        %add3A_296 = arith.addi %mul3A_293, %add3A_295 : vector<16xi32>
        %gather3A_297 = tpu.vector_load_idx %arg20[%add3A_296] : memref<320xi32, #tpu.memory_space<vmem>>[vector<16xi32>], vector<16xi32>,
        %and3A_298 = arith.constant 1 : i32
        %and3A_299 = vector.broadcast %and3A_298 : i32 to vector<16xi32>
        %and3A_300 = arith.andi %gather3A_297, %and3A_299 : vector<16xi32>
        %mul3A_301 = arith.constant 64 : i32
        %mul3A_302 = vector.broadcast %mul3A_301 : i32 to vector<16xi32>
        %mul3A_303 = arith.muli %and3A_300, %mul3A_302 : vector<16xi32>
        %mul3A_304 = arith.constant 20 : i32
        %mul3A_305 = vector.broadcast %mul3A_304 : i32 to vector<16xi32>
        %mul3A_306 = arith.muli %iota3A, %mul3A_305 : vector<16xi32>
        %add3A_307 = arith.constant 4 : i32
        %add3A_308 = vector.broadcast %add3A_307 : i32 to vector<16xi32>
        %add3A_309 = arith.addi %mul3A_306, %add3A_308 : vector<16xi32>
        %gather3A_310 = tpu.vector_load_idx %arg20[%add3A_309] : memref<320xi32, #tpu.memory_space<vmem>>[vector<16xi32>], vector<16xi32>,
        %and3A_311 = arith.constant 1 : i32
        %and3A_312 = vector.broadcast %and3A_311 : i32 to vector<16xi32>
        %and3A_313 = arith.andi %gather3A_310, %and3A_312 : vector<16xi32>
        %mul3A_314 = arith.constant 64 : i32
        %mul3A_315 = vector.broadcast %mul3A_314 : i32 to vector<16xi32>
        %mul3A_316 = arith.muli %and3A_313, %mul3A_315 : vector<16xi32>
        %mul3A_317 = arith.constant 20 : i32
        %mul3A_318 = vector.broadcast %mul3A_317 : i32 to vector<16xi32>
        %mul3A_319 = arith.muli %iota3A, %mul3A_318 : vector<16xi32>
        %add3A_320 = arith.constant 5 : i32
        %add3A_321 = vector.broadcast %add3A_320 : i32 to vector<16xi32>
        %add3A_322 = arith.addi %mul3A_319, %add3A_321 : vector<16xi32>
        %gather3A_323 = tpu.vector_load_idx %arg20[%add3A_322] : memref<320xi32, #tpu.memory_space<vmem>>[vector<16xi32>], vector<16xi32>,
        %and3A_324 = arith.constant 1 : i32
        %and3A_325 = vector.broadcast %and3A_324 : i32 to vector<16xi32>
        %and3A_326 = arith.andi %gather3A_323, %and3A_325 : vector<16xi32>
        %mul3A_327 = arith.constant 64 : i32
        %mul3A_328 = vector.broadcast %mul3A_327 : i32 to vector<16xi32>
        %mul3A_329 = arith.muli %and3A_326, %mul3A_328 : vector<16xi32>
        %mul3A_330 = arith.constant 20 : i32
        %mul3A_331 = vector.broadcast %mul3A_330 : i32 to vector<16xi32>
        %mul3A_332 = arith.muli %iota3A, %mul3A_331 : vector<16xi32>
        %add3A_333 = arith.constant 6 : i32
        %add3A_334 = vector.broadcast %add3A_333 : i32 to vector<16xi32>
        %add3A_335 = arith.addi %mul3A_332, %add3A_334 : vector<16xi32>
        %gather3A_336 = tpu.vector_load_idx %arg20[%add3A_335] : memref<320xi32, #tpu.memory_space<vmem>>[vector<16xi32>], vector<16xi32>,
        %and3A_337 = arith.constant 1 : i32
        %and3A_338 = vector.broadcast %and3A_337 : i32 to vector<16xi32>
        %and3A_339 = arith.andi %gather3A_336, %and3A_338 : vector<16xi32>
        %mul3A_340 = arith.constant 64 : i32
        %mul3A_341 = vector.broadcast %mul3A_340 : i32 to vector<16xi32>
        %mul3A_342 = arith.muli %and3A_339, %mul3A_341 : vector<16xi32>
        %mul3A_343 = arith.constant 20 : i32
        %mul3A_344 = vector.broadcast %mul3A_343 : i32 to vector<16xi32>
        %mul3A_345 = arith.muli %iota3A, %mul3A_344 : vector<16xi32>
        %add3A_346 = arith.constant 7 : i32
        %add3A_347 = vector.broadcast %add3A_346 : i32 to vector<16xi32>
        %add3A_348 = arith.addi %mul3A_345, %add3A_347 : vector<16xi32>
        %gather3A_349 = tpu.vector_load_idx %arg20[%add3A_348] : memref<320xi32, #tpu.memory_space<vmem>>[vector<16xi32>], vector<16xi32>,
        %and3A_350 = arith.constant 1 : i32
        %and3A_351 = vector.broadcast %and3A_350 : i32 to vector<16xi32>
        %and3A_352 = arith.andi %gather3A_349, %and3A_351 : vector<16xi32>
        %mul3A_353 = arith.constant 64 : i32
        %mul3A_354 = vector.broadcast %mul3A_353 : i32 to vector<16xi32>
        %mul3A_355 = arith.muli %and3A_352, %mul3A_354 : vector<16xi32>
        %mul3A_356 = arith.constant 20 : i32
        %mul3A_357 = vector.broadcast %mul3A_356 : i32 to vector<16xi32>
        %mul3A_358 = arith.muli %iota3A, %mul3A_357 : vector<16xi32>
        %add3A_359 = arith.constant 8 : i32
        %add3A_360 = vector.broadcast %add3A_359 : i32 to vector<16xi32>
        %add3A_361 = arith.addi %mul3A_358, %add3A_360 : vector<16xi32>
        %gather3A_362 = tpu.vector_load_idx %arg20[%add3A_361] : memref<320xi32, #tpu.memory_space<vmem>>[vector<16xi32>], vector<16xi32>,
        %and3A_363 = arith.constant 1 : i32
        %and3A_364 = vector.broadcast %and3A_363 : i32 to vector<16xi32>
        %and3A_365 = arith.andi %gather3A_362, %and3A_364 : vector<16xi32>
        %mul3A_366 = arith.constant 64 : i32
        %mul3A_367 = vector.broadcast %mul3A_366 : i32 to vector<16xi32>
        %mul3A_368 = arith.muli %and3A_365, %mul3A_367 : vector<16xi32>
        %mul3A_369 = arith.constant 20 : i32
        %mul3A_370 = vector.broadcast %mul3A_369 : i32 to vector<16xi32>
        %mul3A_371 = arith.muli %iota3A, %mul3A_370 : vector<16xi32>
        %add3A_372 = arith.constant 9 : i32
        %add3A_373 = vector.broadcast %add3A_372 : i32 to vector<16xi32>
        %add3A_374 = arith.addi %mul3A_371, %add3A_373 : vector<16xi32>
        %gather3A_375 = tpu.vector_load_idx %arg20[%add3A_374] : memref<320xi32, #tpu.memory_space<vmem>>[vector<16xi32>], vector<16xi32>,
        %and3A_376 = arith.constant 1 : i32
        %and3A_377 = vector.broadcast %and3A_376 : i32 to vector<16xi32>
        %and3A_378 = arith.andi %gather3A_375, %and3A_377 : vector<16xi32>
        %mul3A_379 = arith.constant 64 : i32
        %mul3A_380 = vector.broadcast %mul3A_379 : i32 to vector<16xi32>
        %mul3A_381 = arith.muli %and3A_378, %mul3A_380 : vector<16xi32>
        %mul3A_382 = arith.constant 20 : i32
        %mul3A_383 = vector.broadcast %mul3A_382 : i32 to vector<16xi32>
        %mul3A_384 = arith.muli %iota3A, %mul3A_383 : vector<16xi32>
        %add3A_385 = arith.constant 10 : i32
        %add3A_386 = vector.broadcast %add3A_385 : i32 to vector<16xi32>
        %add3A_387 = arith.addi %mul3A_384, %add3A_386 : vector<16xi32>
        %gather3A_388 = tpu.vector_load_idx %arg20[%add3A_387] : memref<320xi32, #tpu.memory_space<vmem>>[vector<16xi32>], vector<16xi32>,
        %and3A_389 = arith.constant 1 : i32
        %and3A_390 = vector.broadcast %and3A_389 : i32 to vector<16xi32>
        %and3A_391 = arith.andi %gather3A_388, %and3A_390 : vector<16xi32>
        %mul3A_392 = arith.constant 64 : i32
        %mul3A_393 = vector.broadcast %mul3A_392 : i32 to vector<16xi32>
        %mul3A_394 = arith.muli %and3A_391, %mul3A_393 : vector<16xi32>
        %mul3A_395 = arith.constant 20 : i32
        %mul3A_396 = vector.broadcast %mul3A_395 : i32 to vector<16xi32>
        %mul3A_397 = arith.muli %iota3A, %mul3A_396 : vector<16xi32>
        %add3A_398 = arith.constant 11 : i32
        %add3A_399 = vector.broadcast %add3A_398 : i32 to vector<16xi32>
        %add3A_400 = arith.addi %mul3A_397, %add3A_399 : vector<16xi32>
        %gather3A_401 = tpu.vector_load_idx %arg20[%add3A_400] : memref<320xi32, #tpu.memory_space<vmem>>[vector<16xi32>], vector<16xi32>,
        %and3A_402 = arith.constant 1 : i32
        %and3A_403 = vector.broadcast %and3A_402 : i32 to vector<16xi32>
        %and3A_404 = arith.andi %gather3A_401, %and3A_403 : vector<16xi32>
        %mul3A_405 = arith.constant 64 : i32
        %mul3A_406 = vector.broadcast %mul3A_405 : i32 to vector<16xi32>
        %mul3A_407 = arith.muli %and3A_404, %mul3A_406 : vector<16xi32>
        %mul3A_408 = arith.constant 20 : i32
        %mul3A_409 = vector.broadcast %mul3A_408 : i32 to vector<16xi32>
        %mul3A_410 = arith.muli %iota3A, %mul3A_409 : vector<16xi32>
        %add3A_411 = arith.constant 12 : i32
        %add3A_412 = vector.broadcast %add3A_411 : i32 to vector<16xi32>
        %add3A_413 = arith.addi %mul3A_410, %add3A_412 : vector<16xi32>
        %gather3A_414 = tpu.vector_load_idx %arg20[%add3A_413] : memref<320xi32, #tpu.memory_space<vmem>>[vector<16xi32>], vector<16xi32>,
        %and3A_415 = arith.constant 1 : i32
        %and3A_416 = vector.broadcast %and3A_415 : i32 to vector<16xi32>
        %and3A_417 = arith.andi %gather3A_414, %and3A_416 : vector<16xi32>
        %mul3A_418 = arith.constant 64 : i32
        %mul3A_419 = vector.broadcast %mul3A_418 : i32 to vector<16xi32>
        %mul3A_420 = arith.muli %and3A_417, %mul3A_419 : vector<16xi32>
        %mul3A_421 = arith.constant 20 : i32
        %mul3A_422 = vector.broadcast %mul3A_421 : i32 to vector<16xi32>
        %mul3A_423 = arith.muli %iota3A, %mul3A_422 : vector<16xi32>
        %add3A_424 = arith.constant 13 : i32
        %add3A_425 = vector.broadcast %add3A_424 : i32 to vector<16xi32>
        %add3A_426 = arith.addi %mul3A_423, %add3A_425 : vector<16xi32>
        %gather3A_427 = tpu.vector_load_idx %arg20[%add3A_426] : memref<320xi32, #tpu.memory_space<vmem>>[vector<16xi32>], vector<16xi32>,
        %and3A_428 = arith.constant 1 : i32
        %and3A_429 = vector.broadcast %and3A_428 : i32 to vector<16xi32>
        %and3A_430 = arith.andi %gather3A_427, %and3A_429 : vector<16xi32>
        %mul3A_431 = arith.constant 64 : i32
        %mul3A_432 = vector.broadcast %mul3A_431 : i32 to vector<16xi32>
        %mul3A_433 = arith.muli %and3A_430, %mul3A_432 : vector<16xi32>
        %mul3A_434 = arith.constant 20 : i32
        %mul3A_435 = vector.broadcast %mul3A_434 : i32 to vector<16xi32>
        %mul3A_436 = arith.muli %iota3A, %mul3A_435 : vector<16xi32>
        %add3A_437 = arith.constant 14 : i32
        %add3A_438 = vector.broadcast %add3A_437 : i32 to vector<16xi32>
        %add3A_439 = arith.addi %mul3A_436, %add3A_438 : vector<16xi32>
        %gather3A_440 = tpu.vector_load_idx %arg20[%add3A_439] : memref<320xi32, #tpu.memory_space<vmem>>[vector<16xi32>], vector<16xi32>,
        %and3A_441 = arith.constant 1 : i32
        %and3A_442 = vector.broadcast %and3A_441 : i32 to vector<16xi32>
        %and3A_443 = arith.andi %gather3A_440, %and3A_442 : vector<16xi32>
        %mul3A_444 = arith.constant 64 : i32
        %mul3A_445 = vector.broadcast %mul3A_444 : i32 to vector<16xi32>
        %mul3A_446 = arith.muli %and3A_443, %mul3A_445 : vector<16xi32>
        %mul3A_447 = arith.constant 20 : i32
        %mul3A_448 = vector.broadcast %mul3A_447 : i32 to vector<16xi32>
        %mul3A_449 = arith.muli %iota3A, %mul3A_448 : vector<16xi32>
        %add3A_450 = arith.constant 15 : i32
        %add3A_451 = vector.broadcast %add3A_450 : i32 to vector<16xi32>
        %add3A_452 = arith.addi %mul3A_449, %add3A_451 : vector<16xi32>
        %gather3A_453 = tpu.vector_load_idx %arg20[%add3A_452] : memref<320xi32, #tpu.memory_space<vmem>>[vector<16xi32>], vector<16xi32>,
        %and3A_454 = arith.constant 1 : i32
        %and3A_455 = vector.broadcast %and3A_454 : i32 to vector<16xi32>
        %and3A_456 = arith.andi %gather3A_453, %and3A_455 : vector<16xi32>
        %mul3A_457 = arith.constant 64 : i32
        %mul3A_458 = vector.broadcast %mul3A_457 : i32 to vector<16xi32>
        %mul3A_459 = arith.muli %and3A_456, %mul3A_458 : vector<16xi32>
        %mul3A_460 = arith.constant 20 : i32
        %mul3A_461 = vector.broadcast %mul3A_460 : i32 to vector<16xi32>
        %mul3A_462 = arith.muli %iota3A, %mul3A_461 : vector<16xi32>
        %add3A_463 = arith.constant 16 : i32
        %add3A_464 = vector.broadcast %add3A_463 : i32 to vector<16xi32>
        %add3A_465 = arith.addi %mul3A_462, %add3A_464 : vector<16xi32>
        %gather3A_466 = tpu.vector_load_idx %arg20[%add3A_465] : memref<320xi32, #tpu.memory_space<vmem>>[vector<16xi32>], vector<16xi32>,
        %and3A_467 = arith.constant 1 : i32
        %and3A_468 = vector.broadcast %and3A_467 : i32 to vector<16xi32>
        %and3A_469 = arith.andi %gather3A_466, %and3A_468 : vector<16xi32>
        %mul3A_470 = arith.constant 64 : i32
        %mul3A_471 = vector.broadcast %mul3A_470 : i32 to vector<16xi32>
        %mul3A_472 = arith.muli %and3A_469, %mul3A_471 : vector<16xi32>
        %mul3A_473 = arith.constant 20 : i32
        %mul3A_474 = vector.broadcast %mul3A_473 : i32 to vector<16xi32>
        %mul3A_475 = arith.muli %iota3A, %mul3A_474 : vector<16xi32>
        %add3A_476 = arith.constant 17 : i32
        %add3A_477 = vector.broadcast %add3A_476 : i32 to vector<16xi32>
        %add3A_478 = arith.addi %mul3A_475, %add3A_477 : vector<16xi32>
        %gather3A_479 = tpu.vector_load_idx %arg20[%add3A_478] : memref<320xi32, #tpu.memory_space<vmem>>[vector<16xi32>], vector<16xi32>,
        %and3A_480 = arith.constant 1 : i32
        %and3A_481 = vector.broadcast %and3A_480 : i32 to vector<16xi32>
        %and3A_482 = arith.andi %gather3A_479, %and3A_481 : vector<16xi32>
        %mul3A_483 = arith.constant 64 : i32
        %mul3A_484 = vector.broadcast %mul3A_483 : i32 to vector<16xi32>
        %mul3A_485 = arith.muli %and3A_482, %mul3A_484 : vector<16xi32>
        %mul3A_486 = arith.constant 20 : i32
        %mul3A_487 = vector.broadcast %mul3A_486 : i32 to vector<16xi32>
        %mul3A_488 = arith.muli %iota3A, %mul3A_487 : vector<16xi32>
        %add3A_489 = arith.constant 18 : i32
        %add3A_490 = vector.broadcast %add3A_489 : i32 to vector<16xi32>
        %add3A_491 = arith.addi %mul3A_488, %add3A_490 : vector<16xi32>
        %gather3A_492 = tpu.vector_load_idx %arg20[%add3A_491] : memref<320xi32, #tpu.memory_space<vmem>>[vector<16xi32>], vector<16xi32>,
        %and3A_493 = arith.constant 1 : i32
        %and3A_494 = vector.broadcast %and3A_493 : i32 to vector<16xi32>
        %and3A_495 = arith.andi %gather3A_492, %and3A_494 : vector<16xi32>
        %mul3A_496 = arith.constant 64 : i32
        %mul3A_497 = vector.broadcast %mul3A_496 : i32 to vector<16xi32>
        %mul3A_498 = arith.muli %and3A_495, %mul3A_497 : vector<16xi32>
        %mul3A_499 = arith.constant 20 : i32
        %mul3A_500 = vector.broadcast %mul3A_499 : i32 to vector<16xi32>
        %mul3A_501 = arith.muli %iota3A, %mul3A_500 : vector<16xi32>
        %add3A_502 = arith.constant 19 : i32
        %add3A_503 = vector.broadcast %add3A_502 : i32 to vector<16xi32>
        %add3A_504 = arith.addi %mul3A_501, %add3A_503 : vector<16xi32>
        %gather3A_505 = tpu.vector_load_idx %arg20[%add3A_504] : memref<320xi32, #tpu.memory_space<vmem>>[vector<16xi32>], vector<16xi32>,
        %and3A_506 = arith.constant 1 : i32
        %and3A_507 = vector.broadcast %and3A_506 : i32 to vector<16xi32>
        %and3A_508 = arith.andi %gather3A_505, %and3A_507 : vector<16xi32>
        %mul3A_509 = arith.constant 64 : i32
        %mul3A_510 = vector.broadcast %mul3A_509 : i32 to vector<16xi32>
        %mul3A_511 = arith.muli %and3A_508, %mul3A_510 : vector<16xi32>
        %mul3A_512 = arith.constant 20 : i32
        %mul3A_513 = vector.broadcast %mul3A_512 : i32 to vector<16xi32>
        %mul3A_514 = arith.muli %iota3A, %mul3A_513 : vector<16xi32>
        %broadcast_in_dim3A = arith.constant 0.000000e+00 : f32
        %broadcast_in_dim3A_515 = vector.broadcast %broadcast_in_dim3A : f32 to vector<16xf32>
        %scan3A_516 = arith.constant 0 : i32
        %scan3A_517 = arith.constant 64 : i32
        %scan3A_518 = arith.addi %scan3A_516, %scan3A_517 : i32
        %scan3A_519 = arith.constant 1 : i32
        %scan3A_520:21 = scf.for %scan3A_568 = %scan3A_516 to %scan3A_518 step %scan3A_519 iter_args(%scan3A_569 = %broadcast_in_dim3A_515, %scan3A_570 = %broadcast_in_dim3A_515, %scan3A_571 = %broadcast_in_dim3A_515, %scan3A_572 = %broadcast_in_dim3A_515, %scan3A_573 = %broadcast_in_dim3A_515, %scan3A_574 = %broadcast_in_dim3A_515, %scan3A_575 = %broadcast_in_dim3A_515, %scan3A_576 = %broadcast_in_dim3A_515, %scan3A_577 = %broadcast_in_dim3A_515, %scan3A_578 = %broadcast_in_dim3A_515, %scan3A_579 = %broadcast_in_dim3A_515, %scan3A_580 = %broadcast_in_dim3A_515, %scan3A_581 = %broadcast_in_dim3A_515, %scan3A_582 = %broadcast_in_dim3A_515, %scan3A_583 = %broadcast_in_dim3A_515, %scan3A_584 = %broadcast_in_dim3A_515, %scan3A_585 = %broadcast_in_dim3A_515, %scan3A_586 = %broadcast_in_dim3A_515, %scan3A_587 = %broadcast_in_dim3A_515, %scan3A_588 = %broadcast_in_dim3A_515, %scan3A_589 = %broadcast_in_dim3A_515) -> (vector<16xf32>, vector<16xf32>, vector<16xf32>, vector<16xf32>, vector<16xf32>, vector<16xf32>, vector<16xf32>, vector<16xf32>, vector<16xf32>, vector<16xf32>, vector<16xf32>, vector<16xf32>, vector<16xf32>, vector<16xf32>, vector<16xf32>, vector<16xf32>, vector<16xf32>, vector<16xf32>, vector<16xf32>, vector<16xf32>, vector<16xf32>)  : i32 {
          %add3A_590 = vector.broadcast %scan3A_568 : i32 to vector<16xi32>
          %add3A_591 = arith.addi %iota3A, %add3A_590 : vector<16xi32>
          %and3A_592 = arith.constant 63 : i32
          %and3A_593 = vector.broadcast %and3A_592 : i32 to vector<16xi32>
          %and3A_594 = arith.andi %add3A_591, %and3A_593 : vector<16xi32>
          %add3A_595 = arith.addi %mul3A_244, %and3A_594 : vector<16xi32>
          %gather3A_596 = tpu.vector_load_idx %arg24[%iota3A, %add3A_595] : memref<16x128xf32, #tpu.memory_space<vmem>>[vector<16xi32>, vector<16xi32>], vector<16xf32>,
          %add3A_597 = arith.addi %mul3A_252, %and3A_594 : vector<16xi32>
          %gather3A_598 = tpu.vector_load_idx %arg25[%iota3A, %add3A_597] : memref<16x128xf32, #tpu.memory_space<vmem>>[vector<16xi32>, vector<16xi32>], vector<16xf32>,
          %mul3A_599 = arith.mulf %gather3A_598, %gather3A_596 : vector<16xf32>
          %add3A_600 = arith.addf %scan3A_569, %mul3A_599 : vector<16xf32>
          %add3A_601 = arith.constant 0 : i32
          %add3A_602 = vector.broadcast %add3A_601 : i32 to vector<16xi32>
          %add3A_603 = arith.addi %mul3A_514, %add3A_602 : vector<16xi32>
          %add3A_604 = arith.addi %mul3A_264, %and3A_594 : vector<16xi32>
          %gather3A_605 = tpu.vector_load_idx %arg26[%add3A_603, %add3A_604] : memref<320x128xf32, #tpu.memory_space<vmem>>[vector<16xi32>, vector<16xi32>], vector<16xf32>,
          %mul3A_606 = arith.mulf %gather3A_605, %gather3A_596 : vector<16xf32>
          %add3A_607 = arith.addf %scan3A_570, %mul3A_606 : vector<16xf32>
          %add3A_608 = arith.constant 1 : i32
          %add3A_609 = vector.broadcast %add3A_608 : i32 to vector<16xi32>
          %add3A_610 = arith.addi %mul3A_514, %add3A_609 : vector<16xi32>
          %add3A_611 = arith.addi %mul3A_277, %and3A_594 : vector<16xi32>
          %gather3A_612 = tpu.vector_load_idx %arg26[%add3A_610, %add3A_611] : memref<320x128xf32, #tpu.memory_space<vmem>>[vector<16xi32>, vector<16xi32>], vector<16xf32>,
          %mul3A_613 = arith.mulf %gather3A_612, %gather3A_596 : vector<16xf32>
          %add3A_614 = arith.addf %scan3A_571, %mul3A_613 : vector<16xf32>
          %add3A_615 = arith.constant 2 : i32
          %add3A_616 = vector.broadcast %add3A_615 : i32 to vector<16xi32>
          %add3A_617 = arith.addi %mul3A_514, %add3A_616 : vector<16xi32>
          %add3A_618 = arith.addi %mul3A_290, %and3A_594 : vector<16xi32>
          %gather3A_619 = tpu.vector_load_idx %arg26[%add3A_617, %add3A_618] : memref<320x128xf32, #tpu.memory_space<vmem>>[vector<16xi32>, vector<16xi32>], vector<16xf32>,
          %mul3A_620 = arith.mulf %gather3A_619, %gather3A_596 : vector<16xf32>
          %add3A_621 = arith.addf %scan3A_572, %mul3A_620 : vector<16xf32>
          %add3A_622 = arith.constant 3 : i32
          %add3A_623 = vector.broadcast %add3A_622 : i32 to vector<16xi32>
          %add3A_624 = arith.addi %mul3A_514, %add3A_623 : vector<16xi32>
          %add3A_625 = arith.addi %mul3A_303, %and3A_594 : vector<16xi32>
          %gather3A_626 = tpu.vector_load_idx %arg26[%add3A_624, %add3A_625] : memref<320x128xf32, #tpu.memory_space<vmem>>[vector<16xi32>, vector<16xi32>], vector<16xf32>,
          %mul3A_627 = arith.mulf %gather3A_626, %gather3A_596 : vector<16xf32>
          %add3A_628 = arith.addf %scan3A_573, %mul3A_627 : vector<16xf32>
          %add3A_629 = arith.constant 4 : i32
          %add3A_630 = vector.broadcast %add3A_629 : i32 to vector<16xi32>
          %add3A_631 = arith.addi %mul3A_514, %add3A_630 : vector<16xi32>
          %add3A_632 = arith.addi %mul3A_316, %and3A_594 : vector<16xi32>
          %gather3A_633 = tpu.vector_load_idx %arg26[%add3A_631, %add3A_632] : memref<320x128xf32, #tpu.memory_space<vmem>>[vector<16xi32>, vector<16xi32>], vector<16xf32>,
          %mul3A_634 = arith.mulf %gather3A_633, %gather3A_596 : vector<16xf32>
          %add3A_635 = arith.addf %scan3A_574, %mul3A_634 : vector<16xf32>
          %add3A_636 = arith.constant 5 : i32
          %add3A_637 = vector.broadcast %add3A_636 : i32 to vector<16xi32>
          %add3A_638 = arith.addi %mul3A_514, %add3A_637 : vector<16xi32>
          %add3A_639 = arith.addi %mul3A_329, %and3A_594 : vector<16xi32>
          %gather3A_640 = tpu.vector_load_idx %arg26[%add3A_638, %add3A_639] : memref<320x128xf32, #tpu.memory_space<vmem>>[vector<16xi32>, vector<16xi32>], vector<16xf32>,
          %mul3A_641 = arith.mulf %gather3A_640, %gather3A_596 : vector<16xf32>
          %add3A_642 = arith.addf %scan3A_575, %mul3A_641 : vector<16xf32>
          %add3A_643 = arith.constant 6 : i32
          %add3A_644 = vector.broadcast %add3A_643 : i32 to vector<16xi32>
          %add3A_645 = arith.addi %mul3A_514, %add3A_644 : vector<16xi32>
          %add3A_646 = arith.addi %mul3A_342, %and3A_594 : vector<16xi32>
          %gather3A_647 = tpu.vector_load_idx %arg26[%add3A_645, %add3A_646] : memref<320x128xf32, #tpu.memory_space<vmem>>[vector<16xi32>, vector<16xi32>], vector<16xf32>,
          %mul3A_648 = arith.mulf %gather3A_647, %gather3A_596 : vector<16xf32>
          %add3A_649 = arith.addf %scan3A_576, %mul3A_648 : vector<16xf32>
          %add3A_650 = arith.constant 7 : i32
          %add3A_651 = vector.broadcast %add3A_650 : i32 to vector<16xi32>
          %add3A_652 = arith.addi %mul3A_514, %add3A_651 : vector<16xi32>
          %add3A_653 = arith.addi %mul3A_355, %and3A_594 : vector<16xi32>
          %gather3A_654 = tpu.vector_load_idx %arg26[%add3A_652, %add3A_653] : memref<320x128xf32, #tpu.memory_space<vmem>>[vector<16xi32>, vector<16xi32>], vector<16xf32>,
          %mul3A_655 = arith.mulf %gather3A_654, %gather3A_596 : vector<16xf32>
          %add3A_656 = arith.addf %scan3A_577, %mul3A_655 : vector<16xf32>
          %add3A_657 = arith.constant 8 : i32
          %add3A_658 = vector.broadcast %add3A_657 : i32 to vector<16xi32>
          %add3A_659 = arith.addi %mul3A_514, %add3A_658 : vector<16xi32>
          %add3A_660 = arith.addi %mul3A_368, %and3A_594 : vector<16xi32>
          %gather3A_661 = tpu.vector_load_idx %arg26[%add3A_659, %add3A_660] : memref<320x128xf32, #tpu.memory_space<vmem>>[vector<16xi32>, vector<16xi32>], vector<16xf32>,
          %mul3A_662 = arith.mulf %gather3A_661, %gather3A_596 : vector<16xf32>
          %add3A_663 = arith.addf %scan3A_578, %mul3A_662 : vector<16xf32>
          %add3A_664 = arith.constant 9 : i32
          %add3A_665 = vector.broadcast %add3A_664 : i32 to vector<16xi32>
          %add3A_666 = arith.addi %mul3A_514, %add3A_665 : vector<16xi32>
          %add3A_667 = arith.addi %mul3A_381, %and3A_594 : vector<16xi32>
          %gather3A_668 = tpu.vector_load_idx %arg26[%add3A_666, %add3A_667] : memref<320x128xf32, #tpu.memory_space<vmem>>[vector<16xi32>, vector<16xi32>], vector<16xf32>,
          %mul3A_669 = arith.mulf %gather3A_668, %gather3A_596 : vector<16xf32>
          %add3A_670 = arith.addf %scan3A_579, %mul3A_669 : vector<16xf32>
          %add3A_671 = arith.constant 10 : i32
          %add3A_672 = vector.broadcast %add3A_671 : i32 to vector<16xi32>
          %add3A_673 = arith.addi %mul3A_514, %add3A_672 : vector<16xi32>
          %add3A_674 = arith.addi %mul3A_394, %and3A_594 : vector<16xi32>
          %gather3A_675 = tpu.vector_load_idx %arg26[%add3A_673, %add3A_674] : memref<320x128xf32, #tpu.memory_space<vmem>>[vector<16xi32>, vector<16xi32>], vector<16xf32>,
          %mul3A_676 = arith.mulf %gather3A_675, %gather3A_596 : vector<16xf32>
          %add3A_677 = arith.addf %scan3A_580, %mul3A_676 : vector<16xf32>
          %add3A_678 = arith.constant 11 : i32
          %add3A_679 = vector.broadcast %add3A_678 : i32 to vector<16xi32>
          %add3A_680 = arith.addi %mul3A_514, %add3A_679 : vector<16xi32>
          %add3A_681 = arith.addi %mul3A_407, %and3A_594 : vector<16xi32>
          %gather3A_682 = tpu.vector_load_idx %arg26[%add3A_680, %add3A_681] : memref<320x128xf32, #tpu.memory_space<vmem>>[vector<16xi32>, vector<16xi32>], vector<16xf32>,
          %mul3A_683 = arith.mulf %gather3A_682, %gather3A_596 : vector<16xf32>
          %add3A_684 = arith.addf %scan3A_581, %mul3A_683 : vector<16xf32>
          %add3A_685 = arith.constant 12 : i32
          %add3A_686 = vector.broadcast %add3A_685 : i32 to vector<16xi32>
          %add3A_687 = arith.addi %mul3A_514, %add3A_686 : vector<16xi32>
          %add3A_688 = arith.addi %mul3A_420, %and3A_594 : vector<16xi32>
          %gather3A_689 = tpu.vector_load_idx %arg26[%add3A_687, %add3A_688] : memref<320x128xf32, #tpu.memory_space<vmem>>[vector<16xi32>, vector<16xi32>], vector<16xf32>,
          %mul3A_690 = arith.mulf %gather3A_689, %gather3A_596 : vector<16xf32>
          %add3A_691 = arith.addf %scan3A_582, %mul3A_690 : vector<16xf32>
          %add3A_692 = arith.constant 13 : i32
          %add3A_693 = vector.broadcast %add3A_692 : i32 to vector<16xi32>
          %add3A_694 = arith.addi %mul3A_514, %add3A_693 : vector<16xi32>
          %add3A_695 = arith.addi %mul3A_433, %and3A_594 : vector<16xi32>
          %gather3A_696 = tpu.vector_load_idx %arg26[%add3A_694, %add3A_695] : memref<320x128xf32, #tpu.memory_space<vmem>>[vector<16xi32>, vector<16xi32>], vector<16xf32>,
          %mul3A_697 = arith.mulf %gather3A_696, %gather3A_596 : vector<16xf32>
          %add3A_698 = arith.addf %scan3A_583, %mul3A_697 : vector<16xf32>
          %add3A_699 = arith.constant 14 : i32
          %add3A_700 = vector.broadcast %add3A_699 : i32 to vector<16xi32>
          %add3A_701 = arith.addi %mul3A_514, %add3A_700 : vector<16xi32>
          %add3A_702 = arith.addi %mul3A_446, %and3A_594 : vector<16xi32>
          %gather3A_703 = tpu.vector_load_idx %arg26[%add3A_701, %add3A_702] : memref<320x128xf32, #tpu.memory_space<vmem>>[vector<16xi32>, vector<16xi32>], vector<16xf32>,
          %mul3A_704 = arith.mulf %gather3A_703, %gather3A_596 : vector<16xf32>
          %add3A_705 = arith.addf %scan3A_584, %mul3A_704 : vector<16xf32>
          %add3A_706 = arith.constant 15 : i32
          %add3A_707 = vector.broadcast %add3A_706 : i32 to vector<16xi32>
          %add3A_708 = arith.addi %mul3A_514, %add3A_707 : vector<16xi32>
          %add3A_709 = arith.addi %mul3A_459, %and3A_594 : vector<16xi32>
          %gather3A_710 = tpu.vector_load_idx %arg26[%add3A_708, %add3A_709] : memref<320x128xf32, #tpu.memory_space<vmem>>[vector<16xi32>, vector<16xi32>], vector<16xf32>,
          %mul3A_711 = arith.mulf %gather3A_710, %gather3A_596 : vector<16xf32>
          %add3A_712 = arith.addf %scan3A_585, %mul3A_711 : vector<16xf32>
          %add3A_713 = arith.constant 16 : i32
          %add3A_714 = vector.broadcast %add3A_713 : i32 to vector<16xi32>
          %add3A_715 = arith.addi %mul3A_514, %add3A_714 : vector<16xi32>
          %add3A_716 = arith.addi %mul3A_472, %and3A_594 : vector<16xi32>
          %gather3A_717 = tpu.vector_load_idx %arg26[%add3A_715, %add3A_716] : memref<320x128xf32, #tpu.memory_space<vmem>>[vector<16xi32>, vector<16xi32>], vector<16xf32>,
          %mul3A_718 = arith.mulf %gather3A_717, %gather3A_596 : vector<16xf32>
          %add3A_719 = arith.addf %scan3A_586, %mul3A_718 : vector<16xf32>
          %add3A_720 = arith.constant 17 : i32
          %add3A_721 = vector.broadcast %add3A_720 : i32 to vector<16xi32>
          %add3A_722 = arith.addi %mul3A_514, %add3A_721 : vector<16xi32>
          %add3A_723 = arith.addi %mul3A_485, %and3A_594 : vector<16xi32>
          %gather3A_724 = tpu.vector_load_idx %arg26[%add3A_722, %add3A_723] : memref<320x128xf32, #tpu.memory_space<vmem>>[vector<16xi32>, vector<16xi32>], vector<16xf32>,
          %mul3A_725 = arith.mulf %gather3A_724, %gather3A_596 : vector<16xf32>
          %add3A_726 = arith.addf %scan3A_587, %mul3A_725 : vector<16xf32>
          %add3A_727 = arith.constant 18 : i32
          %add3A_728 = vector.broadcast %add3A_727 : i32 to vector<16xi32>
          %add3A_729 = arith.addi %mul3A_514, %add3A_728 : vector<16xi32>
          %add3A_730 = arith.addi %mul3A_498, %and3A_594 : vector<16xi32>
          %gather3A_731 = tpu.vector_load_idx %arg26[%add3A_729, %add3A_730] : memref<320x128xf32, #tpu.memory_space<vmem>>[vector<16xi32>, vector<16xi32>], vector<16xf32>,
          %mul3A_732 = arith.mulf %gather3A_731, %gather3A_596 : vector<16xf32>
          %add3A_733 = arith.addf %scan3A_588, %mul3A_732 : vector<16xf32>
          %add3A_734 = arith.constant 19 : i32
          %add3A_735 = vector.broadcast %add3A_734 : i32 to vector<16xi32>
          %add3A_736 = arith.addi %mul3A_514, %add3A_735 : vector<16xi32>
          %add3A_737 = arith.addi %mul3A_511, %and3A_594 : vector<16xi32>
          %gather3A_738 = tpu.vector_load_idx %arg26[%add3A_736, %add3A_737] : memref<320x128xf32, #tpu.memory_space<vmem>>[vector<16xi32>, vector<16xi32>], vector<16xf32>,
          %mul3A_739 = arith.mulf %gather3A_738, %gather3A_596 : vector<16xf32>
          %add3A_740 = arith.addf %scan3A_589, %mul3A_739 : vector<16xf32>
          scf.yield %add3A_600, %add3A_607, %add3A_614, %add3A_621, %add3A_628, %add3A_635, %add3A_642, %add3A_649, %add3A_656, %add3A_663, %add3A_670, %add3A_677, %add3A_684, %add3A_691, %add3A_698, %add3A_705, %add3A_712, %add3A_719, %add3A_726, %add3A_733, %add3A_740 : vector<16xf32>, vector<16xf32>, vector<16xf32>, vector<16xf32>, vector<16xf32>, vector<16xf32>, vector<16xf32>, vector<16xf32>, vector<16xf32>, vector<16xf32>, vector<16xf32>, vector<16xf32>, vector<16xf32>, vector<16xf32>, vector<16xf32>, vector<16xf32>, vector<16xf32>, vector<16xf32>, vector<16xf32>, vector<16xf32>, vector<16xf32>
        }
        %scan3A_521 = arith.constant 64 : i32
        %exp3A = math.exp %scan3A_520#1 : vector<16xf32>
        %exp3A_522 = math.exp %scan3A_520#2 : vector<16xf32>
        %add3A_523 = arith.addf %exp3A, %exp3A_522 : vector<16xf32>
        %exp3A_524 = math.exp %scan3A_520#3 : vector<16xf32>
        %add3A_525 = arith.addf %add3A_523, %exp3A_524 : vector<16xf32>
        %exp3A_526 = math.exp %scan3A_520#4 : vector<16xf32>
        %add3A_527 = arith.addf %add3A_525, %exp3A_526 : vector<16xf32>
        %exp3A_528 = math.exp %scan3A_520#5 : vector<16xf32>
        %add3A_529 = arith.addf %add3A_527, %exp3A_528 : vector<16xf32>
        %exp3A_530 = math.exp %scan3A_520#6 : vector<16xf32>
        %add3A_531 = arith.addf %add3A_529, %exp3A_530 : vector<16xf32>
        %exp3A_532 = math.exp %scan3A_520#7 : vector<16xf32>
        %add3A_533 = arith.addf %add3A_531, %exp3A_532 : vector<16xf32>
        %exp3A_534 = math.exp %scan3A_520#8 : vector<16xf32>
        %add3A_535 = arith.addf %add3A_533, %exp3A_534 : vector<16xf32>
        %exp3A_536 = math.exp %scan3A_520#9 : vector<16xf32>
        %add3A_537 = arith.addf %add3A_535, %exp3A_536 : vector<16xf32>
        %exp3A_538 = math.exp %scan3A_520#10 : vector<16xf32>
        %add3A_539 = arith.addf %add3A_537, %exp3A_538 : vector<16xf32>
        %exp3A_540 = math.exp %scan3A_520#11 : vector<16xf32>
        %add3A_541 = arith.addf %add3A_539, %exp3A_540 : vector<16xf32>
        %exp3A_542 = math.exp %scan3A_520#12 : vector<16xf32>
        %add3A_543 = arith.addf %add3A_541, %exp3A_542 : vector<16xf32>
        %exp3A_544 = math.exp %scan3A_520#13 : vector<16xf32>
        %add3A_545 = arith.addf %add3A_543, %exp3A_544 : vector<16xf32>
        %exp3A_546 = math.exp %scan3A_520#14 : vector<16xf32>
        %add3A_547 = arith.addf %add3A_545, %exp3A_546 : vector<16xf32>
        %exp3A_548 = math.exp %scan3A_520#15 : vector<16xf32>
        %add3A_549 = arith.addf %add3A_547, %exp3A_548 : vector<16xf32>
        %exp3A_550 = math.exp %scan3A_520#16 : vector<16xf32>
        %add3A_551 = arith.addf %add3A_549, %exp3A_550 : vector<16xf32>
        %exp3A_552 = math.exp %scan3A_520#17 : vector<16xf32>
        %add3A_553 = arith.addf %add3A_551, %exp3A_552 : vector<16xf32>
        %exp3A_554 = math.exp %scan3A_520#18 : vector<16xf32>
        %add3A_555 = arith.addf %add3A_553, %exp3A_554 : vector<16xf32>
        %exp3A_556 = math.exp %scan3A_520#19 : vector<16xf32>
        %add3A_557 = arith.addf %add3A_555, %exp3A_556 : vector<16xf32>
        %exp3A_558 = math.exp %scan3A_520#20 : vector<16xf32>
        %add3A_559 = arith.addf %add3A_557, %exp3A_558 : vector<16xf32>
        %mul3A_560 = arith.constant 16 : i32
        %mul3A_561 = arith.muli %scan3A_193, %mul3A_560 : i32
        %swap3A_562 = arith.index_cast %mul3A_561 : i32 to index
        %swap3A_563 = tpu.vector_load %arg27[%swap3A_562] {strides = array<i32>} : memref<512xf32, #tpu.memory_space<vmem>>, vector<16xf32>,
        tpu.vector_store %arg27[%swap3A_562], %scan3A_520#0 {strides = array<i32>} : memref<512xf32, #tpu.memory_space<vmem>>, vector<16xf32>,
        %mul3A_564 = arith.constant 16 : i32
        %mul3A_565 = arith.muli %scan3A_193, %mul3A_564 : i32
        %swap3A_566 = arith.index_cast %mul3A_565 : i32 to index
        %swap3A_567 = tpu.vector_load %arg28[%swap3A_566] {strides = array<i32>} : memref<512xf32, #tpu.memory_space<vmem>>, vector<16xf32>,
        tpu.vector_store %arg28[%swap3A_566], %add3A_559 {strides = array<i32>} : memref<512xf32, #tpu.memory_space<vmem>>, vector<16xf32>,
      } else {
      }
      %scan3A_212 = arith.constant 0 : i32
      scf.yield %scan3A_212 : i32
    }
    %scan3A_192 = arith.constant 32 : i32
    "tpu.region"() ({
      %run_scoped3A = tpu.sem_alloc : memref<!tpu.dma_semaphore, #tpu.memory_space<semaphore_mem>>
      %dma_start3A_193 = tpu.memref_slice %arg7[%mul3A_2] : memref<16384xf32, #tpu.memory_space<hbm>> -> memref<512xf32, #tpu.memory_space<hbm>>
      %dma_start3A_194 = tpu.memref_slice %arg7[%mul3A_2] : memref<16384xf32, #tpu.memory_space<hbm>> -> memref<512xf32, #tpu.memory_space<hbm>>
      tpu.enqueue_dma source(%arg27 : memref<512xf32, #tpu.memory_space<vmem>>) target(%dma_start3A_194 : memref<512xf32, #tpu.memory_space<hbm>>) target_semaphore(%run_scoped3A : memref<!tpu.dma_semaphore, #tpu.memory_space<semaphore_mem>>)
      %dma_wait3A = tpu.memref_slice %arg7[%mul3A_2] : memref<16384xf32, #tpu.memory_space<hbm>> -> memref<512xf32, #tpu.memory_space<hbm>>
      %dma_wait3A_195 = tpu.memref_slice %arg7[%mul3A_2] : memref<16384xf32, #tpu.memory_space<hbm>> -> memref<512xf32, #tpu.memory_space<hbm>>
      tpu.wait_dma2 semaphore(%run_scoped3A : memref<!tpu.dma_semaphore, #tpu.memory_space<semaphore_mem>>) src(%arg27 : memref<512xf32, #tpu.memory_space<vmem>>) dst(%dma_wait3A_195 : memref<512xf32, #tpu.memory_space<hbm>>)
      tpu.yield
    }) : () -> ()
    "tpu.region"() ({
      %run_scoped3A = tpu.sem_alloc : memref<!tpu.dma_semaphore, #tpu.memory_space<semaphore_mem>>
      %dma_start3A_193 = tpu.memref_slice %arg8[%mul3A_2] : memref<16384xf32, #tpu.memory_space<hbm>> -> memref<512xf32, #tpu.memory_space<hbm>>
      %dma_start3A_194 = tpu.memref_slice %arg8[%mul3A_2] : memref<16384xf32, #tpu.memory_space<hbm>> -> memref<512xf32, #tpu.memory_space<hbm>>
      tpu.enqueue_dma source(%arg28 : memref<512xf32, #tpu.memory_space<vmem>>) target(%dma_start3A_194 : memref<512xf32, #tpu.memory_space<hbm>>) target_semaphore(%run_scoped3A : memref<!tpu.dma_semaphore, #tpu.memory_space<semaphore_mem>>)
      %dma_wait3A = tpu.memref_slice %arg8[%mul3A_2] : memref<16384xf32, #tpu.memory_space<hbm>> -> memref<512xf32, #tpu.memory_space<hbm>>
      %dma_wait3A_195 = tpu.memref_slice %arg8[%mul3A_2] : memref<16384xf32, #tpu.memory_space<hbm>> -> memref<512xf32, #tpu.memory_space<hbm>>
      tpu.wait_dma2 semaphore(%run_scoped3A : memref<!tpu.dma_semaphore, #tpu.memory_space<semaphore_mem>>) src(%arg28 : memref<512xf32, #tpu.memory_space<vmem>>) dst(%dma_wait3A_195 : memref<512xf32, #tpu.memory_space<hbm>>)
      tpu.yield
    }) : () -> ()
    return
  }
}

#map = affine_map<(d0, d1) -> (0, 0)>
module attributes {stable_mosaic.version = 14 : i64} {
  func.func @_zv_body(%arg0: i32, %arg1: i32, %arg2: memref<64x1000000xf32, #tpu.memory_space<hbm>>, %arg3: memref<32x128xf32, #tpu.memory_space<hbm>>, %arg4: memref<500000x128xf32, #tpu.memory_space<hbm>>, %arg5: memref<64x256xf32, #tpu.memory_space<vmem>>, %arg6: memref<128x128xf32, #tpu.memory_space<vmem>>, %arg7: memref<64x256xf32, #tpu.memory_space<vmem>>, %arg8: memref<128x128xf32, #tpu.memory_space<vmem>>, %arg9: memref<!tpu.dma_semaphore, #tpu.memory_space<semaphore_mem>>, %arg10: memref<!tpu.dma_semaphore, #tpu.memory_space<semaphore_mem>>, %arg11: memref<!tpu.dma_semaphore, #tpu.memory_space<semaphore_mem>>, %arg12: memref<!tpu.dma_semaphore, #tpu.memory_space<semaphore_mem>>) attributes {dimension_semantics = [#tpu.dimension_semantics<core_parallel>, #tpu.dimension_semantics<subcore_parallel>], iteration_bounds = array<i64: 2, 16>, scalar_prefetch = 0 : i64, scratch_operands = 8 : i64, tpu.core_type = #tpu.core_type<sc_vector_subcore>, window_params = [{transform_indices = #map}, {transform_indices = #map}, {transform_indices = #map}]} {
    %mul3A = arith.constant 2 : i32
    %mul3A_0 = arith.muli %arg1, %mul3A : i32
    %add3A = arith.addi %mul3A_0, %arg0 : i32
    %iota3A = tpu.iota {dimensions = array<i32: 0>} : vector<16xi32>
    %add3A_1 = arith.constant 0 : i32
    %add3A_2 = arith.addi %add3A_1, %add3A : i32
    %mul3A_3 = arith.constant 256 : i32
    %mul3A_4 = arith.muli %add3A_2, %mul3A_3 : i32
    %dma_start3A = arith.constant 0 : i32
    %dma_start3A_5 = tpu.memref_slice %arg2[%dma_start3A, %mul3A_4] : memref<64x1000000xf32, #tpu.memory_space<hbm>> -> memref<64x256xf32, #tpu.memory_space<hbm>>
    %dma_start3A_6 = arith.constant 0 : i32
    %dma_start3A_7 = tpu.memref_slice %arg2[%dma_start3A_6, %mul3A_4] : memref<64x1000000xf32, #tpu.memory_space<hbm>> -> memref<64x256xf32, #tpu.memory_space<hbm>>
    tpu.enqueue_dma source(%dma_start3A_7 : memref<64x256xf32, #tpu.memory_space<hbm>>) target(%arg5 : memref<64x256xf32, #tpu.memory_space<vmem>>) target_semaphore(%arg9 : memref<!tpu.dma_semaphore, #tpu.memory_space<semaphore_mem>>)
    %scan3A = arith.constant 0 : i32
    %scan3A_8 = arith.constant 0 : i32
    %scan3A_9 = arith.constant 122 : i32
    %scan3A_10 = arith.addi %scan3A_8, %scan3A_9 : i32
    %scan3A_11 = arith.constant 1 : i32
    %scan3A_12 = scf.for %scan3A_33 = %scan3A_8 to %scan3A_10 step %scan3A_11 iter_args(%scan3A_34 = %scan3A) -> (i32)  : i32 {
      %jit3A = arith.constant 2 : i32
      %eq3A_35 = arith.constant 0 : i32
      %eq3A_36 = arith.cmpi eq, %jit3A, %eq3A_35 : i32
      %jit3A_37 = arith.constant 1 : i32
      %select_n3A = arith.select %eq3A_36, %jit3A_37, %jit3A : i32
      %rem3A = arith.remsi %scan3A_33, %select_n3A : i32
      %ne3A = arith.constant 0 : i32
      %ne3A_38 = arith.cmpi ne, %rem3A, %ne3A : i32
      %lt3A_39 = arith.constant 0 : i32
      %lt3A_40 = arith.cmpi slt, %rem3A, %lt3A_39 : i32
      %lt3A_41 = arith.constant 0 : i32
      %lt3A_42 = arith.cmpi slt, %select_n3A, %lt3A_41 : i32
      %ne3A_43 = arith.xori %lt3A_40, %lt3A_42 : i1
      %and3A = arith.andi %ne3A_43, %ne3A_38 : i1
      %add3A_44 = arith.addi %rem3A, %select_n3A : i32
      %select_n3A_45 = arith.select %and3A, %add3A_44, %rem3A : i32
      %eq3A_46 = arith.constant 0 : i32
      %eq3A_47 = arith.cmpi eq, %select_n3A_45, %eq3A_46 : i32
      %convert_element_type3A_48 = arith.extui %eq3A_47 : i1 to i32
      %cond3A_49 = arith.constant 0 : i32
      %cond3A_50 = arith.cmpi ne, %convert_element_type3A_48, %cond3A_49 : i32
      scf.if %cond3A_50 {
        %add3A_57 = arith.constant 1 : i32
        %add3A_58 = arith.addi %scan3A_33, %add3A_57 : i32
        %lt3A_59 = arith.constant 122 : i32
        %lt3A_60 = arith.cmpi slt, %add3A_58, %lt3A_59 : i32
        %convert_element_type3A_61 = arith.extui %lt3A_60 : i1 to i32
        %cond3A_62 = arith.constant 0 : i32
        %cond3A_63 = arith.cmpi ne, %convert_element_type3A_61, %cond3A_62 : i32
        scf.if %cond3A_63 {
          %add3A_281 = arith.constant 1 : i32
          %add3A_282 = arith.addi %scan3A_33, %add3A_281 : i32
          %mul3A_283 = arith.constant 32 : i32
          %mul3A_284 = arith.muli %add3A_282, %mul3A_283 : i32
          %add3A_285 = arith.addi %mul3A_284, %add3A : i32
          %mul3A_286 = arith.constant 256 : i32
          %mul3A_287 = arith.muli %add3A_285, %mul3A_286 : i32
          %dma_start3A_288 = arith.constant 0 : i32
          %dma_start3A_289 = tpu.memref_slice %arg2[%dma_start3A_288, %mul3A_287] : memref<64x1000000xf32, #tpu.memory_space<hbm>> -> memref<64x256xf32, #tpu.memory_space<hbm>>
          %dma_start3A_290 = arith.constant 0 : i32
          %dma_start3A_291 = tpu.memref_slice %arg2[%dma_start3A_290, %mul3A_287] : memref<64x1000000xf32, #tpu.memory_space<hbm>> -> memref<64x256xf32, #tpu.memory_space<hbm>>
          tpu.enqueue_dma source(%dma_start3A_291 : memref<64x256xf32, #tpu.memory_space<hbm>>) target(%arg7 : memref<64x256xf32, #tpu.memory_space<vmem>>) target_semaphore(%arg10 : memref<!tpu.dma_semaphore, #tpu.memory_space<semaphore_mem>>)
        } else {
        }
        %dma_wait3A_64 = arith.constant 0 : i32
        %dma_wait3A_65 = arith.constant 0 : i32
        %dma_wait3A_66 = tpu.memref_slice %arg2[%dma_wait3A_64, %dma_wait3A_65] : memref<64x1000000xf32, #tpu.memory_space<hbm>> -> memref<64x256xf32, #tpu.memory_space<hbm>>
        %dma_wait3A_67 = arith.constant 0 : i32
        %dma_wait3A_68 = arith.constant 0 : i32
        %dma_wait3A_69 = tpu.memref_slice %arg2[%dma_wait3A_67, %dma_wait3A_68] : memref<64x1000000xf32, #tpu.memory_space<hbm>> -> memref<64x256xf32, #tpu.memory_space<hbm>>
        tpu.wait_dma2 semaphore(%arg9 : memref<!tpu.dma_semaphore, #tpu.memory_space<semaphore_mem>>) src(%dma_wait3A_69 : memref<64x256xf32, #tpu.memory_space<hbm>>) dst(%arg5 : memref<64x256xf32, #tpu.memory_space<vmem>>)
        %ge3A = arith.constant 2 : i32
        %ge3A_70 = arith.cmpi sge, %scan3A_33, %ge3A : i32
        %convert_element_type3A_71 = arith.extui %ge3A_70 : i1 to i32
        %cond3A_72 = arith.constant 0 : i32
        %cond3A_73 = arith.cmpi ne, %convert_element_type3A_71, %cond3A_72 : i32
        scf.if %cond3A_73 {
          %dma_wait3A_281 = arith.constant 0 : i32
          %dma_wait3A_282 = arith.constant 0 : i32
          %dma_wait3A_283 = tpu.memref_slice %arg4[%dma_wait3A_281, %dma_wait3A_282] : memref<500000x128xf32, #tpu.memory_space<hbm>> -> memref<128x128xf32, #tpu.memory_space<hbm>>
          %dma_wait3A_284 = arith.constant 0 : i32
          %dma_wait3A_285 = arith.constant 0 : i32
          %dma_wait3A_286 = tpu.memref_slice %arg4[%dma_wait3A_284, %dma_wait3A_285] : memref<500000x128xf32, #tpu.memory_space<hbm>> -> memref<128x128xf32, #tpu.memory_space<hbm>>
          tpu.wait_dma2 semaphore(%arg11 : memref<!tpu.dma_semaphore, #tpu.memory_space<semaphore_mem>>) src(%arg6 : memref<128x128xf32, #tpu.memory_space<vmem>>) dst(%dma_wait3A_286 : memref<128x128xf32, #tpu.memory_space<hbm>>)
        } else {
        }
        %add3A_74 = arith.constant 0 : i32
        %add3A_75 = vector.broadcast %add3A_74 : i32 to vector<16xi32>
        %add3A_76 = arith.addi %add3A_75, %iota3A : vector<16xi32>
        %add3A_77 = arith.constant 16 : i32
        %add3A_78 = vector.broadcast %add3A_77 : i32 to vector<16xi32>
        %add3A_79 = arith.addi %add3A_78, %iota3A : vector<16xi32>
        %add3A_80 = arith.constant 32 : i32
        %add3A_81 = vector.broadcast %add3A_80 : i32 to vector<16xi32>
        %add3A_82 = arith.addi %add3A_81, %iota3A : vector<16xi32>
        %add3A_83 = arith.constant 48 : i32
        %add3A_84 = vector.broadcast %add3A_83 : i32 to vector<16xi32>
        %add3A_85 = arith.addi %add3A_84, %iota3A : vector<16xi32>
        %add3A_86 = arith.constant 64 : i32
        %add3A_87 = vector.broadcast %add3A_86 : i32 to vector<16xi32>
        %add3A_88 = arith.addi %add3A_87, %iota3A : vector<16xi32>
        %add3A_89 = arith.constant 80 : i32
        %add3A_90 = vector.broadcast %add3A_89 : i32 to vector<16xi32>
        %add3A_91 = arith.addi %add3A_90, %iota3A : vector<16xi32>
        %add3A_92 = arith.constant 96 : i32
        %add3A_93 = vector.broadcast %add3A_92 : i32 to vector<16xi32>
        %add3A_94 = arith.addi %add3A_93, %iota3A : vector<16xi32>
        %add3A_95 = arith.constant 112 : i32
        %add3A_96 = vector.broadcast %add3A_95 : i32 to vector<16xi32>
        %add3A_97 = arith.addi %add3A_96, %iota3A : vector<16xi32>
        %add3A_98 = arith.constant 128 : i32
        %add3A_99 = vector.broadcast %add3A_98 : i32 to vector<16xi32>
        %add3A_100 = arith.addi %add3A_99, %iota3A : vector<16xi32>
        %add3A_101 = arith.constant 144 : i32
        %add3A_102 = vector.broadcast %add3A_101 : i32 to vector<16xi32>
        %add3A_103 = arith.addi %add3A_102, %iota3A : vector<16xi32>
        %add3A_104 = arith.constant 160 : i32
        %add3A_105 = vector.broadcast %add3A_104 : i32 to vector<16xi32>
        %add3A_106 = arith.addi %add3A_105, %iota3A : vector<16xi32>
        %add3A_107 = arith.constant 176 : i32
        %add3A_108 = vector.broadcast %add3A_107 : i32 to vector<16xi32>
        %add3A_109 = arith.addi %add3A_108, %iota3A : vector<16xi32>
        %add3A_110 = arith.constant 192 : i32
        %add3A_111 = vector.broadcast %add3A_110 : i32 to vector<16xi32>
        %add3A_112 = arith.addi %add3A_111, %iota3A : vector<16xi32>
        %add3A_113 = arith.constant 208 : i32
        %add3A_114 = vector.broadcast %add3A_113 : i32 to vector<16xi32>
        %add3A_115 = arith.addi %add3A_114, %iota3A : vector<16xi32>
        %add3A_116 = arith.constant 224 : i32
        %add3A_117 = vector.broadcast %add3A_116 : i32 to vector<16xi32>
        %add3A_118 = arith.addi %add3A_117, %iota3A : vector<16xi32>
        %add3A_119 = arith.constant 240 : i32
        %add3A_120 = vector.broadcast %add3A_119 : i32 to vector<16xi32>
        %add3A_121 = arith.addi %add3A_120, %iota3A : vector<16xi32>
        %shift_right_arithmetic3A = arith.constant 1 : i32
        %shift_right_arithmetic3A_122 = vector.broadcast %shift_right_arithmetic3A : i32 to vector<16xi32>
        %shift_right_arithmetic3A_123 = arith.shrsi %add3A_76, %shift_right_arithmetic3A_122 : vector<16xi32>
        %shift_right_arithmetic3A_124 = arith.constant 1 : i32
        %shift_right_arithmetic3A_125 = vector.broadcast %shift_right_arithmetic3A_124 : i32 to vector<16xi32>
        %shift_right_arithmetic3A_126 = arith.shrsi %add3A_79, %shift_right_arithmetic3A_125 : vector<16xi32>
        %shift_right_arithmetic3A_127 = arith.constant 1 : i32
        %shift_right_arithmetic3A_128 = vector.broadcast %shift_right_arithmetic3A_127 : i32 to vector<16xi32>
        %shift_right_arithmetic3A_129 = arith.shrsi %add3A_82, %shift_right_arithmetic3A_128 : vector<16xi32>
        %shift_right_arithmetic3A_130 = arith.constant 1 : i32
        %shift_right_arithmetic3A_131 = vector.broadcast %shift_right_arithmetic3A_130 : i32 to vector<16xi32>
        %shift_right_arithmetic3A_132 = arith.shrsi %add3A_85, %shift_right_arithmetic3A_131 : vector<16xi32>
        %shift_right_arithmetic3A_133 = arith.constant 1 : i32
        %shift_right_arithmetic3A_134 = vector.broadcast %shift_right_arithmetic3A_133 : i32 to vector<16xi32>
        %shift_right_arithmetic3A_135 = arith.shrsi %add3A_88, %shift_right_arithmetic3A_134 : vector<16xi32>
        %shift_right_arithmetic3A_136 = arith.constant 1 : i32
        %shift_right_arithmetic3A_137 = vector.broadcast %shift_right_arithmetic3A_136 : i32 to vector<16xi32>
        %shift_right_arithmetic3A_138 = arith.shrsi %add3A_91, %shift_right_arithmetic3A_137 : vector<16xi32>
        %shift_right_arithmetic3A_139 = arith.constant 1 : i32
        %shift_right_arithmetic3A_140 = vector.broadcast %shift_right_arithmetic3A_139 : i32 to vector<16xi32>
        %shift_right_arithmetic3A_141 = arith.shrsi %add3A_94, %shift_right_arithmetic3A_140 : vector<16xi32>
        %shift_right_arithmetic3A_142 = arith.constant 1 : i32
        %shift_right_arithmetic3A_143 = vector.broadcast %shift_right_arithmetic3A_142 : i32 to vector<16xi32>
        %shift_right_arithmetic3A_144 = arith.shrsi %add3A_97, %shift_right_arithmetic3A_143 : vector<16xi32>
        %shift_right_arithmetic3A_145 = arith.constant 1 : i32
        %shift_right_arithmetic3A_146 = vector.broadcast %shift_right_arithmetic3A_145 : i32 to vector<16xi32>
        %shift_right_arithmetic3A_147 = arith.shrsi %add3A_100, %shift_right_arithmetic3A_146 : vector<16xi32>
        %shift_right_arithmetic3A_148 = arith.constant 1 : i32
        %shift_right_arithmetic3A_149 = vector.broadcast %shift_right_arithmetic3A_148 : i32 to vector<16xi32>
        %shift_right_arithmetic3A_150 = arith.shrsi %add3A_103, %shift_right_arithmetic3A_149 : vector<16xi32>
        %shift_right_arithmetic3A_151 = arith.constant 1 : i32
        %shift_right_arithmetic3A_152 = vector.broadcast %shift_right_arithmetic3A_151 : i32 to vector<16xi32>
        %shift_right_arithmetic3A_153 = arith.shrsi %add3A_106, %shift_right_arithmetic3A_152 : vector<16xi32>
        %shift_right_arithmetic3A_154 = arith.constant 1 : i32
        %shift_right_arithmetic3A_155 = vector.broadcast %shift_right_arithmetic3A_154 : i32 to vector<16xi32>
        %shift_right_arithmetic3A_156 = arith.shrsi %add3A_109, %shift_right_arithmetic3A_155 : vector<16xi32>
        %shift_right_arithmetic3A_157 = arith.constant 1 : i32
        %shift_right_arithmetic3A_158 = vector.broadcast %shift_right_arithmetic3A_157 : i32 to vector<16xi32>
        %shift_right_arithmetic3A_159 = arith.shrsi %add3A_112, %shift_right_arithmetic3A_158 : vector<16xi32>
        %shift_right_arithmetic3A_160 = arith.constant 1 : i32
        %shift_right_arithmetic3A_161 = vector.broadcast %shift_right_arithmetic3A_160 : i32 to vector<16xi32>
        %shift_right_arithmetic3A_162 = arith.shrsi %add3A_115, %shift_right_arithmetic3A_161 : vector<16xi32>
        %shift_right_arithmetic3A_163 = arith.constant 1 : i32
        %shift_right_arithmetic3A_164 = vector.broadcast %shift_right_arithmetic3A_163 : i32 to vector<16xi32>
        %shift_right_arithmetic3A_165 = arith.shrsi %add3A_118, %shift_right_arithmetic3A_164 : vector<16xi32>
        %shift_right_arithmetic3A_166 = arith.constant 1 : i32
        %shift_right_arithmetic3A_167 = vector.broadcast %shift_right_arithmetic3A_166 : i32 to vector<16xi32>
        %shift_right_arithmetic3A_168 = arith.shrsi %add3A_121, %shift_right_arithmetic3A_167 : vector<16xi32>
        %and3A_169 = arith.constant 1 : i32
        %and3A_170 = vector.broadcast %and3A_169 : i32 to vector<16xi32>
        %and3A_171 = arith.andi %add3A_76, %and3A_170 : vector<16xi32>
        %mul3A_172 = arith.constant 64 : i32
        %mul3A_173 = vector.broadcast %mul3A_172 : i32 to vector<16xi32>
        %mul3A_174 = arith.muli %and3A_171, %mul3A_173 : vector<16xi32>
        %and3A_175 = arith.constant 1 : i32
        %and3A_176 = vector.broadcast %and3A_175 : i32 to vector<16xi32>
        %and3A_177 = arith.andi %add3A_79, %and3A_176 : vector<16xi32>
        %mul3A_178 = arith.constant 64 : i32
        %mul3A_179 = vector.broadcast %mul3A_178 : i32 to vector<16xi32>
        %mul3A_180 = arith.muli %and3A_177, %mul3A_179 : vector<16xi32>
        %and3A_181 = arith.constant 1 : i32
        %and3A_182 = vector.broadcast %and3A_181 : i32 to vector<16xi32>
        %and3A_183 = arith.andi %add3A_82, %and3A_182 : vector<16xi32>
        %mul3A_184 = arith.constant 64 : i32
        %mul3A_185 = vector.broadcast %mul3A_184 : i32 to vector<16xi32>
        %mul3A_186 = arith.muli %and3A_183, %mul3A_185 : vector<16xi32>
        %and3A_187 = arith.constant 1 : i32
        %and3A_188 = vector.broadcast %and3A_187 : i32 to vector<16xi32>
        %and3A_189 = arith.andi %add3A_85, %and3A_188 : vector<16xi32>
        %mul3A_190 = arith.constant 64 : i32
        %mul3A_191 = vector.broadcast %mul3A_190 : i32 to vector<16xi32>
        %mul3A_192 = arith.muli %and3A_189, %mul3A_191 : vector<16xi32>
        %and3A_193 = arith.constant 1 : i32
        %and3A_194 = vector.broadcast %and3A_193 : i32 to vector<16xi32>
        %and3A_195 = arith.andi %add3A_88, %and3A_194 : vector<16xi32>
        %mul3A_196 = arith.constant 64 : i32
        %mul3A_197 = vector.broadcast %mul3A_196 : i32 to vector<16xi32>
        %mul3A_198 = arith.muli %and3A_195, %mul3A_197 : vector<16xi32>
        %and3A_199 = arith.constant 1 : i32
        %and3A_200 = vector.broadcast %and3A_199 : i32 to vector<16xi32>
        %and3A_201 = arith.andi %add3A_91, %and3A_200 : vector<16xi32>
        %mul3A_202 = arith.constant 64 : i32
        %mul3A_203 = vector.broadcast %mul3A_202 : i32 to vector<16xi32>
        %mul3A_204 = arith.muli %and3A_201, %mul3A_203 : vector<16xi32>
        %and3A_205 = arith.constant 1 : i32
        %and3A_206 = vector.broadcast %and3A_205 : i32 to vector<16xi32>
        %and3A_207 = arith.andi %add3A_94, %and3A_206 : vector<16xi32>
        %mul3A_208 = arith.constant 64 : i32
        %mul3A_209 = vector.broadcast %mul3A_208 : i32 to vector<16xi32>
        %mul3A_210 = arith.muli %and3A_207, %mul3A_209 : vector<16xi32>
        %and3A_211 = arith.constant 1 : i32
        %and3A_212 = vector.broadcast %and3A_211 : i32 to vector<16xi32>
        %and3A_213 = arith.andi %add3A_97, %and3A_212 : vector<16xi32>
        %mul3A_214 = arith.constant 64 : i32
        %mul3A_215 = vector.broadcast %mul3A_214 : i32 to vector<16xi32>
        %mul3A_216 = arith.muli %and3A_213, %mul3A_215 : vector<16xi32>
        %and3A_217 = arith.constant 1 : i32
        %and3A_218 = vector.broadcast %and3A_217 : i32 to vector<16xi32>
        %and3A_219 = arith.andi %add3A_100, %and3A_218 : vector<16xi32>
        %mul3A_220 = arith.constant 64 : i32
        %mul3A_221 = vector.broadcast %mul3A_220 : i32 to vector<16xi32>
        %mul3A_222 = arith.muli %and3A_219, %mul3A_221 : vector<16xi32>
        %and3A_223 = arith.constant 1 : i32
        %and3A_224 = vector.broadcast %and3A_223 : i32 to vector<16xi32>
        %and3A_225 = arith.andi %add3A_103, %and3A_224 : vector<16xi32>
        %mul3A_226 = arith.constant 64 : i32
        %mul3A_227 = vector.broadcast %mul3A_226 : i32 to vector<16xi32>
        %mul3A_228 = arith.muli %and3A_225, %mul3A_227 : vector<16xi32>
        %and3A_229 = arith.constant 1 : i32
        %and3A_230 = vector.broadcast %and3A_229 : i32 to vector<16xi32>
        %and3A_231 = arith.andi %add3A_106, %and3A_230 : vector<16xi32>
        %mul3A_232 = arith.constant 64 : i32
        %mul3A_233 = vector.broadcast %mul3A_232 : i32 to vector<16xi32>
        %mul3A_234 = arith.muli %and3A_231, %mul3A_233 : vector<16xi32>
        %and3A_235 = arith.constant 1 : i32
        %and3A_236 = vector.broadcast %and3A_235 : i32 to vector<16xi32>
        %and3A_237 = arith.andi %add3A_109, %and3A_236 : vector<16xi32>
        %mul3A_238 = arith.constant 64 : i32
        %mul3A_239 = vector.broadcast %mul3A_238 : i32 to vector<16xi32>
        %mul3A_240 = arith.muli %and3A_237, %mul3A_239 : vector<16xi32>
        %and3A_241 = arith.constant 1 : i32
        %and3A_242 = vector.broadcast %and3A_241 : i32 to vector<16xi32>
        %and3A_243 = arith.andi %add3A_112, %and3A_242 : vector<16xi32>
        %mul3A_244 = arith.constant 64 : i32
        %mul3A_245 = vector.broadcast %mul3A_244 : i32 to vector<16xi32>
        %mul3A_246 = arith.muli %and3A_243, %mul3A_245 : vector<16xi32>
        %and3A_247 = arith.constant 1 : i32
        %and3A_248 = vector.broadcast %and3A_247 : i32 to vector<16xi32>
        %and3A_249 = arith.andi %add3A_115, %and3A_248 : vector<16xi32>
        %mul3A_250 = arith.constant 64 : i32
        %mul3A_251 = vector.broadcast %mul3A_250 : i32 to vector<16xi32>
        %mul3A_252 = arith.muli %and3A_249, %mul3A_251 : vector<16xi32>
        %and3A_253 = arith.constant 1 : i32
        %and3A_254 = vector.broadcast %and3A_253 : i32 to vector<16xi32>
        %and3A_255 = arith.andi %add3A_118, %and3A_254 : vector<16xi32>
        %mul3A_256 = arith.constant 64 : i32
        %mul3A_257 = vector.broadcast %mul3A_256 : i32 to vector<16xi32>
        %mul3A_258 = arith.muli %and3A_255, %mul3A_257 : vector<16xi32>
        %and3A_259 = arith.constant 1 : i32
        %and3A_260 = vector.broadcast %and3A_259 : i32 to vector<16xi32>
        %and3A_261 = arith.andi %add3A_121, %and3A_260 : vector<16xi32>
        %mul3A_262 = arith.constant 64 : i32
        %mul3A_263 = vector.broadcast %mul3A_262 : i32 to vector<16xi32>
        %mul3A_264 = arith.muli %and3A_261, %mul3A_263 : vector<16xi32>
        %scan3A_265 = arith.constant 0 : i32
        %scan3A_266 = arith.constant 0 : i32
        %scan3A_267 = arith.constant 32 : i32
        %scan3A_268 = arith.addi %scan3A_266, %scan3A_267 : i32
        %scan3A_269 = arith.constant 1 : i32
        %scan3A_270 = scf.for %scan3A_281 = %scan3A_266 to %scan3A_268 step %scan3A_269 iter_args(%scan3A_282 = %scan3A_265) -> (i32)  : i32 {
          %mul3A_283 = arith.constant 2 : i32
          %mul3A_284 = arith.muli %scan3A_281, %mul3A_283 : i32
          %add3A_285 = arith.constant 0 : i32
          %add3A_286 = arith.addi %mul3A_284, %add3A_285 : i32
          %add3A_287 = vector.broadcast %add3A_286 : i32 to vector<16xi32>
          %add3A_288 = arith.addi %iota3A, %add3A_287 : vector<16xi32>
          %and3A_289 = arith.constant 63 : i32
          %and3A_290 = vector.broadcast %and3A_289 : i32 to vector<16xi32>
          %and3A_291 = arith.andi %add3A_288, %and3A_290 : vector<16xi32>
          %add3A_292 = arith.addi %mul3A_174, %and3A_291 : vector<16xi32>
          %gather3A = tpu.vector_load_idx %arg5[%and3A_291, %add3A_76] : memref<64x256xf32, #tpu.memory_space<vmem>>[vector<16xi32>, vector<16xi32>], vector<16xf32>,
          %add3A_293 = arith.addi %mul3A_180, %and3A_291 : vector<16xi32>
          %gather3A_294 = tpu.vector_load_idx %arg5[%and3A_291, %add3A_79] : memref<64x256xf32, #tpu.memory_space<vmem>>[vector<16xi32>, vector<16xi32>], vector<16xf32>,
          %add3A_295 = arith.addi %mul3A_186, %and3A_291 : vector<16xi32>
          %gather3A_296 = tpu.vector_load_idx %arg5[%and3A_291, %add3A_82] : memref<64x256xf32, #tpu.memory_space<vmem>>[vector<16xi32>, vector<16xi32>], vector<16xf32>,
          %add3A_297 = arith.addi %mul3A_192, %and3A_291 : vector<16xi32>
          %gather3A_298 = tpu.vector_load_idx %arg5[%and3A_291, %add3A_85] : memref<64x256xf32, #tpu.memory_space<vmem>>[vector<16xi32>, vector<16xi32>], vector<16xf32>,
          %add3A_299 = arith.addi %mul3A_198, %and3A_291 : vector<16xi32>
          %gather3A_300 = tpu.vector_load_idx %arg5[%and3A_291, %add3A_88] : memref<64x256xf32, #tpu.memory_space<vmem>>[vector<16xi32>, vector<16xi32>], vector<16xf32>,
          %add3A_301 = arith.addi %mul3A_204, %and3A_291 : vector<16xi32>
          %gather3A_302 = tpu.vector_load_idx %arg5[%and3A_291, %add3A_91] : memref<64x256xf32, #tpu.memory_space<vmem>>[vector<16xi32>, vector<16xi32>], vector<16xf32>,
          %add3A_303 = arith.addi %mul3A_210, %and3A_291 : vector<16xi32>
          %gather3A_304 = tpu.vector_load_idx %arg5[%and3A_291, %add3A_94] : memref<64x256xf32, #tpu.memory_space<vmem>>[vector<16xi32>, vector<16xi32>], vector<16xf32>,
          %add3A_305 = arith.addi %mul3A_216, %and3A_291 : vector<16xi32>
          %gather3A_306 = tpu.vector_load_idx %arg5[%and3A_291, %add3A_97] : memref<64x256xf32, #tpu.memory_space<vmem>>[vector<16xi32>, vector<16xi32>], vector<16xf32>,
          %add3A_307 = arith.addi %mul3A_222, %and3A_291 : vector<16xi32>
          %gather3A_308 = tpu.vector_load_idx %arg5[%and3A_291, %add3A_100] : memref<64x256xf32, #tpu.memory_space<vmem>>[vector<16xi32>, vector<16xi32>], vector<16xf32>,
          %add3A_309 = arith.addi %mul3A_228, %and3A_291 : vector<16xi32>
          %gather3A_310 = tpu.vector_load_idx %arg5[%and3A_291, %add3A_103] : memref<64x256xf32, #tpu.memory_space<vmem>>[vector<16xi32>, vector<16xi32>], vector<16xf32>,
          %add3A_311 = arith.addi %mul3A_234, %and3A_291 : vector<16xi32>
          %gather3A_312 = tpu.vector_load_idx %arg5[%and3A_291, %add3A_106] : memref<64x256xf32, #tpu.memory_space<vmem>>[vector<16xi32>, vector<16xi32>], vector<16xf32>,
          %add3A_313 = arith.addi %mul3A_240, %and3A_291 : vector<16xi32>
          %gather3A_314 = tpu.vector_load_idx %arg5[%and3A_291, %add3A_109] : memref<64x256xf32, #tpu.memory_space<vmem>>[vector<16xi32>, vector<16xi32>], vector<16xf32>,
          %add3A_315 = arith.addi %mul3A_246, %and3A_291 : vector<16xi32>
          %gather3A_316 = tpu.vector_load_idx %arg5[%and3A_291, %add3A_112] : memref<64x256xf32, #tpu.memory_space<vmem>>[vector<16xi32>, vector<16xi32>], vector<16xf32>,
          %add3A_317 = arith.addi %mul3A_252, %and3A_291 : vector<16xi32>
          %gather3A_318 = tpu.vector_load_idx %arg5[%and3A_291, %add3A_115] : memref<64x256xf32, #tpu.memory_space<vmem>>[vector<16xi32>, vector<16xi32>], vector<16xf32>,
          %add3A_319 = arith.addi %mul3A_258, %and3A_291 : vector<16xi32>
          %gather3A_320 = tpu.vector_load_idx %arg5[%and3A_291, %add3A_118] : memref<64x256xf32, #tpu.memory_space<vmem>>[vector<16xi32>, vector<16xi32>], vector<16xf32>,
          %add3A_321 = arith.addi %mul3A_264, %and3A_291 : vector<16xi32>
          %gather3A_322 = tpu.vector_load_idx %arg5[%and3A_291, %add3A_121] : memref<64x256xf32, #tpu.memory_space<vmem>>[vector<16xi32>, vector<16xi32>], vector<16xf32>,
          %mul3A_323 = arith.constant 2 : i32
          %mul3A_324 = arith.muli %scan3A_281, %mul3A_323 : i32
          %add3A_325 = arith.constant 1 : i32
          %add3A_326 = arith.addi %mul3A_324, %add3A_325 : i32
          %add3A_327 = vector.broadcast %add3A_326 : i32 to vector<16xi32>
          %add3A_328 = arith.addi %iota3A, %add3A_327 : vector<16xi32>
          %and3A_329 = arith.constant 63 : i32
          %and3A_330 = vector.broadcast %and3A_329 : i32 to vector<16xi32>
          %and3A_331 = arith.andi %add3A_328, %and3A_330 : vector<16xi32>
          %add3A_332 = arith.addi %mul3A_174, %and3A_331 : vector<16xi32>
          %gather3A_333 = tpu.vector_load_idx %arg5[%and3A_331, %add3A_76] : memref<64x256xf32, #tpu.memory_space<vmem>>[vector<16xi32>, vector<16xi32>], vector<16xf32>,
          %add3A_334 = arith.addi %mul3A_180, %and3A_331 : vector<16xi32>
          %gather3A_335 = tpu.vector_load_idx %arg5[%and3A_331, %add3A_79] : memref<64x256xf32, #tpu.memory_space<vmem>>[vector<16xi32>, vector<16xi32>], vector<16xf32>,
          %add3A_336 = arith.addi %mul3A_186, %and3A_331 : vector<16xi32>
          %gather3A_337 = tpu.vector_load_idx %arg5[%and3A_331, %add3A_82] : memref<64x256xf32, #tpu.memory_space<vmem>>[vector<16xi32>, vector<16xi32>], vector<16xf32>,
          %add3A_338 = arith.addi %mul3A_192, %and3A_331 : vector<16xi32>
          %gather3A_339 = tpu.vector_load_idx %arg5[%and3A_331, %add3A_85] : memref<64x256xf32, #tpu.memory_space<vmem>>[vector<16xi32>, vector<16xi32>], vector<16xf32>,
          %add3A_340 = arith.addi %mul3A_198, %and3A_331 : vector<16xi32>
          %gather3A_341 = tpu.vector_load_idx %arg5[%and3A_331, %add3A_88] : memref<64x256xf32, #tpu.memory_space<vmem>>[vector<16xi32>, vector<16xi32>], vector<16xf32>,
          %add3A_342 = arith.addi %mul3A_204, %and3A_331 : vector<16xi32>
          %gather3A_343 = tpu.vector_load_idx %arg5[%and3A_331, %add3A_91] : memref<64x256xf32, #tpu.memory_space<vmem>>[vector<16xi32>, vector<16xi32>], vector<16xf32>,
          %add3A_344 = arith.addi %mul3A_210, %and3A_331 : vector<16xi32>
          %gather3A_345 = tpu.vector_load_idx %arg5[%and3A_331, %add3A_94] : memref<64x256xf32, #tpu.memory_space<vmem>>[vector<16xi32>, vector<16xi32>], vector<16xf32>,
          %add3A_346 = arith.addi %mul3A_216, %and3A_331 : vector<16xi32>
          %gather3A_347 = tpu.vector_load_idx %arg5[%and3A_331, %add3A_97] : memref<64x256xf32, #tpu.memory_space<vmem>>[vector<16xi32>, vector<16xi32>], vector<16xf32>,
          %add3A_348 = arith.addi %mul3A_222, %and3A_331 : vector<16xi32>
          %gather3A_349 = tpu.vector_load_idx %arg5[%and3A_331, %add3A_100] : memref<64x256xf32, #tpu.memory_space<vmem>>[vector<16xi32>, vector<16xi32>], vector<16xf32>,
          %add3A_350 = arith.addi %mul3A_228, %and3A_331 : vector<16xi32>
          %gather3A_351 = tpu.vector_load_idx %arg5[%and3A_331, %add3A_103] : memref<64x256xf32, #tpu.memory_space<vmem>>[vector<16xi32>, vector<16xi32>], vector<16xf32>,
          %add3A_352 = arith.addi %mul3A_234, %and3A_331 : vector<16xi32>
          %gather3A_353 = tpu.vector_load_idx %arg5[%and3A_331, %add3A_106] : memref<64x256xf32, #tpu.memory_space<vmem>>[vector<16xi32>, vector<16xi32>], vector<16xf32>,
          %add3A_354 = arith.addi %mul3A_240, %and3A_331 : vector<16xi32>
          %gather3A_355 = tpu.vector_load_idx %arg5[%and3A_331, %add3A_109] : memref<64x256xf32, #tpu.memory_space<vmem>>[vector<16xi32>, vector<16xi32>], vector<16xf32>,
          %add3A_356 = arith.addi %mul3A_246, %and3A_331 : vector<16xi32>
          %gather3A_357 = tpu.vector_load_idx %arg5[%and3A_331, %add3A_112] : memref<64x256xf32, #tpu.memory_space<vmem>>[vector<16xi32>, vector<16xi32>], vector<16xf32>,
          %add3A_358 = arith.addi %mul3A_252, %and3A_331 : vector<16xi32>
          %gather3A_359 = tpu.vector_load_idx %arg5[%and3A_331, %add3A_115] : memref<64x256xf32, #tpu.memory_space<vmem>>[vector<16xi32>, vector<16xi32>], vector<16xf32>,
          %add3A_360 = arith.addi %mul3A_258, %and3A_331 : vector<16xi32>
          %gather3A_361 = tpu.vector_load_idx %arg5[%and3A_331, %add3A_118] : memref<64x256xf32, #tpu.memory_space<vmem>>[vector<16xi32>, vector<16xi32>], vector<16xf32>,
          %add3A_362 = arith.addi %mul3A_264, %and3A_331 : vector<16xi32>
          %gather3A_363 = tpu.vector_load_idx %arg5[%and3A_331, %add3A_121] : memref<64x256xf32, #tpu.memory_space<vmem>>[vector<16xi32>, vector<16xi32>], vector<16xf32>,
          tpu.vector_store_idx %arg6[%shift_right_arithmetic3A_123, %add3A_292], %gather3A : memref<128x128xf32, #tpu.memory_space<vmem>>[vector<16xi32>, vector<16xi32>], vector<16xf32>,
          tpu.vector_store_idx %arg6[%shift_right_arithmetic3A_126, %add3A_293], %gather3A_294 : memref<128x128xf32, #tpu.memory_space<vmem>>[vector<16xi32>, vector<16xi32>], vector<16xf32>,
          tpu.vector_store_idx %arg6[%shift_right_arithmetic3A_129, %add3A_295], %gather3A_296 : memref<128x128xf32, #tpu.memory_space<vmem>>[vector<16xi32>, vector<16xi32>], vector<16xf32>,
          tpu.vector_store_idx %arg6[%shift_right_arithmetic3A_132, %add3A_297], %gather3A_298 : memref<128x128xf32, #tpu.memory_space<vmem>>[vector<16xi32>, vector<16xi32>], vector<16xf32>,
          tpu.vector_store_idx %arg6[%shift_right_arithmetic3A_135, %add3A_299], %gather3A_300 : memref<128x128xf32, #tpu.memory_space<vmem>>[vector<16xi32>, vector<16xi32>], vector<16xf32>,
          tpu.vector_store_idx %arg6[%shift_right_arithmetic3A_138, %add3A_301], %gather3A_302 : memref<128x128xf32, #tpu.memory_space<vmem>>[vector<16xi32>, vector<16xi32>], vector<16xf32>,
          tpu.vector_store_idx %arg6[%shift_right_arithmetic3A_141, %add3A_303], %gather3A_304 : memref<128x128xf32, #tpu.memory_space<vmem>>[vector<16xi32>, vector<16xi32>], vector<16xf32>,
          tpu.vector_store_idx %arg6[%shift_right_arithmetic3A_144, %add3A_305], %gather3A_306 : memref<128x128xf32, #tpu.memory_space<vmem>>[vector<16xi32>, vector<16xi32>], vector<16xf32>,
          tpu.vector_store_idx %arg6[%shift_right_arithmetic3A_147, %add3A_307], %gather3A_308 : memref<128x128xf32, #tpu.memory_space<vmem>>[vector<16xi32>, vector<16xi32>], vector<16xf32>,
          tpu.vector_store_idx %arg6[%shift_right_arithmetic3A_150, %add3A_309], %gather3A_310 : memref<128x128xf32, #tpu.memory_space<vmem>>[vector<16xi32>, vector<16xi32>], vector<16xf32>,
          tpu.vector_store_idx %arg6[%shift_right_arithmetic3A_153, %add3A_311], %gather3A_312 : memref<128x128xf32, #tpu.memory_space<vmem>>[vector<16xi32>, vector<16xi32>], vector<16xf32>,
          tpu.vector_store_idx %arg6[%shift_right_arithmetic3A_156, %add3A_313], %gather3A_314 : memref<128x128xf32, #tpu.memory_space<vmem>>[vector<16xi32>, vector<16xi32>], vector<16xf32>,
          tpu.vector_store_idx %arg6[%shift_right_arithmetic3A_159, %add3A_315], %gather3A_316 : memref<128x128xf32, #tpu.memory_space<vmem>>[vector<16xi32>, vector<16xi32>], vector<16xf32>,
          tpu.vector_store_idx %arg6[%shift_right_arithmetic3A_162, %add3A_317], %gather3A_318 : memref<128x128xf32, #tpu.memory_space<vmem>>[vector<16xi32>, vector<16xi32>], vector<16xf32>,
          tpu.vector_store_idx %arg6[%shift_right_arithmetic3A_165, %add3A_319], %gather3A_320 : memref<128x128xf32, #tpu.memory_space<vmem>>[vector<16xi32>, vector<16xi32>], vector<16xf32>,
          tpu.vector_store_idx %arg6[%shift_right_arithmetic3A_168, %add3A_321], %gather3A_322 : memref<128x128xf32, #tpu.memory_space<vmem>>[vector<16xi32>, vector<16xi32>], vector<16xf32>,
          tpu.vector_store_idx %arg6[%shift_right_arithmetic3A_123, %add3A_332], %gather3A_333 : memref<128x128xf32, #tpu.memory_space<vmem>>[vector<16xi32>, vector<16xi32>], vector<16xf32>,
          tpu.vector_store_idx %arg6[%shift_right_arithmetic3A_126, %add3A_334], %gather3A_335 : memref<128x128xf32, #tpu.memory_space<vmem>>[vector<16xi32>, vector<16xi32>], vector<16xf32>,
          tpu.vector_store_idx %arg6[%shift_right_arithmetic3A_129, %add3A_336], %gather3A_337 : memref<128x128xf32, #tpu.memory_space<vmem>>[vector<16xi32>, vector<16xi32>], vector<16xf32>,
          tpu.vector_store_idx %arg6[%shift_right_arithmetic3A_132, %add3A_338], %gather3A_339 : memref<128x128xf32, #tpu.memory_space<vmem>>[vector<16xi32>, vector<16xi32>], vector<16xf32>,
          tpu.vector_store_idx %arg6[%shift_right_arithmetic3A_135, %add3A_340], %gather3A_341 : memref<128x128xf32, #tpu.memory_space<vmem>>[vector<16xi32>, vector<16xi32>], vector<16xf32>,
          tpu.vector_store_idx %arg6[%shift_right_arithmetic3A_138, %add3A_342], %gather3A_343 : memref<128x128xf32, #tpu.memory_space<vmem>>[vector<16xi32>, vector<16xi32>], vector<16xf32>,
          tpu.vector_store_idx %arg6[%shift_right_arithmetic3A_141, %add3A_344], %gather3A_345 : memref<128x128xf32, #tpu.memory_space<vmem>>[vector<16xi32>, vector<16xi32>], vector<16xf32>,
          tpu.vector_store_idx %arg6[%shift_right_arithmetic3A_144, %add3A_346], %gather3A_347 : memref<128x128xf32, #tpu.memory_space<vmem>>[vector<16xi32>, vector<16xi32>], vector<16xf32>,
          tpu.vector_store_idx %arg6[%shift_right_arithmetic3A_147, %add3A_348], %gather3A_349 : memref<128x128xf32, #tpu.memory_space<vmem>>[vector<16xi32>, vector<16xi32>], vector<16xf32>,
          tpu.vector_store_idx %arg6[%shift_right_arithmetic3A_150, %add3A_350], %gather3A_351 : memref<128x128xf32, #tpu.memory_space<vmem>>[vector<16xi32>, vector<16xi32>], vector<16xf32>,
          tpu.vector_store_idx %arg6[%shift_right_arithmetic3A_153, %add3A_352], %gather3A_353 : memref<128x128xf32, #tpu.memory_space<vmem>>[vector<16xi32>, vector<16xi32>], vector<16xf32>,
          tpu.vector_store_idx %arg6[%shift_right_arithmetic3A_156, %add3A_354], %gather3A_355 : memref<128x128xf32, #tpu.memory_space<vmem>>[vector<16xi32>, vector<16xi32>], vector<16xf32>,
          tpu.vector_store_idx %arg6[%shift_right_arithmetic3A_159, %add3A_356], %gather3A_357 : memref<128x128xf32, #tpu.memory_space<vmem>>[vector<16xi32>, vector<16xi32>], vector<16xf32>,
          tpu.vector_store_idx %arg6[%shift_right_arithmetic3A_162, %add3A_358], %gather3A_359 : memref<128x128xf32, #tpu.memory_space<vmem>>[vector<16xi32>, vector<16xi32>], vector<16xf32>,
          tpu.vector_store_idx %arg6[%shift_right_arithmetic3A_165, %add3A_360], %gather3A_361 : memref<128x128xf32, #tpu.memory_space<vmem>>[vector<16xi32>, vector<16xi32>], vector<16xf32>,
          tpu.vector_store_idx %arg6[%shift_right_arithmetic3A_168, %add3A_362], %gather3A_363 : memref<128x128xf32, #tpu.memory_space<vmem>>[vector<16xi32>, vector<16xi32>], vector<16xf32>,
          %scan3A_364 = arith.constant 0 : i32
          scf.yield %scan3A_364 : i32
        }
        %scan3A_271 = arith.constant 32 : i32
        %mul3A_272 = arith.constant 32 : i32
        %mul3A_273 = arith.muli %scan3A_33, %mul3A_272 : i32
        %add3A_274 = arith.addi %mul3A_273, %add3A : i32
        %mul3A_275 = arith.constant 128 : i32
        %mul3A_276 = arith.muli %add3A_274, %mul3A_275 : i32
        %dma_start3A_277 = arith.constant 0 : i32
        %dma_start3A_278 = tpu.memref_slice %arg4[%mul3A_276, %dma_start3A_277] : memref<500000x128xf32, #tpu.memory_space<hbm>> -> memref<128x128xf32, #tpu.memory_space<hbm>>
        %dma_start3A_279 = arith.constant 0 : i32
        %dma_start3A_280 = tpu.memref_slice %arg4[%mul3A_276, %dma_start3A_279] : memref<500000x128xf32, #tpu.memory_space<hbm>> -> memref<128x128xf32, #tpu.memory_space<hbm>>
        tpu.enqueue_dma source(%arg6 : memref<128x128xf32, #tpu.memory_space<vmem>>) target(%dma_start3A_280 : memref<128x128xf32, #tpu.memory_space<hbm>>) target_semaphore(%arg11 : memref<!tpu.dma_semaphore, #tpu.memory_space<semaphore_mem>>)
      } else {
      }
      %eq3A_51 = arith.constant 1 : i32
      %eq3A_52 = arith.cmpi eq, %select_n3A_45, %eq3A_51 : i32
      %convert_element_type3A_53 = arith.extui %eq3A_52 : i1 to i32
      %cond3A_54 = arith.constant 0 : i32
      %cond3A_55 = arith.cmpi ne, %convert_element_type3A_53, %cond3A_54 : i32
      scf.if %cond3A_55 {
        %add3A_57 = arith.constant 1 : i32
        %add3A_58 = arith.addi %scan3A_33, %add3A_57 : i32
        %lt3A_59 = arith.constant 122 : i32
        %lt3A_60 = arith.cmpi slt, %add3A_58, %lt3A_59 : i32
        %convert_element_type3A_61 = arith.extui %lt3A_60 : i1 to i32
        %cond3A_62 = arith.constant 0 : i32
        %cond3A_63 = arith.cmpi ne, %convert_element_type3A_61, %cond3A_62 : i32
        scf.if %cond3A_63 {
          %add3A_281 = arith.constant 1 : i32
          %add3A_282 = arith.addi %scan3A_33, %add3A_281 : i32
          %mul3A_283 = arith.constant 32 : i32
          %mul3A_284 = arith.muli %add3A_282, %mul3A_283 : i32
          %add3A_285 = arith.addi %mul3A_284, %add3A : i32
          %mul3A_286 = arith.constant 256 : i32
          %mul3A_287 = arith.muli %add3A_285, %mul3A_286 : i32
          %dma_start3A_288 = arith.constant 0 : i32
          %dma_start3A_289 = tpu.memref_slice %arg2[%dma_start3A_288, %mul3A_287] : memref<64x1000000xf32, #tpu.memory_space<hbm>> -> memref<64x256xf32, #tpu.memory_space<hbm>>
          %dma_start3A_290 = arith.constant 0 : i32
          %dma_start3A_291 = tpu.memref_slice %arg2[%dma_start3A_290, %mul3A_287] : memref<64x1000000xf32, #tpu.memory_space<hbm>> -> memref<64x256xf32, #tpu.memory_space<hbm>>
          tpu.enqueue_dma source(%dma_start3A_291 : memref<64x256xf32, #tpu.memory_space<hbm>>) target(%arg5 : memref<64x256xf32, #tpu.memory_space<vmem>>) target_semaphore(%arg9 : memref<!tpu.dma_semaphore, #tpu.memory_space<semaphore_mem>>)
        } else {
        }
        %dma_wait3A_64 = arith.constant 0 : i32
        %dma_wait3A_65 = arith.constant 0 : i32
        %dma_wait3A_66 = tpu.memref_slice %arg2[%dma_wait3A_64, %dma_wait3A_65] : memref<64x1000000xf32, #tpu.memory_space<hbm>> -> memref<64x256xf32, #tpu.memory_space<hbm>>
        %dma_wait3A_67 = arith.constant 0 : i32
        %dma_wait3A_68 = arith.constant 0 : i32
        %dma_wait3A_69 = tpu.memref_slice %arg2[%dma_wait3A_67, %dma_wait3A_68] : memref<64x1000000xf32, #tpu.memory_space<hbm>> -> memref<64x256xf32, #tpu.memory_space<hbm>>
        tpu.wait_dma2 semaphore(%arg10 : memref<!tpu.dma_semaphore, #tpu.memory_space<semaphore_mem>>) src(%dma_wait3A_69 : memref<64x256xf32, #tpu.memory_space<hbm>>) dst(%arg7 : memref<64x256xf32, #tpu.memory_space<vmem>>)
        %ge3A = arith.constant 2 : i32
        %ge3A_70 = arith.cmpi sge, %scan3A_33, %ge3A : i32
        %convert_element_type3A_71 = arith.extui %ge3A_70 : i1 to i32
        %cond3A_72 = arith.constant 0 : i32
        %cond3A_73 = arith.cmpi ne, %convert_element_type3A_71, %cond3A_72 : i32
        scf.if %cond3A_73 {
          %dma_wait3A_281 = arith.constant 0 : i32
          %dma_wait3A_282 = arith.constant 0 : i32
          %dma_wait3A_283 = tpu.memref_slice %arg4[%dma_wait3A_281, %dma_wait3A_282] : memref<500000x128xf32, #tpu.memory_space<hbm>> -> memref<128x128xf32, #tpu.memory_space<hbm>>
          %dma_wait3A_284 = arith.constant 0 : i32
          %dma_wait3A_285 = arith.constant 0 : i32
          %dma_wait3A_286 = tpu.memref_slice %arg4[%dma_wait3A_284, %dma_wait3A_285] : memref<500000x128xf32, #tpu.memory_space<hbm>> -> memref<128x128xf32, #tpu.memory_space<hbm>>
          tpu.wait_dma2 semaphore(%arg12 : memref<!tpu.dma_semaphore, #tpu.memory_space<semaphore_mem>>) src(%arg8 : memref<128x128xf32, #tpu.memory_space<vmem>>) dst(%dma_wait3A_286 : memref<128x128xf32, #tpu.memory_space<hbm>>)
        } else {
        }
        %add3A_74 = arith.constant 0 : i32
        %add3A_75 = vector.broadcast %add3A_74 : i32 to vector<16xi32>
        %add3A_76 = arith.addi %add3A_75, %iota3A : vector<16xi32>
        %add3A_77 = arith.constant 16 : i32
        %add3A_78 = vector.broadcast %add3A_77 : i32 to vector<16xi32>
        %add3A_79 = arith.addi %add3A_78, %iota3A : vector<16xi32>
        %add3A_80 = arith.constant 32 : i32
        %add3A_81 = vector.broadcast %add3A_80 : i32 to vector<16xi32>
        %add3A_82 = arith.addi %add3A_81, %iota3A : vector<16xi32>
        %add3A_83 = arith.constant 48 : i32
        %add3A_84 = vector.broadcast %add3A_83 : i32 to vector<16xi32>
        %add3A_85 = arith.addi %add3A_84, %iota3A : vector<16xi32>
        %add3A_86 = arith.constant 64 : i32
        %add3A_87 = vector.broadcast %add3A_86 : i32 to vector<16xi32>
        %add3A_88 = arith.addi %add3A_87, %iota3A : vector<16xi32>
        %add3A_89 = arith.constant 80 : i32
        %add3A_90 = vector.broadcast %add3A_89 : i32 to vector<16xi32>
        %add3A_91 = arith.addi %add3A_90, %iota3A : vector<16xi32>
        %add3A_92 = arith.constant 96 : i32
        %add3A_93 = vector.broadcast %add3A_92 : i32 to vector<16xi32>
        %add3A_94 = arith.addi %add3A_93, %iota3A : vector<16xi32>
        %add3A_95 = arith.constant 112 : i32
        %add3A_96 = vector.broadcast %add3A_95 : i32 to vector<16xi32>
        %add3A_97 = arith.addi %add3A_96, %iota3A : vector<16xi32>
        %add3A_98 = arith.constant 128 : i32
        %add3A_99 = vector.broadcast %add3A_98 : i32 to vector<16xi32>
        %add3A_100 = arith.addi %add3A_99, %iota3A : vector<16xi32>
        %add3A_101 = arith.constant 144 : i32
        %add3A_102 = vector.broadcast %add3A_101 : i32 to vector<16xi32>
        %add3A_103 = arith.addi %add3A_102, %iota3A : vector<16xi32>
        %add3A_104 = arith.constant 160 : i32
        %add3A_105 = vector.broadcast %add3A_104 : i32 to vector<16xi32>
        %add3A_106 = arith.addi %add3A_105, %iota3A : vector<16xi32>
        %add3A_107 = arith.constant 176 : i32
        %add3A_108 = vector.broadcast %add3A_107 : i32 to vector<16xi32>
        %add3A_109 = arith.addi %add3A_108, %iota3A : vector<16xi32>
        %add3A_110 = arith.constant 192 : i32
        %add3A_111 = vector.broadcast %add3A_110 : i32 to vector<16xi32>
        %add3A_112 = arith.addi %add3A_111, %iota3A : vector<16xi32>
        %add3A_113 = arith.constant 208 : i32
        %add3A_114 = vector.broadcast %add3A_113 : i32 to vector<16xi32>
        %add3A_115 = arith.addi %add3A_114, %iota3A : vector<16xi32>
        %add3A_116 = arith.constant 224 : i32
        %add3A_117 = vector.broadcast %add3A_116 : i32 to vector<16xi32>
        %add3A_118 = arith.addi %add3A_117, %iota3A : vector<16xi32>
        %add3A_119 = arith.constant 240 : i32
        %add3A_120 = vector.broadcast %add3A_119 : i32 to vector<16xi32>
        %add3A_121 = arith.addi %add3A_120, %iota3A : vector<16xi32>
        %shift_right_arithmetic3A = arith.constant 1 : i32
        %shift_right_arithmetic3A_122 = vector.broadcast %shift_right_arithmetic3A : i32 to vector<16xi32>
        %shift_right_arithmetic3A_123 = arith.shrsi %add3A_76, %shift_right_arithmetic3A_122 : vector<16xi32>
        %shift_right_arithmetic3A_124 = arith.constant 1 : i32
        %shift_right_arithmetic3A_125 = vector.broadcast %shift_right_arithmetic3A_124 : i32 to vector<16xi32>
        %shift_right_arithmetic3A_126 = arith.shrsi %add3A_79, %shift_right_arithmetic3A_125 : vector<16xi32>
        %shift_right_arithmetic3A_127 = arith.constant 1 : i32
        %shift_right_arithmetic3A_128 = vector.broadcast %shift_right_arithmetic3A_127 : i32 to vector<16xi32>
        %shift_right_arithmetic3A_129 = arith.shrsi %add3A_82, %shift_right_arithmetic3A_128 : vector<16xi32>
        %shift_right_arithmetic3A_130 = arith.constant 1 : i32
        %shift_right_arithmetic3A_131 = vector.broadcast %shift_right_arithmetic3A_130 : i32 to vector<16xi32>
        %shift_right_arithmetic3A_132 = arith.shrsi %add3A_85, %shift_right_arithmetic3A_131 : vector<16xi32>
        %shift_right_arithmetic3A_133 = arith.constant 1 : i32
        %shift_right_arithmetic3A_134 = vector.broadcast %shift_right_arithmetic3A_133 : i32 to vector<16xi32>
        %shift_right_arithmetic3A_135 = arith.shrsi %add3A_88, %shift_right_arithmetic3A_134 : vector<16xi32>
        %shift_right_arithmetic3A_136 = arith.constant 1 : i32
        %shift_right_arithmetic3A_137 = vector.broadcast %shift_right_arithmetic3A_136 : i32 to vector<16xi32>
        %shift_right_arithmetic3A_138 = arith.shrsi %add3A_91, %shift_right_arithmetic3A_137 : vector<16xi32>
        %shift_right_arithmetic3A_139 = arith.constant 1 : i32
        %shift_right_arithmetic3A_140 = vector.broadcast %shift_right_arithmetic3A_139 : i32 to vector<16xi32>
        %shift_right_arithmetic3A_141 = arith.shrsi %add3A_94, %shift_right_arithmetic3A_140 : vector<16xi32>
        %shift_right_arithmetic3A_142 = arith.constant 1 : i32
        %shift_right_arithmetic3A_143 = vector.broadcast %shift_right_arithmetic3A_142 : i32 to vector<16xi32>
        %shift_right_arithmetic3A_144 = arith.shrsi %add3A_97, %shift_right_arithmetic3A_143 : vector<16xi32>
        %shift_right_arithmetic3A_145 = arith.constant 1 : i32
        %shift_right_arithmetic3A_146 = vector.broadcast %shift_right_arithmetic3A_145 : i32 to vector<16xi32>
        %shift_right_arithmetic3A_147 = arith.shrsi %add3A_100, %shift_right_arithmetic3A_146 : vector<16xi32>
        %shift_right_arithmetic3A_148 = arith.constant 1 : i32
        %shift_right_arithmetic3A_149 = vector.broadcast %shift_right_arithmetic3A_148 : i32 to vector<16xi32>
        %shift_right_arithmetic3A_150 = arith.shrsi %add3A_103, %shift_right_arithmetic3A_149 : vector<16xi32>
        %shift_right_arithmetic3A_151 = arith.constant 1 : i32
        %shift_right_arithmetic3A_152 = vector.broadcast %shift_right_arithmetic3A_151 : i32 to vector<16xi32>
        %shift_right_arithmetic3A_153 = arith.shrsi %add3A_106, %shift_right_arithmetic3A_152 : vector<16xi32>
        %shift_right_arithmetic3A_154 = arith.constant 1 : i32
        %shift_right_arithmetic3A_155 = vector.broadcast %shift_right_arithmetic3A_154 : i32 to vector<16xi32>
        %shift_right_arithmetic3A_156 = arith.shrsi %add3A_109, %shift_right_arithmetic3A_155 : vector<16xi32>
        %shift_right_arithmetic3A_157 = arith.constant 1 : i32
        %shift_right_arithmetic3A_158 = vector.broadcast %shift_right_arithmetic3A_157 : i32 to vector<16xi32>
        %shift_right_arithmetic3A_159 = arith.shrsi %add3A_112, %shift_right_arithmetic3A_158 : vector<16xi32>
        %shift_right_arithmetic3A_160 = arith.constant 1 : i32
        %shift_right_arithmetic3A_161 = vector.broadcast %shift_right_arithmetic3A_160 : i32 to vector<16xi32>
        %shift_right_arithmetic3A_162 = arith.shrsi %add3A_115, %shift_right_arithmetic3A_161 : vector<16xi32>
        %shift_right_arithmetic3A_163 = arith.constant 1 : i32
        %shift_right_arithmetic3A_164 = vector.broadcast %shift_right_arithmetic3A_163 : i32 to vector<16xi32>
        %shift_right_arithmetic3A_165 = arith.shrsi %add3A_118, %shift_right_arithmetic3A_164 : vector<16xi32>
        %shift_right_arithmetic3A_166 = arith.constant 1 : i32
        %shift_right_arithmetic3A_167 = vector.broadcast %shift_right_arithmetic3A_166 : i32 to vector<16xi32>
        %shift_right_arithmetic3A_168 = arith.shrsi %add3A_121, %shift_right_arithmetic3A_167 : vector<16xi32>
        %and3A_169 = arith.constant 1 : i32
        %and3A_170 = vector.broadcast %and3A_169 : i32 to vector<16xi32>
        %and3A_171 = arith.andi %add3A_76, %and3A_170 : vector<16xi32>
        %mul3A_172 = arith.constant 64 : i32
        %mul3A_173 = vector.broadcast %mul3A_172 : i32 to vector<16xi32>
        %mul3A_174 = arith.muli %and3A_171, %mul3A_173 : vector<16xi32>
        %and3A_175 = arith.constant 1 : i32
        %and3A_176 = vector.broadcast %and3A_175 : i32 to vector<16xi32>
        %and3A_177 = arith.andi %add3A_79, %and3A_176 : vector<16xi32>
        %mul3A_178 = arith.constant 64 : i32
        %mul3A_179 = vector.broadcast %mul3A_178 : i32 to vector<16xi32>
        %mul3A_180 = arith.muli %and3A_177, %mul3A_179 : vector<16xi32>
        %and3A_181 = arith.constant 1 : i32
        %and3A_182 = vector.broadcast %and3A_181 : i32 to vector<16xi32>
        %and3A_183 = arith.andi %add3A_82, %and3A_182 : vector<16xi32>
        %mul3A_184 = arith.constant 64 : i32
        %mul3A_185 = vector.broadcast %mul3A_184 : i32 to vector<16xi32>
        %mul3A_186 = arith.muli %and3A_183, %mul3A_185 : vector<16xi32>
        %and3A_187 = arith.constant 1 : i32
        %and3A_188 = vector.broadcast %and3A_187 : i32 to vector<16xi32>
        %and3A_189 = arith.andi %add3A_85, %and3A_188 : vector<16xi32>
        %mul3A_190 = arith.constant 64 : i32
        %mul3A_191 = vector.broadcast %mul3A_190 : i32 to vector<16xi32>
        %mul3A_192 = arith.muli %and3A_189, %mul3A_191 : vector<16xi32>
        %and3A_193 = arith.constant 1 : i32
        %and3A_194 = vector.broadcast %and3A_193 : i32 to vector<16xi32>
        %and3A_195 = arith.andi %add3A_88, %and3A_194 : vector<16xi32>
        %mul3A_196 = arith.constant 64 : i32
        %mul3A_197 = vector.broadcast %mul3A_196 : i32 to vector<16xi32>
        %mul3A_198 = arith.muli %and3A_195, %mul3A_197 : vector<16xi32>
        %and3A_199 = arith.constant 1 : i32
        %and3A_200 = vector.broadcast %and3A_199 : i32 to vector<16xi32>
        %and3A_201 = arith.andi %add3A_91, %and3A_200 : vector<16xi32>
        %mul3A_202 = arith.constant 64 : i32
        %mul3A_203 = vector.broadcast %mul3A_202 : i32 to vector<16xi32>
        %mul3A_204 = arith.muli %and3A_201, %mul3A_203 : vector<16xi32>
        %and3A_205 = arith.constant 1 : i32
        %and3A_206 = vector.broadcast %and3A_205 : i32 to vector<16xi32>
        %and3A_207 = arith.andi %add3A_94, %and3A_206 : vector<16xi32>
        %mul3A_208 = arith.constant 64 : i32
        %mul3A_209 = vector.broadcast %mul3A_208 : i32 to vector<16xi32>
        %mul3A_210 = arith.muli %and3A_207, %mul3A_209 : vector<16xi32>
        %and3A_211 = arith.constant 1 : i32
        %and3A_212 = vector.broadcast %and3A_211 : i32 to vector<16xi32>
        %and3A_213 = arith.andi %add3A_97, %and3A_212 : vector<16xi32>
        %mul3A_214 = arith.constant 64 : i32
        %mul3A_215 = vector.broadcast %mul3A_214 : i32 to vector<16xi32>
        %mul3A_216 = arith.muli %and3A_213, %mul3A_215 : vector<16xi32>
        %and3A_217 = arith.constant 1 : i32
        %and3A_218 = vector.broadcast %and3A_217 : i32 to vector<16xi32>
        %and3A_219 = arith.andi %add3A_100, %and3A_218 : vector<16xi32>
        %mul3A_220 = arith.constant 64 : i32
        %mul3A_221 = vector.broadcast %mul3A_220 : i32 to vector<16xi32>
        %mul3A_222 = arith.muli %and3A_219, %mul3A_221 : vector<16xi32>
        %and3A_223 = arith.constant 1 : i32
        %and3A_224 = vector.broadcast %and3A_223 : i32 to vector<16xi32>
        %and3A_225 = arith.andi %add3A_103, %and3A_224 : vector<16xi32>
        %mul3A_226 = arith.constant 64 : i32
        %mul3A_227 = vector.broadcast %mul3A_226 : i32 to vector<16xi32>
        %mul3A_228 = arith.muli %and3A_225, %mul3A_227 : vector<16xi32>
        %and3A_229 = arith.constant 1 : i32
        %and3A_230 = vector.broadcast %and3A_229 : i32 to vector<16xi32>
        %and3A_231 = arith.andi %add3A_106, %and3A_230 : vector<16xi32>
        %mul3A_232 = arith.constant 64 : i32
        %mul3A_233 = vector.broadcast %mul3A_232 : i32 to vector<16xi32>
        %mul3A_234 = arith.muli %and3A_231, %mul3A_233 : vector<16xi32>
        %and3A_235 = arith.constant 1 : i32
        %and3A_236 = vector.broadcast %and3A_235 : i32 to vector<16xi32>
        %and3A_237 = arith.andi %add3A_109, %and3A_236 : vector<16xi32>
        %mul3A_238 = arith.constant 64 : i32
        %mul3A_239 = vector.broadcast %mul3A_238 : i32 to vector<16xi32>
        %mul3A_240 = arith.muli %and3A_237, %mul3A_239 : vector<16xi32>
        %and3A_241 = arith.constant 1 : i32
        %and3A_242 = vector.broadcast %and3A_241 : i32 to vector<16xi32>
        %and3A_243 = arith.andi %add3A_112, %and3A_242 : vector<16xi32>
        %mul3A_244 = arith.constant 64 : i32
        %mul3A_245 = vector.broadcast %mul3A_244 : i32 to vector<16xi32>
        %mul3A_246 = arith.muli %and3A_243, %mul3A_245 : vector<16xi32>
        %and3A_247 = arith.constant 1 : i32
        %and3A_248 = vector.broadcast %and3A_247 : i32 to vector<16xi32>
        %and3A_249 = arith.andi %add3A_115, %and3A_248 : vector<16xi32>
        %mul3A_250 = arith.constant 64 : i32
        %mul3A_251 = vector.broadcast %mul3A_250 : i32 to vector<16xi32>
        %mul3A_252 = arith.muli %and3A_249, %mul3A_251 : vector<16xi32>
        %and3A_253 = arith.constant 1 : i32
        %and3A_254 = vector.broadcast %and3A_253 : i32 to vector<16xi32>
        %and3A_255 = arith.andi %add3A_118, %and3A_254 : vector<16xi32>
        %mul3A_256 = arith.constant 64 : i32
        %mul3A_257 = vector.broadcast %mul3A_256 : i32 to vector<16xi32>
        %mul3A_258 = arith.muli %and3A_255, %mul3A_257 : vector<16xi32>
        %and3A_259 = arith.constant 1 : i32
        %and3A_260 = vector.broadcast %and3A_259 : i32 to vector<16xi32>
        %and3A_261 = arith.andi %add3A_121, %and3A_260 : vector<16xi32>
        %mul3A_262 = arith.constant 64 : i32
        %mul3A_263 = vector.broadcast %mul3A_262 : i32 to vector<16xi32>
        %mul3A_264 = arith.muli %and3A_261, %mul3A_263 : vector<16xi32>
        %scan3A_265 = arith.constant 0 : i32
        %scan3A_266 = arith.constant 0 : i32
        %scan3A_267 = arith.constant 32 : i32
        %scan3A_268 = arith.addi %scan3A_266, %scan3A_267 : i32
        %scan3A_269 = arith.constant 1 : i32
        %scan3A_270 = scf.for %scan3A_281 = %scan3A_266 to %scan3A_268 step %scan3A_269 iter_args(%scan3A_282 = %scan3A_265) -> (i32)  : i32 {
          %mul3A_283 = arith.constant 2 : i32
          %mul3A_284 = arith.muli %scan3A_281, %mul3A_283 : i32
          %add3A_285 = arith.constant 0 : i32
          %add3A_286 = arith.addi %mul3A_284, %add3A_285 : i32
          %add3A_287 = vector.broadcast %add3A_286 : i32 to vector<16xi32>
          %add3A_288 = arith.addi %iota3A, %add3A_287 : vector<16xi32>
          %and3A_289 = arith.constant 63 : i32
          %and3A_290 = vector.broadcast %and3A_289 : i32 to vector<16xi32>
          %and3A_291 = arith.andi %add3A_288, %and3A_290 : vector<16xi32>
          %add3A_292 = arith.addi %mul3A_174, %and3A_291 : vector<16xi32>
          %gather3A = tpu.vector_load_idx %arg7[%and3A_291, %add3A_76] : memref<64x256xf32, #tpu.memory_space<vmem>>[vector<16xi32>, vector<16xi32>], vector<16xf32>,
          %add3A_293 = arith.addi %mul3A_180, %and3A_291 : vector<16xi32>
          %gather3A_294 = tpu.vector_load_idx %arg7[%and3A_291, %add3A_79] : memref<64x256xf32, #tpu.memory_space<vmem>>[vector<16xi32>, vector<16xi32>], vector<16xf32>,
          %add3A_295 = arith.addi %mul3A_186, %and3A_291 : vector<16xi32>
          %gather3A_296 = tpu.vector_load_idx %arg7[%and3A_291, %add3A_82] : memref<64x256xf32, #tpu.memory_space<vmem>>[vector<16xi32>, vector<16xi32>], vector<16xf32>,
          %add3A_297 = arith.addi %mul3A_192, %and3A_291 : vector<16xi32>
          %gather3A_298 = tpu.vector_load_idx %arg7[%and3A_291, %add3A_85] : memref<64x256xf32, #tpu.memory_space<vmem>>[vector<16xi32>, vector<16xi32>], vector<16xf32>,
          %add3A_299 = arith.addi %mul3A_198, %and3A_291 : vector<16xi32>
          %gather3A_300 = tpu.vector_load_idx %arg7[%and3A_291, %add3A_88] : memref<64x256xf32, #tpu.memory_space<vmem>>[vector<16xi32>, vector<16xi32>], vector<16xf32>,
          %add3A_301 = arith.addi %mul3A_204, %and3A_291 : vector<16xi32>
          %gather3A_302 = tpu.vector_load_idx %arg7[%and3A_291, %add3A_91] : memref<64x256xf32, #tpu.memory_space<vmem>>[vector<16xi32>, vector<16xi32>], vector<16xf32>,
          %add3A_303 = arith.addi %mul3A_210, %and3A_291 : vector<16xi32>
          %gather3A_304 = tpu.vector_load_idx %arg7[%and3A_291, %add3A_94] : memref<64x256xf32, #tpu.memory_space<vmem>>[vector<16xi32>, vector<16xi32>], vector<16xf32>,
          %add3A_305 = arith.addi %mul3A_216, %and3A_291 : vector<16xi32>
          %gather3A_306 = tpu.vector_load_idx %arg7[%and3A_291, %add3A_97] : memref<64x256xf32, #tpu.memory_space<vmem>>[vector<16xi32>, vector<16xi32>], vector<16xf32>,
          %add3A_307 = arith.addi %mul3A_222, %and3A_291 : vector<16xi32>
          %gather3A_308 = tpu.vector_load_idx %arg7[%and3A_291, %add3A_100] : memref<64x256xf32, #tpu.memory_space<vmem>>[vector<16xi32>, vector<16xi32>], vector<16xf32>,
          %add3A_309 = arith.addi %mul3A_228, %and3A_291 : vector<16xi32>
          %gather3A_310 = tpu.vector_load_idx %arg7[%and3A_291, %add3A_103] : memref<64x256xf32, #tpu.memory_space<vmem>>[vector<16xi32>, vector<16xi32>], vector<16xf32>,
          %add3A_311 = arith.addi %mul3A_234, %and3A_291 : vector<16xi32>
          %gather3A_312 = tpu.vector_load_idx %arg7[%and3A_291, %add3A_106] : memref<64x256xf32, #tpu.memory_space<vmem>>[vector<16xi32>, vector<16xi32>], vector<16xf32>,
          %add3A_313 = arith.addi %mul3A_240, %and3A_291 : vector<16xi32>
          %gather3A_314 = tpu.vector_load_idx %arg7[%and3A_291, %add3A_109] : memref<64x256xf32, #tpu.memory_space<vmem>>[vector<16xi32>, vector<16xi32>], vector<16xf32>,
          %add3A_315 = arith.addi %mul3A_246, %and3A_291 : vector<16xi32>
          %gather3A_316 = tpu.vector_load_idx %arg7[%and3A_291, %add3A_112] : memref<64x256xf32, #tpu.memory_space<vmem>>[vector<16xi32>, vector<16xi32>], vector<16xf32>,
          %add3A_317 = arith.addi %mul3A_252, %and3A_291 : vector<16xi32>
          %gather3A_318 = tpu.vector_load_idx %arg7[%and3A_291, %add3A_115] : memref<64x256xf32, #tpu.memory_space<vmem>>[vector<16xi32>, vector<16xi32>], vector<16xf32>,
          %add3A_319 = arith.addi %mul3A_258, %and3A_291 : vector<16xi32>
          %gather3A_320 = tpu.vector_load_idx %arg7[%and3A_291, %add3A_118] : memref<64x256xf32, #tpu.memory_space<vmem>>[vector<16xi32>, vector<16xi32>], vector<16xf32>,
          %add3A_321 = arith.addi %mul3A_264, %and3A_291 : vector<16xi32>
          %gather3A_322 = tpu.vector_load_idx %arg7[%and3A_291, %add3A_121] : memref<64x256xf32, #tpu.memory_space<vmem>>[vector<16xi32>, vector<16xi32>], vector<16xf32>,
          %mul3A_323 = arith.constant 2 : i32
          %mul3A_324 = arith.muli %scan3A_281, %mul3A_323 : i32
          %add3A_325 = arith.constant 1 : i32
          %add3A_326 = arith.addi %mul3A_324, %add3A_325 : i32
          %add3A_327 = vector.broadcast %add3A_326 : i32 to vector<16xi32>
          %add3A_328 = arith.addi %iota3A, %add3A_327 : vector<16xi32>
          %and3A_329 = arith.constant 63 : i32
          %and3A_330 = vector.broadcast %and3A_329 : i32 to vector<16xi32>
          %and3A_331 = arith.andi %add3A_328, %and3A_330 : vector<16xi32>
          %add3A_332 = arith.addi %mul3A_174, %and3A_331 : vector<16xi32>
          %gather3A_333 = tpu.vector_load_idx %arg7[%and3A_331, %add3A_76] : memref<64x256xf32, #tpu.memory_space<vmem>>[vector<16xi32>, vector<16xi32>], vector<16xf32>,
          %add3A_334 = arith.addi %mul3A_180, %and3A_331 : vector<16xi32>
          %gather3A_335 = tpu.vector_load_idx %arg7[%and3A_331, %add3A_79] : memref<64x256xf32, #tpu.memory_space<vmem>>[vector<16xi32>, vector<16xi32>], vector<16xf32>,
          %add3A_336 = arith.addi %mul3A_186, %and3A_331 : vector<16xi32>
          %gather3A_337 = tpu.vector_load_idx %arg7[%and3A_331, %add3A_82] : memref<64x256xf32, #tpu.memory_space<vmem>>[vector<16xi32>, vector<16xi32>], vector<16xf32>,
          %add3A_338 = arith.addi %mul3A_192, %and3A_331 : vector<16xi32>
          %gather3A_339 = tpu.vector_load_idx %arg7[%and3A_331, %add3A_85] : memref<64x256xf32, #tpu.memory_space<vmem>>[vector<16xi32>, vector<16xi32>], vector<16xf32>,
          %add3A_340 = arith.addi %mul3A_198, %and3A_331 : vector<16xi32>
          %gather3A_341 = tpu.vector_load_idx %arg7[%and3A_331, %add3A_88] : memref<64x256xf32, #tpu.memory_space<vmem>>[vector<16xi32>, vector<16xi32>], vector<16xf32>,
          %add3A_342 = arith.addi %mul3A_204, %and3A_331 : vector<16xi32>
          %gather3A_343 = tpu.vector_load_idx %arg7[%and3A_331, %add3A_91] : memref<64x256xf32, #tpu.memory_space<vmem>>[vector<16xi32>, vector<16xi32>], vector<16xf32>,
          %add3A_344 = arith.addi %mul3A_210, %and3A_331 : vector<16xi32>
          %gather3A_345 = tpu.vector_load_idx %arg7[%and3A_331, %add3A_94] : memref<64x256xf32, #tpu.memory_space<vmem>>[vector<16xi32>, vector<16xi32>], vector<16xf32>,
          %add3A_346 = arith.addi %mul3A_216, %and3A_331 : vector<16xi32>
          %gather3A_347 = tpu.vector_load_idx %arg7[%and3A_331, %add3A_97] : memref<64x256xf32, #tpu.memory_space<vmem>>[vector<16xi32>, vector<16xi32>], vector<16xf32>,
          %add3A_348 = arith.addi %mul3A_222, %and3A_331 : vector<16xi32>
          %gather3A_349 = tpu.vector_load_idx %arg7[%and3A_331, %add3A_100] : memref<64x256xf32, #tpu.memory_space<vmem>>[vector<16xi32>, vector<16xi32>], vector<16xf32>,
          %add3A_350 = arith.addi %mul3A_228, %and3A_331 : vector<16xi32>
          %gather3A_351 = tpu.vector_load_idx %arg7[%and3A_331, %add3A_103] : memref<64x256xf32, #tpu.memory_space<vmem>>[vector<16xi32>, vector<16xi32>], vector<16xf32>,
          %add3A_352 = arith.addi %mul3A_234, %and3A_331 : vector<16xi32>
          %gather3A_353 = tpu.vector_load_idx %arg7[%and3A_331, %add3A_106] : memref<64x256xf32, #tpu.memory_space<vmem>>[vector<16xi32>, vector<16xi32>], vector<16xf32>,
          %add3A_354 = arith.addi %mul3A_240, %and3A_331 : vector<16xi32>
          %gather3A_355 = tpu.vector_load_idx %arg7[%and3A_331, %add3A_109] : memref<64x256xf32, #tpu.memory_space<vmem>>[vector<16xi32>, vector<16xi32>], vector<16xf32>,
          %add3A_356 = arith.addi %mul3A_246, %and3A_331 : vector<16xi32>
          %gather3A_357 = tpu.vector_load_idx %arg7[%and3A_331, %add3A_112] : memref<64x256xf32, #tpu.memory_space<vmem>>[vector<16xi32>, vector<16xi32>], vector<16xf32>,
          %add3A_358 = arith.addi %mul3A_252, %and3A_331 : vector<16xi32>
          %gather3A_359 = tpu.vector_load_idx %arg7[%and3A_331, %add3A_115] : memref<64x256xf32, #tpu.memory_space<vmem>>[vector<16xi32>, vector<16xi32>], vector<16xf32>,
          %add3A_360 = arith.addi %mul3A_258, %and3A_331 : vector<16xi32>
          %gather3A_361 = tpu.vector_load_idx %arg7[%and3A_331, %add3A_118] : memref<64x256xf32, #tpu.memory_space<vmem>>[vector<16xi32>, vector<16xi32>], vector<16xf32>,
          %add3A_362 = arith.addi %mul3A_264, %and3A_331 : vector<16xi32>
          %gather3A_363 = tpu.vector_load_idx %arg7[%and3A_331, %add3A_121] : memref<64x256xf32, #tpu.memory_space<vmem>>[vector<16xi32>, vector<16xi32>], vector<16xf32>,
          tpu.vector_store_idx %arg8[%shift_right_arithmetic3A_123, %add3A_292], %gather3A : memref<128x128xf32, #tpu.memory_space<vmem>>[vector<16xi32>, vector<16xi32>], vector<16xf32>,
          tpu.vector_store_idx %arg8[%shift_right_arithmetic3A_126, %add3A_293], %gather3A_294 : memref<128x128xf32, #tpu.memory_space<vmem>>[vector<16xi32>, vector<16xi32>], vector<16xf32>,
          tpu.vector_store_idx %arg8[%shift_right_arithmetic3A_129, %add3A_295], %gather3A_296 : memref<128x128xf32, #tpu.memory_space<vmem>>[vector<16xi32>, vector<16xi32>], vector<16xf32>,
          tpu.vector_store_idx %arg8[%shift_right_arithmetic3A_132, %add3A_297], %gather3A_298 : memref<128x128xf32, #tpu.memory_space<vmem>>[vector<16xi32>, vector<16xi32>], vector<16xf32>,
          tpu.vector_store_idx %arg8[%shift_right_arithmetic3A_135, %add3A_299], %gather3A_300 : memref<128x128xf32, #tpu.memory_space<vmem>>[vector<16xi32>, vector<16xi32>], vector<16xf32>,
          tpu.vector_store_idx %arg8[%shift_right_arithmetic3A_138, %add3A_301], %gather3A_302 : memref<128x128xf32, #tpu.memory_space<vmem>>[vector<16xi32>, vector<16xi32>], vector<16xf32>,
          tpu.vector_store_idx %arg8[%shift_right_arithmetic3A_141, %add3A_303], %gather3A_304 : memref<128x128xf32, #tpu.memory_space<vmem>>[vector<16xi32>, vector<16xi32>], vector<16xf32>,
          tpu.vector_store_idx %arg8[%shift_right_arithmetic3A_144, %add3A_305], %gather3A_306 : memref<128x128xf32, #tpu.memory_space<vmem>>[vector<16xi32>, vector<16xi32>], vector<16xf32>,
          tpu.vector_store_idx %arg8[%shift_right_arithmetic3A_147, %add3A_307], %gather3A_308 : memref<128x128xf32, #tpu.memory_space<vmem>>[vector<16xi32>, vector<16xi32>], vector<16xf32>,
          tpu.vector_store_idx %arg8[%shift_right_arithmetic3A_150, %add3A_309], %gather3A_310 : memref<128x128xf32, #tpu.memory_space<vmem>>[vector<16xi32>, vector<16xi32>], vector<16xf32>,
          tpu.vector_store_idx %arg8[%shift_right_arithmetic3A_153, %add3A_311], %gather3A_312 : memref<128x128xf32, #tpu.memory_space<vmem>>[vector<16xi32>, vector<16xi32>], vector<16xf32>,
          tpu.vector_store_idx %arg8[%shift_right_arithmetic3A_156, %add3A_313], %gather3A_314 : memref<128x128xf32, #tpu.memory_space<vmem>>[vector<16xi32>, vector<16xi32>], vector<16xf32>,
          tpu.vector_store_idx %arg8[%shift_right_arithmetic3A_159, %add3A_315], %gather3A_316 : memref<128x128xf32, #tpu.memory_space<vmem>>[vector<16xi32>, vector<16xi32>], vector<16xf32>,
          tpu.vector_store_idx %arg8[%shift_right_arithmetic3A_162, %add3A_317], %gather3A_318 : memref<128x128xf32, #tpu.memory_space<vmem>>[vector<16xi32>, vector<16xi32>], vector<16xf32>,
          tpu.vector_store_idx %arg8[%shift_right_arithmetic3A_165, %add3A_319], %gather3A_320 : memref<128x128xf32, #tpu.memory_space<vmem>>[vector<16xi32>, vector<16xi32>], vector<16xf32>,
          tpu.vector_store_idx %arg8[%shift_right_arithmetic3A_168, %add3A_321], %gather3A_322 : memref<128x128xf32, #tpu.memory_space<vmem>>[vector<16xi32>, vector<16xi32>], vector<16xf32>,
          tpu.vector_store_idx %arg8[%shift_right_arithmetic3A_123, %add3A_332], %gather3A_333 : memref<128x128xf32, #tpu.memory_space<vmem>>[vector<16xi32>, vector<16xi32>], vector<16xf32>,
          tpu.vector_store_idx %arg8[%shift_right_arithmetic3A_126, %add3A_334], %gather3A_335 : memref<128x128xf32, #tpu.memory_space<vmem>>[vector<16xi32>, vector<16xi32>], vector<16xf32>,
          tpu.vector_store_idx %arg8[%shift_right_arithmetic3A_129, %add3A_336], %gather3A_337 : memref<128x128xf32, #tpu.memory_space<vmem>>[vector<16xi32>, vector<16xi32>], vector<16xf32>,
          tpu.vector_store_idx %arg8[%shift_right_arithmetic3A_132, %add3A_338], %gather3A_339 : memref<128x128xf32, #tpu.memory_space<vmem>>[vector<16xi32>, vector<16xi32>], vector<16xf32>,
          tpu.vector_store_idx %arg8[%shift_right_arithmetic3A_135, %add3A_340], %gather3A_341 : memref<128x128xf32, #tpu.memory_space<vmem>>[vector<16xi32>, vector<16xi32>], vector<16xf32>,
          tpu.vector_store_idx %arg8[%shift_right_arithmetic3A_138, %add3A_342], %gather3A_343 : memref<128x128xf32, #tpu.memory_space<vmem>>[vector<16xi32>, vector<16xi32>], vector<16xf32>,
          tpu.vector_store_idx %arg8[%shift_right_arithmetic3A_141, %add3A_344], %gather3A_345 : memref<128x128xf32, #tpu.memory_space<vmem>>[vector<16xi32>, vector<16xi32>], vector<16xf32>,
          tpu.vector_store_idx %arg8[%shift_right_arithmetic3A_144, %add3A_346], %gather3A_347 : memref<128x128xf32, #tpu.memory_space<vmem>>[vector<16xi32>, vector<16xi32>], vector<16xf32>,
          tpu.vector_store_idx %arg8[%shift_right_arithmetic3A_147, %add3A_348], %gather3A_349 : memref<128x128xf32, #tpu.memory_space<vmem>>[vector<16xi32>, vector<16xi32>], vector<16xf32>,
          tpu.vector_store_idx %arg8[%shift_right_arithmetic3A_150, %add3A_350], %gather3A_351 : memref<128x128xf32, #tpu.memory_space<vmem>>[vector<16xi32>, vector<16xi32>], vector<16xf32>,
          tpu.vector_store_idx %arg8[%shift_right_arithmetic3A_153, %add3A_352], %gather3A_353 : memref<128x128xf32, #tpu.memory_space<vmem>>[vector<16xi32>, vector<16xi32>], vector<16xf32>,
          tpu.vector_store_idx %arg8[%shift_right_arithmetic3A_156, %add3A_354], %gather3A_355 : memref<128x128xf32, #tpu.memory_space<vmem>>[vector<16xi32>, vector<16xi32>], vector<16xf32>,
          tpu.vector_store_idx %arg8[%shift_right_arithmetic3A_159, %add3A_356], %gather3A_357 : memref<128x128xf32, #tpu.memory_space<vmem>>[vector<16xi32>, vector<16xi32>], vector<16xf32>,
          tpu.vector_store_idx %arg8[%shift_right_arithmetic3A_162, %add3A_358], %gather3A_359 : memref<128x128xf32, #tpu.memory_space<vmem>>[vector<16xi32>, vector<16xi32>], vector<16xf32>,
          tpu.vector_store_idx %arg8[%shift_right_arithmetic3A_165, %add3A_360], %gather3A_361 : memref<128x128xf32, #tpu.memory_space<vmem>>[vector<16xi32>, vector<16xi32>], vector<16xf32>,
          tpu.vector_store_idx %arg8[%shift_right_arithmetic3A_168, %add3A_362], %gather3A_363 : memref<128x128xf32, #tpu.memory_space<vmem>>[vector<16xi32>, vector<16xi32>], vector<16xf32>,
          %scan3A_364 = arith.constant 0 : i32
          scf.yield %scan3A_364 : i32
        }
        %scan3A_271 = arith.constant 32 : i32
        %mul3A_272 = arith.constant 32 : i32
        %mul3A_273 = arith.muli %scan3A_33, %mul3A_272 : i32
        %add3A_274 = arith.addi %mul3A_273, %add3A : i32
        %mul3A_275 = arith.constant 128 : i32
        %mul3A_276 = arith.muli %add3A_274, %mul3A_275 : i32
        %dma_start3A_277 = arith.constant 0 : i32
        %dma_start3A_278 = tpu.memref_slice %arg4[%mul3A_276, %dma_start3A_277] : memref<500000x128xf32, #tpu.memory_space<hbm>> -> memref<128x128xf32, #tpu.memory_space<hbm>>
        %dma_start3A_279 = arith.constant 0 : i32
        %dma_start3A_280 = tpu.memref_slice %arg4[%mul3A_276, %dma_start3A_279] : memref<500000x128xf32, #tpu.memory_space<hbm>> -> memref<128x128xf32, #tpu.memory_space<hbm>>
        tpu.enqueue_dma source(%arg8 : memref<128x128xf32, #tpu.memory_space<vmem>>) target(%dma_start3A_280 : memref<128x128xf32, #tpu.memory_space<hbm>>) target_semaphore(%arg12 : memref<!tpu.dma_semaphore, #tpu.memory_space<semaphore_mem>>)
      } else {
      }
      %scan3A_56 = arith.constant 0 : i32
      scf.yield %scan3A_56 : i32
    }
    %scan3A_13 = arith.constant 122 : i32
    %dma_wait3A = arith.constant 0 : i32
    %dma_wait3A_14 = arith.constant 0 : i32
    %dma_wait3A_15 = tpu.memref_slice %arg4[%dma_wait3A, %dma_wait3A_14] : memref<500000x128xf32, #tpu.memory_space<hbm>> -> memref<128x128xf32, #tpu.memory_space<hbm>>
    %dma_wait3A_16 = arith.constant 0 : i32
    %dma_wait3A_17 = arith.constant 0 : i32
    %dma_wait3A_18 = tpu.memref_slice %arg4[%dma_wait3A_16, %dma_wait3A_17] : memref<500000x128xf32, #tpu.memory_space<hbm>> -> memref<128x128xf32, #tpu.memory_space<hbm>>
    tpu.wait_dma2 semaphore(%arg11 : memref<!tpu.dma_semaphore, #tpu.memory_space<semaphore_mem>>) src(%arg6 : memref<128x128xf32, #tpu.memory_space<vmem>>) dst(%dma_wait3A_18 : memref<128x128xf32, #tpu.memory_space<hbm>>)
    %dma_wait3A_19 = arith.constant 0 : i32
    %dma_wait3A_20 = arith.constant 0 : i32
    %dma_wait3A_21 = tpu.memref_slice %arg4[%dma_wait3A_19, %dma_wait3A_20] : memref<500000x128xf32, #tpu.memory_space<hbm>> -> memref<128x128xf32, #tpu.memory_space<hbm>>
    %dma_wait3A_22 = arith.constant 0 : i32
    %dma_wait3A_23 = arith.constant 0 : i32
    %dma_wait3A_24 = tpu.memref_slice %arg4[%dma_wait3A_22, %dma_wait3A_23] : memref<500000x128xf32, #tpu.memory_space<hbm>> -> memref<128x128xf32, #tpu.memory_space<hbm>>
    tpu.wait_dma2 semaphore(%arg12 : memref<!tpu.dma_semaphore, #tpu.memory_space<semaphore_mem>>) src(%arg8 : memref<128x128xf32, #tpu.memory_space<vmem>>) dst(%dma_wait3A_24 : memref<128x128xf32, #tpu.memory_space<hbm>>)
    %add3A_25 = arith.constant 3904 : i32
    %add3A_26 = arith.addi %add3A_25, %add3A : i32
    %lt3A = arith.constant 2 : i32
    %lt3A_27 = arith.cmpi slt, %add3A, %lt3A : i32
    %convert_element_type3A = arith.extui %lt3A_27 : i1 to i32
    %cond3A = arith.constant 0 : i32
    %cond3A_28 = arith.cmpi ne, %convert_element_type3A, %cond3A : i32
    scf.if %cond3A_28 {
      %mul3A_33 = arith.constant 256 : i32
      %mul3A_34 = arith.muli %add3A_26, %mul3A_33 : i32
      "tpu.region"() ({
        %run_scoped3A = tpu.sem_alloc : memref<!tpu.dma_semaphore, #tpu.memory_space<semaphore_mem>>
        %dma_start3A_234 = arith.constant 0 : i32
        %dma_start3A_235 = tpu.memref_slice %arg2[%dma_start3A_234, %mul3A_34] : memref<64x1000000xf32, #tpu.memory_space<hbm>> -> memref<64x256xf32, #tpu.memory_space<hbm>>
        %dma_start3A_236 = arith.constant 0 : i32
        %dma_start3A_237 = tpu.memref_slice %arg2[%dma_start3A_236, %mul3A_34] : memref<64x1000000xf32, #tpu.memory_space<hbm>> -> memref<64x256xf32, #tpu.memory_space<hbm>>
        tpu.enqueue_dma source(%dma_start3A_237 : memref<64x256xf32, #tpu.memory_space<hbm>>) target(%arg5 : memref<64x256xf32, #tpu.memory_space<vmem>>) target_semaphore(%run_scoped3A : memref<!tpu.dma_semaphore, #tpu.memory_space<semaphore_mem>>)
        %dma_wait3A_238 = arith.constant 0 : i32
        %dma_wait3A_239 = tpu.memref_slice %arg2[%dma_wait3A_238, %mul3A_34] : memref<64x1000000xf32, #tpu.memory_space<hbm>> -> memref<64x256xf32, #tpu.memory_space<hbm>>
        %dma_wait3A_240 = arith.constant 0 : i32
        %dma_wait3A_241 = tpu.memref_slice %arg2[%dma_wait3A_240, %mul3A_34] : memref<64x1000000xf32, #tpu.memory_space<hbm>> -> memref<64x256xf32, #tpu.memory_space<hbm>>
        tpu.wait_dma2 semaphore(%run_scoped3A : memref<!tpu.dma_semaphore, #tpu.memory_space<semaphore_mem>>) src(%dma_wait3A_241 : memref<64x256xf32, #tpu.memory_space<hbm>>) dst(%arg5 : memref<64x256xf32, #tpu.memory_space<vmem>>)
        tpu.yield
      }) : () -> ()
      %add3A_35 = arith.constant 0 : i32
      %add3A_36 = vector.broadcast %add3A_35 : i32 to vector<16xi32>
      %add3A_37 = arith.addi %add3A_36, %iota3A : vector<16xi32>
      %add3A_38 = arith.constant 16 : i32
      %add3A_39 = vector.broadcast %add3A_38 : i32 to vector<16xi32>
      %add3A_40 = arith.addi %add3A_39, %iota3A : vector<16xi32>
      %add3A_41 = arith.constant 32 : i32
      %add3A_42 = vector.broadcast %add3A_41 : i32 to vector<16xi32>
      %add3A_43 = arith.addi %add3A_42, %iota3A : vector<16xi32>
      %add3A_44 = arith.constant 48 : i32
      %add3A_45 = vector.broadcast %add3A_44 : i32 to vector<16xi32>
      %add3A_46 = arith.addi %add3A_45, %iota3A : vector<16xi32>
      %add3A_47 = arith.constant 64 : i32
      %add3A_48 = vector.broadcast %add3A_47 : i32 to vector<16xi32>
      %add3A_49 = arith.addi %add3A_48, %iota3A : vector<16xi32>
      %add3A_50 = arith.constant 80 : i32
      %add3A_51 = vector.broadcast %add3A_50 : i32 to vector<16xi32>
      %add3A_52 = arith.addi %add3A_51, %iota3A : vector<16xi32>
      %add3A_53 = arith.constant 96 : i32
      %add3A_54 = vector.broadcast %add3A_53 : i32 to vector<16xi32>
      %add3A_55 = arith.addi %add3A_54, %iota3A : vector<16xi32>
      %add3A_56 = arith.constant 112 : i32
      %add3A_57 = vector.broadcast %add3A_56 : i32 to vector<16xi32>
      %add3A_58 = arith.addi %add3A_57, %iota3A : vector<16xi32>
      %add3A_59 = arith.constant 128 : i32
      %add3A_60 = vector.broadcast %add3A_59 : i32 to vector<16xi32>
      %add3A_61 = arith.addi %add3A_60, %iota3A : vector<16xi32>
      %add3A_62 = arith.constant 144 : i32
      %add3A_63 = vector.broadcast %add3A_62 : i32 to vector<16xi32>
      %add3A_64 = arith.addi %add3A_63, %iota3A : vector<16xi32>
      %add3A_65 = arith.constant 160 : i32
      %add3A_66 = vector.broadcast %add3A_65 : i32 to vector<16xi32>
      %add3A_67 = arith.addi %add3A_66, %iota3A : vector<16xi32>
      %add3A_68 = arith.constant 176 : i32
      %add3A_69 = vector.broadcast %add3A_68 : i32 to vector<16xi32>
      %add3A_70 = arith.addi %add3A_69, %iota3A : vector<16xi32>
      %add3A_71 = arith.constant 192 : i32
      %add3A_72 = vector.broadcast %add3A_71 : i32 to vector<16xi32>
      %add3A_73 = arith.addi %add3A_72, %iota3A : vector<16xi32>
      %add3A_74 = arith.constant 208 : i32
      %add3A_75 = vector.broadcast %add3A_74 : i32 to vector<16xi32>
      %add3A_76 = arith.addi %add3A_75, %iota3A : vector<16xi32>
      %add3A_77 = arith.constant 224 : i32
      %add3A_78 = vector.broadcast %add3A_77 : i32 to vector<16xi32>
      %add3A_79 = arith.addi %add3A_78, %iota3A : vector<16xi32>
      %add3A_80 = arith.constant 240 : i32
      %add3A_81 = vector.broadcast %add3A_80 : i32 to vector<16xi32>
      %add3A_82 = arith.addi %add3A_81, %iota3A : vector<16xi32>
      %shift_right_arithmetic3A = arith.constant 1 : i32
      %shift_right_arithmetic3A_83 = vector.broadcast %shift_right_arithmetic3A : i32 to vector<16xi32>
      %shift_right_arithmetic3A_84 = arith.shrsi %add3A_37, %shift_right_arithmetic3A_83 : vector<16xi32>
      %shift_right_arithmetic3A_85 = arith.constant 1 : i32
      %shift_right_arithmetic3A_86 = vector.broadcast %shift_right_arithmetic3A_85 : i32 to vector<16xi32>
      %shift_right_arithmetic3A_87 = arith.shrsi %add3A_40, %shift_right_arithmetic3A_86 : vector<16xi32>
      %shift_right_arithmetic3A_88 = arith.constant 1 : i32
      %shift_right_arithmetic3A_89 = vector.broadcast %shift_right_arithmetic3A_88 : i32 to vector<16xi32>
      %shift_right_arithmetic3A_90 = arith.shrsi %add3A_43, %shift_right_arithmetic3A_89 : vector<16xi32>
      %shift_right_arithmetic3A_91 = arith.constant 1 : i32
      %shift_right_arithmetic3A_92 = vector.broadcast %shift_right_arithmetic3A_91 : i32 to vector<16xi32>
      %shift_right_arithmetic3A_93 = arith.shrsi %add3A_46, %shift_right_arithmetic3A_92 : vector<16xi32>
      %shift_right_arithmetic3A_94 = arith.constant 1 : i32
      %shift_right_arithmetic3A_95 = vector.broadcast %shift_right_arithmetic3A_94 : i32 to vector<16xi32>
      %shift_right_arithmetic3A_96 = arith.shrsi %add3A_49, %shift_right_arithmetic3A_95 : vector<16xi32>
      %shift_right_arithmetic3A_97 = arith.constant 1 : i32
      %shift_right_arithmetic3A_98 = vector.broadcast %shift_right_arithmetic3A_97 : i32 to vector<16xi32>
      %shift_right_arithmetic3A_99 = arith.shrsi %add3A_52, %shift_right_arithmetic3A_98 : vector<16xi32>
      %shift_right_arithmetic3A_100 = arith.constant 1 : i32
      %shift_right_arithmetic3A_101 = vector.broadcast %shift_right_arithmetic3A_100 : i32 to vector<16xi32>
      %shift_right_arithmetic3A_102 = arith.shrsi %add3A_55, %shift_right_arithmetic3A_101 : vector<16xi32>
      %shift_right_arithmetic3A_103 = arith.constant 1 : i32
      %shift_right_arithmetic3A_104 = vector.broadcast %shift_right_arithmetic3A_103 : i32 to vector<16xi32>
      %shift_right_arithmetic3A_105 = arith.shrsi %add3A_58, %shift_right_arithmetic3A_104 : vector<16xi32>
      %shift_right_arithmetic3A_106 = arith.constant 1 : i32
      %shift_right_arithmetic3A_107 = vector.broadcast %shift_right_arithmetic3A_106 : i32 to vector<16xi32>
      %shift_right_arithmetic3A_108 = arith.shrsi %add3A_61, %shift_right_arithmetic3A_107 : vector<16xi32>
      %shift_right_arithmetic3A_109 = arith.constant 1 : i32
      %shift_right_arithmetic3A_110 = vector.broadcast %shift_right_arithmetic3A_109 : i32 to vector<16xi32>
      %shift_right_arithmetic3A_111 = arith.shrsi %add3A_64, %shift_right_arithmetic3A_110 : vector<16xi32>
      %shift_right_arithmetic3A_112 = arith.constant 1 : i32
      %shift_right_arithmetic3A_113 = vector.broadcast %shift_right_arithmetic3A_112 : i32 to vector<16xi32>
      %shift_right_arithmetic3A_114 = arith.shrsi %add3A_67, %shift_right_arithmetic3A_113 : vector<16xi32>
      %shift_right_arithmetic3A_115 = arith.constant 1 : i32
      %shift_right_arithmetic3A_116 = vector.broadcast %shift_right_arithmetic3A_115 : i32 to vector<16xi32>
      %shift_right_arithmetic3A_117 = arith.shrsi %add3A_70, %shift_right_arithmetic3A_116 : vector<16xi32>
      %shift_right_arithmetic3A_118 = arith.constant 1 : i32
      %shift_right_arithmetic3A_119 = vector.broadcast %shift_right_arithmetic3A_118 : i32 to vector<16xi32>
      %shift_right_arithmetic3A_120 = arith.shrsi %add3A_73, %shift_right_arithmetic3A_119 : vector<16xi32>
      %shift_right_arithmetic3A_121 = arith.constant 1 : i32
      %shift_right_arithmetic3A_122 = vector.broadcast %shift_right_arithmetic3A_121 : i32 to vector<16xi32>
      %shift_right_arithmetic3A_123 = arith.shrsi %add3A_76, %shift_right_arithmetic3A_122 : vector<16xi32>
      %shift_right_arithmetic3A_124 = arith.constant 1 : i32
      %shift_right_arithmetic3A_125 = vector.broadcast %shift_right_arithmetic3A_124 : i32 to vector<16xi32>
      %shift_right_arithmetic3A_126 = arith.shrsi %add3A_79, %shift_right_arithmetic3A_125 : vector<16xi32>
      %shift_right_arithmetic3A_127 = arith.constant 1 : i32
      %shift_right_arithmetic3A_128 = vector.broadcast %shift_right_arithmetic3A_127 : i32 to vector<16xi32>
      %shift_right_arithmetic3A_129 = arith.shrsi %add3A_82, %shift_right_arithmetic3A_128 : vector<16xi32>
      %and3A = arith.constant 1 : i32
      %and3A_130 = vector.broadcast %and3A : i32 to vector<16xi32>
      %and3A_131 = arith.andi %add3A_37, %and3A_130 : vector<16xi32>
      %mul3A_132 = arith.constant 64 : i32
      %mul3A_133 = vector.broadcast %mul3A_132 : i32 to vector<16xi32>
      %mul3A_134 = arith.muli %and3A_131, %mul3A_133 : vector<16xi32>
      %and3A_135 = arith.constant 1 : i32
      %and3A_136 = vector.broadcast %and3A_135 : i32 to vector<16xi32>
      %and3A_137 = arith.andi %add3A_40, %and3A_136 : vector<16xi32>
      %mul3A_138 = arith.constant 64 : i32
      %mul3A_139 = vector.broadcast %mul3A_138 : i32 to vector<16xi32>
      %mul3A_140 = arith.muli %and3A_137, %mul3A_139 : vector<16xi32>
      %and3A_141 = arith.constant 1 : i32
      %and3A_142 = vector.broadcast %and3A_141 : i32 to vector<16xi32>
      %and3A_143 = arith.andi %add3A_43, %and3A_142 : vector<16xi32>
      %mul3A_144 = arith.constant 64 : i32
      %mul3A_145 = vector.broadcast %mul3A_144 : i32 to vector<16xi32>
      %mul3A_146 = arith.muli %and3A_143, %mul3A_145 : vector<16xi32>
      %and3A_147 = arith.constant 1 : i32
      %and3A_148 = vector.broadcast %and3A_147 : i32 to vector<16xi32>
      %and3A_149 = arith.andi %add3A_46, %and3A_148 : vector<16xi32>
      %mul3A_150 = arith.constant 64 : i32
      %mul3A_151 = vector.broadcast %mul3A_150 : i32 to vector<16xi32>
      %mul3A_152 = arith.muli %and3A_149, %mul3A_151 : vector<16xi32>
      %and3A_153 = arith.constant 1 : i32
      %and3A_154 = vector.broadcast %and3A_153 : i32 to vector<16xi32>
      %and3A_155 = arith.andi %add3A_49, %and3A_154 : vector<16xi32>
      %mul3A_156 = arith.constant 64 : i32
      %mul3A_157 = vector.broadcast %mul3A_156 : i32 to vector<16xi32>
      %mul3A_158 = arith.muli %and3A_155, %mul3A_157 : vector<16xi32>
      %and3A_159 = arith.constant 1 : i32
      %and3A_160 = vector.broadcast %and3A_159 : i32 to vector<16xi32>
      %and3A_161 = arith.andi %add3A_52, %and3A_160 : vector<16xi32>
      %mul3A_162 = arith.constant 64 : i32
      %mul3A_163 = vector.broadcast %mul3A_162 : i32 to vector<16xi32>
      %mul3A_164 = arith.muli %and3A_161, %mul3A_163 : vector<16xi32>
      %and3A_165 = arith.constant 1 : i32
      %and3A_166 = vector.broadcast %and3A_165 : i32 to vector<16xi32>
      %and3A_167 = arith.andi %add3A_55, %and3A_166 : vector<16xi32>
      %mul3A_168 = arith.constant 64 : i32
      %mul3A_169 = vector.broadcast %mul3A_168 : i32 to vector<16xi32>
      %mul3A_170 = arith.muli %and3A_167, %mul3A_169 : vector<16xi32>
      %and3A_171 = arith.constant 1 : i32
      %and3A_172 = vector.broadcast %and3A_171 : i32 to vector<16xi32>
      %and3A_173 = arith.andi %add3A_58, %and3A_172 : vector<16xi32>
      %mul3A_174 = arith.constant 64 : i32
      %mul3A_175 = vector.broadcast %mul3A_174 : i32 to vector<16xi32>
      %mul3A_176 = arith.muli %and3A_173, %mul3A_175 : vector<16xi32>
      %and3A_177 = arith.constant 1 : i32
      %and3A_178 = vector.broadcast %and3A_177 : i32 to vector<16xi32>
      %and3A_179 = arith.andi %add3A_61, %and3A_178 : vector<16xi32>
      %mul3A_180 = arith.constant 64 : i32
      %mul3A_181 = vector.broadcast %mul3A_180 : i32 to vector<16xi32>
      %mul3A_182 = arith.muli %and3A_179, %mul3A_181 : vector<16xi32>
      %and3A_183 = arith.constant 1 : i32
      %and3A_184 = vector.broadcast %and3A_183 : i32 to vector<16xi32>
      %and3A_185 = arith.andi %add3A_64, %and3A_184 : vector<16xi32>
      %mul3A_186 = arith.constant 64 : i32
      %mul3A_187 = vector.broadcast %mul3A_186 : i32 to vector<16xi32>
      %mul3A_188 = arith.muli %and3A_185, %mul3A_187 : vector<16xi32>
      %and3A_189 = arith.constant 1 : i32
      %and3A_190 = vector.broadcast %and3A_189 : i32 to vector<16xi32>
      %and3A_191 = arith.andi %add3A_67, %and3A_190 : vector<16xi32>
      %mul3A_192 = arith.constant 64 : i32
      %mul3A_193 = vector.broadcast %mul3A_192 : i32 to vector<16xi32>
      %mul3A_194 = arith.muli %and3A_191, %mul3A_193 : vector<16xi32>
      %and3A_195 = arith.constant 1 : i32
      %and3A_196 = vector.broadcast %and3A_195 : i32 to vector<16xi32>
      %and3A_197 = arith.andi %add3A_70, %and3A_196 : vector<16xi32>
      %mul3A_198 = arith.constant 64 : i32
      %mul3A_199 = vector.broadcast %mul3A_198 : i32 to vector<16xi32>
      %mul3A_200 = arith.muli %and3A_197, %mul3A_199 : vector<16xi32>
      %and3A_201 = arith.constant 1 : i32
      %and3A_202 = vector.broadcast %and3A_201 : i32 to vector<16xi32>
      %and3A_203 = arith.andi %add3A_73, %and3A_202 : vector<16xi32>
      %mul3A_204 = arith.constant 64 : i32
      %mul3A_205 = vector.broadcast %mul3A_204 : i32 to vector<16xi32>
      %mul3A_206 = arith.muli %and3A_203, %mul3A_205 : vector<16xi32>
      %and3A_207 = arith.constant 1 : i32
      %and3A_208 = vector.broadcast %and3A_207 : i32 to vector<16xi32>
      %and3A_209 = arith.andi %add3A_76, %and3A_208 : vector<16xi32>
      %mul3A_210 = arith.constant 64 : i32
      %mul3A_211 = vector.broadcast %mul3A_210 : i32 to vector<16xi32>
      %mul3A_212 = arith.muli %and3A_209, %mul3A_211 : vector<16xi32>
      %and3A_213 = arith.constant 1 : i32
      %and3A_214 = vector.broadcast %and3A_213 : i32 to vector<16xi32>
      %and3A_215 = arith.andi %add3A_79, %and3A_214 : vector<16xi32>
      %mul3A_216 = arith.constant 64 : i32
      %mul3A_217 = vector.broadcast %mul3A_216 : i32 to vector<16xi32>
      %mul3A_218 = arith.muli %and3A_215, %mul3A_217 : vector<16xi32>
      %and3A_219 = arith.constant 1 : i32
      %and3A_220 = vector.broadcast %and3A_219 : i32 to vector<16xi32>
      %and3A_221 = arith.andi %add3A_82, %and3A_220 : vector<16xi32>
      %mul3A_222 = arith.constant 64 : i32
      %mul3A_223 = vector.broadcast %mul3A_222 : i32 to vector<16xi32>
      %mul3A_224 = arith.muli %and3A_221, %mul3A_223 : vector<16xi32>
      %scan3A_225 = arith.constant 0 : i32
      %scan3A_226 = arith.constant 0 : i32
      %scan3A_227 = arith.constant 32 : i32
      %scan3A_228 = arith.addi %scan3A_226, %scan3A_227 : i32
      %scan3A_229 = arith.constant 1 : i32
      %scan3A_230 = scf.for %scan3A_234 = %scan3A_226 to %scan3A_228 step %scan3A_229 iter_args(%scan3A_235 = %scan3A_225) -> (i32)  : i32 {
        %mul3A_236 = arith.constant 2 : i32
        %mul3A_237 = arith.muli %scan3A_234, %mul3A_236 : i32
        %add3A_238 = arith.constant 0 : i32
        %add3A_239 = arith.addi %mul3A_237, %add3A_238 : i32
        %add3A_240 = vector.broadcast %add3A_239 : i32 to vector<16xi32>
        %add3A_241 = arith.addi %iota3A, %add3A_240 : vector<16xi32>
        %and3A_242 = arith.constant 63 : i32
        %and3A_243 = vector.broadcast %and3A_242 : i32 to vector<16xi32>
        %and3A_244 = arith.andi %add3A_241, %and3A_243 : vector<16xi32>
        %add3A_245 = arith.addi %mul3A_134, %and3A_244 : vector<16xi32>
        %gather3A = tpu.vector_load_idx %arg5[%and3A_244, %add3A_37] : memref<64x256xf32, #tpu.memory_space<vmem>>[vector<16xi32>, vector<16xi32>], vector<16xf32>,
        %add3A_246 = arith.addi %mul3A_140, %and3A_244 : vector<16xi32>
        %gather3A_247 = tpu.vector_load_idx %arg5[%and3A_244, %add3A_40] : memref<64x256xf32, #tpu.memory_space<vmem>>[vector<16xi32>, vector<16xi32>], vector<16xf32>,
        %add3A_248 = arith.addi %mul3A_146, %and3A_244 : vector<16xi32>
        %gather3A_249 = tpu.vector_load_idx %arg5[%and3A_244, %add3A_43] : memref<64x256xf32, #tpu.memory_space<vmem>>[vector<16xi32>, vector<16xi32>], vector<16xf32>,
        %add3A_250 = arith.addi %mul3A_152, %and3A_244 : vector<16xi32>
        %gather3A_251 = tpu.vector_load_idx %arg5[%and3A_244, %add3A_46] : memref<64x256xf32, #tpu.memory_space<vmem>>[vector<16xi32>, vector<16xi32>], vector<16xf32>,
        %add3A_252 = arith.addi %mul3A_158, %and3A_244 : vector<16xi32>
        %gather3A_253 = tpu.vector_load_idx %arg5[%and3A_244, %add3A_49] : memref<64x256xf32, #tpu.memory_space<vmem>>[vector<16xi32>, vector<16xi32>], vector<16xf32>,
        %add3A_254 = arith.addi %mul3A_164, %and3A_244 : vector<16xi32>
        %gather3A_255 = tpu.vector_load_idx %arg5[%and3A_244, %add3A_52] : memref<64x256xf32, #tpu.memory_space<vmem>>[vector<16xi32>, vector<16xi32>], vector<16xf32>,
        %add3A_256 = arith.addi %mul3A_170, %and3A_244 : vector<16xi32>
        %gather3A_257 = tpu.vector_load_idx %arg5[%and3A_244, %add3A_55] : memref<64x256xf32, #tpu.memory_space<vmem>>[vector<16xi32>, vector<16xi32>], vector<16xf32>,
        %add3A_258 = arith.addi %mul3A_176, %and3A_244 : vector<16xi32>
        %gather3A_259 = tpu.vector_load_idx %arg5[%and3A_244, %add3A_58] : memref<64x256xf32, #tpu.memory_space<vmem>>[vector<16xi32>, vector<16xi32>], vector<16xf32>,
        %add3A_260 = arith.addi %mul3A_182, %and3A_244 : vector<16xi32>
        %gather3A_261 = tpu.vector_load_idx %arg5[%and3A_244, %add3A_61] : memref<64x256xf32, #tpu.memory_space<vmem>>[vector<16xi32>, vector<16xi32>], vector<16xf32>,
        %add3A_262 = arith.addi %mul3A_188, %and3A_244 : vector<16xi32>
        %gather3A_263 = tpu.vector_load_idx %arg5[%and3A_244, %add3A_64] : memref<64x256xf32, #tpu.memory_space<vmem>>[vector<16xi32>, vector<16xi32>], vector<16xf32>,
        %add3A_264 = arith.addi %mul3A_194, %and3A_244 : vector<16xi32>
        %gather3A_265 = tpu.vector_load_idx %arg5[%and3A_244, %add3A_67] : memref<64x256xf32, #tpu.memory_space<vmem>>[vector<16xi32>, vector<16xi32>], vector<16xf32>,
        %add3A_266 = arith.addi %mul3A_200, %and3A_244 : vector<16xi32>
        %gather3A_267 = tpu.vector_load_idx %arg5[%and3A_244, %add3A_70] : memref<64x256xf32, #tpu.memory_space<vmem>>[vector<16xi32>, vector<16xi32>], vector<16xf32>,
        %add3A_268 = arith.addi %mul3A_206, %and3A_244 : vector<16xi32>
        %gather3A_269 = tpu.vector_load_idx %arg5[%and3A_244, %add3A_73] : memref<64x256xf32, #tpu.memory_space<vmem>>[vector<16xi32>, vector<16xi32>], vector<16xf32>,
        %add3A_270 = arith.addi %mul3A_212, %and3A_244 : vector<16xi32>
        %gather3A_271 = tpu.vector_load_idx %arg5[%and3A_244, %add3A_76] : memref<64x256xf32, #tpu.memory_space<vmem>>[vector<16xi32>, vector<16xi32>], vector<16xf32>,
        %add3A_272 = arith.addi %mul3A_218, %and3A_244 : vector<16xi32>
        %gather3A_273 = tpu.vector_load_idx %arg5[%and3A_244, %add3A_79] : memref<64x256xf32, #tpu.memory_space<vmem>>[vector<16xi32>, vector<16xi32>], vector<16xf32>,
        %add3A_274 = arith.addi %mul3A_224, %and3A_244 : vector<16xi32>
        %gather3A_275 = tpu.vector_load_idx %arg5[%and3A_244, %add3A_82] : memref<64x256xf32, #tpu.memory_space<vmem>>[vector<16xi32>, vector<16xi32>], vector<16xf32>,
        %mul3A_276 = arith.constant 2 : i32
        %mul3A_277 = arith.muli %scan3A_234, %mul3A_276 : i32
        %add3A_278 = arith.constant 1 : i32
        %add3A_279 = arith.addi %mul3A_277, %add3A_278 : i32
        %add3A_280 = vector.broadcast %add3A_279 : i32 to vector<16xi32>
        %add3A_281 = arith.addi %iota3A, %add3A_280 : vector<16xi32>
        %and3A_282 = arith.constant 63 : i32
        %and3A_283 = vector.broadcast %and3A_282 : i32 to vector<16xi32>
        %and3A_284 = arith.andi %add3A_281, %and3A_283 : vector<16xi32>
        %add3A_285 = arith.addi %mul3A_134, %and3A_284 : vector<16xi32>
        %gather3A_286 = tpu.vector_load_idx %arg5[%and3A_284, %add3A_37] : memref<64x256xf32, #tpu.memory_space<vmem>>[vector<16xi32>, vector<16xi32>], vector<16xf32>,
        %add3A_287 = arith.addi %mul3A_140, %and3A_284 : vector<16xi32>
        %gather3A_288 = tpu.vector_load_idx %arg5[%and3A_284, %add3A_40] : memref<64x256xf32, #tpu.memory_space<vmem>>[vector<16xi32>, vector<16xi32>], vector<16xf32>,
        %add3A_289 = arith.addi %mul3A_146, %and3A_284 : vector<16xi32>
        %gather3A_290 = tpu.vector_load_idx %arg5[%and3A_284, %add3A_43] : memref<64x256xf32, #tpu.memory_space<vmem>>[vector<16xi32>, vector<16xi32>], vector<16xf32>,
        %add3A_291 = arith.addi %mul3A_152, %and3A_284 : vector<16xi32>
        %gather3A_292 = tpu.vector_load_idx %arg5[%and3A_284, %add3A_46] : memref<64x256xf32, #tpu.memory_space<vmem>>[vector<16xi32>, vector<16xi32>], vector<16xf32>,
        %add3A_293 = arith.addi %mul3A_158, %and3A_284 : vector<16xi32>
        %gather3A_294 = tpu.vector_load_idx %arg5[%and3A_284, %add3A_49] : memref<64x256xf32, #tpu.memory_space<vmem>>[vector<16xi32>, vector<16xi32>], vector<16xf32>,
        %add3A_295 = arith.addi %mul3A_164, %and3A_284 : vector<16xi32>
        %gather3A_296 = tpu.vector_load_idx %arg5[%and3A_284, %add3A_52] : memref<64x256xf32, #tpu.memory_space<vmem>>[vector<16xi32>, vector<16xi32>], vector<16xf32>,
        %add3A_297 = arith.addi %mul3A_170, %and3A_284 : vector<16xi32>
        %gather3A_298 = tpu.vector_load_idx %arg5[%and3A_284, %add3A_55] : memref<64x256xf32, #tpu.memory_space<vmem>>[vector<16xi32>, vector<16xi32>], vector<16xf32>,
        %add3A_299 = arith.addi %mul3A_176, %and3A_284 : vector<16xi32>
        %gather3A_300 = tpu.vector_load_idx %arg5[%and3A_284, %add3A_58] : memref<64x256xf32, #tpu.memory_space<vmem>>[vector<16xi32>, vector<16xi32>], vector<16xf32>,
        %add3A_301 = arith.addi %mul3A_182, %and3A_284 : vector<16xi32>
        %gather3A_302 = tpu.vector_load_idx %arg5[%and3A_284, %add3A_61] : memref<64x256xf32, #tpu.memory_space<vmem>>[vector<16xi32>, vector<16xi32>], vector<16xf32>,
        %add3A_303 = arith.addi %mul3A_188, %and3A_284 : vector<16xi32>
        %gather3A_304 = tpu.vector_load_idx %arg5[%and3A_284, %add3A_64] : memref<64x256xf32, #tpu.memory_space<vmem>>[vector<16xi32>, vector<16xi32>], vector<16xf32>,
        %add3A_305 = arith.addi %mul3A_194, %and3A_284 : vector<16xi32>
        %gather3A_306 = tpu.vector_load_idx %arg5[%and3A_284, %add3A_67] : memref<64x256xf32, #tpu.memory_space<vmem>>[vector<16xi32>, vector<16xi32>], vector<16xf32>,
        %add3A_307 = arith.addi %mul3A_200, %and3A_284 : vector<16xi32>
        %gather3A_308 = tpu.vector_load_idx %arg5[%and3A_284, %add3A_70] : memref<64x256xf32, #tpu.memory_space<vmem>>[vector<16xi32>, vector<16xi32>], vector<16xf32>,
        %add3A_309 = arith.addi %mul3A_206, %and3A_284 : vector<16xi32>
        %gather3A_310 = tpu.vector_load_idx %arg5[%and3A_284, %add3A_73] : memref<64x256xf32, #tpu.memory_space<vmem>>[vector<16xi32>, vector<16xi32>], vector<16xf32>,
        %add3A_311 = arith.addi %mul3A_212, %and3A_284 : vector<16xi32>
        %gather3A_312 = tpu.vector_load_idx %arg5[%and3A_284, %add3A_76] : memref<64x256xf32, #tpu.memory_space<vmem>>[vector<16xi32>, vector<16xi32>], vector<16xf32>,
        %add3A_313 = arith.addi %mul3A_218, %and3A_284 : vector<16xi32>
        %gather3A_314 = tpu.vector_load_idx %arg5[%and3A_284, %add3A_79] : memref<64x256xf32, #tpu.memory_space<vmem>>[vector<16xi32>, vector<16xi32>], vector<16xf32>,
        %add3A_315 = arith.addi %mul3A_224, %and3A_284 : vector<16xi32>
        %gather3A_316 = tpu.vector_load_idx %arg5[%and3A_284, %add3A_82] : memref<64x256xf32, #tpu.memory_space<vmem>>[vector<16xi32>, vector<16xi32>], vector<16xf32>,
        tpu.vector_store_idx %arg6[%shift_right_arithmetic3A_84, %add3A_245], %gather3A : memref<128x128xf32, #tpu.memory_space<vmem>>[vector<16xi32>, vector<16xi32>], vector<16xf32>,
        tpu.vector_store_idx %arg6[%shift_right_arithmetic3A_87, %add3A_246], %gather3A_247 : memref<128x128xf32, #tpu.memory_space<vmem>>[vector<16xi32>, vector<16xi32>], vector<16xf32>,
        tpu.vector_store_idx %arg6[%shift_right_arithmetic3A_90, %add3A_248], %gather3A_249 : memref<128x128xf32, #tpu.memory_space<vmem>>[vector<16xi32>, vector<16xi32>], vector<16xf32>,
        tpu.vector_store_idx %arg6[%shift_right_arithmetic3A_93, %add3A_250], %gather3A_251 : memref<128x128xf32, #tpu.memory_space<vmem>>[vector<16xi32>, vector<16xi32>], vector<16xf32>,
        tpu.vector_store_idx %arg6[%shift_right_arithmetic3A_96, %add3A_252], %gather3A_253 : memref<128x128xf32, #tpu.memory_space<vmem>>[vector<16xi32>, vector<16xi32>], vector<16xf32>,
        tpu.vector_store_idx %arg6[%shift_right_arithmetic3A_99, %add3A_254], %gather3A_255 : memref<128x128xf32, #tpu.memory_space<vmem>>[vector<16xi32>, vector<16xi32>], vector<16xf32>,
        tpu.vector_store_idx %arg6[%shift_right_arithmetic3A_102, %add3A_256], %gather3A_257 : memref<128x128xf32, #tpu.memory_space<vmem>>[vector<16xi32>, vector<16xi32>], vector<16xf32>,
        tpu.vector_store_idx %arg6[%shift_right_arithmetic3A_105, %add3A_258], %gather3A_259 : memref<128x128xf32, #tpu.memory_space<vmem>>[vector<16xi32>, vector<16xi32>], vector<16xf32>,
        tpu.vector_store_idx %arg6[%shift_right_arithmetic3A_108, %add3A_260], %gather3A_261 : memref<128x128xf32, #tpu.memory_space<vmem>>[vector<16xi32>, vector<16xi32>], vector<16xf32>,
        tpu.vector_store_idx %arg6[%shift_right_arithmetic3A_111, %add3A_262], %gather3A_263 : memref<128x128xf32, #tpu.memory_space<vmem>>[vector<16xi32>, vector<16xi32>], vector<16xf32>,
        tpu.vector_store_idx %arg6[%shift_right_arithmetic3A_114, %add3A_264], %gather3A_265 : memref<128x128xf32, #tpu.memory_space<vmem>>[vector<16xi32>, vector<16xi32>], vector<16xf32>,
        tpu.vector_store_idx %arg6[%shift_right_arithmetic3A_117, %add3A_266], %gather3A_267 : memref<128x128xf32, #tpu.memory_space<vmem>>[vector<16xi32>, vector<16xi32>], vector<16xf32>,
        tpu.vector_store_idx %arg6[%shift_right_arithmetic3A_120, %add3A_268], %gather3A_269 : memref<128x128xf32, #tpu.memory_space<vmem>>[vector<16xi32>, vector<16xi32>], vector<16xf32>,
        tpu.vector_store_idx %arg6[%shift_right_arithmetic3A_123, %add3A_270], %gather3A_271 : memref<128x128xf32, #tpu.memory_space<vmem>>[vector<16xi32>, vector<16xi32>], vector<16xf32>,
        tpu.vector_store_idx %arg6[%shift_right_arithmetic3A_126, %add3A_272], %gather3A_273 : memref<128x128xf32, #tpu.memory_space<vmem>>[vector<16xi32>, vector<16xi32>], vector<16xf32>,
        tpu.vector_store_idx %arg6[%shift_right_arithmetic3A_129, %add3A_274], %gather3A_275 : memref<128x128xf32, #tpu.memory_space<vmem>>[vector<16xi32>, vector<16xi32>], vector<16xf32>,
        tpu.vector_store_idx %arg6[%shift_right_arithmetic3A_84, %add3A_285], %gather3A_286 : memref<128x128xf32, #tpu.memory_space<vmem>>[vector<16xi32>, vector<16xi32>], vector<16xf32>,
        tpu.vector_store_idx %arg6[%shift_right_arithmetic3A_87, %add3A_287], %gather3A_288 : memref<128x128xf32, #tpu.memory_space<vmem>>[vector<16xi32>, vector<16xi32>], vector<16xf32>,
        tpu.vector_store_idx %arg6[%shift_right_arithmetic3A_90, %add3A_289], %gather3A_290 : memref<128x128xf32, #tpu.memory_space<vmem>>[vector<16xi32>, vector<16xi32>], vector<16xf32>,
        tpu.vector_store_idx %arg6[%shift_right_arithmetic3A_93, %add3A_291], %gather3A_292 : memref<128x128xf32, #tpu.memory_space<vmem>>[vector<16xi32>, vector<16xi32>], vector<16xf32>,
        tpu.vector_store_idx %arg6[%shift_right_arithmetic3A_96, %add3A_293], %gather3A_294 : memref<128x128xf32, #tpu.memory_space<vmem>>[vector<16xi32>, vector<16xi32>], vector<16xf32>,
        tpu.vector_store_idx %arg6[%shift_right_arithmetic3A_99, %add3A_295], %gather3A_296 : memref<128x128xf32, #tpu.memory_space<vmem>>[vector<16xi32>, vector<16xi32>], vector<16xf32>,
        tpu.vector_store_idx %arg6[%shift_right_arithmetic3A_102, %add3A_297], %gather3A_298 : memref<128x128xf32, #tpu.memory_space<vmem>>[vector<16xi32>, vector<16xi32>], vector<16xf32>,
        tpu.vector_store_idx %arg6[%shift_right_arithmetic3A_105, %add3A_299], %gather3A_300 : memref<128x128xf32, #tpu.memory_space<vmem>>[vector<16xi32>, vector<16xi32>], vector<16xf32>,
        tpu.vector_store_idx %arg6[%shift_right_arithmetic3A_108, %add3A_301], %gather3A_302 : memref<128x128xf32, #tpu.memory_space<vmem>>[vector<16xi32>, vector<16xi32>], vector<16xf32>,
        tpu.vector_store_idx %arg6[%shift_right_arithmetic3A_111, %add3A_303], %gather3A_304 : memref<128x128xf32, #tpu.memory_space<vmem>>[vector<16xi32>, vector<16xi32>], vector<16xf32>,
        tpu.vector_store_idx %arg6[%shift_right_arithmetic3A_114, %add3A_305], %gather3A_306 : memref<128x128xf32, #tpu.memory_space<vmem>>[vector<16xi32>, vector<16xi32>], vector<16xf32>,
        tpu.vector_store_idx %arg6[%shift_right_arithmetic3A_117, %add3A_307], %gather3A_308 : memref<128x128xf32, #tpu.memory_space<vmem>>[vector<16xi32>, vector<16xi32>], vector<16xf32>,
        tpu.vector_store_idx %arg6[%shift_right_arithmetic3A_120, %add3A_309], %gather3A_310 : memref<128x128xf32, #tpu.memory_space<vmem>>[vector<16xi32>, vector<16xi32>], vector<16xf32>,
        tpu.vector_store_idx %arg6[%shift_right_arithmetic3A_123, %add3A_311], %gather3A_312 : memref<128x128xf32, #tpu.memory_space<vmem>>[vector<16xi32>, vector<16xi32>], vector<16xf32>,
        tpu.vector_store_idx %arg6[%shift_right_arithmetic3A_126, %add3A_313], %gather3A_314 : memref<128x128xf32, #tpu.memory_space<vmem>>[vector<16xi32>, vector<16xi32>], vector<16xf32>,
        tpu.vector_store_idx %arg6[%shift_right_arithmetic3A_129, %add3A_315], %gather3A_316 : memref<128x128xf32, #tpu.memory_space<vmem>>[vector<16xi32>, vector<16xi32>], vector<16xf32>,
        %scan3A_317 = arith.constant 0 : i32
        scf.yield %scan3A_317 : i32
      }
      %scan3A_231 = arith.constant 32 : i32
      %mul3A_232 = arith.constant 128 : i32
      %mul3A_233 = arith.muli %add3A_26, %mul3A_232 : i32
      "tpu.region"() ({
        %run_scoped3A = tpu.sem_alloc : memref<!tpu.dma_semaphore, #tpu.memory_space<semaphore_mem>>
        %dma_start3A_234 = arith.constant 0 : i32
        %dma_start3A_235 = tpu.memref_slice %arg4[%mul3A_233, %dma_start3A_234] : memref<500000x128xf32, #tpu.memory_space<hbm>> -> memref<128x128xf32, #tpu.memory_space<hbm>>
        %dma_start3A_236 = arith.constant 0 : i32
        %dma_start3A_237 = tpu.memref_slice %arg4[%mul3A_233, %dma_start3A_236] : memref<500000x128xf32, #tpu.memory_space<hbm>> -> memref<128x128xf32, #tpu.memory_space<hbm>>
        tpu.enqueue_dma source(%arg6 : memref<128x128xf32, #tpu.memory_space<vmem>>) target(%dma_start3A_237 : memref<128x128xf32, #tpu.memory_space<hbm>>) target_semaphore(%run_scoped3A : memref<!tpu.dma_semaphore, #tpu.memory_space<semaphore_mem>>)
        %dma_wait3A_238 = arith.constant 0 : i32
        %dma_wait3A_239 = tpu.memref_slice %arg4[%mul3A_233, %dma_wait3A_238] : memref<500000x128xf32, #tpu.memory_space<hbm>> -> memref<128x128xf32, #tpu.memory_space<hbm>>
        %dma_wait3A_240 = arith.constant 0 : i32
        %dma_wait3A_241 = tpu.memref_slice %arg4[%mul3A_233, %dma_wait3A_240] : memref<500000x128xf32, #tpu.memory_space<hbm>> -> memref<128x128xf32, #tpu.memory_space<hbm>>
        tpu.wait_dma2 semaphore(%run_scoped3A : memref<!tpu.dma_semaphore, #tpu.memory_space<semaphore_mem>>) src(%arg6 : memref<128x128xf32, #tpu.memory_space<vmem>>) dst(%dma_wait3A_241 : memref<128x128xf32, #tpu.memory_space<hbm>>)
        tpu.yield
      }) : () -> ()
    } else {
    }
    %eq3A = arith.constant 2 : i32
    %eq3A_29 = arith.cmpi eq, %add3A, %eq3A : i32
    %convert_element_type3A_30 = arith.extui %eq3A_29 : i1 to i32
    %cond3A_31 = arith.constant 0 : i32
    %cond3A_32 = arith.cmpi ne, %convert_element_type3A_30, %cond3A_31 : i32
    scf.if %cond3A_32 {
      "tpu.region"() ({
        %run_scoped3A = tpu.sem_alloc : memref<!tpu.dma_semaphore, #tpu.memory_space<semaphore_mem>>
        %dma_start3A_33 = arith.constant 0 : i32
        %dma_start3A_34 = arith.constant 0 : i32
        %dma_start3A_35 = tpu.memref_slice %arg6[%dma_start3A_33, %dma_start3A_34] : memref<128x128xf32, #tpu.memory_space<vmem>> -> memref<32x128xf32, #tpu.memory_space<vmem>>
        %dma_start3A_36 = arith.constant 0 : i32
        %dma_start3A_37 = arith.constant 0 : i32
        %dma_start3A_38 = tpu.memref_slice %arg6[%dma_start3A_36, %dma_start3A_37] : memref<128x128xf32, #tpu.memory_space<vmem>> -> memref<32x128xf32, #tpu.memory_space<vmem>>
        tpu.enqueue_dma source(%arg3 : memref<32x128xf32, #tpu.memory_space<hbm>>) target(%dma_start3A_38 : memref<32x128xf32, #tpu.memory_space<vmem>>) target_semaphore(%run_scoped3A : memref<!tpu.dma_semaphore, #tpu.memory_space<semaphore_mem>>)
        %dma_wait3A_39 = arith.constant 0 : i32
        %dma_wait3A_40 = arith.constant 0 : i32
        %dma_wait3A_41 = tpu.memref_slice %arg6[%dma_wait3A_39, %dma_wait3A_40] : memref<128x128xf32, #tpu.memory_space<vmem>> -> memref<32x128xf32, #tpu.memory_space<vmem>>
        %dma_wait3A_42 = arith.constant 0 : i32
        %dma_wait3A_43 = arith.constant 0 : i32
        %dma_wait3A_44 = tpu.memref_slice %arg6[%dma_wait3A_42, %dma_wait3A_43] : memref<128x128xf32, #tpu.memory_space<vmem>> -> memref<32x128xf32, #tpu.memory_space<vmem>>
        tpu.wait_dma2 semaphore(%run_scoped3A : memref<!tpu.dma_semaphore, #tpu.memory_space<semaphore_mem>>) src(%arg3 : memref<32x128xf32, #tpu.memory_space<hbm>>) dst(%dma_wait3A_44 : memref<32x128xf32, #tpu.memory_space<vmem>>)
        tpu.yield
      }) : () -> ()
      "tpu.region"() ({
        %run_scoped3A = tpu.sem_alloc : memref<!tpu.dma_semaphore, #tpu.memory_space<semaphore_mem>>
        %dma_start3A_33 = arith.constant 0 : i32
        %dma_start3A_34 = arith.constant 0 : i32
        %dma_start3A_35 = tpu.memref_slice %arg6[%dma_start3A_33, %dma_start3A_34] : memref<128x128xf32, #tpu.memory_space<vmem>> -> memref<32x128xf32, #tpu.memory_space<vmem>>
        %dma_start3A_36 = arith.constant 499968 : i32
        %dma_start3A_37 = arith.constant 0 : i32
        %dma_start3A_38 = tpu.memref_slice %arg4[%dma_start3A_36, %dma_start3A_37] : memref<500000x128xf32, #tpu.memory_space<hbm>> -> memref<32x128xf32, #tpu.memory_space<hbm>>
        %dma_start3A_39 = arith.constant 499968 : i32
        %dma_start3A_40 = arith.constant 0 : i32
        %dma_start3A_41 = tpu.memref_slice %arg4[%dma_start3A_39, %dma_start3A_40] : memref<500000x128xf32, #tpu.memory_space<hbm>> -> memref<32x128xf32, #tpu.memory_space<hbm>>
        %dma_start3A_42 = arith.constant 0 : i32
        %dma_start3A_43 = arith.constant 0 : i32
        %dma_start3A_44 = tpu.memref_slice %arg6[%dma_start3A_42, %dma_start3A_43] : memref<128x128xf32, #tpu.memory_space<vmem>> -> memref<32x128xf32, #tpu.memory_space<vmem>>
        tpu.enqueue_dma source(%dma_start3A_44 : memref<32x128xf32, #tpu.memory_space<vmem>>) target(%dma_start3A_41 : memref<32x128xf32, #tpu.memory_space<hbm>>) target_semaphore(%run_scoped3A : memref<!tpu.dma_semaphore, #tpu.memory_space<semaphore_mem>>)
        %dma_wait3A_45 = arith.constant 0 : i32
        %dma_wait3A_46 = arith.constant 0 : i32
        %dma_wait3A_47 = tpu.memref_slice %arg6[%dma_wait3A_45, %dma_wait3A_46] : memref<128x128xf32, #tpu.memory_space<vmem>> -> memref<32x128xf32, #tpu.memory_space<vmem>>
        %dma_wait3A_48 = arith.constant 499968 : i32
        %dma_wait3A_49 = arith.constant 0 : i32
        %dma_wait3A_50 = tpu.memref_slice %arg4[%dma_wait3A_48, %dma_wait3A_49] : memref<500000x128xf32, #tpu.memory_space<hbm>> -> memref<32x128xf32, #tpu.memory_space<hbm>>
        %dma_wait3A_51 = arith.constant 499968 : i32
        %dma_wait3A_52 = arith.constant 0 : i32
        %dma_wait3A_53 = tpu.memref_slice %arg4[%dma_wait3A_51, %dma_wait3A_52] : memref<500000x128xf32, #tpu.memory_space<hbm>> -> memref<32x128xf32, #tpu.memory_space<hbm>>
        %dma_wait3A_54 = arith.constant 0 : i32
        %dma_wait3A_55 = arith.constant 0 : i32
        %dma_wait3A_56 = tpu.memref_slice %arg6[%dma_wait3A_54, %dma_wait3A_55] : memref<128x128xf32, #tpu.memory_space<vmem>> -> memref<32x128xf32, #tpu.memory_space<vmem>>
        tpu.wait_dma2 semaphore(%run_scoped3A : memref<!tpu.dma_semaphore, #tpu.memory_space<semaphore_mem>>) src(%dma_wait3A_56 : memref<32x128xf32, #tpu.memory_space<vmem>>) dst(%dma_wait3A_53 : memref<32x128xf32, #tpu.memory_space<hbm>>)
        tpu.yield
      }) : () -> ()
    } else {
    }
    return
  }
}

module attributes {stable_mosaic.version = 14 : i64} {
  func.func @_nll_body(%arg0: memref<128x128xf32, #tpu.memory_space<vmem>>, %arg1: memref<128x128xf32, #tpu.memory_space<vmem>>, %arg2: memref<1x1xf32, #tpu.memory_space<smem>>) attributes {dimension_semantics = [], scalar_prefetch = 0 : i64, scratch_operands = 0 : i64, tpu.core_type = #tpu.core_type<tc>} {
    %get3A = arith.constant 0 : index
    %get3A_0 = arith.constant 0 : index
    %get3A_1 = vector.load %arg0[%get3A, %get3A_0] : memref<128x128xf32, #tpu.memory_space<vmem>>, vector<128x128xf32>
    %get3A_2 = arith.constant 0 : index
    %get3A_3 = arith.constant 0 : index
    %get3A_4 = vector.load %arg1[%get3A_2, %get3A_3] : memref<128x128xf32, #tpu.memory_space<vmem>>, vector<128x128xf32>
    %log3A = math.log %get3A_4 : vector<128x128xf32>
    %reduce_sum3A = vector.shape_cast %log3A : vector<128x128xf32> to vector<1x128x128xf32>
    %reduce_sum3A_5 = arith.constant dense<0.000000e+00> : vector<1xf32>
    %reduce_sum3A_6 = vector.multi_reduction <add>, %reduce_sum3A, %reduce_sum3A_5 [1, 2] : vector<1x128x128xf32> to vector<1xf32>
    %reduce_sum3A_7 = vector.shape_cast %reduce_sum3A_6 : vector<1xf32> to vector<1x1x1xf32>
    %reduce_sum3A_8 = vector.extract %reduce_sum3A_7[0, 0, 0] : f32 from vector<1x1x1xf32>
    %reduce_sum3A_9 = vector.shape_cast %get3A_1 : vector<128x128xf32> to vector<1x128x128xf32>
    %reduce_sum3A_10 = arith.constant dense<0.000000e+00> : vector<1xf32>
    %reduce_sum3A_11 = vector.multi_reduction <add>, %reduce_sum3A_9, %reduce_sum3A_10 [1, 2] : vector<1x128x128xf32> to vector<1xf32>
    %reduce_sum3A_12 = vector.shape_cast %reduce_sum3A_11 : vector<1xf32> to vector<1x1x1xf32>
    %reduce_sum3A_13 = vector.extract %reduce_sum3A_12[0, 0, 0] : f32 from vector<1x1x1xf32>
    %sub3A = arith.subf %reduce_sum3A_8, %reduce_sum3A_13 : f32
    %div3A = arith.constant 1.638400e+04 : f32
    %div3A_14 = arith.divf %sub3A, %div3A : f32
    %swap3A = arith.constant 0 : index
    %swap3A_15 = arith.constant 0 : index
    %swap3A_16 = memref.load %arg2[%swap3A, %swap3A_15] : memref<1x1xf32, #tpu.memory_space<smem>>
    memref.store %div3A_14, %arg2[%swap3A, %swap3A_15] : memref<1x1xf32, #tpu.memory_space<smem>>
    return
  }
}

</mosaic_0001>

<sc_bundles>
// kernel: kernel.5.cloned.1.call-start
scs
__scs_entry_jumppad:
0x0: {  	(pc) =	sbr.rel $0x88, $3  }
0x1: {  	(tag) =	ssettag $0x0;
	lr =	simm.s32 $0x1  }
0x2: {  	[smem:$0x3F9C] =	sst lr;
	_ =	strace $0xD0000000  }
0x3: {  	_ = 	snop  }
0x4: {  	_ = 	snop  }
0x5: {  	_ = 	snop  }
0x6: {  	_ = 	snop  }
0x7: {  	_ = 	snop  }
__scs_overlays_trampoline_lowered:
0x8: {  	[smem:$0x3FAB] =	sst s0  }
0x9: {  	[smem:$0x3FAC] =	sst s1  }
0xa: {  	[smem:$0x3FAD] =	sst s2  }
0xb: {  	[smem:$0x3FAE] =	sst s3  }
0xc: {  	[smem:$0x3FAF] =	sst s4  }
0xd: {  	[smem:$0x3FB0] =	sst s5  }
0xe: {  	[smem:$0x3FB1] =	sst s6  }
0xf: {  	[smem:$0x3FB2] =	sst s7  }
0x10: {  	[smem:$0x3FB3] =	sst s8  }
0x11: {  	[smem:$0x3FB4] =	sst s9;
	s0 =	simm.s32 @!p0 $0x0  }
0x12: {  	s1 =	sld [smem:$0x3F9A];
	s0 =	simm.s32 @p0 $0x1  }
0x13: {  	[smem:$0x3FB5] =	sst s0;
	s0 =	simm.s32 @!p1 $0x0  }
0x14: {  	s2 =	sld [smem:$0x3F99];
	s0 =	simm.s32 @p1 $0x1  }
0x15: {  	[smem:$0x3FB6] =	sst s0;
	s0 =	simm.s32 @!p2 $0x0  }
0x16: {  	s3 =	sld [smem:$0x3FDB];
	s0 =	simm.s32 @p2 $0x1  }
0x17: {  	s4 =	simm.s32 $0x1BF5;
	[smem:$0x3FB8] =	sst s0  }
0x18: {  	s0 =	sld [smem:$0x3F9B];
	_ =	swait.ge [sflag:s4], $0x0  }
0x19: {  	s7 =	sld [smem:$0x3F9C]  }
0x1a: {  	s8 =	sadd.s32 $0xFFFFE003, lr  }
0x1b: {  	s9 =	sadd.s32 $0xFFFFFEF7, lr;
	s5 =	simm.s32 $0xFFFFFFFF;
	p2 =	slt.u32 s8, $0xFFFFF086  }
0x1c: {  	p1 =	slt.u32 s9, $0xF7A;
	s5 =	simm.s32 @!p2 $0x0  }
0x1d: {  	s5 =	simm.s32 @p1 $0x1;
	p0 =	seq.s32 s7, s2  }
0x1e: {  	s7 =	smul.u32 @!p0 $0xF7A, s2;
	p2 =	seq.s32 @!p0 s5, $0x0  }
0x1f: {  	s9 =	smul.u32 $0xF7A, s1;
	s8 =	simm.s32 @!p0 $0x1BF5;
	p2 =	por !p2, p0  }
0x20: {  	[sflag:s8] =	ssyncset.s32 @!p0 $0xFFFFF086;
	s6 =	sadd.s32 @!p0 s3, s7;
	s7 =	simm.s32 @!p0 $0x108  }
0x21: {  	s3 =	sadd.s32 s3, s9;
	s6 =	sadd.s32 @!p0 $0x88, s6;
	s7 =	simm.s32 @p2 $0x1082  }
0x22: {  	[simem:s7], [sflag:s8] =	dma.local @!p0 [hbm:s6], $0xF7A  }
0x23: {  	s9 =	sor.u32 $0xD0000000, s2;
	s6 =	simm.s32 $0x108;
	_ =	swait.ge @!p0 [sflag:s8], $0x0  }
0x24: {  	s3 =	sadd.s32 $0x88, s3;
	s6 =	simm.s32 @!p1 $0x1082;
	[sflag:s4] =	ssyncset.s32 $0xFFFFF086  }
0x25: {  	[simem:s6], [sflag:s4] =	dma.local [hbm:s3], $0xF7A  }
0x26: {  	[smem:$0x3F9C] =	sst s1;
	(tag) =	ssettag s2;
	_ =	strace s9  }
0x27: {  	s1 =	sld [smem:$0x3FAC]  }
0x28: {  	s2 =	sld [smem:$0x3FAD]  }
0x29: {  	s4 =	sld [smem:$0x3FAF]  }
0x2a: {  	p0 =	seq.s32 s5, $0x0;
	s5 =	sld [smem:$0x3FB0]  }
0x2b: {  	s6 =	sld [smem:$0x3FB1]  }
0x2c: {  	s7 =	sld [smem:$0x3FB2]  }
0x2d: {  	s3 =	simm.s32 $0x108;
	s8 =	sld [smem:$0x3FB3]  }
0x2e: {  	s3 =	simm.s32 @!p0 $0x1082;
	s9 =	sld [smem:$0x3FB4]  }
0x2f: {  	lr =	sadd.s32 s0, s3;
	s0 =	sld [smem:$0x3FAB]  }
0x30: {  	s3 =	sld [smem:$0x3FAE]  }
0x31: {  	[smem:$0x3FB7] =	sst s10  }
0x32: {  	s10 =	sld [smem:$0x3FB5];
	_ =	sdelay $0x3  }
0x33: {  	p0 =	seq.s32 s10, $0x1;
	s10 =	sld [smem:$0x3FB7];
	_ =	sdelay $0x3  }
0x34: {  	[smem:$0x3FB7] =	sst s10  }
0x35: {  	s10 =	sld [smem:$0x3FB6];
	_ =	sdelay $0x3  }
0x36: {  	p1 =	seq.s32 s10, $0x1;
	s10 =	sld [smem:$0x3FB7];
	_ =	sdelay $0x3  }
0x37: {  	[smem:$0x3FB7] =	sst s10  }
0x38: {  	s10 =	sld [smem:$0x3FB8]  }
0x39: {  	_ = 	snop;
	(pc) =	sbr.ind lr, $3  }
0x3a: {  	_ = 	snop  }
0x3b: {  	_ = 	snop  }
0x3c: {  	p2 =	seq.s32 s10, $0x1;
	s10 =	sld [smem:$0x3FB7]  }
0x3d: {  	_ =	shalt  }
0x3e: {  	_ =	shalt  }
0x3f: {  	_ =	shalt  }
0x40: {  	_ =	shalt  }
0x41: {  	_ =	shalt  }
0x42: {  	_ =	shalt  }
0x43: {  	_ =	shalt  }
0x44: {  	_ =	shalt  }
0x45: {  	_ =	shalt  }
0x46: {  	_ =	shalt  }
0x47: {  	_ =	shalt  }
0x48: {  	_ =	shalt  }
0x49: {  	_ =	shalt  }
0x4a: {  	_ =	shalt  }
0x4b: {  	_ =	shalt  }
0x4c: {  	_ =	shalt  }
0x4d: {  	_ =	shalt  }
0x4e: {  	_ =	shalt  }
0x4f: {  	_ =	shalt  }
0x50: {  	_ =	shalt  }
0x51: {  	_ =	shalt  }
0x52: {  	_ =	shalt  }
0x53: {  	_ =	shalt  }
0x54: {  	_ =	shalt  }
0x55: {  	_ =	shalt  }
0x56: {  	_ =	shalt  }
0x57: {  	_ =	shalt  }
0x58: {  	_ =	shalt  }
0x59: {  	_ =	shalt  }
0x5a: {  	_ =	shalt  }
0x5b: {  	_ =	shalt  }
0x5c: {  	_ =	shalt  }
0x5d: {  	_ =	shalt  }
0x5e: {  	_ =	shalt  }
0x5f: {  	_ =	shalt  }
0x60: {  	_ =	shalt  }
0x61: {  	_ =	shalt  }
0x62: {  	_ =	shalt  }
0x63: {  	_ =	shalt  }
0x64: {  	_ =	shalt  }
0x65: {  	_ =	shalt  }
0x66: {  	_ =	shalt  }
0x67: {  	_ =	shalt  }
0x68: {  	_ =	shalt  }
0x69: {  	_ =	shalt  }
0x6a: {  	_ =	shalt  }
0x6b: {  	_ =	shalt  }
0x6c: {  	_ =	shalt  }
0x6d: {  	_ =	shalt  }
0x6e: {  	_ =	shalt  }
0x6f: {  	_ =	shalt  }
0x70: {  	_ =	shalt  }
0x71: {  	_ =	shalt  }
0x72: {  	_ =	shalt  }
0x73: {  	_ =	shalt  }
0x74: {  	_ =	shalt  }
0x75: {  	_ =	shalt  }
0x76: {  	_ =	shalt  }
0x77: {  	_ =	shalt  }
0x78: {  	_ =	shalt  }
0x79: {  	_ =	shalt  }
0x7a: {  	_ =	shalt  }
0x7b: {  	_ =	shalt  }
0x7c: {  	_ =	shalt  }
0x7d: {  	_ =	shalt  }
0x7e: {  	_ =	shalt  }
0x7f: {  	_ =	shalt  }
0x80: {  	_ =	shalt  }
0x81: {  	_ =	shalt  }
0x82: {  	_ =	shalt  }
0x83: {  	_ =	shalt  }
0x84: {  	_ =	shalt  }
0x85: {  	_ =	shalt  }
0x86: {  	_ =	shalt  }
0x87: {  	_ =	shalt  }
.Lfunc_end0:
.L_simem_size_0:
called_computation_lowered:
.L_overlay_start_0:
0x88: {  	s2 =	sld [smem:$0x3FD9]  }
0x89: {  	s3 =	sld [smem:$0x3FFE];
	_ =	sdelay $0x1  }
0x8a: {  	s1 =	srdreg.scid  }
0x8b: {  	s0 =	sand.u32 $0x1, s1  }
0x8c: {  	s17 =	sshll.u32 s0, $0xA;
	s2 =	sadd.s32 s3, s2  }
0x8d: {  	s2 =	sadd.s32 s2, s17  }
0x8e: {  	[smem:$0x3FC3] =	sst s2  }
0x8f: {  	_ = 	snop  }
0x90: {  	s2 =	sld [smem:$0x3FC6];
	(tm) =	ssettm $0x1  }
0x91: {  	s18 =	sld [smem:$0x3FFB];
	_ =	sdelay $0x3  }
0x92: {  	_ =	strace s18  }
0x93: {  	s3 =	sld [smem:$0x3FFC];
	_ =	sdelay $0x3  }
0x94: {  	_ =	strace s3  }
0x95: {  	s3 =	sld [smem:$0x3FFD];
	_ =	sdelay $0x3  }
0x96: {  	_ =	strace s3  }
0x97: {  	_ =	strace $0x8FFFFFFF  }
0x98: {  	s19 =	sld [smem:$0x3FDB];
	_ =	sdelay $0x1  }
0x99: {  	s4 =	simm.s32 $_scs_section_size  }
0x9a: {  	s5 =	simm.s32 $_size__tile_overlayer_lowered;
	s6 =	simm.s32 $_tile_overlayer_lowered  }
0x9b: {  	s22 =	simm.s32 $0x1BFF;
	s21 =	sshll.u32 s6, $0x1;
	s3 =	sadd.s32 s4, s19  }
0x9c: {  	s7 =	simm.s32 $0x0;
	s20 =	sshll.u32 s5, $0x1;
	s5 =	sadd.s32 s21, s3  }
0x9d: {  	[timem:s7], [sflag:s22] =	dma.local [hbm:s5], s20  }
0x9e: {  	_ =	swait.ge [sflag:s22], s20  }
0x9f: {  	s4 =	ssub.s32 $0x0, s20;
	[sflag:s22] =	ssyncset.done $0x0  }
0xa0: {  	[sflag:s22] =	ssyncadd.s32 s4;
	_ =	sdelay $0x1  }
0xa1: {  	s23 =	simm.s32 $0x1B8B  }
0xa2: {  	_ =	swait.ge [sflag:s23], $0x1  }
0xa3: {  	[sflag:s23] =	ssyncset.done $0x0  }
0xa4: {  	s25 =	simm.s32 $0x1B8E;
	s24 =	sld [smem:$0x3FFE];
	[sflag:s23] =	ssyncadd.s32 $0xFFFFFFFF  }
0xa5: {  	s26 =	simm.s32 $execute0_lowered;
	[smem:$0x3FD2] =	sst s25  }
0xa6: {  	s5 =	sshll.u32 s26, $0x1;
	_ =	strace $0x80000046;
	[dreg:$0x1] =	wrdreg $0xFFFFFFFF  }
0xa7: {  	s28 =	simm.s32 $_size_execute0_lowered;
	s3 =	sadd.s32 s3, s5;
	[dreg:$0x0] =	wrdreg $0x0  }
0xa8: {  	s5 =	sshll.u32 s28, $0x1;
	[dreg:$0x2] =	wrdreg s3  }
0xa9: {  	[dreg:$0x3] =	wrdreg s5  }
0xaa: {  	[dreg:$0x4] =	wrdreg $0xC0  }
0xab: {  	_ =	task [dreg:s7], $0x5FFFF  }
0xac: {  	[dreg:$0x1] =	wrdreg $0xFFFFFFFF  }
0xad: {  	[dreg:$0x0] =	wrdreg $0x60  }
0xae: {  	[dreg:$0x2] =	wrdreg s2  }
0xaf: {  	[dreg:$0x3] =	wrdreg s24  }
0xb0: {  	[dreg:$0x4] =	wrdreg $0x9  }
0xb1: {  	_ =	task.clear_ibuf [dreg:s7], $0x5FFFF;
	_ =	strace $0x90000046  }
0xb2: {  	s29 =	simm.s32 $0x9;
	_ =	strace $0x80000048  }
0xb3: {  	_ =	swait.ge [sflag:s29], $0x1  }
0xb4: {  	[sflag:s29] =	ssyncadd.s32 $0xFFFFFFFF  }
0xb5: {  	_ =	strace $0x90000048  }
0xb6: {  	_ =	sfence  }
0xb7: {  	s30 =	sld [smem:$0x0];
	_ =	sdelay $0x2  }
0xb8: {  	s31 =	sshll.u32 s1, $0xD;
	s1 =	sshrl.u32 s1, $0x2  }
0xb9: {  	s3 =	sand.u32 $0x4000, s31;
	s1 =	sadd.s32 s1, s30  }
0xba: {  	s0 =	sor.u32 s3, s0;
	s1 =	sshll.u32 s1, $0x11  }
0xbb: {  	s0 =	sor.u32 s1, s0  }
0xbc: {  	s0 =	sadd.s32 $0x8F2B, s0  }
0xbd: {  	[sflag:s0] =	ssyncadd.remote.s32 $0x1  }
0xbe: {  	_ =	sfence.sel $0xFFFF  }
0xbf: {  	[dreg:$0x0] =	wrdreg $0xFFFFFFFF;
	(pc) =	sbr.abs _section_cstart, $3  }
0xc0: {  	[dreg:$0x1] =	wrdreg $0xFFFFFFFF  }
0xc1: {  	_ =	task.clear_ibuf [dreg:s7], $0x2FFFF;
	_ =	strace $0x9FFFFFFF  }
0xc2: {  	(tm) =	ssettm $0x7FFFFFFF  }
0xc3: {  	_ =	shalt  }
tec
execute0_lowered:
.L_overlay_start_1:
0x0: {  	(tag) =	ssettag $0x1  }
0x1: {  	s6 =	rddreg [dreg:$0x0]  }
0x2: {  	s8 =	rddreg [dreg:$0x1];
	s1 =	simm.s32 $0x0;
	v22 =	vlaneseq.u32  }
0x3: {  	[smem:$0x7FF] =	sst s1;
	v11 =	vor.u32 $0x40, v22  }
0x4: {  	s0 =	rddreg [dreg:$0x2];
	v13 =	vor.u32 $0x60, v22;
	_ =	strace $0x80000047;
	[tilespmem:$0x1FEC0] =	vst v11  }
0x5: {  	v14 =	vor.u32 $0x20, v22;
	[tilespmem:$0x1FED0] =	vst v13  }
0x6: {  	v16 =	vor.u32 $0x50, v22;
	[tilespmem:$0x1FEE0] =	vst v14  }
0x7: {  	v41 =	vor.u32 $0x400, v22;
	[tilespmem:$0x1FF00] =	vst v16  }
0x8: {  	v26 =	vor.u32 $0x410, v22;
	[tilespmem:$0x1FF50] =	vst v41  }
0x9: {  	v21 =	vor.u32 $0x420, v22;
	[tilespmem:$0x1FF60] =	vst v26  }
0xa: {  	v23 =	vor.u32 $0x30, v22;
	[tilespmem:$0x1FF70] =	vst v21  }
0xb: {  	v5 =	vor.u32 $0x70, v22;
	[tilespmem:$0x1FF80] =	vst v23  }
0xc: {  	v19 =	vor.u32 $0x10, v22;
	[tilespmem:$0x1FF90] =	vst v5  }
0xd: {  	v29 =	vor.u32 $0x470, v22;
	[tilespmem:$0x1FFC0] =	vst v19  }
0xe: {  	v17 =	vor.u32 $0x430, v22;
	[tilespmem:$0x1FFD0] =	vst v29  }
0xf: {  	v31 =	vmul.u32 $0x40, v22;
	v20 =	vor.u32 $0x460, v22;
	[tilespmem:$0x1FFE0] =	vst v17  }
0x10: {  	[tilespmem:$0x1FFF0] =	vst v20  }
0x11: {  	v18 =	vor.u32 $0x1400, v31;
	[tilespmem:$0x1FFA0] =	vst v31  }
0x12: {  	v12 =	vor.u32 $0x3400, v31;
	[tilespmem:$0x1FE30] =	vst v18  }
0x13: {  	v15 =	vor.u32 $0x3800, v31;
	[tilespmem:$0x1FE40] =	vst v12  }
0x14: {  	v9 =	vor.u32 $0x3C00, v31;
	[tilespmem:$0x1FE50] =	vst v15  }
0x15: {  	s2 =	srdreg.scid;
	s15 =	stileid.u32;
	s13 =	simm.s32 $0x8000;
	v38 =	vor.u32 $0x800, v31;
	[tilespmem:$0x1FE60] =	vst v9  }
0x16: {  	s14 =	simm.s32 $0xC000;
	s16 =	simm.s32 $0x4;
	s17 =	simm.s32 $0x5;
	v25 =	vor.u32 $0x2800, v31;
	[tilespmem:$0x1FE70] =	vst v38  }
0x17: {  	s18 =	simm.s32 $0x4000;
	s20 =	simm.s32 $0x0;
	s3 =	sand.u32 $0x1, s2;
	v27 =	vor.u32 $0x3000, v31;
	[tilespmem:$0x1FE80] =	vst v25  }
0x18: {  	s29 =	sshll.u32 s15, $0x1;
	s2 =	sadd.s32 $0x1200, s8;
	s7 =	sadd.s32 $0x1400, s8;
	v61 =	vor.u32 $0x2400, v31;
	[tilespmem:$0x1FE90] =	vst v27  }
0x19: {  	s8 =	sadd.s32 $0x7A2400, s8;
	p0 =	sne.s32 s15, $0x0;
	s19 =	sor.u32 s3, s29;
	v24 =	vor.u32 $0x2C00, v31;
	[tilespmem:$0x1FEA0] =	vst v61  }
0x1a: {  	s15 =	simm.s32 $0x3;
	s4 =	ssub.s32 $0x2, s3;
	s30 =	sshll.u32 s19, $0x8;
	v56 =	vor.u32 $0xC00, v31;
	[tilespmem:$0x1FEB0] =	vst v24  }
0x1b: {  	s5 =	sshrl.u32 s4, $0x1;
	s31 =	sor.u32 $0xF40, s19;
	s10 =	sshll.u32 s19, $0xB;
	v57 =	vor.u32 $0x1000, v31;
	[tilespmem:$0x1FEF0] =	vst v56  }
.Ltmp0:
0x1c: {  	v58 =	vor.u32 $0x1800, v31;
	p1 =	sne.s32 s19, $0x2;
	s19 =	simm.s32 $0x1;
	[tilespmem:$0x1FF10] =	vst v57;
	(pc) =	sbr.rel .LBB2_1-.Ltmp0, $4  }
0x1d: {  	v60 =	vor.u32 $0x2000, v31;
	s3 =	sadd.s32 s6, s30;
	s9 =	ssub.s32 s4, s5;
	s11 =	sshll.u32 s31, $0x8;
	[tilespmem:$0x1FF20] =	vst v58  }
0x1e: {  	v62 =	vor.u32 $0x400, v31;
	s12 =	sshll.u32 s31, $0xB;
	s5 =	sadd.s32 s7, s10;
	s10 =	simm.s32 $0x800;
	[tilespmem:$0x1FF30] =	vst v60  }
0x1f: {  	v63 =	vor.u32 $0x1C00, v31;
	[tilespmem:$0x1FF40] =	vst v62;
	s4 =	sadd.s32 $0x2000, s3;
	s6 =	sadd.s32 s6, s11;
	s7 =	sadd.s32 s7, s12  }
0x20: {  	v30 =	vor.u32 $0x440, v22;
	v28 =	vor.u32 $0x450, v22;
	[tilespmem:$0x1FFB0] =	vst v63;
	s9 =	smax.u32 s9, $0x1;
	s11 =	simm.s32 $0x7A1400;
	s12 =	simm.s32 $0x2  }
.LBB2_10:
0x21: {  	_ =	swait.ge [sflag:s15], $0x4000  }
.Ltmp1:
0x22: {  	[sflag:s15] =	ssyncset.done $0x0;
	(pc) =	sbr.rel @!p0 .LBB2_11-.Ltmp1, $4  }
0x23: {  	[sflag:s15] =	ssyncadd.s32 $0xFFFFC000  }
0x24: {  	_ =	swait.ge [sflag:s16], $0x4000  }
0x25: {  	[sflag:s16] =	ssyncset.done $0x0  }
0x26: {  	[sflag:s16] =	ssyncadd.s32 $0xFFFFC000  }
.LBB2_14:
0x27: {  	s21 =	simm.s32 @!p1 $0x0;
	s22 =	simm.s32 @!p1 $0x4000;
	s23 =	simm.s32 @!p1 $0x5  }
0x28: {  	[tilespmem:s22], [sflag:$0x5] =	stream.linear.gather @!p1 [hbm4b:s2+s21], $0x1000, $0x38;
	[tilespmem:$0x10000] =	vst v63  }
0x29: {  	s20 =	sadd.s32 $0x1, s20;
	_ =	swait.ge @!p1 [sflag:s23], $0x1000  }
0x2a: {  	p2 =	sne.s32 s20, s9;
	[sflag:s23] =	ssyncset.done @!p1 $0x0  }
.Ltmp2:
0x2b: {  	[sflag:s23] =	ssyncadd.s32 @!p1 $0xFFFFF000;
	(pc) =	sbr.rel @!p2 .LBB2_15-.Ltmp2, $4  }
0x2c: {  	[hbm4b:s8+s21] =	stream.linear.scatter @!p1 [tilespmem:s22], [sflag:$0x5], $0x1000, $0x38;
	[tilespmem:$0x10000] =	vst v63  }
0x2d: {  	_ =	swait.ge @!p1 [sflag:s23], $0x1000  }
0x2e: {  	[sflag:s23] =	ssyncset.done @!p1 $0x0  }
0x2f: {  	[sflag:s23] =	ssyncadd.s32 @!p1 $0xFFFFF000  }
.LBB2_1:
.Ltmp3:
0x30: {  	(pc) =	sbr.rel .LBB2_2-.Ltmp3, $3  }
0x31: {  	_ =	sdelay $0x1  }
0x32: {  	[tilespmem:s1], [sflag:$0x1] =	stream.strided.gather [hbm4b:s3+s10], $0x4000, s11, s10, $0x38;
	[tilespmem:$0x10000] =	vst v63  }
0x33: {  	s21 =	simm.s32 $0x0  }
.LBB2_9:
0x34: {  	s21 =	sadd.s32 $0x1, s21  }
0x35: {  	p2 =	sne.s32 s21, $0x7A  }
.Ltmp4:
0x36: {  	_ = 	snop;
	(pc) =	sbr.rel @!p2 .LBB2_10-.Ltmp4, $1  }
0x37: {  	_ =	sdelay $0x3  }
.LBB2_2:
0x38: {  	s22 =	sand.u32 $0x1, s21  }
0x39: {  	p2 =	seq.s32 s22, $0x1  }
.Ltmp5:
0x3a: {  	_ = 	snop;
	(pc) =	sbr.rel @p2 .LBB2_6-.Ltmp5, $1  }
0x3b: {  	_ =	sdelay $0x3  }
0x3c: {  	s23 =	simm.s32 $0x1  }
0x3d: {  	s24 =	sshll.u32 s21, $0xD;
	v2 =	vadd.s32 s23, v22  }
0x3e: {  	s30 =	sadd.s32 s24, s4;
	[tilespmem:$0x1FE10] =	vst v2;
	v1 =	vshll.u32 v2, $0x8;
	v2 =	vshll.u32 v2, $0x7  }
0x3f: {  	[tilespmem:s13], [sflag:$0x2] =	stream.strided.gather [hbm4b:s30+s10], $0x4000, s11, s10, $0x38;
	v1 =	vand.u32 $0x3800, v1;
	v2 =	vand.u32 $0x380, v2;
	[tilespmem:$0x10000] =	vst v63  }
0x40: {  	_ =	swait.ge [sflag:s19], $0x4000;
	v1 =	vor.u32 v2, v1  }
0x41: {  	p2 =	slt.u32 s21, $0x2;
	[sflag:s19] =	ssyncset.done $0x0;
	v2 =	vor.u32 v21, v1  }
0x42: {  	s23 =	simm.s32 @!p2 $0x3;
	[sflag:s19] =	ssyncadd.s32 $0xFFFFC000;
	v3 =	vor.u32 v26, v1  }
0x43: {  	v4 =	vor.u32 v28, v1;
	_ =	swait.ge @!p2 [sflag:s23], $0x4000  }
0x44: {  	v0 =	vmov v21;
	v21 =	vmov v5;
	v5 =	vor.u32 v5, v1;
	[sflag:s23] =	ssyncset.done @!p2 $0x0  }
0x45: {  	v6 =	vor.u32 v41, v1;
	[sflag:s23] =	ssyncadd.s32 @!p2 $0xFFFFC000  }
0x46: {  	v7 =	vor.u32 v13, v1;
	v33 =	vld.idx.msk [tilespmem:v2+s1+$0x0], $0xffff  }
0x47: {  	v8 =	vor.u32 v23, v1;
	v34 =	vld.idx.msk [tilespmem:v3+s1+$0x0], $0xffff  }
0x48: {  	v2 =	vor.u32 v30, v1;
	v4 =	vld.idx.msk [tilespmem:v4+s1+$0x0], $0xffff  }
0x49: {  	v32 =	vmov v19;
	v3 =	vor.u32 v16, v1;
	v37 =	vld.idx.msk [tilespmem:v5+s1+$0x0], $0xffff  }
0x4a: {  	v40 =	vor.u32 v32, v1;
	v36 =	vld.idx.msk [tilespmem:v6+s1+$0x0], $0xffff  }
0x4b: {  	s31 =	simm.s32 $0x0;
	v59 =	vor.u32 v22, v1;
	v39 =	vld.idx.msk [tilespmem:v7+s1+$0x0], $0xffff  }
0x4c: {  	v5 =	vor.u32 v11, v1;
	v7 =	vadd.s32 s31, v22;
	v45 =	vld.idx.msk [tilespmem:v8+s1+$0x0], $0xffff  }
0x4d: {  	v6 =	vor.u32 v14, v1;
	v55 =	vshll.u32 v7, $0x7;
	v35 =	vld.idx.msk [tilespmem:v2+s1+$0x0], $0xffff;
	v2 =	vshll.u32 v7, $0x8  }
0x4e: {  	[tilespmem:$0x1FDF0] =	vst v4;
	v4 =	vor.u32 v17, v1;
	v42 =	vld.idx.msk [tilespmem:v3+s1+$0x0], $0xffff;
	v3 =	vand.u32 $0x380, v55;
	v2 =	vand.u32 $0x3800, v2  }
0x4f: {  	v47 =	vld.idx.msk [tilespmem:v40+s1+$0x0], $0xffff;
	v3 =	vor.u32 v3, v2;
	v2 =	vor.u32 v29, v1  }
0x50: {  	v48 =	vld.idx.msk [tilespmem:v59+s1+$0x0], $0xffff;
	v1 =	vor.u32 v20, v1  }
0x51: {  	v44 =	vld.idx.msk [tilespmem:v5+s1+$0x0], $0xffff;
	v5 =	vor.u32 v26, v3  }
0x52: {  	v46 =	vld.idx.msk [tilespmem:v6+s1+$0x0], $0xffff;
	v6 =	vor.u32 v16, v3  }
0x53: {  	v19 =	vmov v38;
	v38 =	vld.idx.msk [tilespmem:v4+s1+$0x0], $0xffff;
	v4 =	vor.u32 v32, v3  }
0x54: {  	v8 =	vor.u32 v30, v3;
	v40 =	vld.idx.msk [tilespmem:v2+s1+$0x0], $0xffff  }
0x55: {  	v24 =	vor.u32 v28, v3;
	v43 =	vld.idx.msk [tilespmem:v1+s1+$0x0], $0xffff  }
0x56: {  	v10 =	vmov v41;
	v41 =	vor.u32 v14, v3;
	v51 =	vld.idx.msk [tilespmem:v5+s1+$0x0], $0xffff  }
0x57: {  	v2 =	vor.u32 v29, v3;
	v54 =	vld.idx.msk [tilespmem:v6+s1+$0x0], $0xffff  }
0x58: {  	v5 =	vor.u32 v20, v3;
	v4 =	vld.idx.msk [tilespmem:v4+s1+$0x0], $0xffff  }
0x59: {  	v6 =	vor.u32 v0, v3;
	v50 =	vld.idx.msk [tilespmem:v8+s1+$0x0], $0xffff  }
0x5a: {  	v8 =	vor.u32 v23, v3;
	v53 =	vld.idx.msk [tilespmem:v24+s1+$0x0], $0xffff  }
0x5b: {  	v1 =	vor.u32 v11, v3;
	v41 =	vld.idx.msk [tilespmem:v41+s1+$0x0], $0xffff  }
0x5c: {  	v32 =	vmov v27;
	v27 =	vmov v57;
	v57 =	vor.u32 v21, v3;
	v49 =	vld.idx.msk [tilespmem:v2+s1+$0x0], $0xffff  }
0x5d: {  	v52 =	vld.idx.msk [tilespmem:v5+s1+$0x0], $0xffff;
	[tilespmem:$0x1FE00] =	vst v4;
	v4 =	vmov v56;
	v56 =	vor.u32 v22, v3  }
0x5e: {  	v55 =	vld.idx.msk [tilespmem:v6+s1+$0x0], $0xffff  }
0x5f: {  	v5 =	vor.u32 v13, v3;
	v6 =	vld.idx.msk [tilespmem:v8+s1+$0x0], $0xffff  }
0x60: {  	v2 =	vld.idx.msk [tilespmem:v1+s1+$0x0], $0xffff;
	v1 =	vor.u32 v17, v3  }
0x61: {  	v8 =	vor.u32 v10, v3;
	v3 =	vand.u32 $0x3F, v7;
	v7 =	vld.idx.msk [tilespmem:v57+s1+$0x0], $0xffff  }
0x62: {  	v26 =	vor.u32 v31, v3;
	v59 =	vld.idx.msk [tilespmem:v56+s1+$0x0], $0xffff  }
0x63: {  	v0 =	vor.u32 v62, v3;
	v10 =	vld [tilespmem:$0x1FE00]  }
0x64: {  	[tilespmem:$0x1FE20] =	vst v6;
	v6 =	vld.idx.msk [tilespmem:v5+s1+$0x0], $0xffff;
	v5 =	vor.u32 v19, v3  }
0x65: {  	v1 =	vld.idx.msk [tilespmem:v1+s1+$0x0], $0xffff  }
0x66: {  	v8 =	vld.idx.msk [tilespmem:v8+s1+$0x0], $0xffff  }
0x67: {  	[tilespmem:v26+s18+$0x0] =	vst.idx.msk $0xffff, v59;
	v59 =	vor.u32 v63, v3;
	v63 =	vor.u32 v61, v3;
	v61 =	vld [tilespmem:$0x1FEB0]  }
0x68: {  	[tilespmem:v0+s18+$0x0] =	vst.idx.msk $0xffff, v10;
	v0 =	vld [tilespmem:$0x1FE10]  }
0x69: {  	v4 =	vor.u32 v4, v3;
	[tilespmem:v5+s18+$0x0] =	vst.idx.msk $0xffff, v41;
	v5 =	vld [tilespmem:$0x1FE20];
	_ =	sdelay $0x1  }
0x6a: {  	v56 =	vor.u32 v27, v3  }
0x6b: {  	v24 =	vmov v60;
	v57 =	vor.u32 v18, v3  }
0x6c: {  	v58 =	vor.u32 v58, v3;
	v60 =	vor.u32 v24, v3;
	v62 =	vor.u32 v25, v3  }
0x6d: {  	v41 =	vand.u32 $0x3F, v0;
	v0 =	vor.u32 v61, v3;
	v61 =	vor.u32 v32, v3;
	[tilespmem:v4+s18+$0x0] =	vst.idx.msk $0xffff, v5  }
0x6e: {  	s23 =	simm.s32 $0x2;
	v4 =	vor.u32 v12, v3;
	v5 =	vor.u32 v15, v3;
	v3 =	vor.u32 v9, v3  }
.LBB2_4:
0x6f: {  	[tilespmem:v56+s18+$0x0] =	vst.idx.msk $0xffff, v2  }
0x70: {  	[tilespmem:v57+s18+$0x0] =	vst.idx.msk $0xffff, v54  }
0x71: {  	[tilespmem:v58+s18+$0x0] =	vst.idx.msk $0xffff, v6  }
0x72: {  	v26 =	vld [tilespmem:$0x1FFA0];
	[tilespmem:v59+s18+$0x0] =	vst.idx.msk $0xffff, v7  }
0x73: {  	[tilespmem:v60+s18+$0x0] =	vst.idx.msk $0xffff, v8;
	v60 =	vld [tilespmem:$0x1FF40]  }
0x74: {  	v31 =	vld [tilespmem:$0x1FE70]  }
0x75: {  	v58 =	vld [tilespmem:$0x1FEF0];
	[tilespmem:v63+s18+$0x0] =	vst.idx.msk $0xffff, v51  }
0x76: {  	v57 =	vld [tilespmem:$0x1FF10];
	[tilespmem:v62+s18+$0x0] =	vst.idx.msk $0xffff, v55  }
0x77: {  	v24 =	vld [tilespmem:$0x1FEB0];
	[tilespmem:v0+s18+$0x0] =	vst.idx.msk $0xffff, v1;
	v0 =	vor.u32 v26, v41  }
0x78: {  	v59 =	vld [tilespmem:$0x1FF20];
	[tilespmem:v61+s18+$0x0] =	vst.idx.msk $0xffff, v50;
	v50 =	vor.u32 v60, v41  }
0x79: {  	s24 =	smov.u32 s23;
	v19 =	vld [tilespmem:$0x1FFB0];
	[tilespmem:v4+s18+$0x0] =	vst.idx.msk $0xffff, v53;
	v4 =	vor.u32 v31, v41  }
0x7a: {  	v32 =	vld [tilespmem:$0x1FF30];
	s25 =	sadd.s32 $0x1, s24;
	[tilespmem:v5+s18+$0x0] =	vst.idx.msk $0xffff, v52;
	v5 =	vor.u32 v58, v41  }
0x7b: {  	v63 =	vld [tilespmem:$0x1FEA0];
	v61 =	vadd.s32 s25, v22;
	[tilespmem:v3+s18+$0x0] =	vst.idx.msk $0xffff, v49;
	v3 =	vor.u32 v57, v41  }
0x7c: {  	v62 =	vld [tilespmem:$0x1FE80];
	v55 =	vand.u32 $0x3F, v61;
	v49 =	vor.u32 v18, v41;
	[tilespmem:v0+s18+$0x0] =	vst.idx.msk $0xffff, v48  }
0x7d: {  	v25 =	vshll.u32 v61, $0x8;
	v54 =	vshll.u32 v61, $0x7;
	v61 =	vor.u32 v59, v41;
	[tilespmem:v50+s18+$0x0] =	vst.idx.msk $0xffff, v47  }
0x7e: {  	[tilespmem:v4+s18+$0x0] =	vst.idx.msk $0xffff, v46;
	v4 =	vor.u32 v19, v41  }
0x7f: {  	v2 =	vor.u32 v15, v41;
	v27 =	vld [tilespmem:$0x1FE90];
	v8 =	vor.u32 v12, v41;
	[tilespmem:v5+s18+$0x0] =	vst.idx.msk $0xffff, v45  }
0x80: {  	v12 =	vld [tilespmem:$0x1FF50];
	v1 =	vor.u32 v24, v41;
	v52 =	vor.u32 v32, v41;
	[tilespmem:v3+s18+$0x0] =	vst.idx.msk $0xffff, v44  }
0x81: {  	v53 =	vor.u32 v63, v41;
	v51 =	vor.u32 v62, v41;
	[tilespmem:v49+s18+$0x0] =	vst.idx.msk $0xffff, v42;
	v49 =	vadd.s32 s24, v22  }
0x82: {  	v0 =	vand.u32 $0x3800, v25;
	[tilespmem:v61+s18+$0x0] =	vst.idx.msk $0xffff, v39;
	v25 =	vshll.u32 v49, $0x8;
	v61 =	vshll.u32 v49, $0x7  }
0x83: {  	v56 =	vld [tilespmem:$0x1FF70];
	v54 =	vand.u32 $0x380, v54;
	[tilespmem:v4+s18+$0x0] =	vst.idx.msk $0xffff, v37;
	v4 =	vand.u32 $0x3800, v25;
	v25 =	vand.u32 $0x380, v61  }
0x84: {  	v15 =	vld [tilespmem:$0x1FF60];
	v7 =	vor.u32 v27, v41;
	v0 =	vor.u32 v54, v0;
	v4 =	vor.u32 v25, v4  }
0x85: {  	v48 =	vor.u32 v12, v0;
	[tilespmem:v52+s18+$0x0] =	vst.idx.msk $0xffff, v36;
	v25 =	vor.u32 v12, v4;
	v12 =	vld [tilespmem:$0x1FDF0]  }
0x86: {  	v21 =	vld [tilespmem:$0x1FF90];
	[tilespmem:v53+s18+$0x0] =	vst.idx.msk $0xffff, v34  }
0x87: {  	v6 =	vor.u32 v9, v41;
	[tilespmem:v51+s18+$0x0] =	vst.idx.msk $0xffff, v33  }
0x88: {  	v45 =	vor.u32 v56, v0;
	[tilespmem:v1+s18+$0x0] =	vst.idx.msk $0xffff, v38  }
0x89: {  	v54 =	vor.u32 v15, v0;
	[tilespmem:v7+s18+$0x0] =	vst.idx.msk $0xffff, v35  }
0x8a: {  	v42 =	vor.u32 v28, v0;
	[tilespmem:v8+s18+$0x0] =	vst.idx.msk $0xffff, v12  }
0x8b: {  	v47 =	vld [tilespmem:$0x1FFC0];
	v46 =	vor.u32 v21, v0;
	[tilespmem:v2+s18+$0x0] =	vst.idx.msk $0xffff, v43  }
0x8c: {  	v43 =	vor.u32 v15, v4;
	v15 =	vld [tilespmem:$0x1FFD0];
	[tilespmem:v6+s18+$0x0] =	vst.idx.msk $0xffff, v40  }
0x8d: {  	v39 =	vor.u32 v13, v0;
	v33 =	vld.idx.msk [tilespmem:v45+s1+$0x0], $0xffff  }
0x8e: {  	v44 =	vor.u32 v30, v0;
	v34 =	vld.idx.msk [tilespmem:v54+s1+$0x0], $0xffff  }
0x8f: {  	v5 =	vor.u32 v16, v0;
	v7 =	vor.u32 v21, v4;
	v21 =	vld.idx.msk [tilespmem:v42+s1+$0x0], $0xffff  }
0x90: {  	v38 =	vor.u32 v17, v0;
	v37 =	vld.idx.msk [tilespmem:v46+s1+$0x0], $0xffff  }
0x91: {  	v3 =	vor.u32 v11, v0;
	v36 =	vld.idx.msk [tilespmem:v48+s1+$0x0], $0xffff  }
0x92: {  	v51 =	vor.u32 v14, v0;
	v39 =	vld.idx.msk [tilespmem:v39+s1+$0x0], $0xffff  }
0x93: {  	v50 =	vor.u32 v23, v0;
	v35 =	vld.idx.msk [tilespmem:v44+s1+$0x0], $0xffff  }
0x94: {  	v52 =	vor.u32 v22, v0;
	v42 =	vld.idx.msk [tilespmem:v5+s1+$0x0], $0xffff  }
0x95: {  	v1 =	vor.u32 v30, v4;
	v38 =	vld.idx.msk [tilespmem:v38+s1+$0x0], $0xffff  }
0x96: {  	v10 =	vor.u32 v23, v4;
	v44 =	vld.idx.msk [tilespmem:v3+s1+$0x0], $0xffff  }
0x97: {  	v46 =	vld.idx.msk [tilespmem:v51+s1+$0x0], $0xffff  }
0x98: {  	v12 =	vor.u32 v20, v4;
	v45 =	vld.idx.msk [tilespmem:v50+s1+$0x0], $0xffff  }
0x99: {  	v48 =	vld.idx.msk [tilespmem:v52+s1+$0x0], $0xffff  }
0x9a: {  	v8 =	vor.u32 v17, v4;
	v50 =	vld.idx.msk [tilespmem:v1+s1+$0x0], $0xffff  }
0x9b: {  	v10 =	vld.idx.msk [tilespmem:v10+s1+$0x0], $0xffff  }
0x9c: {  	v7 =	vld.idx.msk [tilespmem:v7+s1+$0x0], $0xffff  }
0x9d: {  	v2 =	vor.u32 v20, v0;
	v52 =	vld.idx.msk [tilespmem:v12+s1+$0x0], $0xffff  }
0x9e: {  	v41 =	vmov v55;
	v55 =	vor.u32 v11, v4;
	v12 =	vld [tilespmem:$0x1FE40]  }
0x9f: {  	v40 =	vor.u32 v47, v0;
	v1 =	vld.idx.msk [tilespmem:v8+s1+$0x0], $0xffff  }
0xa0: {  	v54 =	vor.u32 v16, v4;
	v8 =	vld.idx.msk [tilespmem:v25+s1+$0x0], $0xffff  }
0xa1: {  	v53 =	vor.u32 v47, v4;
	v51 =	vld.idx.msk [tilespmem:v43+s1+$0x0], $0xffff  }
0xa2: {  	v5 =	vor.u32 v15, v4;
	v43 =	vld.idx.msk [tilespmem:v2+s1+$0x0], $0xffff  }
0xa3: {  	v9 =	vor.u32 v22, v4;
	v61 =	vor.u32 v28, v4;
	v2 =	vld.idx.msk [tilespmem:v55+s1+$0x0], $0xffff  }
0xa4: {  	v29 =	vor.u32 v13, v4;
	v6 =	vor.u32 v14, v4;
	v0 =	vor.u32 v15, v0;
	v47 =	vld.idx.msk [tilespmem:v40+s1+$0x0], $0xffff  }
0xa5: {  	[tilespmem:$0x1FDF0] =	vst v21;
	v21 =	vmovc v28;
	v28 =	vmov v23;
	v23 =	vmov v14;
	v14 =	vand.u32 $0x3F, v49;
	v54 =	vld.idx.msk [tilespmem:v54+s1+$0x0], $0xffff  }
0xa6: {  	v4 =	vor.u32 v56, v4;
	v56 =	vor.u32 v57, v14;
	v57 =	vor.u32 v18, v14;
	v18 =	vld.idx.msk [tilespmem:v53+s1+$0x0], $0xffff  }
0xa7: {  	v49 =	vld.idx.msk [tilespmem:v5+s1+$0x0], $0xffff  }
0xa8: {  	v3 =	vor.u32 v26, v14;
	v5 =	vld.idx.msk [tilespmem:v9+s1+$0x0], $0xffff  }
0xa9: {  	v15 =	vor.u32 v60, v14;
	v53 =	vld.idx.msk [tilespmem:v61+s1+$0x0], $0xffff  }
0xaa: {  	v31 =	vor.u32 v31, v14;
	v9 =	vld.idx.msk [tilespmem:v6+s1+$0x0], $0xffff  }
0xab: {  	v40 =	vld.idx.msk [tilespmem:v0+s1+$0x0], $0xffff  }
0xac: {  	v55 =	vld.idx.msk [tilespmem:v4+s1+$0x0], $0xffff  }
0xad: {  	v6 =	vld.idx.msk [tilespmem:v29+s1+$0x0], $0xffff;
	[tilespmem:v3+s18+$0x0] =	vst.idx.msk $0xffff, v5  }
0xae: {  	v26 =	vmov v17;
	v17 =	vor.u32 v58, v14;
	[tilespmem:v15+s18+$0x0] =	vst.idx.msk $0xffff, v18;
	v15 =	vld [tilespmem:$0x1FE50]  }
0xaf: {  	p2 =	sne.s32 s23, $0x3E;
	[tilespmem:v31+s18+$0x0] =	vst.idx.msk $0xffff, v9;
	v9 =	vld [tilespmem:$0x1FE60]  }
.Ltmp6:
0xb0: {  	_ = 	snop;
	(pc) =	sbr.rel @p2 .LBB2_4-.Ltmp6, $4  }
0xb1: {  	v58 =	vor.u32 v59, v14;
	v59 =	vor.u32 v19, v14;
	v60 =	vor.u32 v32, v14  }
0xb2: {  	v63 =	vor.u32 v63, v14;
	v62 =	vor.u32 v62, v14;
	v61 =	vor.u32 v27, v14  }
0xb3: {  	v0 =	vor.u32 v24, v14;
	v4 =	vor.u32 v12, v14;
	[tilespmem:v17+s18+$0x0] =	vst.idx.msk $0xffff, v10;
	v17 =	vmov v26  }
0xb4: {  	s23 =	sadd.s32 $0x2, s23;
	v18 =	vld [tilespmem:$0x1FE30];
	v5 =	vor.u32 v15, v14;
	v3 =	vor.u32 v9, v14;
	v14 =	vmovc v23;
	v23 =	vmovc v28;
	v28 =	vmov v21  }
0xb5: {  	_ =	sdelay $0x3  }
0xb6: {  	[tilespmem:v56+s18+$0x0] =	vst.idx.msk $0xffff, v2  }
0xb7: {  	[tilespmem:v57+s18+$0x0] =	vst.idx.msk $0xffff, v54  }
0xb8: {  	[tilespmem:v58+s18+$0x0] =	vst.idx.msk $0xffff, v6  }
0xb9: {  	[tilespmem:v59+s18+$0x0] =	vst.idx.msk $0xffff, v7  }
0xba: {  	[tilespmem:v60+s18+$0x0] =	vst.idx.msk $0xffff, v8  }
0xbb: {  	v31 =	vld [tilespmem:$0x1FFA0];
	[tilespmem:v63+s18+$0x0] =	vst.idx.msk $0xffff, v51  }
0xbc: {  	[tilespmem:v62+s18+$0x0] =	vst.idx.msk $0xffff, v55;
	v62 =	vld [tilespmem:$0x1FF40];
	_ =	sdelay $0x3  }
0xbd: {  	v51 =	vor.u32 v31, v41;
	[tilespmem:v0+s18+$0x0] =	vst.idx.msk $0xffff, v1  }
0xbe: {  	v21 =	vld [tilespmem:$0x1FE70];
	[tilespmem:v61+s18+$0x0] =	vst.idx.msk $0xffff, v50;
	v63 =	vor.u32 v62, v41  }
0xbf: {  	v56 =	vld [tilespmem:$0x1FEF0];
	[tilespmem:v4+s18+$0x0] =	vst.idx.msk $0xffff, v53  }
0xc0: {  	v57 =	vld [tilespmem:$0x1FF10];
	[tilespmem:v5+s18+$0x0] =	vst.idx.msk $0xffff, v52  }
0xc1: {  	[tilespmem:v3+s18+$0x0] =	vst.idx.msk $0xffff, v49  }
0xc2: {  	v58 =	vld [tilespmem:$0x1FF20];
	[tilespmem:v51+s18+$0x0] =	vst.idx.msk $0xffff, v48  }
0xc3: {  	v32 =	vor.u32 v21, v41;
	[tilespmem:v63+s18+$0x0] =	vst.idx.msk $0xffff, v47;
	v63 =	vld [tilespmem:$0x1FFB0]  }
0xc4: {  	v60 =	vld [tilespmem:$0x1FF30];
	v4 =	vor.u32 v56, v41  }
0xc5: {  	v61 =	vld [tilespmem:$0x1FEA0];
	v3 =	vor.u32 v57, v41  }
0xc6: {  	v25 =	vld [tilespmem:$0x1FE80];
	v5 =	vor.u32 v18, v41  }
0xc7: {  	v24 =	vld [tilespmem:$0x1FEB0];
	v50 =	vor.u32 v58, v41  }
0xc8: {  	v27 =	vld [tilespmem:$0x1FE90];
	[tilespmem:v32+s18+$0x0] =	vst.idx.msk $0xffff, v46;
	v51 =	vor.u32 v63, v41  }
0xc9: {  	v52 =	vor.u32 v60, v41;
	[tilespmem:v4+s18+$0x0] =	vst.idx.msk $0xffff, v45  }
0xca: {  	v4 =	vor.u32 v61, v41;
	[tilespmem:v3+s18+$0x0] =	vst.idx.msk $0xffff, v44  }
0xcb: {  	v3 =	vor.u32 v25, v41;
	[tilespmem:v5+s18+$0x0] =	vst.idx.msk $0xffff, v42  }
0xcc: {  	v5 =	vor.u32 v24, v41;
	[tilespmem:v50+s18+$0x0] =	vst.idx.msk $0xffff, v39  }
0xcd: {  	v53 =	vor.u32 v27, v41;
	[tilespmem:v51+s18+$0x0] =	vst.idx.msk $0xffff, v37  }
0xce: {  	v54 =	vor.u32 v12, v41;
	v59 =	vld [tilespmem:$0x1FDF0];
	[tilespmem:v52+s18+$0x0] =	vst.idx.msk $0xffff, v36  }
0xcf: {  	v55 =	vor.u32 v15, v41;
	[tilespmem:v4+s18+$0x0] =	vst.idx.msk $0xffff, v34  }
0xd0: {  	v4 =	vor.u32 v9, v41;
	[tilespmem:v3+s18+$0x0] =	vst.idx.msk $0xffff, v33  }
0xd1: {  	p2 =	seq.s32 s22, $0x0;
	v26 =	vld [tilespmem:$0x1FF60];
	[tilespmem:v5+s18+$0x0] =	vst.idx.msk $0xffff, v38  }
.Ltmp7:
0xd2: {  	v29 =	vld [tilespmem:$0x1FFD0];
	[tilespmem:v53+s18+$0x0] =	vst.idx.msk $0xffff, v35;
	(pc) =	sbr.rel @p2 .LBB2_9-.Ltmp7, $4  }
0xd3: {  	v19 =	vld [tilespmem:$0x1FFC0];
	[tilespmem:v54+s18+$0x0] =	vst.idx.msk $0xffff, v59  }
0xd4: {  	s23 =	sshll.u32 s21, $0x10;
	v41 =	vld [tilespmem:$0x1FF50];
	[tilespmem:v55+s18+$0x0] =	vst.idx.msk $0xffff, v43  }
0xd5: {  	s23 =	sadd.s32 s23, s5;
	v5 =	vld [tilespmem:$0x1FF90];
	[tilespmem:v4+s18+$0x0] =	vst.idx.msk $0xffff, v40  }
0xd6: {  	v38 =	vmov v21;
	v21 =	vld [tilespmem:$0x1FF70];
	[hbm4b:s23+s1] =	stream.linear.scatter [tilespmem:s18], [sflag:$0x3], $0x4000, $0x38  }
.LBB2_6:
0xd7: {  	p2 =	seq.s32 s21, $0x79;
	s23 =	simm.s32 $0x1  }
0xd8: {  	s22 =	sshll.u32 @!p2 s21, $0xD;
	v3 =	vadd.s32 s23, v22;
	s23 =	simm.s32 @!p2 $0x800  }
0xd9: {  	s24 =	simm.s32 @!p2 $0x7A1400;
	s25 =	simm.s32 @!p2 $0x0;
	s22 =	sadd.s32 @!p2 s22, s4;
	v0 =	vshll.u32 v3, $0x8;
	v1 =	vshll.u32 v3, $0x7  }
0xda: {  	[tilespmem:s25], [sflag:$0x1] =	stream.strided.gather @!p2 [hbm4b:s22+s23], $0x4000, s24, s23, $0x38;
	v0 =	vand.u32 $0x3800, v0;
	v1 =	vand.u32 $0x380, v1;
	[tilespmem:$0x10000] =	vst v63  }
0xdb: {  	_ =	swait.ge [sflag:s12], $0x4000;
	v0 =	vor.u32 v1, v0  }
0xdc: {  	p2 =	slt.u32 s21, $0x2;
	[sflag:s12] =	ssyncset.done $0x0;
	v1 =	vor.u32 v21, v0  }
0xdd: {  	s22 =	simm.s32 @!p2 $0x4;
	v2 =	vor.u32 v26, v0;
	[sflag:s12] =	ssyncadd.s32 $0xFFFFC000  }
0xde: {  	v4 =	vor.u32 v28, v0;
	_ =	swait.ge @!p2 [sflag:s22], $0x4000  }
0xdf: {  	v12 =	vmov v5;
	v5 =	vor.u32 v5, v0;
	[sflag:s22] =	ssyncset.done @!p2 $0x0  }
0xe0: {  	v6 =	vor.u32 v41, v0;
	[sflag:s22] =	ssyncadd.s32 @!p2 $0xFFFFC000  }
0xe1: {  	v7 =	vor.u32 v13, v0;
	v33 =	vld.idx.msk [tilespmem:v1+s13+$0x0], $0xffff  }
0xe2: {  	v8 =	vor.u32 v23, v0;
	v34 =	vld.idx.msk [tilespmem:v2+s13+$0x0], $0xffff  }
0xe3: {  	v1 =	vor.u32 v30, v0;
	v32 =	vld.idx.msk [tilespmem:v4+s13+$0x0], $0xffff  }
0xe4: {  	v2 =	vor.u32 v16, v0;
	v37 =	vld.idx.msk [tilespmem:v5+s13+$0x0], $0xffff  }
0xe5: {  	v10 =	vor.u32 v19, v0;
	v36 =	vld.idx.msk [tilespmem:v6+s13+$0x0], $0xffff  }
0xe6: {  	s31 =	simm.s32 $0x0;
	v4 =	vor.u32 v17, v0;
	v39 =	vld.idx.msk [tilespmem:v7+s13+$0x0], $0xffff  }
0xe7: {  	v5 =	vor.u32 v11, v0;
	v7 =	vadd.s32 s31, v22;
	v45 =	vld.idx.msk [tilespmem:v8+s13+$0x0], $0xffff  }
0xe8: {  	v6 =	vor.u32 v14, v0;
	v9 =	vshll.u32 v7, $0x7;
	v35 =	vld.idx.msk [tilespmem:v1+s13+$0x0], $0xffff;
	v1 =	vshll.u32 v7, $0x8  }
0xe9: {  	v42 =	vld.idx.msk [tilespmem:v2+s13+$0x0], $0xffff;
	v2 =	vand.u32 $0x380, v9;
	v9 =	vor.u32 v22, v0;
	v1 =	vand.u32 $0x3800, v1  }
0xea: {  	v47 =	vld.idx.msk [tilespmem:v10+s13+$0x0], $0xffff;
	v1 =	vor.u32 v2, v1;
	v2 =	vor.u32 v29, v0  }
0xeb: {  	v59 =	vmov v38;
	v38 =	vld.idx.msk [tilespmem:v4+s13+$0x0], $0xffff;
	v0 =	vor.u32 v20, v0  }
0xec: {  	v44 =	vld.idx.msk [tilespmem:v5+s13+$0x0], $0xffff;
	v4 =	vor.u32 v19, v1  }
0xed: {  	v46 =	vld.idx.msk [tilespmem:v6+s13+$0x0], $0xffff;
	v5 =	vor.u32 v26, v1  }
0xee: {  	v6 =	vor.u32 v16, v1;
	v48 =	vld.idx.msk [tilespmem:v9+s13+$0x0], $0xffff  }
0xef: {  	v8 =	vor.u32 v30, v1;
	v40 =	vld.idx.msk [tilespmem:v2+s13+$0x0], $0xffff  }
0xf0: {  	v10 =	vor.u32 v22, v1;
	v43 =	vld.idx.msk [tilespmem:v0+s13+$0x0], $0xffff  }
0xf1: {  	v9 =	vor.u32 v28, v1;
	v4 =	vld.idx.msk [tilespmem:v4+s13+$0x0], $0xffff  }
0xf2: {  	v2 =	vor.u32 v29, v1;
	v51 =	vld.idx.msk [tilespmem:v5+s13+$0x0], $0xffff  }
0xf3: {  	v5 =	vor.u32 v20, v1;
	v54 =	vld.idx.msk [tilespmem:v6+s13+$0x0], $0xffff  }
0xf4: {  	v0 =	vor.u32 v11, v1;
	v50 =	vld.idx.msk [tilespmem:v8+s13+$0x0], $0xffff  }
0xf5: {  	v6 =	vor.u32 v21, v1;
	v10 =	vld.idx.msk [tilespmem:v10+s13+$0x0], $0xffff  }
0xf6: {  	v8 =	vor.u32 v23, v1;
	v53 =	vld.idx.msk [tilespmem:v9+s13+$0x0], $0xffff  }
0xf7: {  	v9 =	vor.u32 v14, v1;
	v49 =	vld.idx.msk [tilespmem:v2+s13+$0x0], $0xffff  }
0xf8: {  	v52 =	vld.idx.msk [tilespmem:v5+s13+$0x0], $0xffff;
	v5 =	vor.u32 v13, v1  }
0xf9: {  	v11 =	vor.u32 v12, v1;
	v2 =	vld.idx.msk [tilespmem:v0+s13+$0x0], $0xffff  }
0xfa: {  	v15 =	vmov v62;
	v0 =	vor.u32 v17, v1;
	v55 =	vld.idx.msk [tilespmem:v6+s13+$0x0], $0xffff;
	v13 =	vand.u32 $0x3F, v7  }
0xfb: {  	v21 =	vmovc v30;
	v30 =	vmov v14;
	v12 =	vld.idx.msk [tilespmem:v8+s13+$0x0], $0xffff;
	v8 =	vor.u32 v41, v1;
	v14 =	vor.u32 v31, v13  }
0xfc: {  	v15 =	vor.u32 v15, v13;
	v9 =	vld.idx.msk [tilespmem:v9+s13+$0x0], $0xffff  }
0xfd: {  	v6 =	vld.idx.msk [tilespmem:v5+s13+$0x0], $0xffff;
	v5 =	vor.u32 v59, v13  }
0xfe: {  	v7 =	vld.idx.msk [tilespmem:v11+s13+$0x0], $0xffff;
	v16 =	vor.u32 v56, v13  }
0xff: {  	v1 =	vld.idx.msk [tilespmem:v0+s13+$0x0], $0xffff  }
0x100: {  	v8 =	vld.idx.msk [tilespmem:v8+s13+$0x0], $0xffff;
	[tilespmem:v14+s14+$0x0] =	vst.idx.msk $0xffff, v10  }
0x101: {  	[tilespmem:v15+s14+$0x0] =	vst.idx.msk $0xffff, v4;
	v15 =	vld [tilespmem:$0x1FE50]  }
0x102: {  	[tilespmem:v5+s14+$0x0] =	vst.idx.msk $0xffff, v9;
	v9 =	vld [tilespmem:$0x1FE60]  }
0x103: {  	[tilespmem:v16+s14+$0x0] =	vst.idx.msk $0xffff, v12;
	v12 =	vld [tilespmem:$0x1FE40]  }
0x104: {  	v62 =	vmov v60;
	v41 =	vand.u32 $0x3F, v3;
	v56 =	vor.u32 v57, v13  }
0x105: {  	v29 =	vmovc v31;
	v57 =	vor.u32 v18, v13;
	v58 =	vor.u32 v58, v13;
	v60 =	vor.u32 v62, v13  }
0x106: {  	v62 =	vor.u32 v25, v13;
	v25 =	vmovc v23;
	v0 =	vor.u32 v61, v13;
	v61 =	vor.u32 v27, v13  }
0x107: {  	v31 =	vmovc v17;
	v27 =	vmovc v20;
	v59 =	vor.u32 v63, v13;
	v63 =	vor.u32 v24, v13;
	v24 =	vmov v30  }
0x108: {  	s22 =	simm.s32 $0x2;
	v30 =	vmovc v21;
	v5 =	vor.u32 v15, v13;
	v3 =	vor.u32 v9, v13;
	v4 =	vor.u32 v12, v13  }
.LBB2_7:
0x109: {  	_ = 	snop  }
0x10a: {  	[tilespmem:v56+s14+$0x0] =	vst.idx.msk $0xffff, v2  }
0x10b: {  	[tilespmem:v57+s14+$0x0] =	vst.idx.msk $0xffff, v54  }
0x10c: {  	[tilespmem:v58+s14+$0x0] =	vst.idx.msk $0xffff, v6  }
0x10d: {  	[tilespmem:v59+s14+$0x0] =	vst.idx.msk $0xffff, v7  }
0x10e: {  	[tilespmem:v60+s14+$0x0] =	vst.idx.msk $0xffff, v8  }
0x10f: {  	[tilespmem:v0+s14+$0x0] =	vst.idx.msk $0xffff, v51  }
0x110: {  	[tilespmem:v62+s14+$0x0] =	vst.idx.msk $0xffff, v55  }
0x111: {  	[tilespmem:v63+s14+$0x0] =	vst.idx.msk $0xffff, v1  }
0x112: {  	[tilespmem:v61+s14+$0x0] =	vst.idx.msk $0xffff, v50;
	v50 =	vld [tilespmem:$0x1FF40]  }
0x113: {  	v51 =	vld [tilespmem:$0x1FE70]  }
0x114: {  	v54 =	vld [tilespmem:$0x1FEF0]  }
0x115: {  	v56 =	vld [tilespmem:$0x1FF10];
	[tilespmem:v4+s14+$0x0] =	vst.idx.msk $0xffff, v53  }
0x116: {  	v1 =	vor.u32 v29, v41;
	[tilespmem:v5+s14+$0x0] =	vst.idx.msk $0xffff, v52  }
0x117: {  	v2 =	vor.u32 v9, v41;
	[tilespmem:v3+s14+$0x0] =	vst.idx.msk $0xffff, v49;
	v49 =	vld [tilespmem:$0x1FF20];
	v9 =	vor.u32 v50, v41  }
0x118: {  	v53 =	vld [tilespmem:$0x1FFB0];
	v4 =	vor.u32 v51, v41  }
0x119: {  	v60 =	vld [tilespmem:$0x1FF30];
	v5 =	vor.u32 v54, v41  }
0x11a: {  	v61 =	vld [tilespmem:$0x1FEA0];
	v3 =	vor.u32 v56, v41  }
0x11b: {  	v14 =	vor.u32 v18, v41;
	v62 =	vld [tilespmem:$0x1FE80];
	[tilespmem:v1+s14+$0x0] =	vst.idx.msk $0xffff, v48  }
0x11c: {  	v63 =	vld [tilespmem:$0x1FEB0];
	[tilespmem:v9+s14+$0x0] =	vst.idx.msk $0xffff, v47;
	v9 =	vor.u32 v49, v41  }
0x11d: {  	v26 =	vld [tilespmem:$0x1FE90];
	[tilespmem:v4+s14+$0x0] =	vst.idx.msk $0xffff, v46;
	v4 =	vor.u32 v53, v41  }
0x11e: {  	v7 =	vor.u32 v12, v41;
	v12 =	vor.u32 v60, v41;
	[tilespmem:v5+s14+$0x0] =	vst.idx.msk $0xffff, v45  }
0x11f: {  	s23 =	smov.u32 s22;
	v11 =	vor.u32 v61, v41;
	[tilespmem:v3+s14+$0x0] =	vst.idx.msk $0xffff, v44  }
0x120: {  	s24 =	sadd.s32 $0x1, s23;
	v10 =	vor.u32 v62, v41;
	[tilespmem:v14+s14+$0x0] =	vst.idx.msk $0xffff, v42  }
0x121: {  	v13 =	vadd.s32 s24, v22;
	v8 =	vor.u32 v63, v41;
	v48 =	vld [tilespmem:$0x1FF70];
	[tilespmem:v9+s14+$0x0] =	vst.idx.msk $0xffff, v39  }
0x122: {  	v16 =	vshll.u32 v13, $0x8;
	v6 =	vor.u32 v26, v41;
	v45 =	vld [tilespmem:$0x1FF60];
	[tilespmem:v4+s14+$0x0] =	vst.idx.msk $0xffff, v37  }
0x123: {  	v0 =	vor.u32 v15, v41;
	v15 =	vand.u32 $0x3F, v13;
	v13 =	vshll.u32 v13, $0x7;
	[tilespmem:v12+s14+$0x0] =	vst.idx.msk $0xffff, v36  }
0x124: {  	v21 =	vld [tilespmem:$0x1FF90];
	v13 =	vand.u32 $0x380, v13;
	v1 =	vand.u32 $0x3800, v16;
	[tilespmem:v11+s14+$0x0] =	vst.idx.msk $0xffff, v34  }
0x125: {  	v20 =	vld [tilespmem:$0x1FF50];
	v1 =	vor.u32 v13, v1;
	[tilespmem:v10+s14+$0x0] =	vst.idx.msk $0xffff, v33  }
0x126: {  	v57 =	vld [tilespmem:$0x1FED0];
	v16 =	vor.u32 v48, v1;
	[tilespmem:v8+s14+$0x0] =	vst.idx.msk $0xffff, v38  }
0x127: {  	v59 =	vor.u32 v45, v1;
	[tilespmem:v6+s14+$0x0] =	vst.idx.msk $0xffff, v35  }
0x128: {  	v42 =	vor.u32 v28, v1;
	[tilespmem:v7+s14+$0x0] =	vst.idx.msk $0xffff, v32  }
0x129: {  	v13 =	vor.u32 v21, v1;
	v46 =	vld [tilespmem:$0x1FF00];
	v14 =	vadd.s32 s23, v22;
	[tilespmem:v0+s14+$0x0] =	vst.idx.msk $0xffff, v43  }
0x12a: {  	v23 =	vld [tilespmem:$0x1FEC0];
	v41 =	vmovc v15;
	v15 =	vor.u32 v20, v1;
	v9 =	vshll.u32 v14, $0x8;
	v58 =	vshll.u32 v14, $0x7;
	[tilespmem:v2+s14+$0x0] =	vst.idx.msk $0xffff, v40  }
0x12b: {  	v4 =	vand.u32 $0x3800, v9;
	v9 =	vand.u32 $0x380, v58;
	v58 =	vor.u32 v57, v1;
	v33 =	vld.idx.msk [tilespmem:v16+s13+$0x0], $0xffff  }
0x12c: {  	v34 =	vld.idx.msk [tilespmem:v59+s13+$0x0], $0xffff  }
0x12d: {  	v17 =	vor.u32 v30, v1;
	v32 =	vld.idx.msk [tilespmem:v42+s13+$0x0], $0xffff  }
0x12e: {  	v5 =	vor.u32 v46, v1;
	v37 =	vld.idx.msk [tilespmem:v13+s13+$0x0], $0xffff  }
0x12f: {  	v3 =	vor.u32 v23, v1;
	v36 =	vld.idx.msk [tilespmem:v15+s13+$0x0], $0xffff  }
0x130: {  	v18 =	vor.u32 v25, v1;
	v39 =	vld.idx.msk [tilespmem:v58+s13+$0x0], $0xffff  }
0x131: {  	v4 =	vor.u32 v9, v4;
	v59 =	vld [tilespmem:$0x1FFD0]  }
0x132: {  	v10 =	vor.u32 v25, v4;
	v35 =	vld.idx.msk [tilespmem:v17+s13+$0x0], $0xffff  }
0x133: {  	v2 =	vor.u32 v19, v1;
	v42 =	vld.idx.msk [tilespmem:v5+s13+$0x0], $0xffff  }
0x134: {  	v55 =	vor.u32 v23, v4;
	v44 =	vld.idx.msk [tilespmem:v3+s13+$0x0], $0xffff  }
0x135: {  	v43 =	vor.u32 v45, v4;
	v16 =	vor.u32 v31, v1;
	v45 =	vld.idx.msk [tilespmem:v18+s13+$0x0], $0xffff  }
0x136: {  	v13 =	vor.u32 v24, v1;
	v18 =	vld [tilespmem:$0x1FE30]  }
0x137: {  	v9 =	vor.u32 v22, v1;
	v10 =	vld.idx.msk [tilespmem:v10+s13+$0x0], $0xffff  }
0x138: {  	v11 =	vor.u32 v22, v4;
	v12 =	vor.u32 v19, v4;
	v47 =	vld.idx.msk [tilespmem:v2+s13+$0x0], $0xffff  }
0x139: {  	v52 =	vor.u32 v28, v4;
	v23 =	vor.u32 v21, v4;
	v20 =	vor.u32 v20, v4;
	v2 =	vld.idx.msk [tilespmem:v55+s13+$0x0], $0xffff  }
0x13a: {  	v21 =	vor.u32 v57, v4;
	v22 =	vor.u32 v24, v4;
	v8 =	vor.u32 v30, v4;
	v38 =	vld.idx.msk [tilespmem:v16+s13+$0x0], $0xffff  }
0x13b: {  	v6 =	vor.u32 v27, v4;
	v0 =	vor.u32 v27, v1;
	v15 =	vor.u32 v46, v4;
	v46 =	vld.idx.msk [tilespmem:v13+s13+$0x0], $0xffff  }
0x13c: {  	v7 =	vor.u32 v31, v4;
	v5 =	vor.u32 v59, v4;
	v4 =	vor.u32 v48, v4;
	v48 =	vld.idx.msk [tilespmem:v9+s13+$0x0], $0xffff  }
0x13d: {  	v9 =	vld.idx.msk [tilespmem:v12+s13+$0x0], $0xffff  }
0x13e: {  	v14 =	vand.u32 $0x3F, v14;
	v12 =	vld [tilespmem:$0x1FE40]  }
0x13f: {  	v16 =	vor.u32 v51, v14;
	v51 =	vld.idx.msk [tilespmem:v43+s13+$0x0], $0xffff  }
0x140: {  	v43 =	vld.idx.msk [tilespmem:v0+s13+$0x0], $0xffff  }
0x141: {  	v17 =	vor.u32 v54, v14;
	v54 =	vld.idx.msk [tilespmem:v15+s13+$0x0], $0xffff  }
0x142: {  	v15 =	vld [tilespmem:$0x1FE50]  }
0x143: {  	v13 =	vor.u32 v50, v14;
	v50 =	vld.idx.msk [tilespmem:v8+s13+$0x0], $0xffff  }
0x144: {  	v1 =	vor.u32 v59, v1;
	v59 =	vor.u32 v53, v14;
	v53 =	vld.idx.msk [tilespmem:v52+s13+$0x0], $0xffff  }
0x145: {  	v52 =	vld.idx.msk [tilespmem:v6+s13+$0x0], $0xffff  }
0x146: {  	v6 =	vld.idx.msk [tilespmem:v21+s13+$0x0], $0xffff  }
0x147: {  	v8 =	vld.idx.msk [tilespmem:v20+s13+$0x0], $0xffff  }
0x148: {  	v58 =	vor.u32 v49, v14;
	v49 =	vld.idx.msk [tilespmem:v5+s13+$0x0], $0xffff  }
0x149: {  	v3 =	vor.u32 v29, v14;
	v5 =	vld.idx.msk [tilespmem:v11+s13+$0x0], $0xffff  }
0x14a: {  	v40 =	vld.idx.msk [tilespmem:v1+s13+$0x0], $0xffff  }
0x14b: {  	v55 =	vld.idx.msk [tilespmem:v4+s13+$0x0], $0xffff  }
0x14c: {  	v11 =	vld.idx.msk [tilespmem:v22+s13+$0x0], $0xffff  }
0x14d: {  	v1 =	vld.idx.msk [tilespmem:v7+s13+$0x0], $0xffff  }
0x14e: {  	v7 =	vld.idx.msk [tilespmem:v23+s13+$0x0], $0xffff;
	[tilespmem:v3+s14+$0x0] =	vst.idx.msk $0xffff, v5  }
0x14f: {  	p2 =	sne.s32 s22, $0x3E;
	[tilespmem:v13+s14+$0x0] =	vst.idx.msk $0xffff, v9;
	v9 =	vld [tilespmem:$0x1FE60]  }
.Ltmp8:
0x150: {  	_ = 	snop;
	(pc) =	sbr.rel @p2 .LBB2_7-.Ltmp8, $4  }
0x151: {  	v56 =	vor.u32 v56, v14;
	v60 =	vor.u32 v60, v14;
	v62 =	vor.u32 v62, v14  }
0x152: {  	v63 =	vor.u32 v63, v14;
	v57 =	vor.u32 v18, v14;
	v0 =	vor.u32 v61, v14  }
0x153: {  	v61 =	vor.u32 v26, v14;
	v4 =	vor.u32 v12, v14;
	[tilespmem:v16+s14+$0x0] =	vst.idx.msk $0xffff, v11  }
0x154: {  	s22 =	sadd.s32 $0x2, s22;
	v22 =	vlaneseq.u32;
	v5 =	vor.u32 v15, v14;
	[tilespmem:v17+s14+$0x0] =	vst.idx.msk $0xffff, v10;
	v3 =	vor.u32 v9, v14  }
0x155: {  	_ =	sdelay $0x3  }
0x156: {  	[tilespmem:v56+s14+$0x0] =	vst.idx.msk $0xffff, v2  }
0x157: {  	[tilespmem:v57+s14+$0x0] =	vst.idx.msk $0xffff, v54  }
0x158: {  	[tilespmem:v58+s14+$0x0] =	vst.idx.msk $0xffff, v6  }
0x159: {  	[tilespmem:v59+s14+$0x0] =	vst.idx.msk $0xffff, v7  }
0x15a: {  	[tilespmem:v60+s14+$0x0] =	vst.idx.msk $0xffff, v8  }
0x15b: {  	[tilespmem:v0+s14+$0x0] =	vst.idx.msk $0xffff, v51  }
0x15c: {  	[tilespmem:v62+s14+$0x0] =	vst.idx.msk $0xffff, v55;
	v62 =	vld [tilespmem:$0x1FF40];
	_ =	sdelay $0x3  }
0x15d: {  	v51 =	vor.u32 v29, v41;
	[tilespmem:v63+s14+$0x0] =	vst.idx.msk $0xffff, v1  }
0x15e: {  	v10 =	vld [tilespmem:$0x1FE70];
	[tilespmem:v61+s14+$0x0] =	vst.idx.msk $0xffff, v50;
	v63 =	vor.u32 v62, v41  }
0x15f: {  	v56 =	vld [tilespmem:$0x1FEF0];
	[tilespmem:v4+s14+$0x0] =	vst.idx.msk $0xffff, v53  }
0x160: {  	v57 =	vld [tilespmem:$0x1FF10];
	[tilespmem:v5+s14+$0x0] =	vst.idx.msk $0xffff, v52  }
0x161: {  	[tilespmem:v3+s14+$0x0] =	vst.idx.msk $0xffff, v49  }
0x162: {  	v58 =	vld [tilespmem:$0x1FF20];
	[tilespmem:v51+s14+$0x0] =	vst.idx.msk $0xffff, v48  }
0x163: {  	v50 =	vor.u32 v10, v41;
	[tilespmem:v63+s14+$0x0] =	vst.idx.msk $0xffff, v47;
	v63 =	vld [tilespmem:$0x1FFB0]  }
0x164: {  	v60 =	vld [tilespmem:$0x1FF30];
	v4 =	vor.u32 v56, v41  }
0x165: {  	v61 =	vld [tilespmem:$0x1FEA0];
	v3 =	vor.u32 v57, v41  }
0x166: {  	v6 =	vld [tilespmem:$0x1FE80];
	v5 =	vor.u32 v18, v41  }
0x167: {  	v7 =	vld [tilespmem:$0x1FEB0];
	v51 =	vor.u32 v58, v41  }
0x168: {  	v8 =	vld [tilespmem:$0x1FE90];
	[tilespmem:v50+s14+$0x0] =	vst.idx.msk $0xffff, v46;
	v52 =	vor.u32 v63, v41  }
0x169: {  	v53 =	vor.u32 v60, v41;
	[tilespmem:v4+s14+$0x0] =	vst.idx.msk $0xffff, v45  }
0x16a: {  	v4 =	vor.u32 v61, v41;
	[tilespmem:v3+s14+$0x0] =	vst.idx.msk $0xffff, v44  }
0x16b: {  	v3 =	vor.u32 v6, v41;
	[tilespmem:v5+s14+$0x0] =	vst.idx.msk $0xffff, v42  }
0x16c: {  	v5 =	vor.u32 v7, v41;
	[tilespmem:v51+s14+$0x0] =	vst.idx.msk $0xffff, v39  }
0x16d: {  	v54 =	vor.u32 v8, v41;
	[tilespmem:v52+s14+$0x0] =	vst.idx.msk $0xffff, v37  }
0x16e: {  	v55 =	vor.u32 v12, v41;
	[tilespmem:v53+s14+$0x0] =	vst.idx.msk $0xffff, v36  }
0x16f: {  	v11 =	vld [tilespmem:$0x1FEC0];
	v59 =	vor.u32 v15, v41;
	[tilespmem:v4+s14+$0x0] =	vst.idx.msk $0xffff, v34  }
0x170: {  	v16 =	vld [tilespmem:$0x1FF00];
	v4 =	vor.u32 v9, v41;
	[tilespmem:v3+s14+$0x0] =	vst.idx.msk $0xffff, v33  }
0x171: {  	v13 =	vld [tilespmem:$0x1FED0];
	[tilespmem:v5+s14+$0x0] =	vst.idx.msk $0xffff, v38  }
.Ltmp9:
0x172: {  	v26 =	vld [tilespmem:$0x1FF60];
	[tilespmem:v54+s14+$0x0] =	vst.idx.msk $0xffff, v35;
	(pc) =	sbr.rel .LBB2_9-.Ltmp9, $4  }
0x173: {  	v21 =	vld [tilespmem:$0x1FF70];
	[tilespmem:v55+s14+$0x0] =	vst.idx.msk $0xffff, v32  }
0x174: {  	s22 =	sshll.u32 s21, $0x10;
	v17 =	vmov v31;
	v31 =	vmov v29;
	v29 =	vld [tilespmem:$0x1FFD0];
	[tilespmem:v59+s14+$0x0] =	vst.idx.msk $0xffff, v43  }
0x175: {  	v14 =	vmov v24;
	v23 =	vmov v25;
	s22 =	sadd.s32 s22, s5;
	v41 =	vld [tilespmem:$0x1FF50];
	[tilespmem:v4+s14+$0x0] =	vst.idx.msk $0xffff, v40  }
0x176: {  	v20 =	vmovc v27;
	v25 =	vmovc v6;
	v24 =	vmov v7;
	v27 =	vmov v8;
	v5 =	vld [tilespmem:$0x1FF90];
	v38 =	vmov v10;
	[hbm4b:s22+s1] =	stream.linear.scatter [tilespmem:s14], [sflag:$0x4], $0x4000, $0x38  }
.LBB2_11:
0x177: {  	s21 =	simm.s32 $0x1  }
0x178: {  	v3 =	vadd.s32 s21, v22  }
0x179: {  	v0 =	vshll.u32 v3, $0x8;
	v1 =	vshll.u32 v3, $0x7  }
0x17a: {  	v0 =	vand.u32 $0x3800, v0;
	v1 =	vand.u32 $0x380, v1  }
0x17b: {  	v0 =	vor.u32 v1, v0  }
0x17c: {  	s31 =	simm.s32 $0x0;
	v1 =	vor.u32 v21, v0  }
0x17d: {  	[tilespmem:s31], [sflag:$0x5] =	stream.strided.gather [hbm4b:s6+s10], $0x4000, s11, s10, $0x38;
	v2 =	vor.u32 v26, v0;
	[tilespmem:$0x10000] =	vst v63  }
0x17e: {  	_ =	swait.ge [sflag:s17], $0x4000  }
0x17f: {  	[sflag:s17] =	ssyncset.done $0x0  }
0x180: {  	[sflag:s17] =	ssyncadd.s32 $0xFFFFC000  }
0x181: {  	v32 =	vld.idx.msk [tilespmem:v1+s1+$0x0], $0xffff;
	v1 =	vor.u32 v30, v0  }
0x182: {  	v4 =	vor.u32 v28, v0;
	v2 =	vld.idx.msk [tilespmem:v2+s1+$0x0], $0xffff  }
0x183: {  	v35 =	vmovc v27;
	v27 =	vmovc v25;
	v25 =	vmov v26;
	v26 =	vmov v5;
	v5 =	vor.u32 v5, v0  }
0x184: {  	v6 =	vor.u32 v41, v0  }
0x185: {  	v7 =	vor.u32 v13, v0  }
0x186: {  	v8 =	vor.u32 v23, v0;
	v1 =	vld.idx.msk [tilespmem:v1+s1+$0x0], $0xffff  }
0x187: {  	v34 =	vld.idx.msk [tilespmem:v4+s1+$0x0], $0xffff;
	[tilespmem:$0x1FDD0] =	vst v2;
	v2 =	vor.u32 v16, v0  }
0x188: {  	v10 =	vor.u32 v19, v0;
	v37 =	vld.idx.msk [tilespmem:v5+s1+$0x0], $0xffff  }
0x189: {  	v4 =	vor.u32 v17, v0;
	v36 =	vld.idx.msk [tilespmem:v6+s1+$0x0], $0xffff  }
0x18a: {  	v5 =	vor.u32 v11, v0;
	v39 =	vld.idx.msk [tilespmem:v7+s1+$0x0], $0xffff;
	v7 =	vadd.s32 s31, v22  }
0x18b: {  	v6 =	vor.u32 v14, v0;
	v45 =	vld.idx.msk [tilespmem:v8+s1+$0x0], $0xffff;
	v9 =	vshll.u32 v7, $0x7;
	[tilespmem:$0x1FDE0] =	vst v1;
	v1 =	vshll.u32 v7, $0x8  }
0x18c: {  	v42 =	vld.idx.msk [tilespmem:v2+s1+$0x0], $0xffff;
	v2 =	vand.u32 $0x380, v9;
	v9 =	vor.u32 v22, v0;
	v1 =	vand.u32 $0x3800, v1  }
0x18d: {  	v47 =	vld.idx.msk [tilespmem:v10+s1+$0x0], $0xffff;
	v1 =	vor.u32 v2, v1;
	v2 =	vor.u32 v29, v0  }
0x18e: {  	v33 =	vmov v24;
	v24 =	vmov v38;
	v38 =	vld.idx.msk [tilespmem:v4+s1+$0x0], $0xffff;
	v0 =	vor.u32 v20, v0  }
0x18f: {  	v44 =	vld.idx.msk [tilespmem:v5+s1+$0x0], $0xffff;
	v4 =	vor.u32 v19, v1  }
0x190: {  	v46 =	vld.idx.msk [tilespmem:v6+s1+$0x0], $0xffff;
	v5 =	vor.u32 v25, v1  }
0x191: {  	v6 =	vor.u32 v16, v1;
	v48 =	vld.idx.msk [tilespmem:v9+s1+$0x0], $0xffff  }
0x192: {  	v8 =	vor.u32 v30, v1;
	v40 =	vld.idx.msk [tilespmem:v2+s1+$0x0], $0xffff  }
0x193: {  	v10 =	vor.u32 v22, v1;
	v43 =	vld.idx.msk [tilespmem:v0+s1+$0x0], $0xffff  }
0x194: {  	v9 =	vor.u32 v28, v1;
	v4 =	vld.idx.msk [tilespmem:v4+s1+$0x0], $0xffff  }
0x195: {  	v2 =	vor.u32 v29, v1;
	v51 =	vld.idx.msk [tilespmem:v5+s1+$0x0], $0xffff  }
0x196: {  	v5 =	vor.u32 v20, v1;
	v54 =	vld.idx.msk [tilespmem:v6+s1+$0x0], $0xffff  }
0x197: {  	v0 =	vor.u32 v11, v1;
	v50 =	vld.idx.msk [tilespmem:v8+s1+$0x0], $0xffff  }
0x198: {  	v6 =	vor.u32 v21, v1;
	v10 =	vld.idx.msk [tilespmem:v10+s1+$0x0], $0xffff  }
0x199: {  	v8 =	vor.u32 v23, v1;
	v53 =	vld.idx.msk [tilespmem:v9+s1+$0x0], $0xffff  }
0x19a: {  	v9 =	vor.u32 v14, v1;
	v49 =	vld.idx.msk [tilespmem:v2+s1+$0x0], $0xffff  }
0x19b: {  	v52 =	vld.idx.msk [tilespmem:v5+s1+$0x0], $0xffff;
	v5 =	vor.u32 v13, v1  }
0x19c: {  	v11 =	vor.u32 v26, v1;
	v2 =	vld.idx.msk [tilespmem:v0+s1+$0x0], $0xffff  }
0x19d: {  	v0 =	vor.u32 v17, v1;
	v55 =	vld.idx.msk [tilespmem:v6+s1+$0x0], $0xffff;
	v13 =	vand.u32 $0x3F, v7  }
0x19e: {  	v12 =	vld.idx.msk [tilespmem:v8+s1+$0x0], $0xffff;
	v8 =	vor.u32 v41, v1;
	v14 =	vor.u32 v31, v13  }
0x19f: {  	v15 =	vor.u32 v62, v13;
	v9 =	vld.idx.msk [tilespmem:v9+s1+$0x0], $0xffff  }
0x1a0: {  	v6 =	vld.idx.msk [tilespmem:v5+s1+$0x0], $0xffff;
	v5 =	vor.u32 v24, v13  }
0x1a1: {  	v7 =	vld.idx.msk [tilespmem:v11+s1+$0x0], $0xffff;
	v16 =	vor.u32 v56, v13  }
0x1a2: {  	v1 =	vld.idx.msk [tilespmem:v0+s1+$0x0], $0xffff  }
0x1a3: {  	v8 =	vld.idx.msk [tilespmem:v8+s1+$0x0], $0xffff;
	[tilespmem:v14+s18+$0x0] =	vst.idx.msk $0xffff, v10  }
0x1a4: {  	[tilespmem:v15+s18+$0x0] =	vst.idx.msk $0xffff, v4;
	v15 =	vld [tilespmem:$0x1FE50]  }
0x1a5: {  	[tilespmem:v5+s18+$0x0] =	vst.idx.msk $0xffff, v9;
	v9 =	vld [tilespmem:$0x1FE60]  }
0x1a6: {  	[tilespmem:v16+s18+$0x0] =	vst.idx.msk $0xffff, v12;
	v12 =	vld [tilespmem:$0x1FE40]  }
0x1a7: {  	v41 =	vand.u32 $0x3F, v3  }
0x1a8: {  	v25 =	vmovc v27;
	v56 =	vor.u32 v57, v13;
	v57 =	vor.u32 v18, v13;
	v58 =	vor.u32 v58, v13  }
0x1a9: {  	v26 =	vmovc v61;
	v59 =	vor.u32 v63, v13;
	v60 =	vor.u32 v60, v13;
	v62 =	vor.u32 v27, v13  }
0x1aa: {  	v63 =	vor.u32 v33, v13;
	v27 =	vmovc v35;
	v0 =	vor.u32 v61, v13;
	v61 =	vor.u32 v35, v13  }
0x1ab: {  	s21 =	simm.s32 $0x2;
	v24 =	vmovc v33;
	v5 =	vor.u32 v15, v13;
	v3 =	vor.u32 v9, v13;
	v4 =	vor.u32 v12, v13  }
.LBB2_12:
0x1ac: {  	_ =	sdelay $0x1  }
0x1ad: {  	[tilespmem:v56+s18+$0x0] =	vst.idx.msk $0xffff, v2  }
0x1ae: {  	[tilespmem:v57+s18+$0x0] =	vst.idx.msk $0xffff, v54  }
0x1af: {  	[tilespmem:v58+s18+$0x0] =	vst.idx.msk $0xffff, v6  }
0x1b0: {  	[tilespmem:v59+s18+$0x0] =	vst.idx.msk $0xffff, v7  }
0x1b1: {  	[tilespmem:v60+s18+$0x0] =	vst.idx.msk $0xffff, v8  }
0x1b2: {  	[tilespmem:v0+s18+$0x0] =	vst.idx.msk $0xffff, v51  }
0x1b3: {  	[tilespmem:v62+s18+$0x0] =	vst.idx.msk $0xffff, v55  }
0x1b4: {  	[tilespmem:v63+s18+$0x0] =	vst.idx.msk $0xffff, v1  }
0x1b5: {  	v54 =	vld [tilespmem:$0x1FF40];
	[tilespmem:v61+s18+$0x0] =	vst.idx.msk $0xffff, v50  }
0x1b6: {  	v50 =	vld [tilespmem:$0x1FE70];
	[tilespmem:v4+s18+$0x0] =	vst.idx.msk $0xffff, v53  }
0x1b7: {  	v51 =	vld [tilespmem:$0x1FEF0];
	[tilespmem:v5+s18+$0x0] =	vst.idx.msk $0xffff, v52  }
0x1b8: {  	[tilespmem:v3+s18+$0x0] =	vst.idx.msk $0xffff, v49;
	v49 =	vld [tilespmem:$0x1FF10]  }
0x1b9: {  	v1 =	vor.u32 v31, v41  }
0x1ba: {  	v2 =	vor.u32 v9, v41;
	v9 =	vor.u32 v54, v41;
	v55 =	vld [tilespmem:$0x1FF20]  }
0x1bb: {  	v59 =	vld [tilespmem:$0x1FFB0];
	v4 =	vor.u32 v50, v41  }
0x1bc: {  	v53 =	vld [tilespmem:$0x1FF30];
	v5 =	vor.u32 v51, v41  }
0x1bd: {  	v3 =	vor.u32 v49, v41  }
0x1be: {  	v14 =	vor.u32 v18, v41;
	[tilespmem:v1+s18+$0x0] =	vst.idx.msk $0xffff, v48  }
0x1bf: {  	[tilespmem:v9+s18+$0x0] =	vst.idx.msk $0xffff, v47;
	v9 =	vor.u32 v55, v41  }
0x1c0: {  	[tilespmem:v4+s18+$0x0] =	vst.idx.msk $0xffff, v46;
	v4 =	vor.u32 v59, v41  }
0x1c1: {  	v7 =	vor.u32 v12, v41;
	v12 =	vor.u32 v53, v41;
	[tilespmem:v5+s18+$0x0] =	vst.idx.msk $0xffff, v45  }
0x1c2: {  	s22 =	smov.u32 s21;
	[tilespmem:v3+s18+$0x0] =	vst.idx.msk $0xffff, v44  }
0x1c3: {  	s23 =	sadd.s32 $0x1, s22;
	[tilespmem:v14+s18+$0x0] =	vst.idx.msk $0xffff, v42  }
0x1c4: {  	v10 =	vor.u32 v25, v41;
	v13 =	vadd.s32 s23, v22;
	[tilespmem:v9+s18+$0x0] =	vst.idx.msk $0xffff, v39  }
0x1c5: {  	v11 =	vor.u32 v26, v41;
	v21 =	vld [tilespmem:$0x1FEC0];
	v6 =	vor.u32 v27, v41;
	v16 =	vshll.u32 v13, $0x8;
	[tilespmem:v4+s18+$0x0] =	vst.idx.msk $0xffff, v37  }
0x1c6: {  	v0 =	vor.u32 v15, v41;
	v15 =	vand.u32 $0x3F, v13;
	v13 =	vshll.u32 v13, $0x7;
	[tilespmem:v12+s18+$0x0] =	vst.idx.msk $0xffff, v36;
	v12 =	vld [tilespmem:$0x1FDD0]  }
0x1c7: {  	v8 =	vor.u32 v24, v41;
	v13 =	vand.u32 $0x380, v13;
	v14 =	vadd.s32 s22, v22  }
0x1c8: {  	v35 =	vld [tilespmem:$0x1FF90];
	v1 =	vand.u32 $0x3800, v16;
	v9 =	vshll.u32 v14, $0x8;
	v20 =	vshll.u32 v14, $0x7  }
0x1c9: {  	v56 =	vld [tilespmem:$0x1FF70];
	v1 =	vor.u32 v13, v1;
	v4 =	vand.u32 $0x3800, v9;
	v9 =	vand.u32 $0x380, v20  }
0x1ca: {  	v58 =	vld [tilespmem:$0x1FF60];
	v3 =	vor.u32 v21, v1;
	v4 =	vor.u32 v9, v4;
	v9 =	vor.u32 v22, v1  }
0x1cb: {  	[tilespmem:v11+s18+$0x0] =	vst.idx.msk $0xffff, v12;
	v11 =	vor.u32 v22, v4;
	v22 =	vor.u32 v21, v4;
	v21 =	vld [tilespmem:$0x1FDE0]  }
0x1cc: {  	v33 =	vld [tilespmem:$0x1FF80]  }
0x1cd: {  	v63 =	vld [tilespmem:$0x1FF50]  }
0x1ce: {  	v23 =	vld [tilespmem:$0x1FED0];
	[tilespmem:v10+s18+$0x0] =	vst.idx.msk $0xffff, v32  }
0x1cf: {  	v60 =	vld [tilespmem:$0x1FFC0];
	v16 =	vor.u32 v56, v1;
	[tilespmem:v8+s18+$0x0] =	vst.idx.msk $0xffff, v38  }
0x1d0: {  	v57 =	vmov v29;
	v29 =	vmov v31;
	v62 =	vld [tilespmem:$0x1FFF0];
	v31 =	vor.u32 v58, v1;
	[tilespmem:v6+s18+$0x0] =	vst.idx.msk $0xffff, v21  }
0x1d1: {  	v13 =	vor.u32 v35, v1;
	v19 =	vor.u32 v28, v1;
	v45 =	vld [tilespmem:$0x1FF00];
	[tilespmem:v7+s18+$0x0] =	vst.idx.msk $0xffff, v34  }
0x1d2: {  	v61 =	vld [tilespmem:$0x1FFE0];
	v18 =	vor.u32 v33, v1;
	v41 =	vmov v15;
	v15 =	vor.u32 v63, v1;
	[tilespmem:v0+s18+$0x0] =	vst.idx.msk $0xffff, v43  }
0x1d3: {  	v10 =	vor.u32 v33, v4;
	v33 =	vor.u32 v63, v4;
	v63 =	vld [tilespmem:$0x1FEE0];
	[tilespmem:v2+s18+$0x0] =	vst.idx.msk $0xffff, v40  }
0x1d4: {  	v20 =	vor.u32 v23, v1;
	v32 =	vld.idx.msk [tilespmem:v16+s1+$0x0], $0xffff  }
0x1d5: {  	v17 =	vor.u32 v30, v1;
	v31 =	vld.idx.msk [tilespmem:v31+s1+$0x0], $0xffff  }
0x1d6: {  	v5 =	vor.u32 v45, v1;
	v34 =	vld.idx.msk [tilespmem:v19+s1+$0x0], $0xffff  }
0x1d7: {  	v37 =	vld.idx.msk [tilespmem:v13+s1+$0x0], $0xffff  }
0x1d8: {  	v36 =	vld.idx.msk [tilespmem:v15+s1+$0x0], $0xffff  }
0x1d9: {  	v39 =	vld.idx.msk [tilespmem:v20+s1+$0x0], $0xffff  }
0x1da: {  	v17 =	vld.idx.msk [tilespmem:v17+s1+$0x0], $0xffff  }
0x1db: {  	v12 =	vor.u32 v60, v4;
	v42 =	vld.idx.msk [tilespmem:v5+s1+$0x0], $0xffff  }
0x1dc: {  	v44 =	vld.idx.msk [tilespmem:v3+s1+$0x0], $0xffff  }
0x1dd: {  	v52 =	vor.u32 v28, v4;
	v15 =	vor.u32 v45, v4;
	v45 =	vld.idx.msk [tilespmem:v18+s1+$0x0], $0xffff  }
0x1de: {  	v18 =	vld [tilespmem:$0x1FE30]  }
0x1df: {  	v6 =	vor.u32 v62, v4;
	v48 =	vld.idx.msk [tilespmem:v9+s1+$0x0], $0xffff  }
0x1e0: {  	v23 =	vor.u32 v23, v4;
	v9 =	vld.idx.msk [tilespmem:v12+s1+$0x0], $0xffff  }
0x1e1: {  	v14 =	vand.u32 $0x3F, v14;
	v0 =	vor.u32 v62, v1;
	v12 =	vld [tilespmem:$0x1FE40]  }
0x1e2: {  	v2 =	vor.u32 v60, v1;
	v60 =	vor.u32 v53, v14;
	v53 =	vld.idx.msk [tilespmem:v52+s1+$0x0], $0xffff  }
0x1e3: {  	v10 =	vld.idx.msk [tilespmem:v10+s1+$0x0], $0xffff  }
0x1e4: {  	v16 =	vor.u32 v61, v1;
	v52 =	vld.idx.msk [tilespmem:v6+s1+$0x0], $0xffff  }
0x1e5: {  	v13 =	vor.u32 v63, v1;
	v6 =	vld.idx.msk [tilespmem:v23+s1+$0x0], $0xffff  }
0x1e6: {  	v19 =	vor.u32 v58, v4;
	v43 =	vld.idx.msk [tilespmem:v0+s1+$0x0], $0xffff  }
0x1e7: {  	v47 =	vld.idx.msk [tilespmem:v2+s1+$0x0], $0xffff  }
0x1e8: {  	v2 =	vld.idx.msk [tilespmem:v22+s1+$0x0], $0xffff  }
0x1e9: {  	v8 =	vor.u32 v30, v4;
	v38 =	vld.idx.msk [tilespmem:v16+s1+$0x0], $0xffff  }
0x1ea: {  	[tilespmem:$0x1FDD0] =	vst v31;
	v31 =	vmov v29;
	v29 =	vmov v57;
	v46 =	vld.idx.msk [tilespmem:v13+s1+$0x0], $0xffff  }
0x1eb: {  	[tilespmem:$0x1FDE0] =	vst v17;
	v17 =	vor.u32 v51, v14;
	v51 =	vld.idx.msk [tilespmem:v19+s1+$0x0], $0xffff;
	v5 =	vor.u32 v29, v4  }
0x1ec: {  	v13 =	vor.u32 v54, v14;
	v54 =	vld.idx.msk [tilespmem:v15+s1+$0x0], $0xffff  }
0x1ed: {  	v21 =	vor.u32 v35, v4;
	v7 =	vor.u32 v61, v4;
	v15 =	vld [tilespmem:$0x1FE50];
	v1 =	vor.u32 v29, v1  }
0x1ee: {  	v35 =	vor.u32 v63, v4;
	v16 =	vor.u32 v50, v14;
	v50 =	vld.idx.msk [tilespmem:v8+s1+$0x0], $0xffff;
	v4 =	vor.u32 v56, v4  }
0x1ef: {  	v8 =	vld.idx.msk [tilespmem:v33+s1+$0x0], $0xffff  }
0x1f0: {  	v56 =	vor.u32 v49, v14;
	v49 =	vld.idx.msk [tilespmem:v5+s1+$0x0], $0xffff  }
0x1f1: {  	v3 =	vor.u32 v31, v14;
	v5 =	vld.idx.msk [tilespmem:v11+s1+$0x0], $0xffff  }
0x1f2: {  	v40 =	vld.idx.msk [tilespmem:v1+s1+$0x0], $0xffff  }
0x1f3: {  	v58 =	vor.u32 v55, v14;
	v55 =	vld.idx.msk [tilespmem:v4+s1+$0x0], $0xffff  }
0x1f4: {  	v11 =	vld.idx.msk [tilespmem:v35+s1+$0x0], $0xffff  }
0x1f5: {  	v1 =	vld.idx.msk [tilespmem:v7+s1+$0x0], $0xffff  }
0x1f6: {  	v7 =	vld.idx.msk [tilespmem:v21+s1+$0x0], $0xffff;
	[tilespmem:v3+s18+$0x0] =	vst.idx.msk $0xffff, v5  }
0x1f7: {  	p2 =	sne.s32 s21, $0x3E;
	[tilespmem:v13+s18+$0x0] =	vst.idx.msk $0xffff, v9;
	v9 =	vld [tilespmem:$0x1FE60]  }
.Ltmp10:
0x1f8: {  	_ = 	snop;
	(pc) =	sbr.rel @p2 .LBB2_12-.Ltmp10, $4  }
0x1f9: {  	v59 =	vor.u32 v59, v14;
	v62 =	vor.u32 v25, v14  }
0x1fa: {  	v63 =	vor.u32 v24, v14;
	v61 =	vor.u32 v27, v14;
	v0 =	vor.u32 v26, v14  }
0x1fb: {  	v57 =	vor.u32 v18, v14;
	v4 =	vor.u32 v12, v14;
	[tilespmem:v16+s18+$0x0] =	vst.idx.msk $0xffff, v11  }
0x1fc: {  	s21 =	sadd.s32 $0x2, s21;
	v22 =	vlaneseq.u32;
	v5 =	vor.u32 v15, v14;
	[tilespmem:v17+s18+$0x0] =	vst.idx.msk $0xffff, v10;
	v3 =	vor.u32 v9, v14  }
0x1fd: {  	_ =	sdelay $0x3  }
0x1fe: {  	[tilespmem:v56+s18+$0x0] =	vst.idx.msk $0xffff, v2  }
0x1ff: {  	[tilespmem:v57+s18+$0x0] =	vst.idx.msk $0xffff, v54  }
0x200: {  	[tilespmem:v58+s18+$0x0] =	vst.idx.msk $0xffff, v6  }
0x201: {  	[tilespmem:v59+s18+$0x0] =	vst.idx.msk $0xffff, v7  }
0x202: {  	[tilespmem:v60+s18+$0x0] =	vst.idx.msk $0xffff, v8  }
0x203: {  	[tilespmem:v0+s18+$0x0] =	vst.idx.msk $0xffff, v51  }
0x204: {  	[tilespmem:v62+s18+$0x0] =	vst.idx.msk $0xffff, v55;
	v62 =	vld [tilespmem:$0x1FF40]  }
0x205: {  	v6 =	vld [tilespmem:$0x1FE70]  }
0x206: {  	v56 =	vld [tilespmem:$0x1FEF0]  }
0x207: {  	v57 =	vld [tilespmem:$0x1FF10]  }
0x208: {  	v35 =	vor.u32 v31, v41;
	[tilespmem:v63+s18+$0x0] =	vst.idx.msk $0xffff, v1  }
0x209: {  	v58 =	vld [tilespmem:$0x1FF20];
	[tilespmem:v61+s18+$0x0] =	vst.idx.msk $0xffff, v50;
	v50 =	vor.u32 v62, v41  }
0x20a: {  	v51 =	vor.u32 v6, v41;
	v63 =	vld [tilespmem:$0x1FFB0];
	[tilespmem:v4+s18+$0x0] =	vst.idx.msk $0xffff, v53  }
0x20b: {  	v60 =	vld [tilespmem:$0x1FF30];
	v4 =	vor.u32 v56, v41;
	[tilespmem:v5+s18+$0x0] =	vst.idx.msk $0xffff, v52  }
0x20c: {  	[tilespmem:v3+s18+$0x0] =	vst.idx.msk $0xffff, v49;
	v3 =	vor.u32 v57, v41  }
0x20d: {  	v5 =	vor.u32 v18, v41;
	[tilespmem:v35+s18+$0x0] =	vst.idx.msk $0xffff, v48  }
0x20e: {  	v52 =	vor.u32 v58, v41;
	[tilespmem:v50+s18+$0x0] =	vst.idx.msk $0xffff, v47  }
0x20f: {  	v53 =	vor.u32 v63, v41;
	[tilespmem:v51+s18+$0x0] =	vst.idx.msk $0xffff, v46  }
0x210: {  	v54 =	vor.u32 v60, v41;
	[tilespmem:v4+s18+$0x0] =	vst.idx.msk $0xffff, v45  }
0x211: {  	v7 =	vld [tilespmem:$0x1FDD0];
	v4 =	vor.u32 v26, v41;
	[tilespmem:v3+s18+$0x0] =	vst.idx.msk $0xffff, v44  }
0x212: {  	v3 =	vor.u32 v25, v41;
	[tilespmem:v5+s18+$0x0] =	vst.idx.msk $0xffff, v42  }
0x213: {  	[tilespmem:v52+s18+$0x0] =	vst.idx.msk $0xffff, v39  }
0x214: {  	[tilespmem:v53+s18+$0x0] =	vst.idx.msk $0xffff, v37  }
0x215: {  	[tilespmem:v54+s18+$0x0] =	vst.idx.msk $0xffff, v36  }
0x216: {  	v5 =	vor.u32 v24, v41;
	[tilespmem:v4+s18+$0x0] =	vst.idx.msk $0xffff, v7  }
0x217: {  	v55 =	vor.u32 v27, v41;
	[tilespmem:v3+s18+$0x0] =	vst.idx.msk $0xffff, v32;
	v3 =	vld [tilespmem:$0x1FDE0]  }
0x218: {  	v59 =	vor.u32 v12, v41  }
0x219: {  	v61 =	vor.u32 v15, v41  }
0x21a: {  	v4 =	vor.u32 v9, v41  }
0x21b: {  	[tilespmem:v5+s18+$0x0] =	vst.idx.msk $0xffff, v38  }
0x21c: {  	[tilespmem:v55+s18+$0x0] =	vst.idx.msk $0xffff, v3  }
0x21d: {  	[tilespmem:v59+s18+$0x0] =	vst.idx.msk $0xffff, v34  }
0x21e: {  	[tilespmem:v61+s18+$0x0] =	vst.idx.msk $0xffff, v43  }
0x21f: {  	[tilespmem:v4+s18+$0x0] =	vst.idx.msk $0xffff, v40  }
0x220: {  	[hbm4b:s7+s1] =	stream.linear.scatter [tilespmem:s18], [sflag:$0x5], $0x4000, $0x38;
	[tilespmem:$0x10000] =	vst v63  }
0x221: {  	_ =	swait.ge [sflag:s17], $0x4000  }
0x222: {  	v19 =	vld [tilespmem:$0x1FFC0]  }
0x223: {  	v17 =	vld [tilespmem:$0x1FFE0]  }
0x224: {  	v20 =	vld [tilespmem:$0x1FFF0]  }
0x225: {  	v14 =	vld [tilespmem:$0x1FEE0]  }
0x226: {  	v23 =	vld [tilespmem:$0x1FF80]  }
0x227: {  	v11 =	vld [tilespmem:$0x1FEC0]  }
0x228: {  	v16 =	vld [tilespmem:$0x1FF00]  }
.Ltmp11:
0x229: {  	v13 =	vld [tilespmem:$0x1FED0];
	(pc) =	sbr.rel .LBB2_14-.Ltmp11, $4  }
0x22a: {  	v5 =	vld [tilespmem:$0x1FF90]  }
0x22b: {  	v41 =	vld [tilespmem:$0x1FF50]  }
0x22c: {  	v61 =	vmov v26;
	[sflag:s17] =	ssyncset.done $0x0;
	v26 =	vld [tilespmem:$0x1FF60]  }
0x22d: {  	v38 =	vmov v6;
	v21 =	vld [tilespmem:$0x1FF70];
	[sflag:s17] =	ssyncadd.s32 $0xFFFFC000  }
.LBB2_15:
0x22e: {  	_ =	sfence.sel $0x180000  }
0x22f: {  	[bflag:$0x0] =	sbarrier.arrive $0xFFFF  }
0x230: {  	_ =	strace $0x90000047  }
0x231: {  	s0 =	sadd.s32 @!p0 $0x100000, s0;
	[bflag:$0x2] =	sbarrier.arrive $0xFFFF  }
0x232: {  	[sflag:s0] =	ssyncadd.tile.s32 @!p0 $0x1;
	_ =	shalt  }
.Lfunc_end2:
_tile_overlayer_lowered:
.L_overlay_start_2:
0x233: {  	(tag) =	ssettag $0x2  }
0x234: {  	s0 =	rddreg [dreg:$0x0];
	s2 =	stileid.u32  }
0x235: {  	s1 =	rddreg [dreg:$0x1];
	p0 =	sne.s32 s2, $0x0  }
0x236: {  	s3 =	rddreg [dreg:$0x2];
	[bflag:$0x3] =	sbarrier.arrive $0xFFFF;
	s2 =	simm.s32 @!p0 $0x1C05  }
0x237: {  	[timem:s3], [sflag:s2] =	dma.local @!p0 [hbm:s0], s1  }
0x238: {  	s0 =	simm.s32 @!p0 $0x5  }
0x239: {  	_ =	swait.ge @!p0 [sflag:s0], s1  }
0x23a: {  	s1 =	ssub.s32 @!p0 $0x0, s1;
	[sflag:s0] =	ssyncset.done @!p0 $0x0  }
0x23b: {  	[sflag:s0] =	ssyncadd.s32 @!p0 s1  }
0x23c: {  	[bflag:$0x3] =	sbarrier.arrive $0xFFFF  }
0x23d: {  	_ =	shalt  }

// kernel: kernel.8.cloned.1.call-start
scs
__scs_entry_jumppad:
0x0: {  	(pc) =	sbr.rel $0x88, $3  }
0x1: {  	(tag) =	ssettag $0x0;
	lr =	simm.s32 $0x1  }
0x2: {  	[smem:$0x3F9C] =	sst lr;
	_ =	strace $0xD0000000  }
0x3: {  	_ = 	snop  }
0x4: {  	_ = 	snop  }
0x5: {  	_ = 	snop  }
0x6: {  	_ = 	snop  }
0x7: {  	_ = 	snop  }
__scs_overlays_trampoline_lowered:
0x8: {  	[smem:$0x3FAB] =	sst s0  }
0x9: {  	[smem:$0x3FAC] =	sst s1  }
0xa: {  	[smem:$0x3FAD] =	sst s2  }
0xb: {  	[smem:$0x3FAE] =	sst s3  }
0xc: {  	[smem:$0x3FAF] =	sst s4  }
0xd: {  	[smem:$0x3FB0] =	sst s5  }
0xe: {  	[smem:$0x3FB1] =	sst s6  }
0xf: {  	[smem:$0x3FB2] =	sst s7  }
0x10: {  	[smem:$0x3FB3] =	sst s8  }
0x11: {  	[smem:$0x3FB4] =	sst s9;
	s0 =	simm.s32 @!p0 $0x0  }
0x12: {  	s1 =	sld [smem:$0x3F9A];
	s0 =	simm.s32 @p0 $0x1  }
0x13: {  	[smem:$0x3FB5] =	sst s0;
	s0 =	simm.s32 @!p1 $0x0  }
0x14: {  	s2 =	sld [smem:$0x3F99];
	s0 =	simm.s32 @p1 $0x1  }
0x15: {  	[smem:$0x3FB6] =	sst s0;
	s0 =	simm.s32 @!p2 $0x0  }
0x16: {  	s3 =	sld [smem:$0x3FDB];
	s0 =	simm.s32 @p2 $0x1  }
0x17: {  	s4 =	simm.s32 $0x1BF5;
	[smem:$0x3FB8] =	sst s0  }
0x18: {  	s0 =	sld [smem:$0x3F9B];
	_ =	swait.ge [sflag:s4], $0x0  }
0x19: {  	s7 =	sld [smem:$0x3F9C]  }
0x1a: {  	s8 =	sadd.s32 $0xFFFFE003, lr  }
0x1b: {  	s9 =	sadd.s32 $0xFFFFFEF7, lr;
	s5 =	simm.s32 $0xFFFFFFFF;
	p2 =	slt.u32 s8, $0xFFFFF086  }
0x1c: {  	p1 =	slt.u32 s9, $0xF7A;
	s5 =	simm.s32 @!p2 $0x0  }
0x1d: {  	s5 =	simm.s32 @p1 $0x1;
	p0 =	seq.s32 s7, s2  }
0x1e: {  	s7 =	smul.u32 @!p0 $0xF7A, s2;
	p2 =	seq.s32 @!p0 s5, $0x0  }
0x1f: {  	s9 =	smul.u32 $0xF7A, s1;
	s8 =	simm.s32 @!p0 $0x1BF5;
	p2 =	por !p2, p0  }
0x20: {  	[sflag:s8] =	ssyncset.s32 @!p0 $0xFFFFF086;
	s6 =	sadd.s32 @!p0 s3, s7;
	s7 =	simm.s32 @!p0 $0x108  }
0x21: {  	s3 =	sadd.s32 s3, s9;
	s6 =	sadd.s32 @!p0 $0x88, s6;
	s7 =	simm.s32 @p2 $0x1082  }
0x22: {  	[simem:s7], [sflag:s8] =	dma.local @!p0 [hbm:s6], $0xF7A  }
0x23: {  	s9 =	sor.u32 $0xD0000000, s2;
	s6 =	simm.s32 $0x108;
	_ =	swait.ge @!p0 [sflag:s8], $0x0  }
0x24: {  	s3 =	sadd.s32 $0x88, s3;
	s6 =	simm.s32 @!p1 $0x1082;
	[sflag:s4] =	ssyncset.s32 $0xFFFFF086  }
0x25: {  	[simem:s6], [sflag:s4] =	dma.local [hbm:s3], $0xF7A  }
0x26: {  	[smem:$0x3F9C] =	sst s1;
	(tag) =	ssettag s2;
	_ =	strace s9  }
0x27: {  	s1 =	sld [smem:$0x3FAC]  }
0x28: {  	s2 =	sld [smem:$0x3FAD]  }
0x29: {  	s4 =	sld [smem:$0x3FAF]  }
0x2a: {  	p0 =	seq.s32 s5, $0x0;
	s5 =	sld [smem:$0x3FB0]  }
0x2b: {  	s6 =	sld [smem:$0x3FB1]  }
0x2c: {  	s7 =	sld [smem:$0x3FB2]  }
0x2d: {  	s3 =	simm.s32 $0x108;
	s8 =	sld [smem:$0x3FB3]  }
0x2e: {  	s3 =	simm.s32 @!p0 $0x1082;
	s9 =	sld [smem:$0x3FB4]  }
0x2f: {  	lr =	sadd.s32 s0, s3;
	s0 =	sld [smem:$0x3FAB]  }
0x30: {  	s3 =	sld [smem:$0x3FAE]  }
0x31: {  	[smem:$0x3FB7] =	sst s10  }
0x32: {  	s10 =	sld [smem:$0x3FB5];
	_ =	sdelay $0x3  }
0x33: {  	p0 =	seq.s32 s10, $0x1;
	s10 =	sld [smem:$0x3FB7];
	_ =	sdelay $0x3  }
0x34: {  	[smem:$0x3FB7] =	sst s10  }
0x35: {  	s10 =	sld [smem:$0x3FB6];
	_ =	sdelay $0x3  }
0x36: {  	p1 =	seq.s32 s10, $0x1;
	s10 =	sld [smem:$0x3FB7];
	_ =	sdelay $0x3  }
0x37: {  	[smem:$0x3FB7] =	sst s10  }
0x38: {  	s10 =	sld [smem:$0x3FB8]  }
0x39: {  	_ = 	snop;
	(pc) =	sbr.ind lr, $3  }
0x3a: {  	_ = 	snop  }
0x3b: {  	_ = 	snop  }
0x3c: {  	p2 =	seq.s32 s10, $0x1;
	s10 =	sld [smem:$0x3FB7]  }
0x3d: {  	_ =	shalt  }
0x3e: {  	_ =	shalt  }
0x3f: {  	_ =	shalt  }
0x40: {  	_ =	shalt  }
0x41: {  	_ =	shalt  }
0x42: {  	_ =	shalt  }
0x43: {  	_ =	shalt  }
0x44: {  	_ =	shalt  }
0x45: {  	_ =	shalt  }
0x46: {  	_ =	shalt  }
0x47: {  	_ =	shalt  }
0x48: {  	_ =	shalt  }
0x49: {  	_ =	shalt  }
0x4a: {  	_ =	shalt  }
0x4b: {  	_ =	shalt  }
0x4c: {  	_ =	shalt  }
0x4d: {  	_ =	shalt  }
0x4e: {  	_ =	shalt  }
0x4f: {  	_ =	shalt  }
0x50: {  	_ =	shalt  }
0x51: {  	_ =	shalt  }
0x52: {  	_ =	shalt  }
0x53: {  	_ =	shalt  }
0x54: {  	_ =	shalt  }
0x55: {  	_ =	shalt  }
0x56: {  	_ =	shalt  }
0x57: {  	_ =	shalt  }
0x58: {  	_ =	shalt  }
0x59: {  	_ =	shalt  }
0x5a: {  	_ =	shalt  }
0x5b: {  	_ =	shalt  }
0x5c: {  	_ =	shalt  }
0x5d: {  	_ =	shalt  }
0x5e: {  	_ =	shalt  }
0x5f: {  	_ =	shalt  }
0x60: {  	_ =	shalt  }
0x61: {  	_ =	shalt  }
0x62: {  	_ =	shalt  }
0x63: {  	_ =	shalt  }
0x64: {  	_ =	shalt  }
0x65: {  	_ =	shalt  }
0x66: {  	_ =	shalt  }
0x67: {  	_ =	shalt  }
0x68: {  	_ =	shalt  }
0x69: {  	_ =	shalt  }
0x6a: {  	_ =	shalt  }
0x6b: {  	_ =	shalt  }
0x6c: {  	_ =	shalt  }
0x6d: {  	_ =	shalt  }
0x6e: {  	_ =	shalt  }
0x6f: {  	_ =	shalt  }
0x70: {  	_ =	shalt  }
0x71: {  	_ =	shalt  }
0x72: {  	_ =	shalt  }
0x73: {  	_ =	shalt  }
0x74: {  	_ =	shalt  }
0x75: {  	_ =	shalt  }
0x76: {  	_ =	shalt  }
0x77: {  	_ =	shalt  }
0x78: {  	_ =	shalt  }
0x79: {  	_ =	shalt  }
0x7a: {  	_ =	shalt  }
0x7b: {  	_ =	shalt  }
0x7c: {  	_ =	shalt  }
0x7d: {  	_ =	shalt  }
0x7e: {  	_ =	shalt  }
0x7f: {  	_ =	shalt  }
0x80: {  	_ =	shalt  }
0x81: {  	_ =	shalt  }
0x82: {  	_ =	shalt  }
0x83: {  	_ =	shalt  }
0x84: {  	_ =	shalt  }
0x85: {  	_ =	shalt  }
0x86: {  	_ =	shalt  }
0x87: {  	_ =	shalt  }
.Lfunc_end0:
.L_simem_size_0:
called_computation.1_lowered:
.L_overlay_start_0:
0x88: {  	s2 =	sld [smem:$0x3FD9]  }
0x89: {  	s3 =	sld [smem:$0x3FFE];
	_ =	sdelay $0x1  }
0x8a: {  	s1 =	srdreg.scid  }
0x8b: {  	s0 =	sand.u32 $0x1, s1  }
0x8c: {  	s17 =	sshll.u32 s0, $0xA;
	s2 =	sadd.s32 s3, s2  }
0x8d: {  	s2 =	sadd.s32 s2, s17  }
0x8e: {  	[smem:$0x3FC3] =	sst s2  }
0x8f: {  	_ = 	snop  }
0x90: {  	s2 =	sld [smem:$0x3FC9]  }
0x91: {  	s18 =	sld [smem:$0x3FC8];
	(tm) =	ssettm $0x1  }
0x92: {  	s4 =	sld [smem:$0x3FFB];
	_ =	sdelay $0x3  }
0x93: {  	_ =	strace s4  }
0x94: {  	s4 =	sld [smem:$0x3FFC];
	_ =	sdelay $0x3  }
0x95: {  	_ =	strace s4  }
0x96: {  	s4 =	sld [smem:$0x3FFD];
	_ =	sdelay $0x3  }
0x97: {  	_ =	strace s4  }
0x98: {  	_ =	strace $0x8FFFFFFF  }
0x99: {  	s19 =	sld [smem:$0x3FDB];
	_ =	sdelay $0x1  }
0x9a: {  	s5 =	simm.s32 $_scs_section_size  }
0x9b: {  	s6 =	simm.s32 $_size__tile_overlayer_lowered;
	s7 =	simm.s32 $_tile_overlayer_lowered  }
0x9c: {  	s22 =	simm.s32 $0x1BFF;
	s21 =	sshll.u32 s7, $0x1;
	s4 =	sadd.s32 s5, s19  }
0x9d: {  	s8 =	simm.s32 $0x0;
	s20 =	sshll.u32 s6, $0x1;
	s6 =	sadd.s32 s21, s4  }
0x9e: {  	[timem:s8], [sflag:s22] =	dma.local [hbm:s6], s20  }
0x9f: {  	_ =	swait.ge [sflag:s22], s20  }
0xa0: {  	s5 =	ssub.s32 $0x0, s20;
	[sflag:s22] =	ssyncset.done $0x0  }
0xa1: {  	[sflag:s22] =	ssyncadd.s32 s5;
	_ =	sdelay $0x1  }
0xa2: {  	s23 =	simm.s32 $0x1B8B  }
0xa3: {  	_ =	swait.ge [sflag:s23], $0x1  }
0xa4: {  	[sflag:s23] =	ssyncset.done $0x0  }
0xa5: {  	s25 =	simm.s32 $0x1B8E;
	s24 =	sld [smem:$0x3FFE];
	[sflag:s23] =	ssyncadd.s32 $0xFFFFFFFF  }
0xa6: {  	s26 =	simm.s32 $execute0_lowered;
	[smem:$0x3FD2] =	sst s25  }
0xa7: {  	s6 =	sshll.u32 s26, $0x1;
	_ =	strace $0x80000049;
	[dreg:$0x1] =	wrdreg $0xFFFFFFFF  }
0xa8: {  	s28 =	simm.s32 $_size_execute0_lowered;
	s4 =	sadd.s32 s4, s6;
	[dreg:$0x0] =	wrdreg $0x0  }
0xa9: {  	s6 =	sshll.u32 s28, $0x1;
	[dreg:$0x2] =	wrdreg s4  }
0xaa: {  	[dreg:$0x3] =	wrdreg s6  }
0xab: {  	[dreg:$0x4] =	wrdreg $0xC0  }
0xac: {  	_ =	task [dreg:s8], $0x5FFFF  }
0xad: {  	[dreg:$0x1] =	wrdreg $0xFFFFFFFF  }
0xae: {  	[dreg:$0x0] =	wrdreg $0x60  }
0xaf: {  	[dreg:$0x2] =	wrdreg s2  }
0xb0: {  	[dreg:$0x3] =	wrdreg s18  }
0xb1: {  	[dreg:$0x4] =	wrdreg s24  }
0xb2: {  	[dreg:$0x5] =	wrdreg $0x9  }
0xb3: {  	_ =	task.clear_ibuf [dreg:s8], $0x6FFFF;
	_ =	strace $0x90000049  }
0xb4: {  	s29 =	simm.s32 $0x9;
	_ =	strace $0x8000004B  }
0xb5: {  	_ =	swait.ge [sflag:s29], $0x1  }
0xb6: {  	[sflag:s29] =	ssyncadd.s32 $0xFFFFFFFF  }
0xb7: {  	_ =	strace $0x9000004B  }
0xb8: {  	_ =	sfence  }
0xb9: {  	s30 =	sld [smem:$0x0];
	_ =	sdelay $0x2  }
0xba: {  	s31 =	sshll.u32 s1, $0xD;
	s1 =	sshrl.u32 s1, $0x2  }
0xbb: {  	s3 =	sand.u32 $0x4000, s31;
	s1 =	sadd.s32 s1, s30  }
0xbc: {  	s0 =	sor.u32 s3, s0;
	s1 =	sshll.u32 s1, $0x11  }
0xbd: {  	s0 =	sor.u32 s1, s0  }
0xbe: {  	s0 =	sadd.s32 $0x8F2B, s0  }
0xbf: {  	[sflag:s0] =	ssyncadd.remote.s32 $0x1  }
0xc0: {  	_ =	sfence.sel $0xFFFF  }
0xc1: {  	[dreg:$0x0] =	wrdreg $0xFFFFFFFF;
	(pc) =	sbr.abs _section_cstart, $3  }
0xc2: {  	[dreg:$0x1] =	wrdreg $0xFFFFFFFF  }
0xc3: {  	_ =	task.clear_ibuf [dreg:s8], $0x2FFFF;
	_ =	strace $0x9FFFFFFF  }
0xc4: {  	(tm) =	ssettm $0x7FFFFFFF  }
0xc5: {  	_ =	shalt  }
tec
execute0_lowered:
.L_overlay_start_1:
0x0: {  	(tag) =	ssettag $0x1  }
0x1: {  	s1 =	rddreg [dreg:$0x0];
	v41 =	vlaneseq.u32  }
0x2: {  	s2 =	rddreg [dreg:$0x1];
	s4 =	simm.s32 $0x0;
	v0 =	vmul.u32 $0x14, v41  }
0x3: {  	[smem:$0x7FF] =	sst s4;
	v44 =	vmul.u32 $0x80, v41  }
0x4: {  	s0 =	rddreg [dreg:$0x2];
	v40 =	vmul.u32 $0xA00, v41;
	_ =	strace $0x8000004A;
	[tilespmem:$0x1FE90] =	vst v0  }
0x5: {  	[tilespmem:$0x1FEB0] =	vst v44  }
0x6: {  	v1 =	vor.u32 $0x1, v0;
	[tilespmem:$0x1FFE0] =	vst v40  }
0x7: {  	v26 =	vor.u32 $0x2, v0;
	[tilespmem:$0x1FD70] =	vst v1  }
0x8: {  	v27 =	vor.u32 $0x3, v0;
	[tilespmem:$0x1FD80] =	vst v26  }
0x9: {  	v28 =	vadd.s32 $0x4, v0;
	[tilespmem:$0x1FD90] =	vst v27  }
0xa: {  	v29 =	vadd.s32 $0x5, v0;
	[tilespmem:$0x1FDA0] =	vst v28  }
0xb: {  	v30 =	vadd.s32 $0x6, v0;
	[tilespmem:$0x1FDB0] =	vst v29  }
0xc: {  	v31 =	vadd.s32 $0x7, v0;
	[tilespmem:$0x1FDC0] =	vst v30  }
0xd: {  	v32 =	vadd.s32 $0x8, v0;
	[tilespmem:$0x1FDD0] =	vst v31  }
0xe: {  	v33 =	vadd.s32 $0x9, v0;
	[tilespmem:$0x1FDE0] =	vst v32  }
0xf: {  	v34 =	vadd.s32 $0xA, v0;
	[tilespmem:$0x1FDF0] =	vst v33  }
0x10: {  	v35 =	vadd.s32 $0xB, v0;
	[tilespmem:$0x1FE00] =	vst v34  }
0x11: {  	v36 =	vadd.s32 $0xC, v0;
	[tilespmem:$0x1FE10] =	vst v35  }
0x12: {  	v37 =	vadd.s32 $0xD, v0;
	[tilespmem:$0x1FE20] =	vst v36  }
0x13: {  	v38 =	vadd.s32 $0xE, v0;
	[tilespmem:$0x1FE30] =	vst v37  }
0x14: {  	v39 =	vadd.s32 $0xF, v0;
	[tilespmem:$0x1FE40] =	vst v38  }
0x15: {  	v2 =	vadd.s32 $0x10, v0;
	[tilespmem:$0x1FE50] =	vst v39  }
0x16: {  	v42 =	vadd.s32 $0x11, v0;
	[tilespmem:$0x1FE60] =	vst v2  }
0x17: {  	v43 =	vadd.s32 $0x12, v0;
	[tilespmem:$0x1FE70] =	vst v42  }
0x18: {  	v0 =	vadd.s32 $0x13, v0;
	[tilespmem:$0x1FE80] =	vst v43  }
0x19: {  	v45 =	vor.u32 $0x80, v40;
	[tilespmem:$0x1FEA0] =	vst v0  }
0x1a: {  	v46 =	vor.u32 $0x100, v40;
	[tilespmem:$0x1FEC0] =	vst v45  }
0x1b: {  	v47 =	vor.u32 $0x180, v40;
	[tilespmem:$0x1FED0] =	vst v46  }
0x1c: {  	v48 =	vadd.s32 $0x200, v40;
	[tilespmem:$0x1FEE0] =	vst v47  }
0x1d: {  	s3 =	srdreg.scid;
	s5 =	stileid.u32;
	v49 =	vadd.s32 $0x280, v40;
	[tilespmem:$0x1FEF0] =	vst v48  }
0x1e: {  	s15 =	simm.s32 $0x3;
	s16 =	simm.s32 $0x80;
	s17 =	simm.s32 $0x100;
	v50 =	vadd.s32 $0x300, v40;
	[tilespmem:$0x1FF00] =	vst v49  }
0x1f: {  	s18 =	simm.s32 $0x10;
	s20 =	simm.s32 $0x500;
	s22 =	simm.s32 $0xD00;
	v51 =	vadd.s32 $0x380, v40;
	[tilespmem:$0x1FF10] =	vst v50  }
0x20: {  	s28 =	simm.s32 $0x40;
	s31 =	simm.s32 $0x2;
	s29 =	simm.s32 $0x1;
	v52 =	vadd.s32 $0x400, v40;
	[tilespmem:$0x1FF20] =	vst v51  }
0x21: {  	s12 =	simm.s32 $0x0;
	s23 =	simm.s32 $0xB500;
	s3 =	sand.u32 $0x1, s3;
	v53 =	vadd.s32 $0x480, v40;
	[tilespmem:$0x1FF30] =	vst v52  }
0x22: {  	s7 =	sshll.u32 s5, $0x1;
	s5 =	sadd.s32 $0x7A2600, s0;
	s6 =	sadd.s32 $0x1400, s0;
	v54 =	vadd.s32 $0x500, v40;
	[tilespmem:$0x1FF40] =	vst v53  }
0x23: {  	s8 =	sor.u32 s3, s7;
	s7 =	sadd.s32 $0x16E4A00, s0;
	s3 =	ssub.s32 $0x2, s3;
	v55 =	vadd.s32 $0x580, v40;
	[tilespmem:$0x1FF50] =	vst v54  }
0x24: {  	s9 =	sshll.u32 s8, $0x6;
	s10 =	sshrl.u32 s3, $0x1;
	s11 =	smul.u32 $0x500, s8;
	v56 =	vadd.s32 $0x600, v40;
	[tilespmem:$0x1FF60] =	vst v55  }
0x25: {  	s8 =	sshll.u32 s8, $0x9;
	v57 =	vadd.s32 $0x680, v40;
	s0 =	sadd.s32 s9, s0;
	s24 =	sadd.s32 s1, s9;
	[tilespmem:$0x1FF70] =	vst v56  }
0x26: {  	v58 =	vadd.s32 $0x700, v40;
	s3 =	ssub.s32 s3, s10;
	s9 =	sadd.s32 s2, s9;
	[tilespmem:$0x1FF80] =	vst v57;
	[dreg:$0x4] =	wrdreg s24  }
0x27: {  	v59 =	vadd.s32 $0x780, v40;
	[tilespmem:$0x1FF90] =	vst v58;
	[dreg:$0x5] =	wrdreg s9;
	s25 =	sadd.s32 s5, s11;
	s11 =	sor.u32 $0x10, s8  }
.Ltmp0:
0x28: {  	v60 =	vadd.s32 $0x800, v40;
	[tilespmem:$0x1FFA0] =	vst v59;
	s26 =	sadd.s32 $0x7AC600, s0;
	[dreg:$0x6] =	wrdreg s25;
	(pc) =	sbr.rel .LBB2_1-.Ltmp0, $4  }
0x29: {  	v61 =	vadd.s32 $0x880, v40;
	[tilespmem:$0x1FFB0] =	vst v60;
	s0 =	sadd.s32 $0x7ACE00, s0;
	s30 =	smax.u32 s3, $0x1;
	[dreg:$0x7] =	wrdreg s26  }
0x2a: {  	v62 =	vadd.s32 $0x900, v40;
	[tilespmem:$0x1FFC0] =	vst v61;
	s24 =	simm.s32 $0x1500;
	s3 =	simm.s32 $0xBA00;
	[dreg:$0x8] =	wrdreg s0  }
0x2b: {  	v63 =	vadd.s32 $0x980, v40;
	[tilespmem:$0x1FFD0] =	vst v62;
	s8 =	simm.s32 $0xC200;
	s9 =	simm.s32 $0xCA00;
	[dreg:$0x9] =	wrdreg s30  }
0x2c: {  	[tilespmem:$0x1FFF0] =	vst v63;
	s0 =	simm.s32 $0xB600;
	s25 =	simm.s32 $0xB980;
	s26 =	simm.s32 $0x14A00  }
.LBB2_12:
0x2d: {  	s10 =	rddreg [dreg:$0x7];
	s12 =	simm.s32 $0x16A00  }
0x2e: {  	[hbm4b:s10+s4] =	stream.linear.scatter [tilespmem:s12], [sflag:$0x3], $0x200, $0x38;
	[tilespmem:$0x16E00] =	vst v63  }
0x2f: {  	_ =	swait.ge [sflag:s15], $0x200  }
0x30: {  	[sflag:s15] =	ssyncset.done $0x0  }
0x31: {  	s19 =	simm.s32 $0x16C00;
	s14 =	rddreg [dreg:$0x8];
	[sflag:s15] =	ssyncadd.s32 $0xFFFFFE00  }
0x32: {  	[hbm4b:s14+s4] =	stream.linear.scatter [tilespmem:s19], [sflag:$0x3], $0x200, $0x38;
	[tilespmem:$0x16E00] =	vst v63  }
0x33: {  	_ =	swait.ge [sflag:s15], $0x200  }
0x34: {  	s21 =	rddreg [dreg:$0xa]  }
0x35: {  	s30 =	rddreg [dreg:$0x9];
	s12 =	sadd.s32 $0x1, s21  }
0x36: {  	p0 =	sne.s32 s12, s30  }
.Ltmp1:
0x37: {  	_ = 	snop;
	(pc) =	sbr.rel @!p0 .LBB2_13-.Ltmp1, $3  }
0x38: {  	_ =	sdelay $0x1  }
0x39: {  	[sflag:s15] =	ssyncset.done $0x0  }
0x3a: {  	[sflag:s15] =	ssyncadd.s32 $0xFFFFFE00  }
.LBB2_1:
0x3b: {  	[dreg:$0xa] =	wrdreg s12  }
0x3c: {  	s10 =	rddreg [dreg:$0x4]  }
0x3d: {  	[tilespmem:s4], [sflag:$0x3] =	stream.linear.gather [hbm4b:s10+s4], $0x10, $0x38;
	[tilespmem:$0x16E00] =	vst v63  }
0x3e: {  	_ =	swait.ge [sflag:s15], $0x10  }
0x3f: {  	[sflag:s15] =	ssyncset.done $0x0  }
0x40: {  	s13 =	rddreg [dreg:$0x5];
	[sflag:s15] =	ssyncadd.s32 $0xFFFFFFF0  }
0x41: {  	[tilespmem:s16], [sflag:$0x3] =	stream.linear.gather [hbm4b:s13+s4], $0x10, $0x38;
	[tilespmem:$0x16E00] =	vst v63  }
0x42: {  	_ =	swait.ge [sflag:s15], $0x10  }
0x43: {  	[sflag:s15] =	ssyncset.done $0x0  }
0x44: {  	s14 =	rddreg [dreg:$0x6];
	[sflag:s15] =	ssyncadd.s32 $0xFFFFFFF0  }
0x45: {  	[tilespmem:s17], [sflag:$0x3] =	stream.linear.gather [hbm4b:s14+s4], $0x140, $0x38;
	[tilespmem:$0x16E00] =	vst v63  }
0x46: {  	_ =	swait.ge [sflag:s15], $0x140  }
0x47: {  	[sflag:s15] =	ssyncset.done $0x0  }
0x48: {  	[sflag:s15] =	ssyncadd.s32 $0xFFFFFEC0  }
0x49: {  	v1 =	vld [tilespmem:$0x0]  }
0x4a: {  	v2 =	vld [tilespmem:$0x80]  }
0x4b: {  	v3 =	vld [tilespmem:$0x100]  }
0x4c: {  	v4 =	vld [tilespmem:$0x110]  }
0x4d: {  	v5 =	vld [tilespmem:$0x120]  }
0x4e: {  	v6 =	vld [tilespmem:$0x130];
	v1 =	vshra.s32 v1, $0x1  }
0x4f: {  	v27 =	vld [tilespmem:$0x140];
	v26 =	vshra.s32 v2, $0x1;
	[tilespmem:$0x280] =	vst v1  }
0x50: {  	v29 =	vld [tilespmem:$0x150];
	v28 =	vshra.s32 v3, $0x1;
	[tilespmem:$0x300] =	vst v26  }
0x51: {  	v31 =	vld [tilespmem:$0x160];
	v30 =	vshra.s32 v4, $0x1;
	[tilespmem:$0x380] =	vst v28  }
0x52: {  	v33 =	vld [tilespmem:$0x170];
	v32 =	vshra.s32 v5, $0x1;
	[tilespmem:$0x390] =	vst v30  }
0x53: {  	v35 =	vld [tilespmem:$0x180];
	v34 =	vshra.s32 v6, $0x1;
	[tilespmem:$0x3A0] =	vst v32  }
0x54: {  	v37 =	vld [tilespmem:$0x190];
	v36 =	vshra.s32 v27, $0x1;
	[tilespmem:$0x3B0] =	vst v34  }
0x55: {  	v39 =	vld [tilespmem:$0x1A0];
	v38 =	vshra.s32 v29, $0x1;
	[tilespmem:$0x3C0] =	vst v36  }
0x56: {  	v42 =	vld [tilespmem:$0x1B0];
	v40 =	vshra.s32 v31, $0x1;
	[tilespmem:$0x3D0] =	vst v38  }
0x57: {  	v44 =	vld [tilespmem:$0x1C0];
	v43 =	vshra.s32 v33, $0x1;
	[tilespmem:$0x3E0] =	vst v40  }
0x58: {  	v46 =	vld [tilespmem:$0x1D0];
	v45 =	vshra.s32 v35, $0x1;
	[tilespmem:$0x3F0] =	vst v43  }
0x59: {  	v48 =	vld [tilespmem:$0x1E0];
	v47 =	vshra.s32 v37, $0x1;
	[tilespmem:$0x400] =	vst v45  }
0x5a: {  	v50 =	vld [tilespmem:$0x1F0];
	v49 =	vshra.s32 v39, $0x1;
	[tilespmem:$0x410] =	vst v47  }
0x5b: {  	v52 =	vld [tilespmem:$0x200];
	v51 =	vshra.s32 v42, $0x1;
	[tilespmem:$0x420] =	vst v49  }
0x5c: {  	v54 =	vld [tilespmem:$0x210];
	v53 =	vshra.s32 v44, $0x1;
	[tilespmem:$0x430] =	vst v51  }
0x5d: {  	v56 =	vld [tilespmem:$0x220];
	v55 =	vshra.s32 v46, $0x1;
	[tilespmem:$0x440] =	vst v53  }
0x5e: {  	v58 =	vld [tilespmem:$0x230];
	v57 =	vshra.s32 v48, $0x1;
	[tilespmem:$0x450] =	vst v55  }
0x5f: {  	v59 =	vshra.s32 v50, $0x1;
	[tilespmem:$0x460] =	vst v57  }
0x60: {  	v60 =	vshra.s32 v52, $0x1;
	[tilespmem:$0x470] =	vst v59  }
0x61: {  	v61 =	vshra.s32 v54, $0x1;
	[tilespmem:$0x480] =	vst v60  }
0x62: {  	v62 =	vshra.s32 v56, $0x1;
	[tilespmem:$0x490] =	vst v61  }
0x63: {  	v63 =	vshra.s32 v58, $0x1;
	[tilespmem:$0x4A0] =	vst v62  }
0x64: {  	s19 =	simm.s32 $0x280;
	[tilespmem:$0x4B0] =	vst v63  }
0x65: {  	[tilespmem:s20], [sflag:$0x1] =	stream.indirect.gather [hbm4b:s6+s18], $0x80, s19, s18, $0xb8;
	[tilespmem:$0x16E00] =	vst v63  }
0x66: {  	s21 =	simm.s32 $0x300  }
0x67: {  	[tilespmem:s22], [sflag:$0x1] =	stream.indirect.gather [hbm4b:s7+s18], $0x80, s21, s18, $0xb8;
	[tilespmem:$0x16E00] =	vst v63  }
0x68: {  	s12 =	simm.s32 $0x380  }
0x69: {  	[tilespmem:s24], [sflag:$0x1] =	stream.indirect.gather [hbm4b:s7+s16], $0x80, s12, s16, $0xb8;
	[tilespmem:$0x16E00] =	vst v63  }
.Ltmp2:
0x6a: {  	_ = 	snop;
	(pc) =	sbr.rel .LBB2_2-.Ltmp2, $4  }
0x6b: {  	s13 =	simm.s32 $0x400;
	s14 =	simm.s32 $0x5500  }
0x6c: {  	[tilespmem:s14], [sflag:$0x1] =	stream.indirect.gather [hbm4b:s7+s16], $0x80, s13, s16, $0xb8;
	[tilespmem:$0x16E00] =	vst v63  }
0x6d: {  	s30 =	simm.s32 $0x0;
	s19 =	simm.s32 $0x480;
	s21 =	simm.s32 $0x9500  }
0x6e: {  	[tilespmem:s21], [sflag:$0x1] =	stream.indirect.gather [hbm4b:s7+s28], $0x80, s19, s28, $0xb8;
	[tilespmem:$0x16E00] =	vst v63  }
.LBB2_11:
0x6f: {  	s30 =	sadd.s32 $0x1, s30  }
0x70: {  	p0 =	sne.s32 s30, $0x20  }
.Ltmp3:
0x71: {  	_ = 	snop;
	(pc) =	sbr.rel @!p0 .LBB2_12-.Ltmp3, $1  }
0x72: {  	_ =	sdelay $0x3  }
.LBB2_2:
0x73: {  	s10 =	sand.u32 $0x1, s30  }
0x74: {  	p0 =	seq.s32 s10, $0x1  }
.Ltmp4:
0x75: {  	_ = 	snop;
	(pc) =	sbr.rel @p0 .LBB2_6-.Ltmp4, $1  }
0x76: {  	_ =	sdelay $0x3  }
0x77: {  	s12 =	sshll.u32 s30, $0x4  }
0x78: {  	s14 =	sadd.s32 s11, s12  }
0x79: {  	s19 =	sshrl.u32 s14, $0x3  }
0x7a: {  	s13 =	simm.s32 $0x0;
	s21 =	sadd.s32 s1, s19  }
0x7b: {  	[tilespmem:s23], [sflag:$0x3] =	stream.linear.gather [hbm4b:s21+s13], $0x10, $0x38;
	[tilespmem:$0x16E00] =	vst v63  }
0x7c: {  	_ =	swait.ge [sflag:s15], $0x10  }
0x7d: {  	s14 =	smul.u32 $0x14, s14;
	[sflag:s15] =	ssyncset.done $0x0  }
0x7e: {  	s19 =	sadd.s32 s2, s19;
	s21 =	simm.s32 $0xB580;
	[sflag:s15] =	ssyncadd.s32 $0xFFFFFFF0  }
0x7f: {  	[tilespmem:s21], [sflag:$0x3] =	stream.linear.gather [hbm4b:s19+s13], $0x10, $0x38;
	[tilespmem:$0x16E00] =	vst v63  }
0x80: {  	_ =	swait.ge [sflag:s15], $0x10  }
0x81: {  	s14 =	sshrl.u32 s14, $0x3;
	[sflag:s15] =	ssyncset.done $0x0  }
0x82: {  	s14 =	sadd.s32 s5, s14;
	[sflag:s15] =	ssyncadd.s32 $0xFFFFFFF0  }
0x83: {  	[tilespmem:s0], [sflag:$0x3] =	stream.linear.gather [hbm4b:s14+s13], $0x140, $0x38;
	[tilespmem:$0x16E00] =	vst v63  }
0x84: {  	_ =	swait.ge [sflag:s15], $0x140  }
0x85: {  	[sflag:s15] =	ssyncset.done $0x0  }
0x86: {  	[sflag:s15] =	ssyncadd.s32 $0xFFFFFEC0  }
0x87: {  	v1 =	vld [tilespmem:$0xB500]  }
0x88: {  	v2 =	vld [tilespmem:$0xB580]  }
0x89: {  	v3 =	vld [tilespmem:$0xB600]  }
0x8a: {  	v4 =	vld [tilespmem:$0xB610]  }
0x8b: {  	v5 =	vld [tilespmem:$0xB620]  }
0x8c: {  	v6 =	vld [tilespmem:$0xB630];
	v1 =	vshra.s32 v1, $0x1  }
0x8d: {  	v43 =	vld [tilespmem:$0xB640];
	v42 =	vshra.s32 v2, $0x1;
	[tilespmem:$0xB780] =	vst v1  }
0x8e: {  	v45 =	vld [tilespmem:$0xB650];
	v44 =	vshra.s32 v3, $0x1;
	[tilespmem:$0xB800] =	vst v42  }
0x8f: {  	v47 =	vld [tilespmem:$0xB660];
	v46 =	vshra.s32 v4, $0x1;
	[tilespmem:$0xB880] =	vst v44  }
0x90: {  	v49 =	vld [tilespmem:$0xB670];
	v48 =	vshra.s32 v5, $0x1;
	[tilespmem:$0xB890] =	vst v46  }
0x91: {  	v51 =	vld [tilespmem:$0xB680];
	v50 =	vshra.s32 v6, $0x1;
	[tilespmem:$0xB8A0] =	vst v48  }
0x92: {  	v53 =	vld [tilespmem:$0xB690];
	v52 =	vshra.s32 v43, $0x1;
	[tilespmem:$0xB8B0] =	vst v50  }
0x93: {  	v55 =	vld [tilespmem:$0xB6A0];
	v54 =	vshra.s32 v45, $0x1;
	[tilespmem:$0xB8C0] =	vst v52  }
0x94: {  	v57 =	vld [tilespmem:$0xB6B0];
	v56 =	vshra.s32 v47, $0x1;
	[tilespmem:$0xB8D0] =	vst v54  }
0x95: {  	v59 =	vld [tilespmem:$0xB6C0];
	v58 =	vshra.s32 v49, $0x1;
	[tilespmem:$0xB8E0] =	vst v56  }
0x96: {  	v61 =	vld [tilespmem:$0xB6D0];
	v60 =	vshra.s32 v51, $0x1;
	[tilespmem:$0xB8F0] =	vst v58  }
0x97: {  	v63 =	vld [tilespmem:$0xB6E0];
	v62 =	vshra.s32 v53, $0x1;
	[tilespmem:$0xB900] =	vst v60  }
0x98: {  	v33 =	vld [tilespmem:$0xB6F0];
	v32 =	vshra.s32 v55, $0x1;
	[tilespmem:$0xB910] =	vst v62  }
0x99: {  	v37 =	vld [tilespmem:$0xB710];
	v34 =	vshra.s32 v57, $0x1;
	[tilespmem:$0xB920] =	vst v32  }
0x9a: {  	v35 =	vld [tilespmem:$0xB700];
	v36 =	vshra.s32 v59, $0x1;
	[tilespmem:$0xB930] =	vst v34  }
0x9b: {  	v39 =	vld [tilespmem:$0xB720];
	v38 =	vshra.s32 v61, $0x1;
	[tilespmem:$0xB940] =	vst v36  }
0x9c: {  	v40 =	vshra.s32 v63, $0x1;
	[tilespmem:$0xB950] =	vst v38;
	v42 =	vld [tilespmem:$0xB730]  }
0x9d: {  	v43 =	vshra.s32 v33, $0x1;
	[tilespmem:$0xB960] =	vst v40  }
0x9e: {  	v45 =	vshra.s32 v37, $0x1;
	[tilespmem:$0xB970] =	vst v43  }
0x9f: {  	v44 =	vshra.s32 v35, $0x1;
	[tilespmem:$0xB990] =	vst v45  }
0xa0: {  	v46 =	vshra.s32 v39, $0x1;
	[tilespmem:$0xB980] =	vst v44  }
0xa1: {  	[tilespmem:$0xB9A0] =	vst v46;
	v47 =	vshra.s32 v42, $0x1  }
0xa2: {  	s21 =	simm.s32 $0xB780;
	[tilespmem:$0xB9B0] =	vst v47  }
0xa3: {  	[tilespmem:s3], [sflag:$0x2] =	stream.indirect.gather [hbm4b:s6+s18], $0x80, s21, s18, $0xb8;
	[tilespmem:$0x16E00] =	vst v63  }
0xa4: {  	s19 =	simm.s32 $0xB800  }
0xa5: {  	[tilespmem:s8], [sflag:$0x2] =	stream.indirect.gather [hbm4b:s7+s18], $0x80, s19, s18, $0xb8;
	[tilespmem:$0x16E00] =	vst v63  }
0xa6: {  	s21 =	simm.s32 $0xB880  }
0xa7: {  	[tilespmem:s9], [sflag:$0x2] =	stream.indirect.gather [hbm4b:s7+s16], $0x80, s21, s16, $0xb8;
	[tilespmem:$0x16E00] =	vst v63  }
0xa8: {  	s19 =	simm.s32 $0xB900;
	s21 =	simm.s32 $0x10A00  }
0xa9: {  	[tilespmem:s21], [sflag:$0x2] =	stream.indirect.gather [hbm4b:s7+s16], $0x80, s19, s16, $0xb8;
	[tilespmem:$0x16E00] =	vst v63  }
0xaa: {  	_ = 	snop  }
0xab: {  	[tilespmem:s26], [sflag:$0x2] =	stream.indirect.gather [hbm4b:s7+s28], $0x80, s25, s28, $0xb8;
	[tilespmem:$0x16E00] =	vst v63  }
0xac: {  	_ =	swait.ge [sflag:s29], $0x800  }
0xad: {  	[sflag:s29] =	ssyncset.done $0x0  }
0xae: {  	[sflag:s29] =	ssyncadd.s32 $0xFFFFF800  }
0xaf: {  	_ =	swait.ge [sflag:s29], $0x800  }
0xb0: {  	[sflag:s29] =	ssyncset.done $0x0  }
0xb1: {  	[sflag:s29] =	ssyncadd.s32 $0xFFFFF800  }
0xb2: {  	_ =	swait.ge [sflag:s29], $0xA000  }
0xb3: {  	v0 =	vld [tilespmem:$0x1FE90]  }
0xb4: {  	v51 =	vld [tilespmem:$0x1FD70]  }
0xb5: {  	v53 =	vld [tilespmem:$0x1FD80]  }
0xb6: {  	v55 =	vld [tilespmem:$0x1FD90]  }
0xb7: {  	v57 =	vld [tilespmem:$0x1FDA0]  }
0xb8: {  	v58 =	vld [tilespmem:$0x1FDB0]  }
0xb9: {  	v59 =	vld [tilespmem:$0x1FDC0]  }
0xba: {  	v60 =	vld [tilespmem:$0x1FDD0]  }
0xbb: {  	v61 =	vld [tilespmem:$0x1FDE0]  }
0xbc: {  	v62 =	vld [tilespmem:$0x1FDF0]  }
0xbd: {  	v63 =	vld [tilespmem:$0x1FE00]  }
0xbe: {  	v32 =	vld [tilespmem:$0x1FE10]  }
0xbf: {  	v33 =	vld [tilespmem:$0x1FE20]  }
0xc0: {  	v34 =	vld [tilespmem:$0x1FE30]  }
0xc1: {  	v35 =	vld [tilespmem:$0x1FE40]  }
0xc2: {  	v37 =	vld [tilespmem:$0x1FE50]  }
0xc3: {  	v40 =	vld [tilespmem:$0x1FE60]  }
0xc4: {  	v43 =	vld [tilespmem:$0x1FE70]  }
0xc5: {  	[sflag:s29] =	ssyncset.done $0x0;
	v45 =	vld [tilespmem:$0x1FE80]  }
0xc6: {  	v47 =	vld [tilespmem:$0x1FEA0];
	[sflag:s29] =	ssyncadd.s32 $0xFFFF6000  }
0xc7: {  	v48 =	vld [tilespmem:$0x0]  }
0xc8: {  	v49 =	vld [tilespmem:$0x80]  }
0xc9: {  	v50 =	vld.idx.msk [tilespmem:v0+s17+$0x0], $0xffff  }
0xca: {  	v52 =	vld.idx.msk [tilespmem:v51+s17+$0x0], $0xffff  }
0xcb: {  	v54 =	vld.idx.msk [tilespmem:v53+s17+$0x0], $0xffff  }
0xcc: {  	v56 =	vld.idx.msk [tilespmem:v55+s17+$0x0], $0xffff  }
0xcd: {  	v7 =	vld.idx.msk [tilespmem:v57+s17+$0x0], $0xffff  }
0xce: {  	v8 =	vld.idx.msk [tilespmem:v58+s17+$0x0], $0xffff  }
0xcf: {  	v9 =	vld.idx.msk [tilespmem:v59+s17+$0x0], $0xffff  }
0xd0: {  	v10 =	vld.idx.msk [tilespmem:v60+s17+$0x0], $0xffff  }
0xd1: {  	v11 =	vld.idx.msk [tilespmem:v61+s17+$0x0], $0xffff  }
0xd2: {  	v12 =	vld.idx.msk [tilespmem:v62+s17+$0x0], $0xffff  }
0xd3: {  	v13 =	vld.idx.msk [tilespmem:v63+s17+$0x0], $0xffff  }
0xd4: {  	v14 =	vld.idx.msk [tilespmem:v32+s17+$0x0], $0xffff  }
0xd5: {  	v15 =	vld.idx.msk [tilespmem:v33+s17+$0x0], $0xffff  }
0xd6: {  	v16 =	vld.idx.msk [tilespmem:v34+s17+$0x0], $0xffff  }
0xd7: {  	v17 =	vld.idx.msk [tilespmem:v35+s17+$0x0], $0xffff  }
0xd8: {  	v38 =	vld.idx.msk [tilespmem:v37+s17+$0x0], $0xffff  }
0xd9: {  	v57 =	vld [tilespmem:$0x1FEB0]  }
0xda: {  	v59 =	vld [tilespmem:$0x1FFE0]  }
0xdb: {  	v1 =	vshll.u32 v48, $0x6;
	v60 =	vld [tilespmem:$0x1FFF0]  }
0xdc: {  	v2 =	vshll.u32 v49, $0x6;
	v1 =	vand.u32 $0x40, v1;
	v62 =	vld [tilespmem:$0x1FEC0]  }
0xdd: {  	v2 =	vand.u32 $0x40, v2;
	v33 =	vld [tilespmem:$0x1FEE0];
	v3 =	vshll.u32 v50, $0x6;
	v4 =	vshll.u32 v52, $0x6  }
0xde: {  	v34 =	vld [tilespmem:$0x1FEF0];
	v5 =	vshll.u32 v54, $0x6;
	v6 =	vshll.u32 v56, $0x6;
	v7 =	vshll.u32 v7, $0x6  }
0xdf: {  	v36 =	vshll.u32 v8, $0x6;
	v39 =	vshll.u32 v9, $0x6;
	v8 =	vshll.u32 v10, $0x6;
	v9 =	vld.idx.msk [tilespmem:v40+s17+$0x0], $0xffff  }
0xe0: {  	v42 =	vshll.u32 v11, $0x6;
	v44 =	vshll.u32 v12, $0x6;
	v12 =	vshll.u32 v13, $0x6;
	v13 =	vld.idx.msk [tilespmem:v45+s17+$0x0], $0xffff  }
0xe1: {  	v46 =	vshll.u32 v14, $0x6;
	v14 =	vld.idx.msk [tilespmem:v47+s17+$0x0], $0xffff;
	v48 =	vshll.u32 v15, $0x6;
	v15 =	vshll.u32 v16, $0x6  }
0xe2: {  	v49 =	vshll.u32 v17, $0x6;
	v50 =	vshll.u32 v38, $0x6;
	v56 =	vadd.s32 s13, v41;
	v38 =	vld [tilespmem:$0x1FF10]  }
0xe3: {  	v58 =	vor.u32 v57, v2;
	v40 =	vld [tilespmem:$0x1FF20];
	v3 =	vand.u32 $0x40, v3;
	v4 =	vand.u32 $0x40, v4  }
0xe4: {  	v45 =	vld [tilespmem:$0x1FF40];
	v5 =	vand.u32 $0x40, v5;
	v18 =	vand.u32 $0x40, v6;
	v19 =	vand.u32 $0x40, v7  }
0xe5: {  	v47 =	vld [tilespmem:$0x1FF50];
	v20 =	vand.u32 $0x40, v36;
	v10 =	vand.u32 $0x40, v39;
	v21 =	vand.u32 $0x40, v8  }
0xe6: {  	v8 =	vld.idx.msk [tilespmem:v43+s17+$0x0], $0xffff;
	v11 =	vand.u32 $0x40, v42;
	v23 =	vand.u32 $0x40, v44;
	v22 =	vand.u32 $0x40, v12  }
0xe7: {  	v24 =	vand.u32 $0x40, v46;
	v16 =	vand.u32 $0x40, v48;
	v15 =	vand.u32 $0x40, v15;
	v7 =	vld [tilespmem:$0x1FED0]  }
0xe8: {  	v17 =	vand.u32 $0x40, v49;
	v25 =	vand.u32 $0x40, v50;
	v30 =	vand.u32 $0x3F, v56;
	v36 =	vld [tilespmem:$0x1FF00]  }
0xe9: {  	v43 =	vld [tilespmem:$0x1FF30];
	v3 =	vor.u32 v59, v3;
	v63 =	vor.u32 v62, v4;
	v35 =	vor.u32 v34, v19  }
0xea: {  	v48 =	vld [tilespmem:$0x1FF60];
	v19 =	vor.u32 v30, v3;
	v51 =	vshll.u32 v9, $0x6;
	v53 =	vshll.u32 v13, $0x6  }
0xeb: {  	v49 =	vld [tilespmem:$0x1FF70];
	v54 =	vshll.u32 v14, $0x6;
	v39 =	vor.u32 v38, v10;
	v42 =	vor.u32 v40, v21  }
0xec: {  	v56 =	vld [tilespmem:$0x1FF80];
	v46 =	vor.u32 v45, v23;
	v9 =	vor.u32 v47, v22;
	v47 =	vimm.f32 $0.0e+00  }
0xed: {  	[tilespmem:$0x1FC90] =	vst v58;
	v59 =	vld [tilespmem:$0x1FFB0];
	v26 =	vand.u32 $0x40, v51;
	v52 =	vshll.u32 v8, $0x6;
	v28 =	vand.u32 $0x40, v53  }
0xee: {  	[tilespmem:$0x1FCB0] =	vst v63;
	v55 =	vand.u32 $0x40, v54;
	v8 =	vor.u32 v57, v1;
	v57 =	vld [tilespmem:$0x1FF90];
	v31 =	vor.u32 v30, v42  }
0xef: {  	[tilespmem:$0x1FCE0] =	vst v35;
	v37 =	vor.u32 v36, v20;
	v20 =	vor.u32 v30, v63;
	v63 =	vld [tilespmem:$0x1FFD0];
	v13 =	vor.u32 v30, v8  }
0xf0: {  	v32 =	vor.u32 v7, v5;
	[tilespmem:$0x1FC70] =	vst v8;
	v8 =	vor.u32 v33, v18;
	v18 =	vor.u32 v30, v58;
	v58 =	vld [tilespmem:$0x1FFA0]  }
0xf1: {  	v44 =	vor.u32 v43, v11;
	v61 =	vor.u32 v60, v55;
	v21 =	vor.u32 v30, v32;
	v19 =	vld.idx.msk [tilespmem:v19+s24+$0x0], $0xffff  }
0xf2: {  	v22 =	vor.u32 v48, v24;
	v51 =	vor.u32 v49, v16;
	[tilespmem:$0x1FC80] =	vst v61;
	v14 =	vor.u32 v30, v61;
	v61 =	vld [tilespmem:$0x1FFC0]  }
0xf3: {  	v54 =	vimm.f32 $0.0e+00;
	v34 =	vor.u32 v30, v9;
	v53 =	vimm.f32 $0.0e+00;
	[tilespmem:$0x1FCC0] =	vst v32;
	v45 =	vld.idx.msk [tilespmem:v31+s24+$0x0], $0xffff  }
0xf4: {  	v49 =	vimm.f32 $0.0e+00;
	v60 =	vor.u32 v59, v26;
	[tilespmem:$0x1FCD0] =	vst v8;
	v23 =	vor.u32 v30, v8;
	v50 =	vld.idx.msk [tilespmem:v13+s20+$0x0], $0xffff  }
0xf5: {  	v8 =	vor.u32 v56, v15;
	v15 =	vor.u32 v30, v35;
	v29 =	vor.u32 v57, v17;
	v17 =	vld.idx.msk [tilespmem:v18+s22+$0x0], $0xffff  }
0xf6: {  	v27 =	vand.u32 $0x40, v52;
	[tilespmem:$0x1FCF0] =	vst v37;
	v26 =	vor.u32 v30, v39;
	v32 =	vor.u32 v30, v44;
	v21 =	vld.idx.msk [tilespmem:v21+s24+$0x0], $0xffff  }
0xf7: {  	v33 =	vor.u32 v30, v46;
	v36 =	vor.u32 v30, v51;
	v35 =	vor.u32 v30, v22;
	v24 =	vld.idx.msk [tilespmem:v14+s24+$0x0], $0xffff  }
0xf8: {  	v48 =	vimm.f32 $0.0e+00;
	[tilespmem:$0x1FD40] =	vst v60;
	v18 =	vor.u32 v30, v37;
	v62 =	vor.u32 v61, v27;
	v27 =	vld.idx.msk [tilespmem:v20+s24+$0x0], $0xffff  }
0xf9: {  	v0 =	vor.u32 v63, v28;
	v25 =	vor.u32 v58, v25;
	v37 =	vor.u32 v30, v8;
	v23 =	vld.idx.msk [tilespmem:v23+s24+$0x0], $0xffff  }
0xfa: {  	v55 =	vimm.f32 $0.0e+00;
	v12 =	vmovc v29;
	v29 =	vor.u32 v30, v29;
	v15 =	vld.idx.msk [tilespmem:v15+s24+$0x0], $0xffff;
	v10 =	vmovc v25;
	v28 =	vor.u32 v30, v25  }
0xfb: {  	v25 =	vor.u32 v30, v60;
	v60 =	vor.u32 v30, v0;
	v20 =	vor.u32 v30, v62;
	v30 =	vld.idx.msk [tilespmem:v26+s24+$0x0], $0xffff  }
0xfc: {  	v11 =	vmovc v46;
	v16 =	vmovc v51;
	v51 =	vimm.f32 $0.0e+00;
	v46 =	vimm.f32 $0.0e+00;
	v17 =	vmul.f32 v17, v50  }
0xfd: {  	[tilespmem:$0x1FCA0] =	vst v3;
	v61 =	vimm.f32 $0.0e+00;
	v18 =	vld.idx.msk [tilespmem:v18+s24+$0x0], $0xffff;
	v19 =	vmul.f32 v19, v50;
	v21 =	vmul.f32 v21, v50  }
0xfe: {  	[tilespmem:$0x1FD00] =	vst v39;
	v24 =	vmul.f32 v24, v50;
	v23 =	vmul.f32 v23, v50;
	v43 =	vadd.f32 v17, v54  }
0xff: {  	s21 =	simm.s32 $0x1;
	v34 =	vld.idx.msk [tilespmem:v34+s24+$0x0], $0xffff;
	v15 =	vmul.f32 v15, v50;
	v17 =	vadd.f32 v19, v54;
	v26 =	vadd.f32 v21, v54  }
0x100: {  	[tilespmem:$0x1FD10] =	vst v42;
	v32 =	vld.idx.msk [tilespmem:v32+s24+$0x0], $0xffff;
	v19 =	vadd.s32 s21, v41;
	v31 =	vmul.f32 v30, v50;
	v30 =	vmul.f32 v45, v50  }
0x101: {  	[tilespmem:$0x1FD20] =	vst v44;
	v33 =	vld.idx.msk [tilespmem:v33+s24+$0x0], $0xffff;
	v45 =	vimm.f32 $0.0e+00;
	v44 =	vadd.f32 v24, v54;
	v24 =	vmul.f32 v27, v50  }
0x102: {  	[tilespmem:$0x1FD30] =	vst v8;
	v36 =	vld.idx.msk [tilespmem:v36+s24+$0x0], $0xffff;
	v21 =	vadd.f32 v15, v54;
	v52 =	vand.u32 $0x3F, v19;
	v18 =	vmul.f32 v18, v50  }
0x103: {  	[tilespmem:$0x1FD60] =	vst v0;
	v35 =	vld.idx.msk [tilespmem:v35+s24+$0x0], $0xffff;
	v15 =	vimm.f32 $0.0e+00;
	v27 =	vadd.f32 v24, v54;
	v24 =	vadd.f32 v23, v54  }
0x104: {  	s13 =	simm.s32 $0x2;
	v13 =	vmovc v9;
	v14 =	vmovc v22;
	[tilespmem:$0x1FD50] =	vst v62;
	v37 =	vld.idx.msk [tilespmem:v37+s24+$0x0], $0xffff;
	v23 =	vimm.f32 $0.0e+00;
	v19 =	vadd.f32 v18, v54;
	v18 =	vimm.f32 $0.0e+00  }
.LBB2_4:
0x105: {  	v0 =	vld [tilespmem:$0x1FC70]  }
0x106: {  	v56 =	vld [tilespmem:$0x1FC90]  }
0x107: {  	v57 =	vld [tilespmem:$0x1FCA0]  }
0x108: {  	v41 =	vld.idx.msk [tilespmem:v29+s24+$0x0], $0xffff  }
0x109: {  	v58 =	vld [tilespmem:$0x1FCB0]  }
0x10a: {  	v59 =	vld [tilespmem:$0x1FCC0]  }
0x10b: {  	v1 =	vld [tilespmem:$0x1FC80]  }
0x10c: {  	v62 =	vld [tilespmem:$0x1FCD0]  }
0x10d: {  	v63 =	vld [tilespmem:$0x1FCE0]  }
0x10e: {  	v4 =	vld [tilespmem:$0x1FCF0]  }
0x10f: {  	v2 =	vld.idx.msk [tilespmem:v25+s24+$0x0], $0xffff  }
0x110: {  	v5 =	vld [tilespmem:$0x1FD00]  }
0x111: {  	v6 =	vld [tilespmem:$0x1FD10]  }
0x112: {  	v7 =	vld [tilespmem:$0x1FD20]  }
0x113: {  	v9 =	vld [tilespmem:$0x1FD30]  }
0x114: {  	v38 =	vor.u32 v52, v0;
	v0 =	vor.u32 v52, v59;
	v59 =	vor.u32 v52, v4;
	v4 =	vld.idx.msk [tilespmem:v20+s24+$0x0], $0xffff  }
0x115: {  	v8 =	vor.u32 v52, v16;
	v20 =	vld [tilespmem:$0x1FD40]  }
0x116: {  	v29 =	vor.u32 v52, v12;
	v39 =	vor.u32 v52, v56;
	v42 =	vor.u32 v52, v1;
	v56 =	vld.idx.msk [tilespmem:v28+s24+$0x0], $0xffff  }
0x117: {  	v54 =	vadd.f32 v31, v54;
	v23 =	vadd.f32 v30, v23;
	v3 =	vor.u32 v52, v7;
	v7 =	vld.idx.msk [tilespmem:v60+s24+$0x0], $0xffff  }
0x118: {  	v32 =	vmul.f32 v32, v50;
	v33 =	vmul.f32 v33, v50;
	v40 =	vor.u32 v52, v57;
	v60 =	vld [tilespmem:$0x1FD60]  }
0x119: {  	v31 =	vmul.f32 v34, v50;
	v30 =	vmul.f32 v36, v50;
	v22 =	vor.u32 v52, v58;
	v38 =	vld.idx.msk [tilespmem:v38+s20+$0x0], $0xffff  }
0x11a: {  	v57 =	vor.u32 v52, v62;
	v58 =	vor.u32 v52, v63;
	v25 =	vor.u32 v52, v20;
	v20 =	vld [tilespmem:$0x1FD50]  }
0x11b: {  	v62 =	vor.u32 v52, v5;
	v63 =	vor.u32 v52, v6;
	v5 =	vor.u32 v52, v11;
	v42 =	vld.idx.msk [tilespmem:v42+s24+$0x0], $0xffff  }
0x11c: {  	v1 =	vor.u32 v52, v13;
	v6 =	vor.u32 v52, v14;
	v2 =	vmul.f32 v2, v50;
	v39 =	vld.idx.msk [tilespmem:v39+s22+$0x0], $0xffff  }
0x11d: {  	v18 =	vadd.f32 v32, v18;
	v32 =	vmul.f32 v41, v50;
	v15 =	vadd.f32 v33, v15;
	v40 =	vld.idx.msk [tilespmem:v40+s24+$0x0], $0xffff  }
0x11e: {  	v9 =	vor.u32 v52, v9;
	v61 =	vadd.f32 v31, v61;
	v53 =	vadd.f32 v30, v53;
	v22 =	vld.idx.msk [tilespmem:v22+s24+$0x0], $0xffff  }
0x11f: {  	v28 =	vor.u32 v52, v10;
	v47 =	vadd.f32 v2, v47;
	v49 =	vadd.f32 v32, v49;
	v0 =	vld.idx.msk [tilespmem:v0+s24+$0x0], $0xffff  }
0x120: {  	v60 =	vor.u32 v52, v60;
	v36 =	vmul.f32 v56, v50;
	v4 =	vmul.f32 v4, v50;
	v41 =	vld.idx.msk [tilespmem:v58+s24+$0x0], $0xffff  }
0x121: {  	v7 =	vmul.f32 v7, v50;
	v56 =	vld.idx.msk [tilespmem:v62+s24+$0x0], $0xffff;
	v20 =	vor.u32 v52, v20;
	v52 =	vmul.f32 v35, v50  }
0x122: {  	v48 =	vadd.f32 v36, v48;
	v35 =	vmul.f32 v37, v50;
	v37 =	vld.idx.msk [tilespmem:v57+s24+$0x0], $0xffff;
	v58 =	vmul.f32 v42, v38  }
0x123: {  	v46 =	vadd.f32 v4, v46;
	v31 =	vmul.f32 v39, v38;
	v39 =	vld.idx.msk [tilespmem:v59+s24+$0x0], $0xffff;
	v30 =	vmul.f32 v40, v38  }
0x124: {  	v32 =	vld.idx.msk [tilespmem:v3+s24+$0x0], $0xffff;
	v45 =	vadd.f32 v7, v45;
	v22 =	vmul.f32 v22, v38;
	v0 =	vmul.f32 v0, v38  }
0x125: {  	p0 =	sne.s32 s13, $0x3F;
	v57 =	vld.idx.msk [tilespmem:v63+s24+$0x0], $0xffff;
	v59 =	vmul.f32 v41, v38;
	v55 =	vadd.f32 v52, v55;
	v44 =	vadd.f32 v58, v44  }
.Ltmp5:
0x126: {  	v33 =	vld.idx.msk [tilespmem:v5+s24+$0x0], $0xffff;
	v41 =	vlaneseq.u32;
	v51 =	vadd.f32 v35, v51;
	v43 =	vadd.f32 v31, v43;
	(pc) =	sbr.rel @p0 .LBB2_4-.Ltmp5, $4  }
0x127: {  	v34 =	vld.idx.msk [tilespmem:v1+s24+$0x0], $0xffff;
	v63 =	vadd.s32 s13, v41;
	v17 =	vadd.f32 v30, v17;
	v27 =	vadd.f32 v22, v27  }
0x128: {  	v36 =	vld.idx.msk [tilespmem:v8+s24+$0x0], $0xffff;
	v26 =	vadd.f32 v0, v26;
	v58 =	vmul.f32 v37, v38;
	v62 =	vmul.f32 v39, v38  }
0x129: {  	v50 =	vmovc v38;
	v35 =	vld.idx.msk [tilespmem:v6+s24+$0x0], $0xffff;
	v21 =	vadd.f32 v59, v21;
	v31 =	vmul.f32 v56, v38;
	v52 =	vand.u32 $0x3F, v63  }
0x12a: {  	s13 =	sadd.s32 $0x1, s13;
	v30 =	vmul.f32 v57, v50;
	v37 =	vld.idx.msk [tilespmem:v9+s24+$0x0], $0xffff;
	v24 =	vadd.f32 v58, v24;
	v19 =	vadd.f32 v62, v19  }
0x12b: {  	v0 =	vld [tilespmem:$0x1FC70]  }
0x12c: {  	v1 =	vld [tilespmem:$0x1FCA0]  }
0x12d: {  	v2 =	vld [tilespmem:$0x1FCB0]  }
0x12e: {  	v3 =	vld [tilespmem:$0x1FCC0]  }
0x12f: {  	v40 =	vld [tilespmem:$0x1FCD0]  }
0x130: {  	v4 =	vld [tilespmem:$0x1FC80]  }
0x131: {  	v42 =	vld [tilespmem:$0x1FCE0]  }
0x132: {  	v5 =	vld [tilespmem:$0x1FCF0]  }
0x133: {  	v8 =	vld [tilespmem:$0x1FD00]  }
0x134: {  	v9 =	vld [tilespmem:$0x1FD10];
	v0 =	vor.u32 v52, v0  }
0x135: {  	v22 =	vld [tilespmem:$0x1FD20];
	v1 =	vor.u32 v52, v1  }
0x136: {  	v56 =	vld [tilespmem:$0x1FD30];
	v2 =	vor.u32 v52, v2  }
0x137: {  	v57 =	vld [tilespmem:$0x1FD40];
	v3 =	vor.u32 v52, v3  }
0x138: {  	v59 =	vld [tilespmem:$0x1FD50];
	v7 =	vor.u32 v52, v4;
	v4 =	vor.u32 v52, v42  }
0x139: {  	v5 =	vor.u32 v52, v5;
	v6 =	vld.idx.msk [tilespmem:v0+s20+$0x0], $0xffff  }
0x13a: {  	v0 =	vor.u32 v52, v40;
	v1 =	vld.idx.msk [tilespmem:v1+s24+$0x0], $0xffff  }
0x13b: {  	v8 =	vor.u32 v52, v8;
	v2 =	vld.idx.msk [tilespmem:v2+s24+$0x0], $0xffff  }
0x13c: {  	v38 =	vor.u32 v52, v11;
	v32 =	vmul.f32 v32, v50;
	v3 =	vld.idx.msk [tilespmem:v3+s24+$0x0], $0xffff  }
0x13d: {  	v39 =	vor.u32 v52, v13;
	v33 =	vmul.f32 v33, v50;
	v22 =	vor.u32 v52, v22;
	v4 =	vld.idx.msk [tilespmem:v4+s24+$0x0], $0xffff  }
0x13e: {  	v34 =	vmul.f32 v34, v50;
	v18 =	vadd.f32 v32, v18;
	v35 =	vmul.f32 v35, v50;
	v5 =	vld.idx.msk [tilespmem:v5+s24+$0x0], $0xffff  }
0x13f: {  	v9 =	vor.u32 v52, v9;
	v42 =	vor.u32 v52, v14;
	v0 =	vld.idx.msk [tilespmem:v0+s24+$0x0], $0xffff;
	v1 =	vmul.f32 v1, v6  }
0x140: {  	v13 =	vor.u32 v52, v56;
	v14 =	vor.u32 v52, v12;
	v8 =	vld.idx.msk [tilespmem:v8+s24+$0x0], $0xffff;
	v2 =	vmul.f32 v2, v6  }
0x141: {  	v58 =	vld.idx.msk [tilespmem:v28+s24+$0x0], $0xffff;
	v12 =	vor.u32 v52, v57;
	v28 =	vor.u32 v52, v59;
	v1 =	vadd.f32 v1, v17  }
0x142: {  	v22 =	vld.idx.msk [tilespmem:v22+s24+$0x0], $0xffff;
	v3 =	vmul.f32 v3, v6;
	v4 =	vmul.f32 v4, v6;
	v2 =	vadd.f32 v2, v27  }
0x143: {  	v56 =	vadd.f32 v31, v54;
	v5 =	vmul.f32 v5, v6;
	v1 =	vmul.f32 $1.442695020e+00, v1  }
0x144: {  	v3 =	vadd.f32 v3, v26;
	v2 =	vmul.f32 $1.442695020e+00, v2;
	v0 =	vmul.f32 v0, v6  }
0x145: {  	v62 =	vld [tilespmem:$0x1FD60];
	v57 =	vadd.f32 v30, v23;
	v8 =	vmul.f32 v8, v6;
	(erf) = vpow2.f32 v1  }
0x146: {  	v29 =	vld.idx.msk [tilespmem:v29+s24+$0x0], $0xffff;
	v0 =	vadd.f32 v0, v24;
	(erf) = vpow2.f32 v2;
	v24 =	vmul.f32 $1.442695020e+00, v3  }
0x147: {  	v40 =	vor.u32 v52, v16;
	v63 =	vld.idx.msk [tilespmem:v9+s24+$0x0], $0xffff;
	v30 =	vmul.f32 v22, v6;
	v17 =	vmul.f32 v36, v50  }
0x148: {  	v25 =	vld.idx.msk [tilespmem:v25+s24+$0x0], $0xffff;
	v4 =	vadd.f32 v4, v21;
	(erf) = vpow2.f32 v24;
	v0 =	vmul.f32 $1.442695020e+00, v0  }
0x149: {  	v36 =	vmul.f32 v37, v50;
	v37 =	vld.idx.msk [tilespmem:v20+s24+$0x0], $0xffff;
	v21 =	vmul.f32 v58, v50;
	v5 =	vadd.f32 v5, v19  }
0x14a: {  	v26 =	vor.u32 v52, v62;
	v58 =	vld.idx.msk [tilespmem:v38+s24+$0x0], $0xffff;
	v59 =	vmul.f32 $1.442695020e+00, v4;
	(erf) = vpow2.f32 v0  }
0x14b: {  	v20 =	vmul.f32 v29, v50;
	v8 =	vadd.f32 v8, v56;
	v27 =	vmul.f32 $1.442695020e+00, v5  }
0x14c: {  	v62 =	vld.idx.msk [tilespmem:v60+s24+$0x0], $0xffff;
	v9 =	vadd.f32 v30, v18;
	v1 =	vmul.f32 v63, v6;
	(erf) = vpow2.f32 v59  }
0x14d: {  	v19 =	vmul.f32 v25, v50;
	v29 =	vadd.f32 v33, v15;
	v33 =	vmul.f32 $1.442695020e+00, v8;
	v63 =	vld.idx.msk [tilespmem:v39+s24+$0x0], $0xffff  }
0x14e: {  	v31 =	vld.idx.msk [tilespmem:v42+s24+$0x0], $0xffff;
	v56 =	vmul.f32 $1.442695020e+00, v9;
	v1 =	vadd.f32 v1, v57;
	v32 =	vpop (erf);
	(erf) = vpow2.f32 v27  }
0x14f: {  	v16 =	vor.u32 v52, v10;
	v3 =	vmul.f32 v37, v50;
	v38 =	vmul.f32 v58, v6;
	v39 =	vpop (erf)  }
0x150: {  	v40 =	vld.idx.msk [tilespmem:v40+s24+$0x0], $0xffff;
	v42 =	vmul.f32 $1.442695020e+00, v1;
	(erf) = vpow2.f32 v33;
	v2 =	vadd.f32 v39, v32  }
0x151: {  	v37 =	vadd.f32 v34, v61;
	v5 =	vadd.f32 v38, v29;
	v1 =	vmul.f32 v62, v50;
	v54 =	vpop (erf)  }
0x152: {  	v13 =	vld.idx.msk [tilespmem:v13+s24+$0x0], $0xffff;
	v50 =	vmul.f32 v63, v6;
	(erf) = vpow2.f32 v42;
	v2 =	vadd.f32 v54, v2  }
0x153: {  	v11 =	vmul.f32 v31, v6;
	v57 =	vadd.f32 v35, v55;
	v59 =	vmul.f32 $1.442695020e+00, v5;
	v58 =	vpop (erf)  }
0x154: {  	v14 =	vld.idx.msk [tilespmem:v14+s24+$0x0], $0xffff;
	v4 =	vadd.f32 v50, v37;
	(erf) = vpow2.f32 v56;
	v2 =	vadd.f32 v58, v2  }
0x155: {  	v60 =	vadd.f32 v17, v53;
	v61 =	vmul.f32 v40, v6;
	v9 =	vadd.f32 v11, v57;
	v62 =	vpop (erf)  }
0x156: {  	v63 =	vld.idx.msk [tilespmem:v16+s24+$0x0], $0xffff;
	v16 =	vmul.f32 $1.442695020e+00, v4;
	(erf) = vpow2.f32 v59;
	v2 =	vadd.f32 v62, v2  }
0x157: {  	v18 =	vmul.f32 v13, v6;
	v17 =	vadd.f32 v36, v51;
	v5 =	vadd.f32 v61, v60;
	v22 =	vpop (erf)  }
0x158: {  	v12 =	vld.idx.msk [tilespmem:v12+s24+$0x0], $0xffff;
	v23 =	vmul.f32 $1.442695020e+00, v9;
	(erf) = vpow2.f32 v16;
	v2 =	vadd.f32 v22, v2  }
0x159: {  	v25 =	vmul.f32 v14, v6;
	v24 =	vadd.f32 v20, v49;
	v29 =	vmul.f32 $1.442695020e+00, v5;
	v27 =	vpop (erf)  }
0x15a: {  	v28 =	vld.idx.msk [tilespmem:v28+s24+$0x0], $0xffff;
	v4 =	vadd.f32 v18, v17;
	(erf) = vpow2.f32 v23;
	v2 =	vadd.f32 v27, v2  }
0x15b: {  	v30 =	vadd.f32 v21, v48;
	v8 =	vadd.f32 v25, v24;
	v31 =	vmul.f32 v63, v6;
	v32 =	vpop (erf)  }
0x15c: {  	v34 =	vmul.f32 $1.442695020e+00, v4;
	(erf) = vpow2.f32 v29;
	v2 =	vadd.f32 v32, v2  }
0x15d: {  	v36 =	vmul.f32 v12, v6;
	v35 =	vadd.f32 v19, v47;
	v38 =	vmul.f32 $1.442695020e+00, v8;
	v33 =	vld.idx.msk [tilespmem:v26+s24+$0x0], $0xffff;
	v37 =	vpop (erf)  }
0x15e: {  	v7 =	vld.idx.msk [tilespmem:v7+s24+$0x0], $0xffff;
	v5 =	vadd.f32 v31, v30;
	(erf) = vpow2.f32 v34;
	v2 =	vadd.f32 v37, v2  }
0x15f: {  	v3 =	vadd.f32 v3, v46;
	v39 =	vmul.f32 v28, v6;
	v4 =	vadd.f32 v36, v35;
	v40 =	vpop (erf)  }
0x160: {  	v42 =	vmul.f32 $1.442695020e+00, v5;
	(erf) = vpow2.f32 v38;
	v2 =	vadd.f32 v40, v2  }
0x161: {  	v1 =	vadd.f32 v1, v45;
	v3 =	vadd.f32 v39, v3;
	v47 =	vmul.f32 $1.442695020e+00, v4;
	v46 =	vpop (erf)  }
0x162: {  	v55 =	vld [tilespmem:$0x1FC90];
	v45 =	vmul.f32 v33, v6;
	(erf) = vpow2.f32 v42;
	v2 =	vadd.f32 v46, v2  }
0x163: {  	v48 =	vmul.f32 v7, v6;
	v50 =	vmul.f32 $1.442695020e+00, v3;
	v49 =	vpop (erf)  }
0x164: {  	v1 =	vadd.f32 v45, v1;
	(erf) = vpow2.f32 v47;
	v2 =	vadd.f32 v49, v2  }
0x165: {  	v51 =	vadd.f32 v48, v44;
	v53 =	vpop (erf)  }
0x166: {  	v54 =	vmul.f32 $1.442695020e+00, v1;
	(erf) = vpow2.f32 v50;
	v2 =	vadd.f32 v53, v2  }
0x167: {  	v1 =	vor.u32 v52, v55;
	v56 =	vpop (erf)  }
0x168: {  	v57 =	vmul.f32 $1.442695020e+00, v51;
	(erf) = vpow2.f32 v54;
	v2 =	vadd.f32 v56, v2  }
0x169: {  	v58 =	vpop (erf)  }
0x16a: {  	(erf) = vpow2.f32 v57;
	v2 =	vadd.f32 v58, v2  }
0x16b: {  	v59 =	vpop (erf)  }
0x16c: {  	v1 =	vld.idx.msk [tilespmem:v1+s22+$0x0], $0xffff;
	v0 =	vadd.f32 v59, v2  }
0x16d: {  	v60 =	vpop (erf)  }
0x16e: {  	v0 =	vadd.f32 v60, v0  }
0x16f: {  	v61 =	vpop (erf)  }
0x170: {  	v0 =	vadd.f32 v61, v0  }
0x171: {  	p0 =	seq.s32 s10, $0x0;
	v1 =	vmul.f32 v1, v6;
	v62 =	vpop (erf)  }
.Ltmp6:
0x172: {  	v0 =	vadd.f32 v62, v0;
	(pc) =	sbr.rel @p0 .LBB2_11-.Ltmp6, $4  }
0x173: {  	v1 =	vadd.f32 v1, v43;
	v63 =	vpop (erf)  }
0x174: {  	v0 =	vadd.f32 v63, v0  }
0x175: {  	[tilespmem:s12+$0x16A00] =	vst v1  }
0x176: {  	[tilespmem:s12+$0x16C00] =	vst v0  }
.LBB2_6:
0x177: {  	p0 =	seq.s32 s30, $0x1F  }
.Ltmp7:
0x178: {  	_ = 	snop;
	(pc) =	sbr.rel @p0 .LBB2_8-.Ltmp7, $1  }
0x179: {  	_ =	sdelay $0x3  }
0x17a: {  	s10 =	sshll.u32 s30, $0x4  }
0x17b: {  	s10 =	sadd.s32 s10, s11  }
0x17c: {  	s12 =	sshrl.u32 s10, $0x3  }
0x17d: {  	s13 =	sadd.s32 s1, s12  }
0x17e: {  	[tilespmem:s4], [sflag:$0x3] =	stream.linear.gather [hbm4b:s13+s4], $0x10, $0x38;
	[tilespmem:$0x16E00] =	vst v63  }
0x17f: {  	_ =	swait.ge [sflag:s15], $0x10  }
0x180: {  	[sflag:s15] =	ssyncset.done $0x0  }
0x181: {  	s10 =	smul.u32 $0x14, s10;
	s12 =	sadd.s32 s2, s12;
	[sflag:s15] =	ssyncadd.s32 $0xFFFFFFF0  }
0x182: {  	[tilespmem:s16], [sflag:$0x3] =	stream.linear.gather [hbm4b:s12+s4], $0x10, $0x38;
	[tilespmem:$0x16E00] =	vst v63  }
0x183: {  	_ =	swait.ge [sflag:s15], $0x10  }
0x184: {  	s10 =	sshrl.u32 s10, $0x3;
	[sflag:s15] =	ssyncset.done $0x0  }
0x185: {  	s10 =	sadd.s32 s5, s10;
	[sflag:s15] =	ssyncadd.s32 $0xFFFFFFF0  }
0x186: {  	[tilespmem:s17], [sflag:$0x3] =	stream.linear.gather [hbm4b:s10+s4], $0x140, $0x38;
	[tilespmem:$0x16E00] =	vst v63  }
0x187: {  	_ =	swait.ge [sflag:s15], $0x140  }
0x188: {  	[sflag:s15] =	ssyncset.done $0x0  }
0x189: {  	[sflag:s15] =	ssyncadd.s32 $0xFFFFFEC0  }
0x18a: {  	v0 =	vld [tilespmem:$0x0]  }
0x18b: {  	v1 =	vld [tilespmem:$0x80]  }
0x18c: {  	v2 =	vld [tilespmem:$0x100]  }
0x18d: {  	v3 =	vld [tilespmem:$0x110]  }
0x18e: {  	v4 =	vld [tilespmem:$0x120]  }
0x18f: {  	v5 =	vld [tilespmem:$0x130];
	v0 =	vshra.s32 v0, $0x1  }
0x190: {  	v27 =	vld [tilespmem:$0x140];
	v26 =	vshra.s32 v1, $0x1;
	[tilespmem:$0x280] =	vst v0  }
0x191: {  	v29 =	vld [tilespmem:$0x150];
	v28 =	vshra.s32 v2, $0x1;
	[tilespmem:$0x300] =	vst v26  }
0x192: {  	v31 =	vld [tilespmem:$0x160];
	v30 =	vshra.s32 v3, $0x1;
	[tilespmem:$0x380] =	vst v28  }
0x193: {  	v33 =	vld [tilespmem:$0x170];
	v32 =	vshra.s32 v4, $0x1;
	[tilespmem:$0x390] =	vst v30  }
0x194: {  	v35 =	vld [tilespmem:$0x180];
	v34 =	vshra.s32 v5, $0x1;
	[tilespmem:$0x3A0] =	vst v32  }
0x195: {  	v37 =	vld [tilespmem:$0x190];
	v36 =	vshra.s32 v27, $0x1;
	[tilespmem:$0x3B0] =	vst v34  }
0x196: {  	v39 =	vld [tilespmem:$0x1A0];
	v38 =	vshra.s32 v29, $0x1;
	[tilespmem:$0x3C0] =	vst v36  }
0x197: {  	v42 =	vld [tilespmem:$0x1B0];
	v40 =	vshra.s32 v31, $0x1;
	[tilespmem:$0x3D0] =	vst v38  }
0x198: {  	v44 =	vld [tilespmem:$0x1C0];
	v43 =	vshra.s32 v33, $0x1;
	[tilespmem:$0x3E0] =	vst v40  }
0x199: {  	v46 =	vld [tilespmem:$0x1D0];
	v45 =	vshra.s32 v35, $0x1;
	[tilespmem:$0x3F0] =	vst v43  }
0x19a: {  	v48 =	vld [tilespmem:$0x1E0];
	v47 =	vshra.s32 v37, $0x1;
	[tilespmem:$0x400] =	vst v45  }
0x19b: {  	v50 =	vld [tilespmem:$0x1F0];
	v49 =	vshra.s32 v39, $0x1;
	[tilespmem:$0x410] =	vst v47  }
0x19c: {  	v52 =	vld [tilespmem:$0x200];
	v51 =	vshra.s32 v42, $0x1;
	[tilespmem:$0x420] =	vst v49  }
0x19d: {  	v54 =	vld [tilespmem:$0x210];
	v53 =	vshra.s32 v44, $0x1;
	[tilespmem:$0x430] =	vst v51  }
0x19e: {  	v56 =	vld [tilespmem:$0x220];
	v55 =	vshra.s32 v46, $0x1;
	[tilespmem:$0x440] =	vst v53  }
0x19f: {  	v58 =	vld [tilespmem:$0x230];
	v57 =	vshra.s32 v48, $0x1;
	[tilespmem:$0x450] =	vst v55  }
0x1a0: {  	v59 =	vshra.s32 v50, $0x1;
	[tilespmem:$0x460] =	vst v57  }
0x1a1: {  	v60 =	vshra.s32 v52, $0x1;
	[tilespmem:$0x470] =	vst v59  }
0x1a2: {  	v61 =	vshra.s32 v54, $0x1;
	[tilespmem:$0x480] =	vst v60  }
0x1a3: {  	v62 =	vshra.s32 v56, $0x1;
	[tilespmem:$0x490] =	vst v61  }
0x1a4: {  	v63 =	vshra.s32 v58, $0x1;
	[tilespmem:$0x4A0] =	vst v62  }
0x1a5: {  	s19 =	simm.s32 $0x280;
	[tilespmem:$0x4B0] =	vst v63  }
0x1a6: {  	[tilespmem:s20], [sflag:$0x1] =	stream.indirect.gather [hbm4b:s6+s18], $0x80, s19, s18, $0xb8;
	[tilespmem:$0x16E00] =	vst v63  }
0x1a7: {  	s21 =	simm.s32 $0x300  }
0x1a8: {  	[tilespmem:s22], [sflag:$0x1] =	stream.indirect.gather [hbm4b:s7+s18], $0x80, s21, s18, $0xb8;
	[tilespmem:$0x16E00] =	vst v63  }
0x1a9: {  	s12 =	simm.s32 $0x380  }
0x1aa: {  	[tilespmem:s24], [sflag:$0x1] =	stream.indirect.gather [hbm4b:s7+s16], $0x80, s12, s16, $0xb8;
	[tilespmem:$0x16E00] =	vst v63  }
0x1ab: {  	s14 =	simm.s32 $0x5500;
	s13 =	simm.s32 $0x400  }
0x1ac: {  	[tilespmem:s14], [sflag:$0x1] =	stream.indirect.gather [hbm4b:s7+s16], $0x80, s13, s16, $0xb8;
	[tilespmem:$0x16E00] =	vst v63  }
0x1ad: {  	s19 =	simm.s32 $0x480;
	s21 =	simm.s32 $0x9500  }
0x1ae: {  	[tilespmem:s21], [sflag:$0x1] =	stream.indirect.gather [hbm4b:s7+s28], $0x80, s19, s28, $0xb8;
	[tilespmem:$0x16E00] =	vst v63  }
.LBB2_8:
0x1af: {  	_ =	swait.ge [sflag:s31], $0x800  }
0x1b0: {  	[sflag:s31] =	ssyncset.done $0x0  }
0x1b1: {  	[sflag:s31] =	ssyncadd.s32 $0xFFFFF800  }
0x1b2: {  	_ =	swait.ge [sflag:s31], $0x800  }
0x1b3: {  	[sflag:s31] =	ssyncset.done $0x0  }
0x1b4: {  	[sflag:s31] =	ssyncadd.s32 $0xFFFFF800  }
0x1b5: {  	_ =	swait.ge [sflag:s31], $0xA000  }
0x1b6: {  	v2 =	vld [tilespmem:$0x1FE90]  }
0x1b7: {  	v3 =	vld [tilespmem:$0x1FD70]  }
0x1b8: {  	v4 =	vld [tilespmem:$0x1FD80]  }
0x1b9: {  	v5 =	vld [tilespmem:$0x1FD90]  }
0x1ba: {  	v6 =	vld [tilespmem:$0x1FDA0]  }
0x1bb: {  	v7 =	vld [tilespmem:$0x1FDB0]  }
0x1bc: {  	v8 =	vld [tilespmem:$0x1FDC0]  }
0x1bd: {  	v9 =	vld [tilespmem:$0x1FDD0]  }
0x1be: {  	v10 =	vld [tilespmem:$0x1FDE0]  }
0x1bf: {  	v11 =	vld [tilespmem:$0x1FDF0]  }
0x1c0: {  	v12 =	vld [tilespmem:$0x1FE00]  }
0x1c1: {  	v13 =	vld [tilespmem:$0x1FE10]  }
0x1c2: {  	v14 =	vld [tilespmem:$0x1FE20]  }
0x1c3: {  	v15 =	vld [tilespmem:$0x1FE30]  }
0x1c4: {  	v16 =	vld [tilespmem:$0x1FE40]  }
0x1c5: {  	v34 =	vld [tilespmem:$0x1FE50]  }
0x1c6: {  	v49 =	vld [tilespmem:$0x1FFE0]  }
0x1c7: {  	v51 =	vld [tilespmem:$0x1FFF0]  }
0x1c8: {  	v53 =	vld [tilespmem:$0x1FEC0]  }
0x1c9: {  	v54 =	vld [tilespmem:$0x1FED0]  }
0x1ca: {  	v55 =	vld [tilespmem:$0x1FEE0]  }
0x1cb: {  	[sflag:s31] =	ssyncset.done $0x0;
	v56 =	vld [tilespmem:$0x1FEF0]  }
0x1cc: {  	v58 =	vld [tilespmem:$0x1FF00];
	[sflag:s31] =	ssyncadd.s32 $0xFFFF6000  }
0x1cd: {  	v0 =	vld [tilespmem:$0xB500]  }
0x1ce: {  	v1 =	vld [tilespmem:$0xB580]  }
0x1cf: {  	v2 =	vld.idx.msk [tilespmem:v2+s0+$0x0], $0xffff  }
0x1d0: {  	v3 =	vld.idx.msk [tilespmem:v3+s0+$0x0], $0xffff  }
0x1d1: {  	v4 =	vld.idx.msk [tilespmem:v4+s0+$0x0], $0xffff  }
0x1d2: {  	v5 =	vld.idx.msk [tilespmem:v5+s0+$0x0], $0xffff  }
0x1d3: {  	v6 =	vld.idx.msk [tilespmem:v6+s0+$0x0], $0xffff  }
0x1d4: {  	v7 =	vld.idx.msk [tilespmem:v7+s0+$0x0], $0xffff  }
0x1d5: {  	v8 =	vld.idx.msk [tilespmem:v8+s0+$0x0], $0xffff  }
0x1d6: {  	v9 =	vld.idx.msk [tilespmem:v9+s0+$0x0], $0xffff  }
0x1d7: {  	v10 =	vld.idx.msk [tilespmem:v10+s0+$0x0], $0xffff  }
0x1d8: {  	v11 =	vld.idx.msk [tilespmem:v11+s0+$0x0], $0xffff  }
0x1d9: {  	v12 =	vld.idx.msk [tilespmem:v12+s0+$0x0], $0xffff  }
0x1da: {  	v13 =	vld.idx.msk [tilespmem:v13+s0+$0x0], $0xffff  }
0x1db: {  	v14 =	vld.idx.msk [tilespmem:v14+s0+$0x0], $0xffff  }
0x1dc: {  	v15 =	vld.idx.msk [tilespmem:v15+s0+$0x0], $0xffff  }
0x1dd: {  	v35 =	vshll.u32 v8, $0x6;
	v8 =	vshll.u32 v9, $0x6;
	v9 =	vld [tilespmem:$0x1FE60]  }
0x1de: {  	v16 =	vld.idx.msk [tilespmem:v16+s0+$0x0], $0xffff  }
0x1df: {  	s10 =	simm.s32 $0x0;
	v36 =	vshll.u32 v10, $0x6;
	v10 =	vld [tilespmem:$0x1FE70]  }
0x1e0: {  	v48 =	vadd.s32 s10, v41;
	v37 =	vshll.u32 v11, $0x6;
	v11 =	vshll.u32 v12, $0x6;
	v12 =	vld [tilespmem:$0x1FE80]  }
0x1e1: {  	v0 =	vshll.u32 v0, $0x6;
	v1 =	vshll.u32 v1, $0x6;
	v38 =	vshll.u32 v13, $0x6;
	v13 =	vld [tilespmem:$0x1FEA0]  }
0x1e2: {  	v60 =	vld [tilespmem:$0x1FF10];
	v0 =	vand.u32 $0x40, v0;
	v1 =	vand.u32 $0x40, v1;
	v2 =	vshll.u32 v2, $0x6  }
0x1e3: {  	v62 =	vld [tilespmem:$0x1FF20];
	v3 =	vshll.u32 v3, $0x6;
	v4 =	vshll.u32 v4, $0x6;
	v5 =	vshll.u32 v5, $0x6  }
0x1e4: {  	v6 =	vshll.u32 v6, $0x6;
	v33 =	vshll.u32 v7, $0x6;
	v7 =	vld.idx.msk [tilespmem:v34+s0+$0x0], $0xffff;
	v39 =	vshll.u32 v14, $0x6  }
0x1e5: {  	v14 =	vshll.u32 v15, $0x6;
	v40 =	vshll.u32 v16, $0x6;
	v2 =	vand.u32 $0x40, v2;
	v9 =	vld.idx.msk [tilespmem:v9+s0+$0x0], $0xffff  }
0x1e6: {  	v3 =	vand.u32 $0x40, v3;
	v4 =	vand.u32 $0x40, v4;
	v15 =	vand.u32 $0x40, v39;
	v39 =	vld [tilespmem:$0x1FF30]  }
0x1e7: {  	v5 =	vand.u32 $0x40, v5;
	v17 =	vand.u32 $0x40, v6;
	v18 =	vand.u32 $0x40, v33;
	v10 =	vld.idx.msk [tilespmem:v10+s0+$0x0], $0xffff  }
0x1e8: {  	v19 =	vand.u32 $0x40, v35;
	v8 =	vand.u32 $0x40, v8;
	v20 =	vand.u32 $0x40, v36;
	v12 =	vld.idx.msk [tilespmem:v12+s0+$0x0], $0xffff  }
0x1e9: {  	v21 =	vand.u32 $0x40, v37;
	v11 =	vand.u32 $0x40, v11;
	v22 =	vand.u32 $0x40, v38;
	v13 =	vld.idx.msk [tilespmem:v13+s0+$0x0], $0xffff  }
0x1ea: {  	v14 =	vand.u32 $0x40, v14;
	v16 =	vand.u32 $0x40, v40;
	v43 =	vshll.u32 v9, $0x6;
	v9 =	vld [tilespmem:$0x1FEB0]  }
0x1eb: {  	v50 =	vor.u32 v49, v2;
	v27 =	vor.u32 v55, v5;
	v57 =	vor.u32 v56, v17;
	v49 =	vld [tilespmem:$0x1FFB0]  }
0x1ec: {  	v59 =	vor.u32 v58, v18;
	v61 =	vor.u32 v60, v19;
	v56 =	vld [tilespmem:$0x1FFC0];
	v42 =	vshll.u32 v7, $0x6  }
0x1ed: {  	v63 =	vor.u32 v62, v8;
	v58 =	vld [tilespmem:$0x1FFD0];
	v23 =	vand.u32 $0x40, v42;
	v44 =	vshll.u32 v10, $0x6  }
0x1ee: {  	v42 =	vld [tilespmem:$0x1FF40];
	v45 =	vshll.u32 v12, $0x6;
	v46 =	vshll.u32 v13, $0x6;
	v24 =	vand.u32 $0x40, v43  }
0x1ef: {  	[tilespmem:$0x1FBA0] =	vst v50;
	v47 =	vand.u32 $0x40, v46;
	v43 =	vld [tilespmem:$0x1FF50];
	v10 =	vor.u32 v9, v0;
	v0 =	vand.u32 $0x3F, v48  }
0x1f0: {  	v25 =	vand.u32 $0x40, v44;
	v44 =	vld [tilespmem:$0x1FF60];
	v52 =	vor.u32 v51, v47;
	[tilespmem:$0x1FB70] =	vst v10;
	v10 =	vor.u32 v0, v10  }
0x1f1: {  	[tilespmem:$0x1FBD0] =	vst v27;
	v26 =	vand.u32 $0x40, v45;
	v45 =	vld [tilespmem:$0x1FF70];
	v9 =	vor.u32 v9, v1;
	v2 =	vor.u32 v0, v52  }
0x1f2: {  	v55 =	vimm.f32 $0.0e+00;
	[tilespmem:$0x1FBE0] =	vst v57;
	v40 =	vor.u32 v39, v20;
	v46 =	vld [tilespmem:$0x1FF80];
	v17 =	vor.u32 v0, v9  }
0x1f3: {  	[tilespmem:$0x1FBF0] =	vst v59;
	v8 =	vor.u32 v42, v21;
	v12 =	vor.u32 v53, v3;
	v47 =	vld [tilespmem:$0x1FF90];
	v18 =	vor.u32 v0, v50  }
0x1f4: {  	[tilespmem:$0x1FC00] =	vst v61;
	v13 =	vor.u32 v54, v4;
	v54 =	vimm.f32 $0.0e+00;
	v48 =	vld [tilespmem:$0x1FFA0];
	v19 =	vor.u32 v0, v12  }
0x1f5: {  	[tilespmem:$0x1FC10] =	vst v63;
	v53 =	vimm.f32 $0.0e+00;
	v51 =	vor.u32 v49, v24;
	v20 =	vor.u32 v0, v13;
	v50 =	vld.idx.msk [tilespmem:v10+s3+$0x0], $0xffff  }
0x1f6: {  	v1 =	vor.u32 v58, v26;
	v28 =	vor.u32 v45, v15;
	v15 =	vor.u32 v0, v27;
	v21 =	vld.idx.msk [tilespmem:v2+s9+$0x0], $0xffff  }
0x1f7: {  	v49 =	vimm.f32 $0.0e+00;
	[tilespmem:$0x1FB90] =	vst v9;
	v9 =	vor.u32 v43, v11;
	v24 =	vor.u32 v0, v61;
	v17 =	vld.idx.msk [tilespmem:v17+s8+$0x0], $0xffff  }
0x1f8: {  	v29 =	vor.u32 v44, v22;
	v31 =	vor.u32 v46, v14;
	v26 =	vor.u32 v0, v63;
	v18 =	vld.idx.msk [tilespmem:v18+s9+$0x0], $0xffff  }
0x1f9: {  	v22 =	vor.u32 v0, v57;
	v57 =	vor.u32 v56, v25;
	v30 =	vor.u32 v0, v40;
	v19 =	vld.idx.msk [tilespmem:v19+s9+$0x0], $0xffff  }
0x1fa: {  	v33 =	vor.u32 v0, v8;
	v25 =	vor.u32 v0, v51;
	v60 =	vor.u32 v0, v1;
	v27 =	vld.idx.msk [tilespmem:v20+s9+$0x0], $0xffff  }
0x1fb: {  	[tilespmem:$0x1FC40] =	vst v51;
	v51 =	vimm.f32 $0.0e+00;
	v38 =	vor.u32 v48, v23;
	v23 =	vor.u32 v0, v59;
	v15 =	vld.idx.msk [tilespmem:v15+s9+$0x0], $0xffff  }
0x1fc: {  	v46 =	vimm.f32 $0.0e+00;
	v45 =	vimm.f32 $0.0e+00;
	[tilespmem:$0x1FC30] =	vst v31;
	v37 =	vor.u32 v0, v31;
	v31 =	vld.idx.msk [tilespmem:v24+s9+$0x0], $0xffff  }
0x1fd: {  	v32 =	vor.u32 v47, v16;
	v34 =	vor.u32 v0, v9;
	v35 =	vor.u32 v0, v29;
	v61 =	vld.idx.msk [tilespmem:v26+s9+$0x0], $0xffff  }
0x1fe: {  	[tilespmem:$0x1FC20] =	vst v40;
	v14 =	vmovc v29;
	v36 =	vor.u32 v0, v28;
	v47 =	vimm.f32 $0.0e+00;
	v29 =	vor.u32 v0, v32  }
0x1ff: {  	[tilespmem:$0x1FBB0] =	vst v12;
	v16 =	vmovc v28;
	v48 =	vimm.f32 $0.0e+00;
	v22 =	vld.idx.msk [tilespmem:v22+s9+$0x0], $0xffff;
	v21 =	vmul.f32 v21, v50;
	v59 =	vmul.f32 v17, v50  }
0x200: {  	v28 =	vor.u32 v0, v38;
	v23 =	vld.idx.msk [tilespmem:v23+s9+$0x0], $0xffff;
	v17 =	vmul.f32 v18, v50;
	v18 =	vmul.f32 v19, v50  }
0x201: {  	v12 =	vmovc v32;
	v20 =	vor.u32 v0, v57;
	v62 =	vmul.f32 v27, v50;
	v15 =	vmul.f32 v15, v50  }
0x202: {  	v32 =	vld.idx.msk [tilespmem:v30+s9+$0x0], $0xffff;
	v31 =	vmul.f32 v31, v50;
	v30 =	vmul.f32 v61, v50;
	v44 =	vadd.f32 v21, v54  }
0x203: {  	[tilespmem:$0x1FBC0] =	vst v13;
	v33 =	vld.idx.msk [tilespmem:v33+s9+$0x0], $0xffff;
	v61 =	vimm.f32 $0.0e+00;
	v43 =	vadd.f32 v59, v54;
	v17 =	vadd.f32 v17, v54  }
0x204: {  	s21 =	simm.s32 $0x1;
	v34 =	vld.idx.msk [tilespmem:v34+s9+$0x0], $0xffff;
	v27 =	vadd.f32 v18, v54;
	v18 =	vmul.f32 v22, v50;
	v26 =	vadd.f32 v62, v54  }
0x205: {  	[tilespmem:$0x1FB80] =	vst v52;
	v35 =	vld.idx.msk [tilespmem:v35+s9+$0x0], $0xffff;
	v24 =	vadd.f32 v15, v54;
	v15 =	vadd.s32 s21, v41;
	v63 =	vmul.f32 v23, v50  }
0x206: {  	v11 =	vmovc v8;
	[tilespmem:$0x1FC60] =	vst v1;
	v36 =	vld.idx.msk [tilespmem:v36+s9+$0x0], $0xffff;
	v52 =	vand.u32 $0x3F, v15;
	v15 =	vimm.f32 $0.0e+00;
	v21 =	vadd.f32 v18, v54  }
0x207: {  	s10 =	simm.s32 $0x2;
	v13 =	vmovc v9;
	[tilespmem:$0x1FC50] =	vst v57;
	v10 =	vmovc v38;
	v37 =	vld.idx.msk [tilespmem:v37+s9+$0x0], $0xffff;
	v23 =	vimm.f32 $0.0e+00;
	v18 =	vimm.f32 $0.0e+00;
	v19 =	vadd.f32 v63, v54  }
.LBB2_9:
0x208: {  	v0 =	vld [tilespmem:$0x1FB70]  }
0x209: {  	v1 =	vld [tilespmem:$0x1FB90]  }
0x20a: {  	v56 =	vld [tilespmem:$0x1FBA0]  }
0x20b: {  	v39 =	vld.idx.msk [tilespmem:v29+s9+$0x0], $0xffff  }
0x20c: {  	v57 =	vld [tilespmem:$0x1FBB0]  }
0x20d: {  	v58 =	vld [tilespmem:$0x1FBC0]  }
0x20e: {  	v59 =	vld [tilespmem:$0x1FB80]  }
0x20f: {  	v62 =	vld [tilespmem:$0x1FBD0]  }
0x210: {  	v63 =	vld [tilespmem:$0x1FBE0]  }
0x211: {  	v4 =	vld [tilespmem:$0x1FBF0]  }
0x212: {  	v2 =	vld.idx.msk [tilespmem:v25+s9+$0x0], $0xffff  }
0x213: {  	v5 =	vld [tilespmem:$0x1FC00]  }
0x214: {  	v6 =	vld [tilespmem:$0x1FC10]  }
0x215: {  	v7 =	vld [tilespmem:$0x1FC20]  }
0x216: {  	v9 =	vld [tilespmem:$0x1FC30]  }
0x217: {  	v0 =	vor.u32 v52, v0;
	v42 =	vor.u32 v52, v59;
	v59 =	vor.u32 v52, v4;
	v4 =	vld.idx.msk [tilespmem:v20+s9+$0x0], $0xffff  }
0x218: {  	v20 =	vld [tilespmem:$0x1FC40]  }
0x219: {  	v38 =	vor.u32 v52, v56;
	v56 =	vld.idx.msk [tilespmem:v28+s9+$0x0], $0xffff  }
0x21a: {  	v8 =	vor.u32 v52, v16;
	v22 =	vor.u32 v52, v1;
	v3 =	vor.u32 v52, v7;
	v7 =	vld.idx.msk [tilespmem:v60+s9+$0x0], $0xffff  }
0x21b: {  	v29 =	vor.u32 v52, v12;
	v54 =	vadd.f32 v31, v54;
	v23 =	vadd.f32 v30, v23;
	v60 =	vld [tilespmem:$0x1FC60]  }
0x21c: {  	v32 =	vmul.f32 v32, v50;
	v33 =	vmul.f32 v33, v50;
	v41 =	vor.u32 v52, v58;
	v0 =	vld.idx.msk [tilespmem:v0+s3+$0x0], $0xffff  }
0x21d: {  	v31 =	vmul.f32 v34, v50;
	v58 =	vor.u32 v52, v63;
	v25 =	vor.u32 v52, v20;
	v20 =	vld [tilespmem:$0x1FC50]  }
0x21e: {  	v30 =	vmul.f32 v36, v50;
	v36 =	vmul.f32 v37, v50;
	v40 =	vor.u32 v52, v57;
	v42 =	vld.idx.msk [tilespmem:v42+s9+$0x0], $0xffff  }
0x21f: {  	v57 =	vor.u32 v52, v62;
	v62 =	vor.u32 v52, v5;
	v63 =	vor.u32 v52, v6;
	v22 =	vld.idx.msk [tilespmem:v22+s8+$0x0], $0xffff  }
0x220: {  	v5 =	vor.u32 v52, v11;
	v1 =	vor.u32 v52, v13;
	v6 =	vor.u32 v52, v14;
	v38 =	vld.idx.msk [tilespmem:v38+s9+$0x0], $0xffff  }
0x221: {  	v9 =	vor.u32 v52, v9;
	v2 =	vmul.f32 v2, v50;
	v18 =	vadd.f32 v32, v18;
	v37 =	vld.idx.msk [tilespmem:v41+s9+$0x0], $0xffff  }
0x222: {  	v32 =	vmul.f32 v39, v50;
	v15 =	vadd.f32 v33, v15;
	v61 =	vadd.f32 v31, v61;
	v41 =	vld.idx.msk [tilespmem:v58+s9+$0x0], $0xffff  }
0x223: {  	v28 =	vor.u32 v52, v10;
	v53 =	vadd.f32 v30, v53;
	v51 =	vadd.f32 v36, v51;
	v31 =	vld.idx.msk [tilespmem:v59+s9+$0x0], $0xffff  }
0x224: {  	v47 =	vadd.f32 v2, v47;
	v49 =	vadd.f32 v32, v49;
	v39 =	vmul.f32 v56, v50;
	v56 =	vld.idx.msk [tilespmem:v62+s9+$0x0], $0xffff  }
0x225: {  	v60 =	vor.u32 v52, v60;
	v4 =	vmul.f32 v4, v50;
	v7 =	vmul.f32 v7, v50  }
0x226: {  	v48 =	vadd.f32 v39, v48;
	v20 =	vor.u32 v52, v20;
	v52 =	vmul.f32 v35, v50;
	v35 =	vld.idx.msk [tilespmem:v40+s9+$0x0], $0xffff  }
0x227: {  	v46 =	vadd.f32 v4, v46;
	v40 =	vld.idx.msk [tilespmem:v57+s9+$0x0], $0xffff;
	v42 =	vmul.f32 v42, v0;
	v22 =	vmul.f32 v22, v0  }
0x228: {  	v36 =	vld.idx.msk [tilespmem:v8+s9+$0x0], $0xffff;
	v45 =	vadd.f32 v7, v45;
	v30 =	vmul.f32 v38, v0;
	v59 =	vmul.f32 v41, v0  }
0x229: {  	p0 =	sne.s32 s10, $0x3F;
	v57 =	vld.idx.msk [tilespmem:v63+s9+$0x0], $0xffff;
	v41 =	vlaneseq.u32;
	v62 =	vmul.f32 v31, v0;
	v31 =	vmul.f32 v56, v0  }
.Ltmp8:
0x22a: {  	v32 =	vld.idx.msk [tilespmem:v3+s9+$0x0], $0xffff;
	v63 =	vadd.s32 s10, v41;
	v55 =	vadd.f32 v52, v55;
	v44 =	vadd.f32 v42, v44;
	(pc) =	sbr.rel @p0 .LBB2_9-.Ltmp8, $4  }
0x22b: {  	v33 =	vld.idx.msk [tilespmem:v5+s9+$0x0], $0xffff;
	v43 =	vadd.f32 v22, v43;
	v17 =	vadd.f32 v30, v17;
	v30 =	vmul.f32 v37, v0  }
0x22c: {  	v34 =	vld.idx.msk [tilespmem:v1+s9+$0x0], $0xffff;
	v21 =	vadd.f32 v59, v21;
	v22 =	vmul.f32 v35, v0;
	v58 =	vmul.f32 v40, v0  }
0x22d: {  	v50 =	vmovc v0;
	v52 =	vand.u32 $0x3F, v63;
	v19 =	vadd.f32 v62, v19;
	v37 =	vld.idx.msk [tilespmem:v9+s9+$0x0], $0xffff;
	v26 =	vadd.f32 v30, v26  }
0x22e: {  	s10 =	sadd.s32 $0x1, s10;
	v35 =	vld.idx.msk [tilespmem:v6+s9+$0x0], $0xffff;
	v30 =	vmul.f32 v57, v50;
	v27 =	vadd.f32 v22, v27;
	v24 =	vadd.f32 v58, v24  }
0x22f: {  	v0 =	vld [tilespmem:$0x1FB70]  }
0x230: {  	v1 =	vld [tilespmem:$0x1FBA0]  }
0x231: {  	v38 =	vld [tilespmem:$0x1FBB0]  }
0x232: {  	v39 =	vld [tilespmem:$0x1FBC0]  }
0x233: {  	v40 =	vld [tilespmem:$0x1FBD0]  }
0x234: {  	v42 =	vld [tilespmem:$0x1FB80]  }
0x235: {  	v6 =	vld [tilespmem:$0x1FBE0]  }
0x236: {  	v7 =	vld [tilespmem:$0x1FBF0]  }
0x237: {  	v8 =	vld [tilespmem:$0x1FC00]  }
0x238: {  	v9 =	vld [tilespmem:$0x1FC10]  }
0x239: {  	v22 =	vld [tilespmem:$0x1FC20];
	v0 =	vor.u32 v52, v0  }
0x23a: {  	v56 =	vld [tilespmem:$0x1FC30];
	v2 =	vor.u32 v52, v1  }
0x23b: {  	v57 =	vld [tilespmem:$0x1FC40];
	v3 =	vor.u32 v52, v38  }
0x23c: {  	v58 =	vld.idx.msk [tilespmem:v28+s9+$0x0], $0xffff;
	v4 =	vor.u32 v52, v39  }
0x23d: {  	v59 =	vld [tilespmem:$0x1FC50];
	v6 =	vor.u32 v52, v6  }
0x23e: {  	v7 =	vor.u32 v52, v7;
	v1 =	vld.idx.msk [tilespmem:v0+s3+$0x0], $0xffff  }
0x23f: {  	v0 =	vor.u32 v52, v40;
	v5 =	vld.idx.msk [tilespmem:v2+s9+$0x0], $0xffff  }
0x240: {  	v32 =	vmul.f32 v32, v50;
	v8 =	vor.u32 v52, v8;
	v3 =	vld.idx.msk [tilespmem:v3+s9+$0x0], $0xffff  }
0x241: {  	v33 =	vmul.f32 v33, v50;
	v34 =	vmul.f32 v34, v50;
	v4 =	vld.idx.msk [tilespmem:v4+s9+$0x0], $0xffff  }
0x242: {  	v18 =	vadd.f32 v32, v18;
	v35 =	vmul.f32 v35, v50;
	v22 =	vor.u32 v52, v22;
	v6 =	vld.idx.msk [tilespmem:v6+s9+$0x0], $0xffff  }
0x243: {  	v9 =	vor.u32 v52, v9;
	v38 =	vor.u32 v52, v11;
	v39 =	vor.u32 v52, v13;
	v7 =	vld.idx.msk [tilespmem:v7+s9+$0x0], $0xffff  }
0x244: {  	v13 =	vor.u32 v52, v56;
	v28 =	vor.u32 v52, v59;
	v0 =	vld.idx.msk [tilespmem:v0+s9+$0x0], $0xffff;
	v5 =	vmul.f32 v5, v1  }
0x245: {  	v56 =	vadd.f32 v31, v54;
	v2 =	vor.u32 v52, v42;
	v8 =	vld.idx.msk [tilespmem:v8+s9+$0x0], $0xffff;
	v3 =	vmul.f32 v3, v1  }
0x246: {  	v42 =	vor.u32 v52, v14;
	v40 =	vor.u32 v52, v16;
	v5 =	vadd.f32 v5, v17  }
0x247: {  	v22 =	vld.idx.msk [tilespmem:v22+s9+$0x0], $0xffff;
	v4 =	vmul.f32 v4, v1;
	v6 =	vmul.f32 v6, v1;
	v3 =	vadd.f32 v3, v27  }
0x248: {  	v14 =	vor.u32 v52, v12;
	v7 =	vmul.f32 v7, v1;
	v5 =	vmul.f32 $1.442695020e+00, v5  }
0x249: {  	v4 =	vadd.f32 v4, v26;
	v3 =	vmul.f32 $1.442695020e+00, v3;
	v0 =	vmul.f32 v0, v1  }
0x24a: {  	v62 =	vld [tilespmem:$0x1FC60];
	v12 =	vor.u32 v52, v57;
	v8 =	vmul.f32 v8, v1;
	(erf) = vpow2.f32 v5  }
0x24b: {  	v29 =	vld.idx.msk [tilespmem:v29+s9+$0x0], $0xffff;
	v0 =	vadd.f32 v0, v24;
	(erf) = vpow2.f32 v3;
	v24 =	vmul.f32 $1.442695020e+00, v4  }
0x24c: {  	v63 =	vld.idx.msk [tilespmem:v9+s9+$0x0], $0xffff;
	v57 =	vadd.f32 v30, v23;
	v30 =	vmul.f32 v22, v1;
	v17 =	vmul.f32 v36, v50  }
0x24d: {  	v25 =	vld.idx.msk [tilespmem:v25+s9+$0x0], $0xffff;
	v6 =	vadd.f32 v6, v21;
	(erf) = vpow2.f32 v24;
	v0 =	vmul.f32 $1.442695020e+00, v0  }
0x24e: {  	v36 =	vmul.f32 v37, v50;
	v37 =	vld.idx.msk [tilespmem:v20+s9+$0x0], $0xffff;
	v21 =	vmul.f32 v58, v50;
	v7 =	vadd.f32 v7, v19  }
0x24f: {  	v26 =	vor.u32 v52, v62;
	v58 =	vld.idx.msk [tilespmem:v38+s9+$0x0], $0xffff;
	v59 =	vmul.f32 $1.442695020e+00, v6;
	(erf) = vpow2.f32 v0  }
0x250: {  	v20 =	vmul.f32 v29, v50;
	v8 =	vadd.f32 v8, v56;
	v27 =	vmul.f32 $1.442695020e+00, v7  }
0x251: {  	v62 =	vld.idx.msk [tilespmem:v60+s9+$0x0], $0xffff;
	v9 =	vadd.f32 v30, v18;
	v5 =	vmul.f32 v63, v1;
	(erf) = vpow2.f32 v59  }
0x252: {  	v19 =	vmul.f32 v25, v50;
	v29 =	vadd.f32 v33, v15;
	v33 =	vmul.f32 $1.442695020e+00, v8;
	v63 =	vld.idx.msk [tilespmem:v39+s9+$0x0], $0xffff  }
0x253: {  	v31 =	vld.idx.msk [tilespmem:v42+s9+$0x0], $0xffff;
	v56 =	vmul.f32 $1.442695020e+00, v9;
	v3 =	vadd.f32 v5, v57;
	v32 =	vpop (erf);
	(erf) = vpow2.f32 v27  }
0x254: {  	v16 =	vor.u32 v52, v10;
	v4 =	vmul.f32 v37, v50;
	v38 =	vmul.f32 v58, v1;
	v39 =	vpop (erf)  }
0x255: {  	v40 =	vld.idx.msk [tilespmem:v40+s9+$0x0], $0xffff;
	v42 =	vmul.f32 $1.442695020e+00, v3;
	(erf) = vpow2.f32 v33;
	v5 =	vadd.f32 v39, v32  }
0x256: {  	v37 =	vadd.f32 v34, v61;
	v7 =	vadd.f32 v38, v29;
	v3 =	vmul.f32 v62, v50;
	v54 =	vpop (erf)  }
0x257: {  	v13 =	vld.idx.msk [tilespmem:v13+s9+$0x0], $0xffff;
	v50 =	vmul.f32 v63, v1;
	(erf) = vpow2.f32 v42;
	v5 =	vadd.f32 v54, v5  }
0x258: {  	v11 =	vmul.f32 v31, v1;
	v57 =	vadd.f32 v35, v55;
	v59 =	vmul.f32 $1.442695020e+00, v7;
	v58 =	vpop (erf)  }
0x259: {  	v14 =	vld.idx.msk [tilespmem:v14+s9+$0x0], $0xffff;
	v6 =	vadd.f32 v50, v37;
	(erf) = vpow2.f32 v56;
	v5 =	vadd.f32 v58, v5  }
0x25a: {  	v60 =	vadd.f32 v17, v53;
	v61 =	vmul.f32 v40, v1;
	v9 =	vadd.f32 v11, v57;
	v62 =	vpop (erf)  }
0x25b: {  	v63 =	vld.idx.msk [tilespmem:v16+s9+$0x0], $0xffff;
	v16 =	vmul.f32 $1.442695020e+00, v6;
	(erf) = vpow2.f32 v59;
	v5 =	vadd.f32 v62, v5  }
0x25c: {  	v18 =	vmul.f32 v13, v1;
	v17 =	vadd.f32 v36, v51;
	v7 =	vadd.f32 v61, v60;
	v22 =	vpop (erf)  }
0x25d: {  	v12 =	vld.idx.msk [tilespmem:v12+s9+$0x0], $0xffff;
	v23 =	vmul.f32 $1.442695020e+00, v9;
	(erf) = vpow2.f32 v16;
	v5 =	vadd.f32 v22, v5  }
0x25e: {  	v25 =	vmul.f32 v14, v1;
	v24 =	vadd.f32 v20, v49;
	v30 =	vmul.f32 $1.442695020e+00, v7;
	v27 =	vpop (erf)  }
0x25f: {  	v29 =	vld.idx.msk [tilespmem:v28+s9+$0x0], $0xffff;
	v6 =	vadd.f32 v18, v17;
	(erf) = vpow2.f32 v23;
	v5 =	vadd.f32 v27, v5  }
0x260: {  	v31 =	vadd.f32 v21, v48;
	v8 =	vadd.f32 v25, v24;
	v32 =	vmul.f32 v63, v1;
	v33 =	vpop (erf)  }
0x261: {  	v34 =	vld.idx.msk [tilespmem:v26+s9+$0x0], $0xffff;
	v35 =	vmul.f32 $1.442695020e+00, v6;
	(erf) = vpow2.f32 v30;
	v5 =	vadd.f32 v33, v5  }
0x262: {  	v36 =	vadd.f32 v19, v47;
	v37 =	vmul.f32 v12, v1;
	v39 =	vmul.f32 $1.442695020e+00, v8;
	v38 =	vpop (erf)  }
0x263: {  	v2 =	vld.idx.msk [tilespmem:v2+s9+$0x0], $0xffff;
	v7 =	vadd.f32 v32, v31;
	(erf) = vpow2.f32 v35;
	v5 =	vadd.f32 v38, v5  }
0x264: {  	v4 =	vadd.f32 v4, v46;
	v40 =	vmul.f32 v29, v1;
	v6 =	vadd.f32 v37, v36;
	v42 =	vpop (erf)  }
0x265: {  	v46 =	vmul.f32 $1.442695020e+00, v7;
	(erf) = vpow2.f32 v39;
	v5 =	vadd.f32 v42, v5  }
0x266: {  	v3 =	vadd.f32 v3, v45;
	v47 =	vmul.f32 v34, v1;
	v4 =	vadd.f32 v40, v4;
	v48 =	vpop (erf)  }
0x267: {  	v55 =	vld [tilespmem:$0x1FB90];
	v49 =	vmul.f32 $1.442695020e+00, v6;
	(erf) = vpow2.f32 v46;
	v5 =	vadd.f32 v48, v5  }
0x268: {  	v2 =	vmul.f32 v2, v1;
	v3 =	vadd.f32 v47, v3;
	v50 =	vpop (erf)  }
0x269: {  	v51 =	vmul.f32 $1.442695020e+00, v4;
	(erf) = vpow2.f32 v49;
	v5 =	vadd.f32 v50, v5  }
0x26a: {  	v2 =	vadd.f32 v2, v44;
	v53 =	vpop (erf)  }
0x26b: {  	v54 =	vmul.f32 $1.442695020e+00, v3;
	(erf) = vpow2.f32 v51;
	v4 =	vadd.f32 v53, v5  }
0x26c: {  	v3 =	vor.u32 v52, v55;
	v56 =	vpop (erf)  }
0x26d: {  	v57 =	vmul.f32 $1.442695020e+00, v2;
	(erf) = vpow2.f32 v54;
	v4 =	vadd.f32 v56, v4  }
0x26e: {  	v58 =	vpop (erf)  }
0x26f: {  	(erf) = vpow2.f32 v57;
	v2 =	vadd.f32 v58, v4  }
0x270: {  	v59 =	vpop (erf)  }
0x271: {  	v3 =	vld.idx.msk [tilespmem:v3+s8+$0x0], $0xffff;
	v0 =	vadd.f32 v59, v2  }
0x272: {  	v60 =	vpop (erf)  }
0x273: {  	v0 =	vadd.f32 v60, v0  }
0x274: {  	v61 =	vpop (erf)  }
0x275: {  	v0 =	vadd.f32 v61, v0  }
0x276: {  	v1 =	vmul.f32 v3, v1;
	v62 =	vpop (erf)  }
.Ltmp9:
0x277: {  	v0 =	vadd.f32 v62, v0;
	(pc) =	sbr.rel .LBB2_11-.Ltmp9, $4  }
0x278: {  	v1 =	vadd.f32 v1, v43;
	v63 =	vpop (erf)  }
0x279: {  	s10 =	sshll.u32 s30, $0x4;
	v0 =	vadd.f32 v63, v0  }
0x27a: {  	[tilespmem:s10+$0x16A00] =	vst v1  }
0x27b: {  	[tilespmem:s10+$0x16C00] =	vst v0  }
.LBB2_13:
0x27c: {  	_ =	sfence.sel $0x180000  }
0x27d: {  	[bflag:$0x0] =	sbarrier.arrive $0xFFFF  }
0x27e: {  	_ =	strace $0x9000004A  }
0x27f: {  	s0 =	stileid.u32;
	[bflag:$0x2] =	sbarrier.arrive $0xFFFF  }
0x280: {  	p0 =	sne.s32 s0, $0x0;
	s0 =	rddreg [dreg:$0x3]  }
0x281: {  	s0 =	sadd.s32 @!p0 $0x100000, s0  }
0x282: {  	[sflag:s0] =	ssyncadd.tile.s32 @!p0 $0x1;
	_ =	shalt  }
.Lfunc_end2:
_tile_overlayer_lowered:
.L_overlay_start_2:
0x283: {  	(tag) =	ssettag $0x2  }
0x284: {  	s0 =	rddreg [dreg:$0x0];
	s2 =	stileid.u32  }
0x285: {  	s1 =	rddreg [dreg:$0x1];
	p0 =	sne.s32 s2, $0x0  }
0x286: {  	s3 =	rddreg [dreg:$0x2];
	[bflag:$0x3] =	sbarrier.arrive $0xFFFF;
	s2 =	simm.s32 @!p0 $0x1C03  }
0x287: {  	[timem:s3], [sflag:s2] =	dma.local @!p0 [hbm:s0], s1  }
0x288: {  	s0 =	simm.s32 @!p0 $0x3  }
0x289: {  	_ =	swait.ge @!p0 [sflag:s0], s1  }
0x28a: {  	s1 =	ssub.s32 @!p0 $0x0, s1;
	[sflag:s0] =	ssyncset.done @!p0 $0x0  }
0x28b: {  	[sflag:s0] =	ssyncadd.s32 @!p0 s1  }
0x28c: {  	[bflag:$0x3] =	sbarrier.arrive $0xFFFF  }
0x28d: {  	_ =	shalt  }

</sc_bundles>
